<compile_context>
chip_gen: v7x
topology: tpu7x:2x2x1
jax: 0.10.2.dev20260603
libtpu: 0.0.44.dev20260713+nightly
codegen_flags: <defaults>
</compile_context>

<pallas_src>
import functools

import jax
import jax.numpy as jnp
from jax import lax
from jax.experimental import pallas as pl
from jax.experimental.pallas import tpu as pltpu
from jax.experimental.pallas import tpu_sc as plsc

N_ACT = 1000001
N_RES = 100001
NB = 4096
NS = 200
B = NB * NS
F = 18
D = 32
OUT_D = 80
NW = 32
B_PER_W = NB // NW
BC = 16
NCHUNK = B_PER_W // BC
CHUNK = BC * NS
SUB = 400
NSUB = CHUNK // SUB
L = 16


def _make_sc_kernel():
    mesh = plsc.VectorSubcoreMesh(core_axis_name="c", subcore_axis_name="s")

    @functools.partial(
        pl.kernel,
        mesh=mesh,
        compiler_params=pltpu.CompilerParams(
            use_tc_tiling_on_sc=False, needs_layout_passes=False),
        out_type=jax.ShapeDtypeStruct((B, OUT_D), jnp.float32),
        scratch_types=[
            pltpu.VMEM((2, NS, BC), jnp.float32),
            pltpu.VMEM((F - 2, NS, BC), jnp.float32),
            pltpu.VMEM((CHUNK,), jnp.int32),
            pltpu.VMEM((CHUNK,), jnp.int32),
            pltpu.VMEM((2, SUB, D), jnp.float32),
            pltpu.VMEM((2, SUB, D), jnp.float32),
            pltpu.VMEM((SUB, F - 2), jnp.float32),
            pltpu.SemaphoreType.DMA,
            pltpu.SemaphoreType.DMA,
            pltpu.SemaphoreType.DMA,
            pltpu.SemaphoreType.DMA,
            pltpu.SemaphoreType.DMA,
            pltpu.SemaphoreType.DMA,
        ],
    )
    def sc_kernel(dataT, act2, res2, out_hbm,
                  id_v, f_v, ai_v, ri_v, a_v, r_v, f2_v,
                  sem_a0, sem_a1, sem_r0, sem_r1, sem_w0, sem_w1):
        wid = lax.axis_index("s") * 2 + lax.axis_index("c")
        lanes = lax.iota(jnp.int32, L)
        sems_a = (sem_a0, sem_a1)
        sems_r = (sem_r0, sem_r1)
        sems_w = (sem_w0, sem_w1)

        def gathers(k, buf):
            sk = pl.ds(k * SUB, SUB)
            cp_a = pltpu.make_async_copy(
                act2.at[ai_v.at[sk]], a_v.at[buf], sems_a[buf])
            cp_a.start()
            cp_r = pltpu.make_async_copy(
                res2.at[ri_v.at[sk]], r_v.at[buf], sems_r[buf])
            cp_r.start()
            return cp_a, cp_r

        def chunk_body(cj, carry):
            b0 = wid * B_PER_W + cj * BC
            r0 = b0 * NS
            pltpu.sync_copy(dataT.at[pl.ds(0, 2), :, pl.ds(b0, BC)], id_v)
            pltpu.sync_copy(dataT.at[pl.ds(2, F - 2), :, pl.ds(b0, BC)], f_v)

            def idx_body(s, icarry):
                pos = lanes * NS + s
                va = id_v[0, s, pl.ds(0, L)].astype(jnp.int32)
                vr = id_v[1, s, pl.ds(0, L)].astype(jnp.int32)
                plsc.store_scatter(ai_v, [pos], va)
                plsc.store_scatter(ri_v, [pos], vr)
                return icarry

            lax.fori_loop(0, NS, idx_body, 0, unroll=2)

            cps = gathers(0, 0)
            writes = []
            for k in range(NSUB):
                buf = k % 2
                if k + 1 < NSUB:
                    nxt = gathers(k + 1, (k + 1) % 2)

                for j2 in range(SUB // NS):
                    j = k * (SUB // NS) + j2
                    jvec = jnp.full((L,), j, jnp.int32)

                    def feat_body(s, fcarry, j2=j2, jvec=jvec):
                        g = plsc.load_gather(
                            f_v, [lanes, jnp.full((L,), s, jnp.int32), jvec])
                        f2_v[j2 * NS + s, pl.ds(0, L)] = g
                        return fcarry

                    lax.fori_loop(0, NS, feat_body, 0, unroll=8)
                cps[0].wait()
                cps[1].wait()
                rows = pl.ds(r0 + k * SUB, SUB)
                wa = pltpu.make_async_copy(
                    a_v.at[buf], out_hbm.at[rows, pl.ds(0, D)], sems_w[buf])
                wa.start()
                wr = pltpu.make_async_copy(
                    r_v.at[buf], out_hbm.at[rows, pl.ds(D, D)], sems_w[buf])
                wr.start()
                pltpu.sync_copy(
                    f2_v, out_hbm.at[rows, pl.ds(2 * D, F - 2)])
                if k + 1 < NSUB:
                    cps = nxt
                writes.append((wa, wr))
                if len(writes) >= 2:
                    wpa, wpr = writes.pop(0)
                    wpa.wait()
                    wpr.wait()
            for wpa, wpr in writes:
                wpa.wait()
                wpr.wait()
            return carry

        lax.fori_loop(0, NCHUNK, chunk_body, 0)

    return sc_kernel


_sc_kernel = _make_sc_kernel()


def kernel(data, act_table, res_table):
    dataT = data.transpose(2, 1, 0)
    out = _sc_kernel(dataT, act_table, res_table)
    return out.reshape(NB, NS, OUT_D)

# --- scband reference (transcript-rebuilt; emitter-appended) ---
"""Pipeline reference for scband-my-embedding-layer-37134287241676 (READ-ONLY COPY).

The authoritative reference and input builder live on the scoring server;
editing this copy changes nothing except your own understanding.
"""

import jax, jax.numpy as jnp
import numpy as np

NUM_ACT = 1000000
NUM_RES = 100000
EMB_ACT = 32
EMB_RES = 32


def setup_inputs(seed: int = 0) -> dict:
    key = jax.random.key(seed)
    k1, k2, k3 = jax.random.split(key, 3)
    # data: float tensor whose first two channels are integer ids (as floats),
    # remaining channels are dense float features (randint fill per spec)
    data = jax.random.randint(k1, (4096, 200, 18), 0, 100000).astype(jnp.float32)
    act_table = jax.random.normal(k2, (NUM_ACT + 1, EMB_ACT), dtype=jnp.float32) * 0.1
    res_table = jax.random.normal(k3, (NUM_RES + 1, EMB_RES), dtype=jnp.float32) * 0.1
    # padding rows (last index) zeroed like nn.Embedding padding_idx
    act_table = act_table.at[NUM_ACT].set(0.0)
    res_table = res_table.at[NUM_RES].set(0.0)
    return {"data": data, "act_table": act_table, "res_table": res_table}


def reference(data, act_table, res_table):
    act_idx = data[:, :, 0].astype(jnp.int32)
    res_idx = data[:, :, 1].astype(jnp.int32)
    act_emb = jnp.take(act_table, act_idx, axis=0)
    res_emb = jnp.take(res_table, res_idx, axis=0)
    x = jnp.concatenate((act_emb, res_emb, data[:, :, 2:]), axis=-1)
    return x

if __name__ == "__main__":
    import jax
    _d = setup_inputs()
    print(jax.jit(kernel)(*tuple(_d.values())))

</pallas_src>

<mosaic_0001>
#map = affine_map<(d0, d1) -> (0, 0, 0)>
#map1 = affine_map<(d0, d1) -> (0, 0)>
module attributes {stable_mosaic.version = 14 : i64} {
  func.func @sc_kernel(%arg0: i32, %arg1: i32, %arg2: memref<18x200x4096xf32, #tpu.memory_space<hbm>>, %arg3: memref<1000001x32xf32, #tpu.memory_space<hbm>>, %arg4: memref<100001x32xf32, #tpu.memory_space<hbm>>, %arg5: memref<819200x80xf32, #tpu.memory_space<hbm>>, %arg6: memref<2x200x16xf32, #tpu.memory_space<vmem>>, %arg7: memref<16x200x16xf32, #tpu.memory_space<vmem>>, %arg8: memref<3200xi32, #tpu.memory_space<vmem>>, %arg9: memref<3200xi32, #tpu.memory_space<vmem>>, %arg10: memref<2x400x32xf32, #tpu.memory_space<vmem>>, %arg11: memref<2x400x32xf32, #tpu.memory_space<vmem>>, %arg12: memref<400x16xf32, #tpu.memory_space<vmem>>, %arg13: memref<!tpu.dma_semaphore, #tpu.memory_space<semaphore_mem>>, %arg14: memref<!tpu.dma_semaphore, #tpu.memory_space<semaphore_mem>>, %arg15: memref<!tpu.dma_semaphore, #tpu.memory_space<semaphore_mem>>, %arg16: memref<!tpu.dma_semaphore, #tpu.memory_space<semaphore_mem>>, %arg17: memref<!tpu.dma_semaphore, #tpu.memory_space<semaphore_mem>>, %arg18: memref<!tpu.dma_semaphore, #tpu.memory_space<semaphore_mem>>) attributes {dimension_semantics = [#tpu.dimension_semantics<core_parallel>, #tpu.dimension_semantics<subcore_parallel>], iteration_bounds = array<i64: 2, 16>, scalar_prefetch = 0 : i64, scratch_operands = 13 : i64, tpu.core_type = #tpu.core_type<sc_vector_subcore>, window_params = [{transform_indices = #map}, {transform_indices = #map1}, {transform_indices = #map1}, {transform_indices = #map1}]} {
    %mul3A = arith.constant 2 : i32
    %mul3A_0 = arith.muli %arg1, %mul3A : i32
    %add3A = arith.addi %mul3A_0, %arg0 : i32
    %iota3A = tpu.iota {dimensions = array<i32: 0>} : vector<16xi32>
    %scan3A = arith.constant 0 : i32
    %scan3A_1 = arith.constant 0 : i32
    %scan3A_2 = arith.constant 8 : i32
    %scan3A_3 = arith.addi %scan3A_1, %scan3A_2 : i32
    %scan3A_4 = arith.constant 1 : i32
    scf.for %scan3A_6 = %scan3A_1 to %scan3A_3 step %scan3A_4  : i32 {
      %mul3A_7 = arith.constant 128 : i32
      %mul3A_8 = arith.muli %add3A, %mul3A_7 : i32
      %mul3A_9 = arith.constant 16 : i32
      %mul3A_10 = arith.muli %scan3A_6, %mul3A_9 : i32
      %add3A_11 = arith.addi %mul3A_8, %mul3A_10 : i32
      %mul3A_12 = arith.constant 200 : i32
      %mul3A_13 = arith.muli %add3A_11, %mul3A_12 : i32
      "tpu.region"() ({
        %run_scoped3A = tpu.sem_alloc : memref<!tpu.dma_semaphore, #tpu.memory_space<semaphore_mem>>
        %dma_start3A_897 = arith.constant 0 : i32
        %dma_start3A_898 = arith.constant 0 : i32
        %dma_start3A_899 = tpu.memref_slice %arg2[%dma_start3A_897, %dma_start3A_898, %add3A_11] : memref<18x200x4096xf32, #tpu.memory_space<hbm>> -> memref<2x200x16xf32, #tpu.memory_space<hbm>>
        %dma_start3A_900 = arith.constant 0 : i32
        %dma_start3A_901 = arith.constant 0 : i32
        %dma_start3A_902 = tpu.memref_slice %arg2[%dma_start3A_900, %dma_start3A_901, %add3A_11] : memref<18x200x4096xf32, #tpu.memory_space<hbm>> -> memref<2x200x16xf32, #tpu.memory_space<hbm>>
        tpu.enqueue_dma source(%dma_start3A_902 : memref<2x200x16xf32, #tpu.memory_space<hbm>>) target(%arg6 : memref<2x200x16xf32, #tpu.memory_space<vmem>>) target_semaphore(%run_scoped3A : memref<!tpu.dma_semaphore, #tpu.memory_space<semaphore_mem>>)
        %dma_wait3A_903 = arith.constant 0 : i32
        %dma_wait3A_904 = arith.constant 0 : i32
        %dma_wait3A_905 = tpu.memref_slice %arg2[%dma_wait3A_903, %dma_wait3A_904, %add3A_11] : memref<18x200x4096xf32, #tpu.memory_space<hbm>> -> memref<2x200x16xf32, #tpu.memory_space<hbm>>
        %dma_wait3A_906 = arith.constant 0 : i32
        %dma_wait3A_907 = arith.constant 0 : i32
        %dma_wait3A_908 = tpu.memref_slice %arg2[%dma_wait3A_906, %dma_wait3A_907, %add3A_11] : memref<18x200x4096xf32, #tpu.memory_space<hbm>> -> memref<2x200x16xf32, #tpu.memory_space<hbm>>
        tpu.wait_dma2 semaphore(%run_scoped3A : memref<!tpu.dma_semaphore, #tpu.memory_space<semaphore_mem>>) src(%dma_wait3A_908 : memref<2x200x16xf32, #tpu.memory_space<hbm>>) dst(%arg6 : memref<2x200x16xf32, #tpu.memory_space<vmem>>)
        tpu.yield
      }) : () -> ()
      "tpu.region"() ({
        %run_scoped3A = tpu.sem_alloc : memref<!tpu.dma_semaphore, #tpu.memory_space<semaphore_mem>>
        %dma_start3A_897 = arith.constant 2 : i32
        %dma_start3A_898 = arith.constant 0 : i32
        %dma_start3A_899 = tpu.memref_slice %arg2[%dma_start3A_897, %dma_start3A_898, %add3A_11] : memref<18x200x4096xf32, #tpu.memory_space<hbm>> -> memref<16x200x16xf32, #tpu.memory_space<hbm>>
        %dma_start3A_900 = arith.constant 2 : i32
        %dma_start3A_901 = arith.constant 0 : i32
        %dma_start3A_902 = tpu.memref_slice %arg2[%dma_start3A_900, %dma_start3A_901, %add3A_11] : memref<18x200x4096xf32, #tpu.memory_space<hbm>> -> memref<16x200x16xf32, #tpu.memory_space<hbm>>
        tpu.enqueue_dma source(%dma_start3A_902 : memref<16x200x16xf32, #tpu.memory_space<hbm>>) target(%arg7 : memref<16x200x16xf32, #tpu.memory_space<vmem>>) target_semaphore(%run_scoped3A : memref<!tpu.dma_semaphore, #tpu.memory_space<semaphore_mem>>)
        %dma_wait3A_903 = arith.constant 2 : i32
        %dma_wait3A_904 = arith.constant 0 : i32
        %dma_wait3A_905 = tpu.memref_slice %arg2[%dma_wait3A_903, %dma_wait3A_904, %add3A_11] : memref<18x200x4096xf32, #tpu.memory_space<hbm>> -> memref<16x200x16xf32, #tpu.memory_space<hbm>>
        %dma_wait3A_906 = arith.constant 2 : i32
        %dma_wait3A_907 = arith.constant 0 : i32
        %dma_wait3A_908 = tpu.memref_slice %arg2[%dma_wait3A_906, %dma_wait3A_907, %add3A_11] : memref<18x200x4096xf32, #tpu.memory_space<hbm>> -> memref<16x200x16xf32, #tpu.memory_space<hbm>>
        tpu.wait_dma2 semaphore(%run_scoped3A : memref<!tpu.dma_semaphore, #tpu.memory_space<semaphore_mem>>) src(%dma_wait3A_908 : memref<16x200x16xf32, #tpu.memory_space<hbm>>) dst(%arg7 : memref<16x200x16xf32, #tpu.memory_space<vmem>>)
        tpu.yield
      }) : () -> ()
      %scan3A_14 = arith.constant 0 : i32
      %scan3A_15 = arith.constant 0 : i32
      %scan3A_16 = arith.constant 200 : i32
      %scan3A_17 = arith.addi %scan3A_15, %scan3A_16 : i32
      %scan3A_18 = arith.constant 2 : i32
      scf.for %scan3A_897 = %scan3A_15 to %scan3A_17 step %scan3A_18  : i32 {
        %mul3A_898 = arith.constant 200 : i32
        %mul3A_899 = vector.broadcast %mul3A_898 : i32 to vector<16xi32>
        %mul3A_900 = arith.muli %iota3A, %mul3A_899 : vector<16xi32>
        %add3A_901 = vector.broadcast %scan3A_897 : i32 to vector<16xi32>
        %add3A_902 = arith.addi %mul3A_900, %add3A_901 : vector<16xi32>
        %get3A = arith.constant 0 : i32
        %get3A_903 = arith.index_cast %get3A : i32 to index
        %get3A_904 = arith.index_cast %scan3A_897 : i32 to index
        %get3A_905 = arith.constant 0 : index
        %get3A_906 = tpu.vector_load %arg6[%get3A_903, %get3A_904, %get3A_905] {strides = array<i32>} : memref<2x200x16xf32, #tpu.memory_space<vmem>>, vector<16xf32>,
        %convert_element_type3A = arith.fptosi %get3A_906 : vector<16xf32> to vector<16xi32>
        %get3A_907 = arith.constant 1 : i32
        %get3A_908 = arith.index_cast %get3A_907 : i32 to index
        %get3A_909 = arith.index_cast %scan3A_897 : i32 to index
        %get3A_910 = arith.constant 0 : index
        %get3A_911 = tpu.vector_load %arg6[%get3A_908, %get3A_909, %get3A_910] {strides = array<i32>} : memref<2x200x16xf32, #tpu.memory_space<vmem>>, vector<16xf32>,
        %convert_element_type3A_912 = arith.fptosi %get3A_911 : vector<16xf32> to vector<16xi32>
        tpu.vector_store_idx %arg8[%add3A_902], %convert_element_type3A : memref<3200xi32, #tpu.memory_space<vmem>>[vector<16xi32>], vector<16xi32>,
        tpu.vector_store_idx %arg9[%add3A_902], %convert_element_type3A_912 : memref<3200xi32, #tpu.memory_space<vmem>>[vector<16xi32>], vector<16xi32>,
        %scan3A_913 = arith.constant 1 : i32
        %scan3A_914 = arith.addi %scan3A_897, %scan3A_913 : i32
        %mul3A_915 = arith.constant 200 : i32
        %mul3A_916 = vector.broadcast %mul3A_915 : i32 to vector<16xi32>
        %mul3A_917 = arith.muli %iota3A, %mul3A_916 : vector<16xi32>
        %add3A_918 = vector.broadcast %scan3A_914 : i32 to vector<16xi32>
        %add3A_919 = arith.addi %mul3A_917, %add3A_918 : vector<16xi32>
        %get3A_920 = arith.constant 0 : i32
        %get3A_921 = arith.index_cast %get3A_920 : i32 to index
        %get3A_922 = arith.index_cast %scan3A_914 : i32 to index
        %get3A_923 = arith.constant 0 : index
        %get3A_924 = tpu.vector_load %arg6[%get3A_921, %get3A_922, %get3A_923] {strides = array<i32>} : memref<2x200x16xf32, #tpu.memory_space<vmem>>, vector<16xf32>,
        %convert_element_type3A_925 = arith.fptosi %get3A_924 : vector<16xf32> to vector<16xi32>
        %get3A_926 = arith.constant 1 : i32
        %get3A_927 = arith.index_cast %get3A_926 : i32 to index
        %get3A_928 = arith.index_cast %scan3A_914 : i32 to index
        %get3A_929 = arith.constant 0 : index
        %get3A_930 = tpu.vector_load %arg6[%get3A_927, %get3A_928, %get3A_929] {strides = array<i32>} : memref<2x200x16xf32, #tpu.memory_space<vmem>>, vector<16xf32>,
        %convert_element_type3A_931 = arith.fptosi %get3A_930 : vector<16xf32> to vector<16xi32>
        tpu.vector_store_idx %arg8[%add3A_919], %convert_element_type3A_925 : memref<3200xi32, #tpu.memory_space<vmem>>[vector<16xi32>], vector<16xi32>,
        tpu.vector_store_idx %arg9[%add3A_919], %convert_element_type3A_931 : memref<3200xi32, #tpu.memory_space<vmem>>[vector<16xi32>], vector<16xi32>,
      }
      %scan3A_19 = arith.constant 200 : i32
      %dma_start3A = arith.constant 0 : i32
      %dma_start3A_20 = arith.constant 0 : i32
      %dma_start3A_21 = arith.constant 0 : i32
      %dma_start3A_22 = tpu.memref_slice %arg10[%dma_start3A, %dma_start3A_20, %dma_start3A_21] : memref<2x400x32xf32, #tpu.memory_space<vmem>> -> memref<1x400x32xf32, #tpu.memory_space<vmem>>
      %dma_start3A_23 = tpu.memref_squeeze %dma_start3A_22 : memref<1x400x32xf32, #tpu.memory_space<vmem>> -> memref<400x32xf32, #tpu.memory_space<vmem>>
      %dma_start3A_24 = arith.constant 0 : i32
      %dma_start3A_25 = tpu.memref_slice %arg8[%dma_start3A_24] : memref<3200xi32, #tpu.memory_space<vmem>> -> memref<400xi32, #tpu.memory_space<vmem>>
      %dma_start3A_26 = arith.constant 0 : i32
      %dma_start3A_27 = arith.constant 0 : i32
      %dma_start3A_28 = tpu.memref_slice %arg3[%dma_start3A_26, %dma_start3A_27] : memref<1000001x32xf32, #tpu.memory_space<hbm>> -> memref<1000001x32xf32, #tpu.memory_space<hbm>>
      tpu.enqueue_indirect_dma source(%dma_start3A_28 : memref<1000001x32xf32, #tpu.memory_space<hbm>>) target(%dma_start3A_23 : memref<400x32xf32, #tpu.memory_space<vmem>>) offsets(%dma_start3A_25 : memref<400xi32, #tpu.memory_space<vmem>>) semaphore(%arg13 : memref<!tpu.dma_semaphore, #tpu.memory_space<semaphore_mem>>)
      %dma_start3A_29 = arith.constant 0 : i32
      %dma_start3A_30 = arith.constant 0 : i32
      %dma_start3A_31 = arith.constant 0 : i32
      %dma_start3A_32 = tpu.memref_slice %arg11[%dma_start3A_29, %dma_start3A_30, %dma_start3A_31] : memref<2x400x32xf32, #tpu.memory_space<vmem>> -> memref<1x400x32xf32, #tpu.memory_space<vmem>>
      %dma_start3A_33 = tpu.memref_squeeze %dma_start3A_32 : memref<1x400x32xf32, #tpu.memory_space<vmem>> -> memref<400x32xf32, #tpu.memory_space<vmem>>
      %dma_start3A_34 = arith.constant 0 : i32
      %dma_start3A_35 = tpu.memref_slice %arg9[%dma_start3A_34] : memref<3200xi32, #tpu.memory_space<vmem>> -> memref<400xi32, #tpu.memory_space<vmem>>
      %dma_start3A_36 = arith.constant 0 : i32
      %dma_start3A_37 = arith.constant 0 : i32
      %dma_start3A_38 = tpu.memref_slice %arg4[%dma_start3A_36, %dma_start3A_37] : memref<100001x32xf32, #tpu.memory_space<hbm>> -> memref<100001x32xf32, #tpu.memory_space<hbm>>
      tpu.enqueue_indirect_dma source(%dma_start3A_38 : memref<100001x32xf32, #tpu.memory_space<hbm>>) target(%dma_start3A_33 : memref<400x32xf32, #tpu.memory_space<vmem>>) offsets(%dma_start3A_35 : memref<400xi32, #tpu.memory_space<vmem>>) semaphore(%arg15 : memref<!tpu.dma_semaphore, #tpu.memory_space<semaphore_mem>>)
      %dma_start3A_39 = arith.constant 1 : i32
      %dma_start3A_40 = arith.constant 0 : i32
      %dma_start3A_41 = arith.constant 0 : i32
      %dma_start3A_42 = tpu.memref_slice %arg10[%dma_start3A_39, %dma_start3A_40, %dma_start3A_41] : memref<2x400x32xf32, #tpu.memory_space<vmem>> -> memref<1x400x32xf32, #tpu.memory_space<vmem>>
      %dma_start3A_43 = tpu.memref_squeeze %dma_start3A_42 : memref<1x400x32xf32, #tpu.memory_space<vmem>> -> memref<400x32xf32, #tpu.memory_space<vmem>>
      %dma_start3A_44 = arith.constant 400 : i32
      %dma_start3A_45 = tpu.memref_slice %arg8[%dma_start3A_44] : memref<3200xi32, #tpu.memory_space<vmem>> -> memref<400xi32, #tpu.memory_space<vmem>>
      %dma_start3A_46 = arith.constant 0 : i32
      %dma_start3A_47 = arith.constant 0 : i32
      %dma_start3A_48 = tpu.memref_slice %arg3[%dma_start3A_46, %dma_start3A_47] : memref<1000001x32xf32, #tpu.memory_space<hbm>> -> memref<1000001x32xf32, #tpu.memory_space<hbm>>
      tpu.enqueue_indirect_dma source(%dma_start3A_48 : memref<1000001x32xf32, #tpu.memory_space<hbm>>) target(%dma_start3A_43 : memref<400x32xf32, #tpu.memory_space<vmem>>) offsets(%dma_start3A_45 : memref<400xi32, #tpu.memory_space<vmem>>) semaphore(%arg14 : memref<!tpu.dma_semaphore, #tpu.memory_space<semaphore_mem>>)
      %dma_start3A_49 = arith.constant 1 : i32
      %dma_start3A_50 = arith.constant 0 : i32
      %dma_start3A_51 = arith.constant 0 : i32
      %dma_start3A_52 = tpu.memref_slice %arg11[%dma_start3A_49, %dma_start3A_50, %dma_start3A_51] : memref<2x400x32xf32, #tpu.memory_space<vmem>> -> memref<1x400x32xf32, #tpu.memory_space<vmem>>
      %dma_start3A_53 = tpu.memref_squeeze %dma_start3A_52 : memref<1x400x32xf32, #tpu.memory_space<vmem>> -> memref<400x32xf32, #tpu.memory_space<vmem>>
      %dma_start3A_54 = arith.constant 400 : i32
      %dma_start3A_55 = tpu.memref_slice %arg9[%dma_start3A_54] : memref<3200xi32, #tpu.memory_space<vmem>> -> memref<400xi32, #tpu.memory_space<vmem>>
      %dma_start3A_56 = arith.constant 0 : i32
      %dma_start3A_57 = arith.constant 0 : i32
      %dma_start3A_58 = tpu.memref_slice %arg4[%dma_start3A_56, %dma_start3A_57] : memref<100001x32xf32, #tpu.memory_space<hbm>> -> memref<100001x32xf32, #tpu.memory_space<hbm>>
      tpu.enqueue_indirect_dma source(%dma_start3A_58 : memref<100001x32xf32, #tpu.memory_space<hbm>>) target(%dma_start3A_53 : memref<400x32xf32, #tpu.memory_space<vmem>>) offsets(%dma_start3A_55 : memref<400xi32, #tpu.memory_space<vmem>>) semaphore(%arg16 : memref<!tpu.dma_semaphore, #tpu.memory_space<semaphore_mem>>)
      %broadcast_in_dim3A = arith.constant 0 : i32
      %broadcast_in_dim3A_59 = vector.broadcast %broadcast_in_dim3A : i32 to vector<16xi32>
      %scan3A_60 = arith.constant 0 : i32
      %scan3A_61 = arith.constant 0 : i32
      %scan3A_62 = arith.constant 200 : i32
      %scan3A_63 = arith.addi %scan3A_61, %scan3A_62 : i32
      %scan3A_64 = arith.constant 8 : i32
      scf.for %scan3A_897 = %scan3A_61 to %scan3A_63 step %scan3A_64  : i32 {
        %broadcast_in_dim3A_898 = vector.broadcast %scan3A_897 : i32 to vector<16xi32>
        %gather3A = tpu.vector_load_idx %arg7[%iota3A, %broadcast_in_dim3A_898, %broadcast_in_dim3A_59] : memref<16x200x16xf32, #tpu.memory_space<vmem>>[vector<16xi32>, vector<16xi32>, vector<16xi32>], vector<16xf32>,
        %add3A_899 = arith.constant 0 : i32
        %add3A_900 = arith.addi %add3A_899, %scan3A_897 : i32
        %swap3A = arith.index_cast %add3A_900 : i32 to index
        %swap3A_901 = arith.constant 0 : index
        %swap3A_902 = tpu.vector_load %arg12[%swap3A, %swap3A_901] {strides = array<i32>} : memref<400x16xf32, #tpu.memory_space<vmem>>, vector<16xf32>,
        tpu.vector_store %arg12[%swap3A, %swap3A_901], %gather3A {strides = array<i32>} : memref<400x16xf32, #tpu.memory_space<vmem>>, vector<16xf32>,
        %scan3A_903 = arith.constant 1 : i32
        %scan3A_904 = arith.addi %scan3A_897, %scan3A_903 : i32
        %broadcast_in_dim3A_905 = vector.broadcast %scan3A_904 : i32 to vector<16xi32>
        %gather3A_906 = tpu.vector_load_idx %arg7[%iota3A, %broadcast_in_dim3A_905, %broadcast_in_dim3A_59] : memref<16x200x16xf32, #tpu.memory_space<vmem>>[vector<16xi32>, vector<16xi32>, vector<16xi32>], vector<16xf32>,
        %add3A_907 = arith.constant 0 : i32
        %add3A_908 = arith.addi %add3A_907, %scan3A_904 : i32
        %swap3A_909 = arith.index_cast %add3A_908 : i32 to index
        %swap3A_910 = arith.constant 0 : index
        %swap3A_911 = tpu.vector_load %arg12[%swap3A_909, %swap3A_910] {strides = array<i32>} : memref<400x16xf32, #tpu.memory_space<vmem>>, vector<16xf32>,
        tpu.vector_store %arg12[%swap3A_909, %swap3A_910], %gather3A_906 {strides = array<i32>} : memref<400x16xf32, #tpu.memory_space<vmem>>, vector<16xf32>,
        %scan3A_912 = arith.constant 2 : i32
        %scan3A_913 = arith.addi %scan3A_897, %scan3A_912 : i32
        %broadcast_in_dim3A_914 = vector.broadcast %scan3A_913 : i32 to vector<16xi32>
        %gather3A_915 = tpu.vector_load_idx %arg7[%iota3A, %broadcast_in_dim3A_914, %broadcast_in_dim3A_59] : memref<16x200x16xf32, #tpu.memory_space<vmem>>[vector<16xi32>, vector<16xi32>, vector<16xi32>], vector<16xf32>,
        %add3A_916 = arith.constant 0 : i32
        %add3A_917 = arith.addi %add3A_916, %scan3A_913 : i32
        %swap3A_918 = arith.index_cast %add3A_917 : i32 to index
        %swap3A_919 = arith.constant 0 : index
        %swap3A_920 = tpu.vector_load %arg12[%swap3A_918, %swap3A_919] {strides = array<i32>} : memref<400x16xf32, #tpu.memory_space<vmem>>, vector<16xf32>,
        tpu.vector_store %arg12[%swap3A_918, %swap3A_919], %gather3A_915 {strides = array<i32>} : memref<400x16xf32, #tpu.memory_space<vmem>>, vector<16xf32>,
        %scan3A_921 = arith.constant 3 : i32
        %scan3A_922 = arith.addi %scan3A_897, %scan3A_921 : i32
        %broadcast_in_dim3A_923 = vector.broadcast %scan3A_922 : i32 to vector<16xi32>
        %gather3A_924 = tpu.vector_load_idx %arg7[%iota3A, %broadcast_in_dim3A_923, %broadcast_in_dim3A_59] : memref<16x200x16xf32, #tpu.memory_space<vmem>>[vector<16xi32>, vector<16xi32>, vector<16xi32>], vector<16xf32>,
        %add3A_925 = arith.constant 0 : i32
        %add3A_926 = arith.addi %add3A_925, %scan3A_922 : i32
        %swap3A_927 = arith.index_cast %add3A_926 : i32 to index
        %swap3A_928 = arith.constant 0 : index
        %swap3A_929 = tpu.vector_load %arg12[%swap3A_927, %swap3A_928] {strides = array<i32>} : memref<400x16xf32, #tpu.memory_space<vmem>>, vector<16xf32>,
        tpu.vector_store %arg12[%swap3A_927, %swap3A_928], %gather3A_924 {strides = array<i32>} : memref<400x16xf32, #tpu.memory_space<vmem>>, vector<16xf32>,
        %scan3A_930 = arith.constant 4 : i32
        %scan3A_931 = arith.addi %scan3A_897, %scan3A_930 : i32
        %broadcast_in_dim3A_932 = vector.broadcast %scan3A_931 : i32 to vector<16xi32>
        %gather3A_933 = tpu.vector_load_idx %arg7[%iota3A, %broadcast_in_dim3A_932, %broadcast_in_dim3A_59] : memref<16x200x16xf32, #tpu.memory_space<vmem>>[vector<16xi32>, vector<16xi32>, vector<16xi32>], vector<16xf32>,
        %add3A_934 = arith.constant 0 : i32
        %add3A_935 = arith.addi %add3A_934, %scan3A_931 : i32
        %swap3A_936 = arith.index_cast %add3A_935 : i32 to index
        %swap3A_937 = arith.constant 0 : index
        %swap3A_938 = tpu.vector_load %arg12[%swap3A_936, %swap3A_937] {strides = array<i32>} : memref<400x16xf32, #tpu.memory_space<vmem>>, vector<16xf32>,
        tpu.vector_store %arg12[%swap3A_936, %swap3A_937], %gather3A_933 {strides = array<i32>} : memref<400x16xf32, #tpu.memory_space<vmem>>, vector<16xf32>,
        %scan3A_939 = arith.constant 5 : i32
        %scan3A_940 = arith.addi %scan3A_897, %scan3A_939 : i32
        %broadcast_in_dim3A_941 = vector.broadcast %scan3A_940 : i32 to vector<16xi32>
        %gather3A_942 = tpu.vector_load_idx %arg7[%iota3A, %broadcast_in_dim3A_941, %broadcast_in_dim3A_59] : memref<16x200x16xf32, #tpu.memory_space<vmem>>[vector<16xi32>, vector<16xi32>, vector<16xi32>], vector<16xf32>,
        %add3A_943 = arith.constant 0 : i32
        %add3A_944 = arith.addi %add3A_943, %scan3A_940 : i32
        %swap3A_945 = arith.index_cast %add3A_944 : i32 to index
        %swap3A_946 = arith.constant 0 : index
        %swap3A_947 = tpu.vector_load %arg12[%swap3A_945, %swap3A_946] {strides = array<i32>} : memref<400x16xf32, #tpu.memory_space<vmem>>, vector<16xf32>,
        tpu.vector_store %arg12[%swap3A_945, %swap3A_946], %gather3A_942 {strides = array<i32>} : memref<400x16xf32, #tpu.memory_space<vmem>>, vector<16xf32>,
        %scan3A_948 = arith.constant 6 : i32
        %scan3A_949 = arith.addi %scan3A_897, %scan3A_948 : i32
        %broadcast_in_dim3A_950 = vector.broadcast %scan3A_949 : i32 to vector<16xi32>
        %gather3A_951 = tpu.vector_load_idx %arg7[%iota3A, %broadcast_in_dim3A_950, %broadcast_in_dim3A_59] : memref<16x200x16xf32, #tpu.memory_space<vmem>>[vector<16xi32>, vector<16xi32>, vector<16xi32>], vector<16xf32>,
        %add3A_952 = arith.constant 0 : i32
        %add3A_953 = arith.addi %add3A_952, %scan3A_949 : i32
        %swap3A_954 = arith.index_cast %add3A_953 : i32 to index
        %swap3A_955 = arith.constant 0 : index
        %swap3A_956 = tpu.vector_load %arg12[%swap3A_954, %swap3A_955] {strides = array<i32>} : memref<400x16xf32, #tpu.memory_space<vmem>>, vector<16xf32>,
        tpu.vector_store %arg12[%swap3A_954, %swap3A_955], %gather3A_951 {strides = array<i32>} : memref<400x16xf32, #tpu.memory_space<vmem>>, vector<16xf32>,
        %scan3A_957 = arith.constant 7 : i32
        %scan3A_958 = arith.addi %scan3A_897, %scan3A_957 : i32
        %broadcast_in_dim3A_959 = vector.broadcast %scan3A_958 : i32 to vector<16xi32>
        %gather3A_960 = tpu.vector_load_idx %arg7[%iota3A, %broadcast_in_dim3A_959, %broadcast_in_dim3A_59] : memref<16x200x16xf32, #tpu.memory_space<vmem>>[vector<16xi32>, vector<16xi32>, vector<16xi32>], vector<16xf32>,
        %add3A_961 = arith.constant 0 : i32
        %add3A_962 = arith.addi %add3A_961, %scan3A_958 : i32
        %swap3A_963 = arith.index_cast %add3A_962 : i32 to index
        %swap3A_964 = arith.constant 0 : index
        %swap3A_965 = tpu.vector_load %arg12[%swap3A_963, %swap3A_964] {strides = array<i32>} : memref<400x16xf32, #tpu.memory_space<vmem>>, vector<16xf32>,
        tpu.vector_store %arg12[%swap3A_963, %swap3A_964], %gather3A_960 {strides = array<i32>} : memref<400x16xf32, #tpu.memory_space<vmem>>, vector<16xf32>,
      }
      %scan3A_65 = arith.constant 200 : i32
      %broadcast_in_dim3A_66 = arith.constant 1 : i32
      %broadcast_in_dim3A_67 = vector.broadcast %broadcast_in_dim3A_66 : i32 to vector<16xi32>
      %scan3A_68 = arith.constant 0 : i32
      %scan3A_69 = arith.constant 0 : i32
      %scan3A_70 = arith.constant 200 : i32
      %scan3A_71 = arith.addi %scan3A_69, %scan3A_70 : i32
      %scan3A_72 = arith.constant 8 : i32
      scf.for %scan3A_897 = %scan3A_69 to %scan3A_71 step %scan3A_72  : i32 {
        %broadcast_in_dim3A_898 = vector.broadcast %scan3A_897 : i32 to vector<16xi32>
        %gather3A = tpu.vector_load_idx %arg7[%iota3A, %broadcast_in_dim3A_898, %broadcast_in_dim3A_67] : memref<16x200x16xf32, #tpu.memory_space<vmem>>[vector<16xi32>, vector<16xi32>, vector<16xi32>], vector<16xf32>,
        %add3A_899 = arith.constant 200 : i32
        %add3A_900 = arith.addi %add3A_899, %scan3A_897 : i32
        %swap3A = arith.index_cast %add3A_900 : i32 to index
        %swap3A_901 = arith.constant 0 : index
        %swap3A_902 = tpu.vector_load %arg12[%swap3A, %swap3A_901] {strides = array<i32>} : memref<400x16xf32, #tpu.memory_space<vmem>>, vector<16xf32>,
        tpu.vector_store %arg12[%swap3A, %swap3A_901], %gather3A {strides = array<i32>} : memref<400x16xf32, #tpu.memory_space<vmem>>, vector<16xf32>,
        %scan3A_903 = arith.constant 1 : i32
        %scan3A_904 = arith.addi %scan3A_897, %scan3A_903 : i32
        %broadcast_in_dim3A_905 = vector.broadcast %scan3A_904 : i32 to vector<16xi32>
        %gather3A_906 = tpu.vector_load_idx %arg7[%iota3A, %broadcast_in_dim3A_905, %broadcast_in_dim3A_67] : memref<16x200x16xf32, #tpu.memory_space<vmem>>[vector<16xi32>, vector<16xi32>, vector<16xi32>], vector<16xf32>,
        %add3A_907 = arith.constant 200 : i32
        %add3A_908 = arith.addi %add3A_907, %scan3A_904 : i32
        %swap3A_909 = arith.index_cast %add3A_908 : i32 to index
        %swap3A_910 = arith.constant 0 : index
        %swap3A_911 = tpu.vector_load %arg12[%swap3A_909, %swap3A_910] {strides = array<i32>} : memref<400x16xf32, #tpu.memory_space<vmem>>, vector<16xf32>,
        tpu.vector_store %arg12[%swap3A_909, %swap3A_910], %gather3A_906 {strides = array<i32>} : memref<400x16xf32, #tpu.memory_space<vmem>>, vector<16xf32>,
        %scan3A_912 = arith.constant 2 : i32
        %scan3A_913 = arith.addi %scan3A_897, %scan3A_912 : i32
        %broadcast_in_dim3A_914 = vector.broadcast %scan3A_913 : i32 to vector<16xi32>
        %gather3A_915 = tpu.vector_load_idx %arg7[%iota3A, %broadcast_in_dim3A_914, %broadcast_in_dim3A_67] : memref<16x200x16xf32, #tpu.memory_space<vmem>>[vector<16xi32>, vector<16xi32>, vector<16xi32>], vector<16xf32>,
        %add3A_916 = arith.constant 200 : i32
        %add3A_917 = arith.addi %add3A_916, %scan3A_913 : i32
        %swap3A_918 = arith.index_cast %add3A_917 : i32 to index
        %swap3A_919 = arith.constant 0 : index
        %swap3A_920 = tpu.vector_load %arg12[%swap3A_918, %swap3A_919] {strides = array<i32>} : memref<400x16xf32, #tpu.memory_space<vmem>>, vector<16xf32>,
        tpu.vector_store %arg12[%swap3A_918, %swap3A_919], %gather3A_915 {strides = array<i32>} : memref<400x16xf32, #tpu.memory_space<vmem>>, vector<16xf32>,
        %scan3A_921 = arith.constant 3 : i32
        %scan3A_922 = arith.addi %scan3A_897, %scan3A_921 : i32
        %broadcast_in_dim3A_923 = vector.broadcast %scan3A_922 : i32 to vector<16xi32>
        %gather3A_924 = tpu.vector_load_idx %arg7[%iota3A, %broadcast_in_dim3A_923, %broadcast_in_dim3A_67] : memref<16x200x16xf32, #tpu.memory_space<vmem>>[vector<16xi32>, vector<16xi32>, vector<16xi32>], vector<16xf32>,
        %add3A_925 = arith.constant 200 : i32
        %add3A_926 = arith.addi %add3A_925, %scan3A_922 : i32
        %swap3A_927 = arith.index_cast %add3A_926 : i32 to index
        %swap3A_928 = arith.constant 0 : index
        %swap3A_929 = tpu.vector_load %arg12[%swap3A_927, %swap3A_928] {strides = array<i32>} : memref<400x16xf32, #tpu.memory_space<vmem>>, vector<16xf32>,
        tpu.vector_store %arg12[%swap3A_927, %swap3A_928], %gather3A_924 {strides = array<i32>} : memref<400x16xf32, #tpu.memory_space<vmem>>, vector<16xf32>,
        %scan3A_930 = arith.constant 4 : i32
        %scan3A_931 = arith.addi %scan3A_897, %scan3A_930 : i32
        %broadcast_in_dim3A_932 = vector.broadcast %scan3A_931 : i32 to vector<16xi32>
        %gather3A_933 = tpu.vector_load_idx %arg7[%iota3A, %broadcast_in_dim3A_932, %broadcast_in_dim3A_67] : memref<16x200x16xf32, #tpu.memory_space<vmem>>[vector<16xi32>, vector<16xi32>, vector<16xi32>], vector<16xf32>,
        %add3A_934 = arith.constant 200 : i32
        %add3A_935 = arith.addi %add3A_934, %scan3A_931 : i32
        %swap3A_936 = arith.index_cast %add3A_935 : i32 to index
        %swap3A_937 = arith.constant 0 : index
        %swap3A_938 = tpu.vector_load %arg12[%swap3A_936, %swap3A_937] {strides = array<i32>} : memref<400x16xf32, #tpu.memory_space<vmem>>, vector<16xf32>,
        tpu.vector_store %arg12[%swap3A_936, %swap3A_937], %gather3A_933 {strides = array<i32>} : memref<400x16xf32, #tpu.memory_space<vmem>>, vector<16xf32>,
        %scan3A_939 = arith.constant 5 : i32
        %scan3A_940 = arith.addi %scan3A_897, %scan3A_939 : i32
        %broadcast_in_dim3A_941 = vector.broadcast %scan3A_940 : i32 to vector<16xi32>
        %gather3A_942 = tpu.vector_load_idx %arg7[%iota3A, %broadcast_in_dim3A_941, %broadcast_in_dim3A_67] : memref<16x200x16xf32, #tpu.memory_space<vmem>>[vector<16xi32>, vector<16xi32>, vector<16xi32>], vector<16xf32>,
        %add3A_943 = arith.constant 200 : i32
        %add3A_944 = arith.addi %add3A_943, %scan3A_940 : i32
        %swap3A_945 = arith.index_cast %add3A_944 : i32 to index
        %swap3A_946 = arith.constant 0 : index
        %swap3A_947 = tpu.vector_load %arg12[%swap3A_945, %swap3A_946] {strides = array<i32>} : memref<400x16xf32, #tpu.memory_space<vmem>>, vector<16xf32>,
        tpu.vector_store %arg12[%swap3A_945, %swap3A_946], %gather3A_942 {strides = array<i32>} : memref<400x16xf32, #tpu.memory_space<vmem>>, vector<16xf32>,
        %scan3A_948 = arith.constant 6 : i32
        %scan3A_949 = arith.addi %scan3A_897, %scan3A_948 : i32
        %broadcast_in_dim3A_950 = vector.broadcast %scan3A_949 : i32 to vector<16xi32>
        %gather3A_951 = tpu.vector_load_idx %arg7[%iota3A, %broadcast_in_dim3A_950, %broadcast_in_dim3A_67] : memref<16x200x16xf32, #tpu.memory_space<vmem>>[vector<16xi32>, vector<16xi32>, vector<16xi32>], vector<16xf32>,
        %add3A_952 = arith.constant 200 : i32
        %add3A_953 = arith.addi %add3A_952, %scan3A_949 : i32
        %swap3A_954 = arith.index_cast %add3A_953 : i32 to index
        %swap3A_955 = arith.constant 0 : index
        %swap3A_956 = tpu.vector_load %arg12[%swap3A_954, %swap3A_955] {strides = array<i32>} : memref<400x16xf32, #tpu.memory_space<vmem>>, vector<16xf32>,
        tpu.vector_store %arg12[%swap3A_954, %swap3A_955], %gather3A_951 {strides = array<i32>} : memref<400x16xf32, #tpu.memory_space<vmem>>, vector<16xf32>,
        %scan3A_957 = arith.constant 7 : i32
        %scan3A_958 = arith.addi %scan3A_897, %scan3A_957 : i32
        %broadcast_in_dim3A_959 = vector.broadcast %scan3A_958 : i32 to vector<16xi32>
        %gather3A_960 = tpu.vector_load_idx %arg7[%iota3A, %broadcast_in_dim3A_959, %broadcast_in_dim3A_67] : memref<16x200x16xf32, #tpu.memory_space<vmem>>[vector<16xi32>, vector<16xi32>, vector<16xi32>], vector<16xf32>,
        %add3A_961 = arith.constant 200 : i32
        %add3A_962 = arith.addi %add3A_961, %scan3A_958 : i32
        %swap3A_963 = arith.index_cast %add3A_962 : i32 to index
        %swap3A_964 = arith.constant 0 : index
        %swap3A_965 = tpu.vector_load %arg12[%swap3A_963, %swap3A_964] {strides = array<i32>} : memref<400x16xf32, #tpu.memory_space<vmem>>, vector<16xf32>,
        tpu.vector_store %arg12[%swap3A_963, %swap3A_964], %gather3A_960 {strides = array<i32>} : memref<400x16xf32, #tpu.memory_space<vmem>>, vector<16xf32>,
      }
      %scan3A_73 = arith.constant 200 : i32
      %dma_wait3A = arith.constant 0 : i32
      %dma_wait3A_74 = arith.constant 0 : i32
      %dma_wait3A_75 = arith.constant 0 : i32
      %dma_wait3A_76 = tpu.memref_slice %arg10[%dma_wait3A, %dma_wait3A_74, %dma_wait3A_75] : memref<2x400x32xf32, #tpu.memory_space<vmem>> -> memref<1x400x32xf32, #tpu.memory_space<vmem>>
      %dma_wait3A_77 = tpu.memref_squeeze %dma_wait3A_76 : memref<1x400x32xf32, #tpu.memory_space<vmem>> -> memref<400x32xf32, #tpu.memory_space<vmem>>
      %dma_wait3A_78 = arith.constant 0 : i32
      %dma_wait3A_79 = tpu.memref_slice %arg8[%dma_wait3A_78] : memref<3200xi32, #tpu.memory_space<vmem>> -> memref<400xi32, #tpu.memory_space<vmem>>
      %dma_wait3A_80 = arith.constant 0 : i32
      %dma_wait3A_81 = arith.constant 0 : i32
      %dma_wait3A_82 = tpu.memref_slice %arg3[%dma_wait3A_80, %dma_wait3A_81] : memref<1000001x32xf32, #tpu.memory_space<hbm>> -> memref<1000001x32xf32, #tpu.memory_space<hbm>>
      tpu.wait_indirect_dma semaphore(%arg13 : memref<!tpu.dma_semaphore, #tpu.memory_space<semaphore_mem>>) src(%dma_wait3A_82 : memref<1000001x32xf32, #tpu.memory_space<hbm>>) dst(%dma_wait3A_77 : memref<400x32xf32, #tpu.memory_space<vmem>>)
      %dma_wait3A_83 = arith.constant 0 : i32
      %dma_wait3A_84 = arith.constant 0 : i32
      %dma_wait3A_85 = arith.constant 0 : i32
      %dma_wait3A_86 = tpu.memref_slice %arg11[%dma_wait3A_83, %dma_wait3A_84, %dma_wait3A_85] : memref<2x400x32xf32, #tpu.memory_space<vmem>> -> memref<1x400x32xf32, #tpu.memory_space<vmem>>
      %dma_wait3A_87 = tpu.memref_squeeze %dma_wait3A_86 : memref<1x400x32xf32, #tpu.memory_space<vmem>> -> memref<400x32xf32, #tpu.memory_space<vmem>>
      %dma_wait3A_88 = arith.constant 0 : i32
      %dma_wait3A_89 = tpu.memref_slice %arg9[%dma_wait3A_88] : memref<3200xi32, #tpu.memory_space<vmem>> -> memref<400xi32, #tpu.memory_space<vmem>>
      %dma_wait3A_90 = arith.constant 0 : i32
      %dma_wait3A_91 = arith.constant 0 : i32
      %dma_wait3A_92 = tpu.memref_slice %arg4[%dma_wait3A_90, %dma_wait3A_91] : memref<100001x32xf32, #tpu.memory_space<hbm>> -> memref<100001x32xf32, #tpu.memory_space<hbm>>
      tpu.wait_indirect_dma semaphore(%arg15 : memref<!tpu.dma_semaphore, #tpu.memory_space<semaphore_mem>>) src(%dma_wait3A_92 : memref<100001x32xf32, #tpu.memory_space<hbm>>) dst(%dma_wait3A_87 : memref<400x32xf32, #tpu.memory_space<vmem>>)
      %add3A_93 = arith.constant 0 : i32
      %add3A_94 = arith.addi %mul3A_13, %add3A_93 : i32
      %dma_start3A_95 = arith.constant 0 : i32
      %dma_start3A_96 = arith.constant 0 : i32
      %dma_start3A_97 = arith.constant 0 : i32
      %dma_start3A_98 = tpu.memref_slice %arg10[%dma_start3A_95, %dma_start3A_96, %dma_start3A_97] : memref<2x400x32xf32, #tpu.memory_space<vmem>> -> memref<1x400x32xf32, #tpu.memory_space<vmem>>
      %dma_start3A_99 = tpu.memref_squeeze %dma_start3A_98 : memref<1x400x32xf32, #tpu.memory_space<vmem>> -> memref<400x32xf32, #tpu.memory_space<vmem>>
      %dma_start3A_100 = arith.constant 0 : i32
      %dma_start3A_101 = tpu.memref_slice %arg5[%add3A_94, %dma_start3A_100] : memref<819200x80xf32, #tpu.memory_space<hbm>> -> memref<400x32xf32, #tpu.memory_space<hbm>>
      %dma_start3A_102 = arith.constant 0 : i32
      %dma_start3A_103 = tpu.memref_slice %arg5[%add3A_94, %dma_start3A_102] : memref<819200x80xf32, #tpu.memory_space<hbm>> -> memref<400x32xf32, #tpu.memory_space<hbm>>
      %dma_start3A_104 = arith.constant 0 : i32
      %dma_start3A_105 = arith.constant 0 : i32
      %dma_start3A_106 = tpu.memref_slice %arg10[%dma_start3A_95, %dma_start3A_104, %dma_start3A_105] : memref<2x400x32xf32, #tpu.memory_space<vmem>> -> memref<1x400x32xf32, #tpu.memory_space<vmem>>
      %dma_start3A_107 = tpu.memref_squeeze %dma_start3A_106 : memref<1x400x32xf32, #tpu.memory_space<vmem>> -> memref<400x32xf32, #tpu.memory_space<vmem>>
      tpu.enqueue_dma source(%dma_start3A_107 : memref<400x32xf32, #tpu.memory_space<vmem>>) target(%dma_start3A_103 : memref<400x32xf32, #tpu.memory_space<hbm>>) target_semaphore(%arg17 : memref<!tpu.dma_semaphore, #tpu.memory_space<semaphore_mem>>)
      %dma_start3A_108 = arith.constant 0 : i32
      %dma_start3A_109 = arith.constant 0 : i32
      %dma_start3A_110 = arith.constant 0 : i32
      %dma_start3A_111 = tpu.memref_slice %arg11[%dma_start3A_108, %dma_start3A_109, %dma_start3A_110] : memref<2x400x32xf32, #tpu.memory_space<vmem>> -> memref<1x400x32xf32, #tpu.memory_space<vmem>>
      %dma_start3A_112 = tpu.memref_squeeze %dma_start3A_111 : memref<1x400x32xf32, #tpu.memory_space<vmem>> -> memref<400x32xf32, #tpu.memory_space<vmem>>
      %dma_start3A_113 = arith.constant 32 : i32
      %dma_start3A_114 = tpu.memref_slice %arg5[%add3A_94, %dma_start3A_113] : memref<819200x80xf32, #tpu.memory_space<hbm>> -> memref<400x32xf32, #tpu.memory_space<hbm>>
      %dma_start3A_115 = arith.constant 32 : i32
      %dma_start3A_116 = tpu.memref_slice %arg5[%add3A_94, %dma_start3A_115] : memref<819200x80xf32, #tpu.memory_space<hbm>> -> memref<400x32xf32, #tpu.memory_space<hbm>>
      %dma_start3A_117 = arith.constant 0 : i32
      %dma_start3A_118 = arith.constant 0 : i32
      %dma_start3A_119 = tpu.memref_slice %arg11[%dma_start3A_108, %dma_start3A_117, %dma_start3A_118] : memref<2x400x32xf32, #tpu.memory_space<vmem>> -> memref<1x400x32xf32, #tpu.memory_space<vmem>>
      %dma_start3A_120 = tpu.memref_squeeze %dma_start3A_119 : memref<1x400x32xf32, #tpu.memory_space<vmem>> -> memref<400x32xf32, #tpu.memory_space<vmem>>
      tpu.enqueue_dma source(%dma_start3A_120 : memref<400x32xf32, #tpu.memory_space<vmem>>) target(%dma_start3A_116 : memref<400x32xf32, #tpu.memory_space<hbm>>) target_semaphore(%arg17 : memref<!tpu.dma_semaphore, #tpu.memory_space<semaphore_mem>>)
      "tpu.region"() ({
        %run_scoped3A = tpu.sem_alloc : memref<!tpu.dma_semaphore, #tpu.memory_space<semaphore_mem>>
        %dma_start3A_897 = arith.constant 64 : i32
        %dma_start3A_898 = tpu.memref_slice %arg5[%add3A_94, %dma_start3A_897] : memref<819200x80xf32, #tpu.memory_space<hbm>> -> memref<400x16xf32, #tpu.memory_space<hbm>>
        %dma_start3A_899 = arith.constant 64 : i32
        %dma_start3A_900 = tpu.memref_slice %arg5[%add3A_94, %dma_start3A_899] : memref<819200x80xf32, #tpu.memory_space<hbm>> -> memref<400x16xf32, #tpu.memory_space<hbm>>
        tpu.enqueue_dma source(%arg12 : memref<400x16xf32, #tpu.memory_space<vmem>>) target(%dma_start3A_900 : memref<400x16xf32, #tpu.memory_space<hbm>>) target_semaphore(%run_scoped3A : memref<!tpu.dma_semaphore, #tpu.memory_space<semaphore_mem>>)
        %dma_wait3A_901 = arith.constant 64 : i32
        %dma_wait3A_902 = tpu.memref_slice %arg5[%add3A_94, %dma_wait3A_901] : memref<819200x80xf32, #tpu.memory_space<hbm>> -> memref<400x16xf32, #tpu.memory_space<hbm>>
        %dma_wait3A_903 = arith.constant 64 : i32
        %dma_wait3A_904 = tpu.memref_slice %arg5[%add3A_94, %dma_wait3A_903] : memref<819200x80xf32, #tpu.memory_space<hbm>> -> memref<400x16xf32, #tpu.memory_space<hbm>>
        tpu.wait_dma2 semaphore(%run_scoped3A : memref<!tpu.dma_semaphore, #tpu.memory_space<semaphore_mem>>) src(%arg12 : memref<400x16xf32, #tpu.memory_space<vmem>>) dst(%dma_wait3A_904 : memref<400x16xf32, #tpu.memory_space<hbm>>)
        tpu.yield
      }) : () -> ()
      %dma_start3A_121 = arith.constant 0 : i32
      %dma_start3A_122 = arith.constant 0 : i32
      %dma_start3A_123 = arith.constant 0 : i32
      %dma_start3A_124 = tpu.memref_slice %arg10[%dma_start3A_121, %dma_start3A_122, %dma_start3A_123] : memref<2x400x32xf32, #tpu.memory_space<vmem>> -> memref<1x400x32xf32, #tpu.memory_space<vmem>>
      %dma_start3A_125 = tpu.memref_squeeze %dma_start3A_124 : memref<1x400x32xf32, #tpu.memory_space<vmem>> -> memref<400x32xf32, #tpu.memory_space<vmem>>
      %dma_start3A_126 = arith.constant 800 : i32
      %dma_start3A_127 = tpu.memref_slice %arg8[%dma_start3A_126] : memref<3200xi32, #tpu.memory_space<vmem>> -> memref<400xi32, #tpu.memory_space<vmem>>
      %dma_start3A_128 = arith.constant 0 : i32
      %dma_start3A_129 = arith.constant 0 : i32
      %dma_start3A_130 = tpu.memref_slice %arg3[%dma_start3A_128, %dma_start3A_129] : memref<1000001x32xf32, #tpu.memory_space<hbm>> -> memref<1000001x32xf32, #tpu.memory_space<hbm>>
      tpu.enqueue_indirect_dma source(%dma_start3A_130 : memref<1000001x32xf32, #tpu.memory_space<hbm>>) target(%dma_start3A_125 : memref<400x32xf32, #tpu.memory_space<vmem>>) offsets(%dma_start3A_127 : memref<400xi32, #tpu.memory_space<vmem>>) semaphore(%arg13 : memref<!tpu.dma_semaphore, #tpu.memory_space<semaphore_mem>>)
      %dma_start3A_131 = arith.constant 0 : i32
      %dma_start3A_132 = arith.constant 0 : i32
      %dma_start3A_133 = arith.constant 0 : i32
      %dma_start3A_134 = tpu.memref_slice %arg11[%dma_start3A_131, %dma_start3A_132, %dma_start3A_133] : memref<2x400x32xf32, #tpu.memory_space<vmem>> -> memref<1x400x32xf32, #tpu.memory_space<vmem>>
      %dma_start3A_135 = tpu.memref_squeeze %dma_start3A_134 : memref<1x400x32xf32, #tpu.memory_space<vmem>> -> memref<400x32xf32, #tpu.memory_space<vmem>>
      %dma_start3A_136 = arith.constant 800 : i32
      %dma_start3A_137 = tpu.memref_slice %arg9[%dma_start3A_136] : memref<3200xi32, #tpu.memory_space<vmem>> -> memref<400xi32, #tpu.memory_space<vmem>>
      %dma_start3A_138 = arith.constant 0 : i32
      %dma_start3A_139 = arith.constant 0 : i32
      %dma_start3A_140 = tpu.memref_slice %arg4[%dma_start3A_138, %dma_start3A_139] : memref<100001x32xf32, #tpu.memory_space<hbm>> -> memref<100001x32xf32, #tpu.memory_space<hbm>>
      tpu.enqueue_indirect_dma source(%dma_start3A_140 : memref<100001x32xf32, #tpu.memory_space<hbm>>) target(%dma_start3A_135 : memref<400x32xf32, #tpu.memory_space<vmem>>) offsets(%dma_start3A_137 : memref<400xi32, #tpu.memory_space<vmem>>) semaphore(%arg15 : memref<!tpu.dma_semaphore, #tpu.memory_space<semaphore_mem>>)
      %broadcast_in_dim3A_141 = arith.constant 2 : i32
      %broadcast_in_dim3A_142 = vector.broadcast %broadcast_in_dim3A_141 : i32 to vector<16xi32>
      %scan3A_143 = arith.constant 0 : i32
      %scan3A_144 = arith.constant 0 : i32
      %scan3A_145 = arith.constant 200 : i32
      %scan3A_146 = arith.addi %scan3A_144, %scan3A_145 : i32
      %scan3A_147 = arith.constant 8 : i32
      scf.for %scan3A_897 = %scan3A_144 to %scan3A_146 step %scan3A_147  : i32 {
        %broadcast_in_dim3A_898 = vector.broadcast %scan3A_897 : i32 to vector<16xi32>
        %gather3A = tpu.vector_load_idx %arg7[%iota3A, %broadcast_in_dim3A_898, %broadcast_in_dim3A_142] : memref<16x200x16xf32, #tpu.memory_space<vmem>>[vector<16xi32>, vector<16xi32>, vector<16xi32>], vector<16xf32>,
        %add3A_899 = arith.constant 0 : i32
        %add3A_900 = arith.addi %add3A_899, %scan3A_897 : i32
        %swap3A = arith.index_cast %add3A_900 : i32 to index
        %swap3A_901 = arith.constant 0 : index
        %swap3A_902 = tpu.vector_load %arg12[%swap3A, %swap3A_901] {strides = array<i32>} : memref<400x16xf32, #tpu.memory_space<vmem>>, vector<16xf32>,
        tpu.vector_store %arg12[%swap3A, %swap3A_901], %gather3A {strides = array<i32>} : memref<400x16xf32, #tpu.memory_space<vmem>>, vector<16xf32>,
        %scan3A_903 = arith.constant 1 : i32
        %scan3A_904 = arith.addi %scan3A_897, %scan3A_903 : i32
        %broadcast_in_dim3A_905 = vector.broadcast %scan3A_904 : i32 to vector<16xi32>
        %gather3A_906 = tpu.vector_load_idx %arg7[%iota3A, %broadcast_in_dim3A_905, %broadcast_in_dim3A_142] : memref<16x200x16xf32, #tpu.memory_space<vmem>>[vector<16xi32>, vector<16xi32>, vector<16xi32>], vector<16xf32>,
        %add3A_907 = arith.constant 0 : i32
        %add3A_908 = arith.addi %add3A_907, %scan3A_904 : i32
        %swap3A_909 = arith.index_cast %add3A_908 : i32 to index
        %swap3A_910 = arith.constant 0 : index
        %swap3A_911 = tpu.vector_load %arg12[%swap3A_909, %swap3A_910] {strides = array<i32>} : memref<400x16xf32, #tpu.memory_space<vmem>>, vector<16xf32>,
        tpu.vector_store %arg12[%swap3A_909, %swap3A_910], %gather3A_906 {strides = array<i32>} : memref<400x16xf32, #tpu.memory_space<vmem>>, vector<16xf32>,
        %scan3A_912 = arith.constant 2 : i32
        %scan3A_913 = arith.addi %scan3A_897, %scan3A_912 : i32
        %broadcast_in_dim3A_914 = vector.broadcast %scan3A_913 : i32 to vector<16xi32>
        %gather3A_915 = tpu.vector_load_idx %arg7[%iota3A, %broadcast_in_dim3A_914, %broadcast_in_dim3A_142] : memref<16x200x16xf32, #tpu.memory_space<vmem>>[vector<16xi32>, vector<16xi32>, vector<16xi32>], vector<16xf32>,
        %add3A_916 = arith.constant 0 : i32
        %add3A_917 = arith.addi %add3A_916, %scan3A_913 : i32
        %swap3A_918 = arith.index_cast %add3A_917 : i32 to index
        %swap3A_919 = arith.constant 0 : index
        %swap3A_920 = tpu.vector_load %arg12[%swap3A_918, %swap3A_919] {strides = array<i32>} : memref<400x16xf32, #tpu.memory_space<vmem>>, vector<16xf32>,
        tpu.vector_store %arg12[%swap3A_918, %swap3A_919], %gather3A_915 {strides = array<i32>} : memref<400x16xf32, #tpu.memory_space<vmem>>, vector<16xf32>,
        %scan3A_921 = arith.constant 3 : i32
        %scan3A_922 = arith.addi %scan3A_897, %scan3A_921 : i32
        %broadcast_in_dim3A_923 = vector.broadcast %scan3A_922 : i32 to vector<16xi32>
        %gather3A_924 = tpu.vector_load_idx %arg7[%iota3A, %broadcast_in_dim3A_923, %broadcast_in_dim3A_142] : memref<16x200x16xf32, #tpu.memory_space<vmem>>[vector<16xi32>, vector<16xi32>, vector<16xi32>], vector<16xf32>,
        %add3A_925 = arith.constant 0 : i32
        %add3A_926 = arith.addi %add3A_925, %scan3A_922 : i32
        %swap3A_927 = arith.index_cast %add3A_926 : i32 to index
        %swap3A_928 = arith.constant 0 : index
        %swap3A_929 = tpu.vector_load %arg12[%swap3A_927, %swap3A_928] {strides = array<i32>} : memref<400x16xf32, #tpu.memory_space<vmem>>, vector<16xf32>,
        tpu.vector_store %arg12[%swap3A_927, %swap3A_928], %gather3A_924 {strides = array<i32>} : memref<400x16xf32, #tpu.memory_space<vmem>>, vector<16xf32>,
        %scan3A_930 = arith.constant 4 : i32
        %scan3A_931 = arith.addi %scan3A_897, %scan3A_930 : i32
        %broadcast_in_dim3A_932 = vector.broadcast %scan3A_931 : i32 to vector<16xi32>
        %gather3A_933 = tpu.vector_load_idx %arg7[%iota3A, %broadcast_in_dim3A_932, %broadcast_in_dim3A_142] : memref<16x200x16xf32, #tpu.memory_space<vmem>>[vector<16xi32>, vector<16xi32>, vector<16xi32>], vector<16xf32>,
        %add3A_934 = arith.constant 0 : i32
        %add3A_935 = arith.addi %add3A_934, %scan3A_931 : i32
        %swap3A_936 = arith.index_cast %add3A_935 : i32 to index
        %swap3A_937 = arith.constant 0 : index
        %swap3A_938 = tpu.vector_load %arg12[%swap3A_936, %swap3A_937] {strides = array<i32>} : memref<400x16xf32, #tpu.memory_space<vmem>>, vector<16xf32>,
        tpu.vector_store %arg12[%swap3A_936, %swap3A_937], %gather3A_933 {strides = array<i32>} : memref<400x16xf32, #tpu.memory_space<vmem>>, vector<16xf32>,
        %scan3A_939 = arith.constant 5 : i32
        %scan3A_940 = arith.addi %scan3A_897, %scan3A_939 : i32
        %broadcast_in_dim3A_941 = vector.broadcast %scan3A_940 : i32 to vector<16xi32>
        %gather3A_942 = tpu.vector_load_idx %arg7[%iota3A, %broadcast_in_dim3A_941, %broadcast_in_dim3A_142] : memref<16x200x16xf32, #tpu.memory_space<vmem>>[vector<16xi32>, vector<16xi32>, vector<16xi32>], vector<16xf32>,
        %add3A_943 = arith.constant 0 : i32
        %add3A_944 = arith.addi %add3A_943, %scan3A_940 : i32
        %swap3A_945 = arith.index_cast %add3A_944 : i32 to index
        %swap3A_946 = arith.constant 0 : index
        %swap3A_947 = tpu.vector_load %arg12[%swap3A_945, %swap3A_946] {strides = array<i32>} : memref<400x16xf32, #tpu.memory_space<vmem>>, vector<16xf32>,
        tpu.vector_store %arg12[%swap3A_945, %swap3A_946], %gather3A_942 {strides = array<i32>} : memref<400x16xf32, #tpu.memory_space<vmem>>, vector<16xf32>,
        %scan3A_948 = arith.constant 6 : i32
        %scan3A_949 = arith.addi %scan3A_897, %scan3A_948 : i32
        %broadcast_in_dim3A_950 = vector.broadcast %scan3A_949 : i32 to vector<16xi32>
        %gather3A_951 = tpu.vector_load_idx %arg7[%iota3A, %broadcast_in_dim3A_950, %broadcast_in_dim3A_142] : memref<16x200x16xf32, #tpu.memory_space<vmem>>[vector<16xi32>, vector<16xi32>, vector<16xi32>], vector<16xf32>,
        %add3A_952 = arith.constant 0 : i32
        %add3A_953 = arith.addi %add3A_952, %scan3A_949 : i32
        %swap3A_954 = arith.index_cast %add3A_953 : i32 to index
        %swap3A_955 = arith.constant 0 : index
        %swap3A_956 = tpu.vector_load %arg12[%swap3A_954, %swap3A_955] {strides = array<i32>} : memref<400x16xf32, #tpu.memory_space<vmem>>, vector<16xf32>,
        tpu.vector_store %arg12[%swap3A_954, %swap3A_955], %gather3A_951 {strides = array<i32>} : memref<400x16xf32, #tpu.memory_space<vmem>>, vector<16xf32>,
        %scan3A_957 = arith.constant 7 : i32
        %scan3A_958 = arith.addi %scan3A_897, %scan3A_957 : i32
        %broadcast_in_dim3A_959 = vector.broadcast %scan3A_958 : i32 to vector<16xi32>
        %gather3A_960 = tpu.vector_load_idx %arg7[%iota3A, %broadcast_in_dim3A_959, %broadcast_in_dim3A_142] : memref<16x200x16xf32, #tpu.memory_space<vmem>>[vector<16xi32>, vector<16xi32>, vector<16xi32>], vector<16xf32>,
        %add3A_961 = arith.constant 0 : i32
        %add3A_962 = arith.addi %add3A_961, %scan3A_958 : i32
        %swap3A_963 = arith.index_cast %add3A_962 : i32 to index
        %swap3A_964 = arith.constant 0 : index
        %swap3A_965 = tpu.vector_load %arg12[%swap3A_963, %swap3A_964] {strides = array<i32>} : memref<400x16xf32, #tpu.memory_space<vmem>>, vector<16xf32>,
        tpu.vector_store %arg12[%swap3A_963, %swap3A_964], %gather3A_960 {strides = array<i32>} : memref<400x16xf32, #tpu.memory_space<vmem>>, vector<16xf32>,
      }
      %scan3A_148 = arith.constant 200 : i32
      %broadcast_in_dim3A_149 = arith.constant 3 : i32
      %broadcast_in_dim3A_150 = vector.broadcast %broadcast_in_dim3A_149 : i32 to vector<16xi32>
      %scan3A_151 = arith.constant 0 : i32
      %scan3A_152 = arith.constant 0 : i32
      %scan3A_153 = arith.constant 200 : i32
      %scan3A_154 = arith.addi %scan3A_152, %scan3A_153 : i32
      %scan3A_155 = arith.constant 8 : i32
      scf.for %scan3A_897 = %scan3A_152 to %scan3A_154 step %scan3A_155  : i32 {
        %broadcast_in_dim3A_898 = vector.broadcast %scan3A_897 : i32 to vector<16xi32>
        %gather3A = tpu.vector_load_idx %arg7[%iota3A, %broadcast_in_dim3A_898, %broadcast_in_dim3A_150] : memref<16x200x16xf32, #tpu.memory_space<vmem>>[vector<16xi32>, vector<16xi32>, vector<16xi32>], vector<16xf32>,
        %add3A_899 = arith.constant 200 : i32
        %add3A_900 = arith.addi %add3A_899, %scan3A_897 : i32
        %swap3A = arith.index_cast %add3A_900 : i32 to index
        %swap3A_901 = arith.constant 0 : index
        %swap3A_902 = tpu.vector_load %arg12[%swap3A, %swap3A_901] {strides = array<i32>} : memref<400x16xf32, #tpu.memory_space<vmem>>, vector<16xf32>,
        tpu.vector_store %arg12[%swap3A, %swap3A_901], %gather3A {strides = array<i32>} : memref<400x16xf32, #tpu.memory_space<vmem>>, vector<16xf32>,
        %scan3A_903 = arith.constant 1 : i32
        %scan3A_904 = arith.addi %scan3A_897, %scan3A_903 : i32
        %broadcast_in_dim3A_905 = vector.broadcast %scan3A_904 : i32 to vector<16xi32>
        %gather3A_906 = tpu.vector_load_idx %arg7[%iota3A, %broadcast_in_dim3A_905, %broadcast_in_dim3A_150] : memref<16x200x16xf32, #tpu.memory_space<vmem>>[vector<16xi32>, vector<16xi32>, vector<16xi32>], vector<16xf32>,
        %add3A_907 = arith.constant 200 : i32
        %add3A_908 = arith.addi %add3A_907, %scan3A_904 : i32
        %swap3A_909 = arith.index_cast %add3A_908 : i32 to index
        %swap3A_910 = arith.constant 0 : index
        %swap3A_911 = tpu.vector_load %arg12[%swap3A_909, %swap3A_910] {strides = array<i32>} : memref<400x16xf32, #tpu.memory_space<vmem>>, vector<16xf32>,
        tpu.vector_store %arg12[%swap3A_909, %swap3A_910], %gather3A_906 {strides = array<i32>} : memref<400x16xf32, #tpu.memory_space<vmem>>, vector<16xf32>,
        %scan3A_912 = arith.constant 2 : i32
        %scan3A_913 = arith.addi %scan3A_897, %scan3A_912 : i32
        %broadcast_in_dim3A_914 = vector.broadcast %scan3A_913 : i32 to vector<16xi32>
        %gather3A_915 = tpu.vector_load_idx %arg7[%iota3A, %broadcast_in_dim3A_914, %broadcast_in_dim3A_150] : memref<16x200x16xf32, #tpu.memory_space<vmem>>[vector<16xi32>, vector<16xi32>, vector<16xi32>], vector<16xf32>,
        %add3A_916 = arith.constant 200 : i32
        %add3A_917 = arith.addi %add3A_916, %scan3A_913 : i32
        %swap3A_918 = arith.index_cast %add3A_917 : i32 to index
        %swap3A_919 = arith.constant 0 : index
        %swap3A_920 = tpu.vector_load %arg12[%swap3A_918, %swap3A_919] {strides = array<i32>} : memref<400x16xf32, #tpu.memory_space<vmem>>, vector<16xf32>,
        tpu.vector_store %arg12[%swap3A_918, %swap3A_919], %gather3A_915 {strides = array<i32>} : memref<400x16xf32, #tpu.memory_space<vmem>>, vector<16xf32>,
        %scan3A_921 = arith.constant 3 : i32
        %scan3A_922 = arith.addi %scan3A_897, %scan3A_921 : i32
        %broadcast_in_dim3A_923 = vector.broadcast %scan3A_922 : i32 to vector<16xi32>
        %gather3A_924 = tpu.vector_load_idx %arg7[%iota3A, %broadcast_in_dim3A_923, %broadcast_in_dim3A_150] : memref<16x200x16xf32, #tpu.memory_space<vmem>>[vector<16xi32>, vector<16xi32>, vector<16xi32>], vector<16xf32>,
        %add3A_925 = arith.constant 200 : i32
        %add3A_926 = arith.addi %add3A_925, %scan3A_922 : i32
        %swap3A_927 = arith.index_cast %add3A_926 : i32 to index
        %swap3A_928 = arith.constant 0 : index
        %swap3A_929 = tpu.vector_load %arg12[%swap3A_927, %swap3A_928] {strides = array<i32>} : memref<400x16xf32, #tpu.memory_space<vmem>>, vector<16xf32>,
        tpu.vector_store %arg12[%swap3A_927, %swap3A_928], %gather3A_924 {strides = array<i32>} : memref<400x16xf32, #tpu.memory_space<vmem>>, vector<16xf32>,
        %scan3A_930 = arith.constant 4 : i32
        %scan3A_931 = arith.addi %scan3A_897, %scan3A_930 : i32
        %broadcast_in_dim3A_932 = vector.broadcast %scan3A_931 : i32 to vector<16xi32>
        %gather3A_933 = tpu.vector_load_idx %arg7[%iota3A, %broadcast_in_dim3A_932, %broadcast_in_dim3A_150] : memref<16x200x16xf32, #tpu.memory_space<vmem>>[vector<16xi32>, vector<16xi32>, vector<16xi32>], vector<16xf32>,
        %add3A_934 = arith.constant 200 : i32
        %add3A_935 = arith.addi %add3A_934, %scan3A_931 : i32
        %swap3A_936 = arith.index_cast %add3A_935 : i32 to index
        %swap3A_937 = arith.constant 0 : index
        %swap3A_938 = tpu.vector_load %arg12[%swap3A_936, %swap3A_937] {strides = array<i32>} : memref<400x16xf32, #tpu.memory_space<vmem>>, vector<16xf32>,
        tpu.vector_store %arg12[%swap3A_936, %swap3A_937], %gather3A_933 {strides = array<i32>} : memref<400x16xf32, #tpu.memory_space<vmem>>, vector<16xf32>,
        %scan3A_939 = arith.constant 5 : i32
        %scan3A_940 = arith.addi %scan3A_897, %scan3A_939 : i32
        %broadcast_in_dim3A_941 = vector.broadcast %scan3A_940 : i32 to vector<16xi32>
        %gather3A_942 = tpu.vector_load_idx %arg7[%iota3A, %broadcast_in_dim3A_941, %broadcast_in_dim3A_150] : memref<16x200x16xf32, #tpu.memory_space<vmem>>[vector<16xi32>, vector<16xi32>, vector<16xi32>], vector<16xf32>,
        %add3A_943 = arith.constant 200 : i32
        %add3A_944 = arith.addi %add3A_943, %scan3A_940 : i32
        %swap3A_945 = arith.index_cast %add3A_944 : i32 to index
        %swap3A_946 = arith.constant 0 : index
        %swap3A_947 = tpu.vector_load %arg12[%swap3A_945, %swap3A_946] {strides = array<i32>} : memref<400x16xf32, #tpu.memory_space<vmem>>, vector<16xf32>,
        tpu.vector_store %arg12[%swap3A_945, %swap3A_946], %gather3A_942 {strides = array<i32>} : memref<400x16xf32, #tpu.memory_space<vmem>>, vector<16xf32>,
        %scan3A_948 = arith.constant 6 : i32
        %scan3A_949 = arith.addi %scan3A_897, %scan3A_948 : i32
        %broadcast_in_dim3A_950 = vector.broadcast %scan3A_949 : i32 to vector<16xi32>
        %gather3A_951 = tpu.vector_load_idx %arg7[%iota3A, %broadcast_in_dim3A_950, %broadcast_in_dim3A_150] : memref<16x200x16xf32, #tpu.memory_space<vmem>>[vector<16xi32>, vector<16xi32>, vector<16xi32>], vector<16xf32>,
        %add3A_952 = arith.constant 200 : i32
        %add3A_953 = arith.addi %add3A_952, %scan3A_949 : i32
        %swap3A_954 = arith.index_cast %add3A_953 : i32 to index
        %swap3A_955 = arith.constant 0 : index
        %swap3A_956 = tpu.vector_load %arg12[%swap3A_954, %swap3A_955] {strides = array<i32>} : memref<400x16xf32, #tpu.memory_space<vmem>>, vector<16xf32>,
        tpu.vector_store %arg12[%swap3A_954, %swap3A_955], %gather3A_951 {strides = array<i32>} : memref<400x16xf32, #tpu.memory_space<vmem>>, vector<16xf32>,
        %scan3A_957 = arith.constant 7 : i32
        %scan3A_958 = arith.addi %scan3A_897, %scan3A_957 : i32
        %broadcast_in_dim3A_959 = vector.broadcast %scan3A_958 : i32 to vector<16xi32>
        %gather3A_960 = tpu.vector_load_idx %arg7[%iota3A, %broadcast_in_dim3A_959, %broadcast_in_dim3A_150] : memref<16x200x16xf32, #tpu.memory_space<vmem>>[vector<16xi32>, vector<16xi32>, vector<16xi32>], vector<16xf32>,
        %add3A_961 = arith.constant 200 : i32
        %add3A_962 = arith.addi %add3A_961, %scan3A_958 : i32
        %swap3A_963 = arith.index_cast %add3A_962 : i32 to index
        %swap3A_964 = arith.constant 0 : index
        %swap3A_965 = tpu.vector_load %arg12[%swap3A_963, %swap3A_964] {strides = array<i32>} : memref<400x16xf32, #tpu.memory_space<vmem>>, vector<16xf32>,
        tpu.vector_store %arg12[%swap3A_963, %swap3A_964], %gather3A_960 {strides = array<i32>} : memref<400x16xf32, #tpu.memory_space<vmem>>, vector<16xf32>,
      }
      %scan3A_156 = arith.constant 200 : i32
      %dma_wait3A_157 = arith.constant 1 : i32
      %dma_wait3A_158 = arith.constant 0 : i32
      %dma_wait3A_159 = arith.constant 0 : i32
      %dma_wait3A_160 = tpu.memref_slice %arg10[%dma_wait3A_157, %dma_wait3A_158, %dma_wait3A_159] : memref<2x400x32xf32, #tpu.memory_space<vmem>> -> memref<1x400x32xf32, #tpu.memory_space<vmem>>
      %dma_wait3A_161 = tpu.memref_squeeze %dma_wait3A_160 : memref<1x400x32xf32, #tpu.memory_space<vmem>> -> memref<400x32xf32, #tpu.memory_space<vmem>>
      %dma_wait3A_162 = arith.constant 400 : i32
      %dma_wait3A_163 = tpu.memref_slice %arg8[%dma_wait3A_162] : memref<3200xi32, #tpu.memory_space<vmem>> -> memref<400xi32, #tpu.memory_space<vmem>>
      %dma_wait3A_164 = arith.constant 0 : i32
      %dma_wait3A_165 = arith.constant 0 : i32
      %dma_wait3A_166 = tpu.memref_slice %arg3[%dma_wait3A_164, %dma_wait3A_165] : memref<1000001x32xf32, #tpu.memory_space<hbm>> -> memref<1000001x32xf32, #tpu.memory_space<hbm>>
      tpu.wait_indirect_dma semaphore(%arg14 : memref<!tpu.dma_semaphore, #tpu.memory_space<semaphore_mem>>) src(%dma_wait3A_166 : memref<1000001x32xf32, #tpu.memory_space<hbm>>) dst(%dma_wait3A_161 : memref<400x32xf32, #tpu.memory_space<vmem>>)
      %dma_wait3A_167 = arith.constant 1 : i32
      %dma_wait3A_168 = arith.constant 0 : i32
      %dma_wait3A_169 = arith.constant 0 : i32
      %dma_wait3A_170 = tpu.memref_slice %arg11[%dma_wait3A_167, %dma_wait3A_168, %dma_wait3A_169] : memref<2x400x32xf32, #tpu.memory_space<vmem>> -> memref<1x400x32xf32, #tpu.memory_space<vmem>>
      %dma_wait3A_171 = tpu.memref_squeeze %dma_wait3A_170 : memref<1x400x32xf32, #tpu.memory_space<vmem>> -> memref<400x32xf32, #tpu.memory_space<vmem>>
      %dma_wait3A_172 = arith.constant 400 : i32
      %dma_wait3A_173 = tpu.memref_slice %arg9[%dma_wait3A_172] : memref<3200xi32, #tpu.memory_space<vmem>> -> memref<400xi32, #tpu.memory_space<vmem>>
      %dma_wait3A_174 = arith.constant 0 : i32
      %dma_wait3A_175 = arith.constant 0 : i32
      %dma_wait3A_176 = tpu.memref_slice %arg4[%dma_wait3A_174, %dma_wait3A_175] : memref<100001x32xf32, #tpu.memory_space<hbm>> -> memref<100001x32xf32, #tpu.memory_space<hbm>>
      tpu.wait_indirect_dma semaphore(%arg16 : memref<!tpu.dma_semaphore, #tpu.memory_space<semaphore_mem>>) src(%dma_wait3A_176 : memref<100001x32xf32, #tpu.memory_space<hbm>>) dst(%dma_wait3A_171 : memref<400x32xf32, #tpu.memory_space<vmem>>)
      %add3A_177 = arith.constant 400 : i32
      %add3A_178 = arith.addi %mul3A_13, %add3A_177 : i32
      %dma_start3A_179 = arith.constant 1 : i32
      %dma_start3A_180 = arith.constant 0 : i32
      %dma_start3A_181 = arith.constant 0 : i32
      %dma_start3A_182 = tpu.memref_slice %arg10[%dma_start3A_179, %dma_start3A_180, %dma_start3A_181] : memref<2x400x32xf32, #tpu.memory_space<vmem>> -> memref<1x400x32xf32, #tpu.memory_space<vmem>>
      %dma_start3A_183 = tpu.memref_squeeze %dma_start3A_182 : memref<1x400x32xf32, #tpu.memory_space<vmem>> -> memref<400x32xf32, #tpu.memory_space<vmem>>
      %dma_start3A_184 = arith.constant 0 : i32
      %dma_start3A_185 = tpu.memref_slice %arg5[%add3A_178, %dma_start3A_184] : memref<819200x80xf32, #tpu.memory_space<hbm>> -> memref<400x32xf32, #tpu.memory_space<hbm>>
      %dma_start3A_186 = arith.constant 0 : i32
      %dma_start3A_187 = tpu.memref_slice %arg5[%add3A_178, %dma_start3A_186] : memref<819200x80xf32, #tpu.memory_space<hbm>> -> memref<400x32xf32, #tpu.memory_space<hbm>>
      %dma_start3A_188 = arith.constant 0 : i32
      %dma_start3A_189 = arith.constant 0 : i32
      %dma_start3A_190 = tpu.memref_slice %arg10[%dma_start3A_179, %dma_start3A_188, %dma_start3A_189] : memref<2x400x32xf32, #tpu.memory_space<vmem>> -> memref<1x400x32xf32, #tpu.memory_space<vmem>>
      %dma_start3A_191 = tpu.memref_squeeze %dma_start3A_190 : memref<1x400x32xf32, #tpu.memory_space<vmem>> -> memref<400x32xf32, #tpu.memory_space<vmem>>
      tpu.enqueue_dma source(%dma_start3A_191 : memref<400x32xf32, #tpu.memory_space<vmem>>) target(%dma_start3A_187 : memref<400x32xf32, #tpu.memory_space<hbm>>) target_semaphore(%arg18 : memref<!tpu.dma_semaphore, #tpu.memory_space<semaphore_mem>>)
      %dma_start3A_192 = arith.constant 1 : i32
      %dma_start3A_193 = arith.constant 0 : i32
      %dma_start3A_194 = arith.constant 0 : i32
      %dma_start3A_195 = tpu.memref_slice %arg11[%dma_start3A_192, %dma_start3A_193, %dma_start3A_194] : memref<2x400x32xf32, #tpu.memory_space<vmem>> -> memref<1x400x32xf32, #tpu.memory_space<vmem>>
      %dma_start3A_196 = tpu.memref_squeeze %dma_start3A_195 : memref<1x400x32xf32, #tpu.memory_space<vmem>> -> memref<400x32xf32, #tpu.memory_space<vmem>>
      %dma_start3A_197 = arith.constant 32 : i32
      %dma_start3A_198 = tpu.memref_slice %arg5[%add3A_178, %dma_start3A_197] : memref<819200x80xf32, #tpu.memory_space<hbm>> -> memref<400x32xf32, #tpu.memory_space<hbm>>
      %dma_start3A_199 = arith.constant 32 : i32
      %dma_start3A_200 = tpu.memref_slice %arg5[%add3A_178, %dma_start3A_199] : memref<819200x80xf32, #tpu.memory_space<hbm>> -> memref<400x32xf32, #tpu.memory_space<hbm>>
      %dma_start3A_201 = arith.constant 0 : i32
      %dma_start3A_202 = arith.constant 0 : i32
      %dma_start3A_203 = tpu.memref_slice %arg11[%dma_start3A_192, %dma_start3A_201, %dma_start3A_202] : memref<2x400x32xf32, #tpu.memory_space<vmem>> -> memref<1x400x32xf32, #tpu.memory_space<vmem>>
      %dma_start3A_204 = tpu.memref_squeeze %dma_start3A_203 : memref<1x400x32xf32, #tpu.memory_space<vmem>> -> memref<400x32xf32, #tpu.memory_space<vmem>>
      tpu.enqueue_dma source(%dma_start3A_204 : memref<400x32xf32, #tpu.memory_space<vmem>>) target(%dma_start3A_200 : memref<400x32xf32, #tpu.memory_space<hbm>>) target_semaphore(%arg18 : memref<!tpu.dma_semaphore, #tpu.memory_space<semaphore_mem>>)
      "tpu.region"() ({
        %run_scoped3A = tpu.sem_alloc : memref<!tpu.dma_semaphore, #tpu.memory_space<semaphore_mem>>
        %dma_start3A_897 = arith.constant 64 : i32
        %dma_start3A_898 = tpu.memref_slice %arg5[%add3A_178, %dma_start3A_897] : memref<819200x80xf32, #tpu.memory_space<hbm>> -> memref<400x16xf32, #tpu.memory_space<hbm>>
        %dma_start3A_899 = arith.constant 64 : i32
        %dma_start3A_900 = tpu.memref_slice %arg5[%add3A_178, %dma_start3A_899] : memref<819200x80xf32, #tpu.memory_space<hbm>> -> memref<400x16xf32, #tpu.memory_space<hbm>>
        tpu.enqueue_dma source(%arg12 : memref<400x16xf32, #tpu.memory_space<vmem>>) target(%dma_start3A_900 : memref<400x16xf32, #tpu.memory_space<hbm>>) target_semaphore(%run_scoped3A : memref<!tpu.dma_semaphore, #tpu.memory_space<semaphore_mem>>)
        %dma_wait3A_901 = arith.constant 64 : i32
        %dma_wait3A_902 = tpu.memref_slice %arg5[%add3A_178, %dma_wait3A_901] : memref<819200x80xf32, #tpu.memory_space<hbm>> -> memref<400x16xf32, #tpu.memory_space<hbm>>
        %dma_wait3A_903 = arith.constant 64 : i32
        %dma_wait3A_904 = tpu.memref_slice %arg5[%add3A_178, %dma_wait3A_903] : memref<819200x80xf32, #tpu.memory_space<hbm>> -> memref<400x16xf32, #tpu.memory_space<hbm>>
        tpu.wait_dma2 semaphore(%run_scoped3A : memref<!tpu.dma_semaphore, #tpu.memory_space<semaphore_mem>>) src(%arg12 : memref<400x16xf32, #tpu.memory_space<vmem>>) dst(%dma_wait3A_904 : memref<400x16xf32, #tpu.memory_space<hbm>>)
        tpu.yield
      }) : () -> ()
      %dma_wait3A_205 = arith.constant 0 : i32
      %dma_wait3A_206 = arith.constant 0 : i32
      %dma_wait3A_207 = arith.constant 0 : i32
      %dma_wait3A_208 = tpu.memref_slice %arg10[%dma_wait3A_205, %dma_wait3A_206, %dma_wait3A_207] : memref<2x400x32xf32, #tpu.memory_space<vmem>> -> memref<1x400x32xf32, #tpu.memory_space<vmem>>
      %dma_wait3A_209 = tpu.memref_squeeze %dma_wait3A_208 : memref<1x400x32xf32, #tpu.memory_space<vmem>> -> memref<400x32xf32, #tpu.memory_space<vmem>>
      %dma_wait3A_210 = arith.constant 0 : i32
      %dma_wait3A_211 = tpu.memref_slice %arg5[%add3A_94, %dma_wait3A_210] : memref<819200x80xf32, #tpu.memory_space<hbm>> -> memref<400x32xf32, #tpu.memory_space<hbm>>
      %dma_wait3A_212 = arith.constant 0 : i32
      %dma_wait3A_213 = tpu.memref_slice %arg5[%add3A_94, %dma_wait3A_212] : memref<819200x80xf32, #tpu.memory_space<hbm>> -> memref<400x32xf32, #tpu.memory_space<hbm>>
      %dma_wait3A_214 = arith.constant 0 : i32
      %dma_wait3A_215 = arith.constant 0 : i32
      %dma_wait3A_216 = tpu.memref_slice %arg10[%dma_wait3A_205, %dma_wait3A_214, %dma_wait3A_215] : memref<2x400x32xf32, #tpu.memory_space<vmem>> -> memref<1x400x32xf32, #tpu.memory_space<vmem>>
      %dma_wait3A_217 = tpu.memref_squeeze %dma_wait3A_216 : memref<1x400x32xf32, #tpu.memory_space<vmem>> -> memref<400x32xf32, #tpu.memory_space<vmem>>
      tpu.wait_dma2 semaphore(%arg17 : memref<!tpu.dma_semaphore, #tpu.memory_space<semaphore_mem>>) src(%dma_wait3A_217 : memref<400x32xf32, #tpu.memory_space<vmem>>) dst(%dma_wait3A_213 : memref<400x32xf32, #tpu.memory_space<hbm>>)
      %dma_wait3A_218 = arith.constant 0 : i32
      %dma_wait3A_219 = arith.constant 0 : i32
      %dma_wait3A_220 = arith.constant 0 : i32
      %dma_wait3A_221 = tpu.memref_slice %arg11[%dma_wait3A_218, %dma_wait3A_219, %dma_wait3A_220] : memref<2x400x32xf32, #tpu.memory_space<vmem>> -> memref<1x400x32xf32, #tpu.memory_space<vmem>>
      %dma_wait3A_222 = tpu.memref_squeeze %dma_wait3A_221 : memref<1x400x32xf32, #tpu.memory_space<vmem>> -> memref<400x32xf32, #tpu.memory_space<vmem>>
      %dma_wait3A_223 = arith.constant 32 : i32
      %dma_wait3A_224 = tpu.memref_slice %arg5[%add3A_94, %dma_wait3A_223] : memref<819200x80xf32, #tpu.memory_space<hbm>> -> memref<400x32xf32, #tpu.memory_space<hbm>>
      %dma_wait3A_225 = arith.constant 32 : i32
      %dma_wait3A_226 = tpu.memref_slice %arg5[%add3A_94, %dma_wait3A_225] : memref<819200x80xf32, #tpu.memory_space<hbm>> -> memref<400x32xf32, #tpu.memory_space<hbm>>
      %dma_wait3A_227 = arith.constant 0 : i32
      %dma_wait3A_228 = arith.constant 0 : i32
      %dma_wait3A_229 = tpu.memref_slice %arg11[%dma_wait3A_218, %dma_wait3A_227, %dma_wait3A_228] : memref<2x400x32xf32, #tpu.memory_space<vmem>> -> memref<1x400x32xf32, #tpu.memory_space<vmem>>
      %dma_wait3A_230 = tpu.memref_squeeze %dma_wait3A_229 : memref<1x400x32xf32, #tpu.memory_space<vmem>> -> memref<400x32xf32, #tpu.memory_space<vmem>>
      tpu.wait_dma2 semaphore(%arg17 : memref<!tpu.dma_semaphore, #tpu.memory_space<semaphore_mem>>) src(%dma_wait3A_230 : memref<400x32xf32, #tpu.memory_space<vmem>>) dst(%dma_wait3A_226 : memref<400x32xf32, #tpu.memory_space<hbm>>)
      %dma_start3A_231 = arith.constant 1 : i32
      %dma_start3A_232 = arith.constant 0 : i32
      %dma_start3A_233 = arith.constant 0 : i32
      %dma_start3A_234 = tpu.memref_slice %arg10[%dma_start3A_231, %dma_start3A_232, %dma_start3A_233] : memref<2x400x32xf32, #tpu.memory_space<vmem>> -> memref<1x400x32xf32, #tpu.memory_space<vmem>>
      %dma_start3A_235 = tpu.memref_squeeze %dma_start3A_234 : memref<1x400x32xf32, #tpu.memory_space<vmem>> -> memref<400x32xf32, #tpu.memory_space<vmem>>
      %dma_start3A_236 = arith.constant 1200 : i32
      %dma_start3A_237 = tpu.memref_slice %arg8[%dma_start3A_236] : memref<3200xi32, #tpu.memory_space<vmem>> -> memref<400xi32, #tpu.memory_space<vmem>>
      %dma_start3A_238 = arith.constant 0 : i32
      %dma_start3A_239 = arith.constant 0 : i32
      %dma_start3A_240 = tpu.memref_slice %arg3[%dma_start3A_238, %dma_start3A_239] : memref<1000001x32xf32, #tpu.memory_space<hbm>> -> memref<1000001x32xf32, #tpu.memory_space<hbm>>
      tpu.enqueue_indirect_dma source(%dma_start3A_240 : memref<1000001x32xf32, #tpu.memory_space<hbm>>) target(%dma_start3A_235 : memref<400x32xf32, #tpu.memory_space<vmem>>) offsets(%dma_start3A_237 : memref<400xi32, #tpu.memory_space<vmem>>) semaphore(%arg14 : memref<!tpu.dma_semaphore, #tpu.memory_space<semaphore_mem>>)
      %dma_start3A_241 = arith.constant 1 : i32
      %dma_start3A_242 = arith.constant 0 : i32
      %dma_start3A_243 = arith.constant 0 : i32
      %dma_start3A_244 = tpu.memref_slice %arg11[%dma_start3A_241, %dma_start3A_242, %dma_start3A_243] : memref<2x400x32xf32, #tpu.memory_space<vmem>> -> memref<1x400x32xf32, #tpu.memory_space<vmem>>
      %dma_start3A_245 = tpu.memref_squeeze %dma_start3A_244 : memref<1x400x32xf32, #tpu.memory_space<vmem>> -> memref<400x32xf32, #tpu.memory_space<vmem>>
      %dma_start3A_246 = arith.constant 1200 : i32
      %dma_start3A_247 = tpu.memref_slice %arg9[%dma_start3A_246] : memref<3200xi32, #tpu.memory_space<vmem>> -> memref<400xi32, #tpu.memory_space<vmem>>
      %dma_start3A_248 = arith.constant 0 : i32
      %dma_start3A_249 = arith.constant 0 : i32
      %dma_start3A_250 = tpu.memref_slice %arg4[%dma_start3A_248, %dma_start3A_249] : memref<100001x32xf32, #tpu.memory_space<hbm>> -> memref<100001x32xf32, #tpu.memory_space<hbm>>
      tpu.enqueue_indirect_dma source(%dma_start3A_250 : memref<100001x32xf32, #tpu.memory_space<hbm>>) target(%dma_start3A_245 : memref<400x32xf32, #tpu.memory_space<vmem>>) offsets(%dma_start3A_247 : memref<400xi32, #tpu.memory_space<vmem>>) semaphore(%arg16 : memref<!tpu.dma_semaphore, #tpu.memory_space<semaphore_mem>>)
      %broadcast_in_dim3A_251 = arith.constant 4 : i32
      %broadcast_in_dim3A_252 = vector.broadcast %broadcast_in_dim3A_251 : i32 to vector<16xi32>
      %scan3A_253 = arith.constant 0 : i32
      %scan3A_254 = arith.constant 0 : i32
      %scan3A_255 = arith.constant 200 : i32
      %scan3A_256 = arith.addi %scan3A_254, %scan3A_255 : i32
      %scan3A_257 = arith.constant 8 : i32
      scf.for %scan3A_897 = %scan3A_254 to %scan3A_256 step %scan3A_257  : i32 {
        %broadcast_in_dim3A_898 = vector.broadcast %scan3A_897 : i32 to vector<16xi32>
        %gather3A = tpu.vector_load_idx %arg7[%iota3A, %broadcast_in_dim3A_898, %broadcast_in_dim3A_252] : memref<16x200x16xf32, #tpu.memory_space<vmem>>[vector<16xi32>, vector<16xi32>, vector<16xi32>], vector<16xf32>,
        %add3A_899 = arith.constant 0 : i32
        %add3A_900 = arith.addi %add3A_899, %scan3A_897 : i32
        %swap3A = arith.index_cast %add3A_900 : i32 to index
        %swap3A_901 = arith.constant 0 : index
        %swap3A_902 = tpu.vector_load %arg12[%swap3A, %swap3A_901] {strides = array<i32>} : memref<400x16xf32, #tpu.memory_space<vmem>>, vector<16xf32>,
        tpu.vector_store %arg12[%swap3A, %swap3A_901], %gather3A {strides = array<i32>} : memref<400x16xf32, #tpu.memory_space<vmem>>, vector<16xf32>,
        %scan3A_903 = arith.constant 1 : i32
        %scan3A_904 = arith.addi %scan3A_897, %scan3A_903 : i32
        %broadcast_in_dim3A_905 = vector.broadcast %scan3A_904 : i32 to vector<16xi32>
        %gather3A_906 = tpu.vector_load_idx %arg7[%iota3A, %broadcast_in_dim3A_905, %broadcast_in_dim3A_252] : memref<16x200x16xf32, #tpu.memory_space<vmem>>[vector<16xi32>, vector<16xi32>, vector<16xi32>], vector<16xf32>,
        %add3A_907 = arith.constant 0 : i32
        %add3A_908 = arith.addi %add3A_907, %scan3A_904 : i32
        %swap3A_909 = arith.index_cast %add3A_908 : i32 to index
        %swap3A_910 = arith.constant 0 : index
        %swap3A_911 = tpu.vector_load %arg12[%swap3A_909, %swap3A_910] {strides = array<i32>} : memref<400x16xf32, #tpu.memory_space<vmem>>, vector<16xf32>,
        tpu.vector_store %arg12[%swap3A_909, %swap3A_910], %gather3A_906 {strides = array<i32>} : memref<400x16xf32, #tpu.memory_space<vmem>>, vector<16xf32>,
        %scan3A_912 = arith.constant 2 : i32
        %scan3A_913 = arith.addi %scan3A_897, %scan3A_912 : i32
        %broadcast_in_dim3A_914 = vector.broadcast %scan3A_913 : i32 to vector<16xi32>
        %gather3A_915 = tpu.vector_load_idx %arg7[%iota3A, %broadcast_in_dim3A_914, %broadcast_in_dim3A_252] : memref<16x200x16xf32, #tpu.memory_space<vmem>>[vector<16xi32>, vector<16xi32>, vector<16xi32>], vector<16xf32>,
        %add3A_916 = arith.constant 0 : i32
        %add3A_917 = arith.addi %add3A_916, %scan3A_913 : i32
        %swap3A_918 = arith.index_cast %add3A_917 : i32 to index
        %swap3A_919 = arith.constant 0 : index
        %swap3A_920 = tpu.vector_load %arg12[%swap3A_918, %swap3A_919] {strides = array<i32>} : memref<400x16xf32, #tpu.memory_space<vmem>>, vector<16xf32>,
        tpu.vector_store %arg12[%swap3A_918, %swap3A_919], %gather3A_915 {strides = array<i32>} : memref<400x16xf32, #tpu.memory_space<vmem>>, vector<16xf32>,
        %scan3A_921 = arith.constant 3 : i32
        %scan3A_922 = arith.addi %scan3A_897, %scan3A_921 : i32
        %broadcast_in_dim3A_923 = vector.broadcast %scan3A_922 : i32 to vector<16xi32>
        %gather3A_924 = tpu.vector_load_idx %arg7[%iota3A, %broadcast_in_dim3A_923, %broadcast_in_dim3A_252] : memref<16x200x16xf32, #tpu.memory_space<vmem>>[vector<16xi32>, vector<16xi32>, vector<16xi32>], vector<16xf32>,
        %add3A_925 = arith.constant 0 : i32
        %add3A_926 = arith.addi %add3A_925, %scan3A_922 : i32
        %swap3A_927 = arith.index_cast %add3A_926 : i32 to index
        %swap3A_928 = arith.constant 0 : index
        %swap3A_929 = tpu.vector_load %arg12[%swap3A_927, %swap3A_928] {strides = array<i32>} : memref<400x16xf32, #tpu.memory_space<vmem>>, vector<16xf32>,
        tpu.vector_store %arg12[%swap3A_927, %swap3A_928], %gather3A_924 {strides = array<i32>} : memref<400x16xf32, #tpu.memory_space<vmem>>, vector<16xf32>,
        %scan3A_930 = arith.constant 4 : i32
        %scan3A_931 = arith.addi %scan3A_897, %scan3A_930 : i32
        %broadcast_in_dim3A_932 = vector.broadcast %scan3A_931 : i32 to vector<16xi32>
        %gather3A_933 = tpu.vector_load_idx %arg7[%iota3A, %broadcast_in_dim3A_932, %broadcast_in_dim3A_252] : memref<16x200x16xf32, #tpu.memory_space<vmem>>[vector<16xi32>, vector<16xi32>, vector<16xi32>], vector<16xf32>,
        %add3A_934 = arith.constant 0 : i32
        %add3A_935 = arith.addi %add3A_934, %scan3A_931 : i32
        %swap3A_936 = arith.index_cast %add3A_935 : i32 to index
        %swap3A_937 = arith.constant 0 : index
        %swap3A_938 = tpu.vector_load %arg12[%swap3A_936, %swap3A_937] {strides = array<i32>} : memref<400x16xf32, #tpu.memory_space<vmem>>, vector<16xf32>,
        tpu.vector_store %arg12[%swap3A_936, %swap3A_937], %gather3A_933 {strides = array<i32>} : memref<400x16xf32, #tpu.memory_space<vmem>>, vector<16xf32>,
        %scan3A_939 = arith.constant 5 : i32
        %scan3A_940 = arith.addi %scan3A_897, %scan3A_939 : i32
        %broadcast_in_dim3A_941 = vector.broadcast %scan3A_940 : i32 to vector<16xi32>
        %gather3A_942 = tpu.vector_load_idx %arg7[%iota3A, %broadcast_in_dim3A_941, %broadcast_in_dim3A_252] : memref<16x200x16xf32, #tpu.memory_space<vmem>>[vector<16xi32>, vector<16xi32>, vector<16xi32>], vector<16xf32>,
        %add3A_943 = arith.constant 0 : i32
        %add3A_944 = arith.addi %add3A_943, %scan3A_940 : i32
        %swap3A_945 = arith.index_cast %add3A_944 : i32 to index
        %swap3A_946 = arith.constant 0 : index
        %swap3A_947 = tpu.vector_load %arg12[%swap3A_945, %swap3A_946] {strides = array<i32>} : memref<400x16xf32, #tpu.memory_space<vmem>>, vector<16xf32>,
        tpu.vector_store %arg12[%swap3A_945, %swap3A_946], %gather3A_942 {strides = array<i32>} : memref<400x16xf32, #tpu.memory_space<vmem>>, vector<16xf32>,
        %scan3A_948 = arith.constant 6 : i32
        %scan3A_949 = arith.addi %scan3A_897, %scan3A_948 : i32
        %broadcast_in_dim3A_950 = vector.broadcast %scan3A_949 : i32 to vector<16xi32>
        %gather3A_951 = tpu.vector_load_idx %arg7[%iota3A, %broadcast_in_dim3A_950, %broadcast_in_dim3A_252] : memref<16x200x16xf32, #tpu.memory_space<vmem>>[vector<16xi32>, vector<16xi32>, vector<16xi32>], vector<16xf32>,
        %add3A_952 = arith.constant 0 : i32
        %add3A_953 = arith.addi %add3A_952, %scan3A_949 : i32
        %swap3A_954 = arith.index_cast %add3A_953 : i32 to index
        %swap3A_955 = arith.constant 0 : index
        %swap3A_956 = tpu.vector_load %arg12[%swap3A_954, %swap3A_955] {strides = array<i32>} : memref<400x16xf32, #tpu.memory_space<vmem>>, vector<16xf32>,
        tpu.vector_store %arg12[%swap3A_954, %swap3A_955], %gather3A_951 {strides = array<i32>} : memref<400x16xf32, #tpu.memory_space<vmem>>, vector<16xf32>,
        %scan3A_957 = arith.constant 7 : i32
        %scan3A_958 = arith.addi %scan3A_897, %scan3A_957 : i32
        %broadcast_in_dim3A_959 = vector.broadcast %scan3A_958 : i32 to vector<16xi32>
        %gather3A_960 = tpu.vector_load_idx %arg7[%iota3A, %broadcast_in_dim3A_959, %broadcast_in_dim3A_252] : memref<16x200x16xf32, #tpu.memory_space<vmem>>[vector<16xi32>, vector<16xi32>, vector<16xi32>], vector<16xf32>,
        %add3A_961 = arith.constant 0 : i32
        %add3A_962 = arith.addi %add3A_961, %scan3A_958 : i32
        %swap3A_963 = arith.index_cast %add3A_962 : i32 to index
        %swap3A_964 = arith.constant 0 : index
        %swap3A_965 = tpu.vector_load %arg12[%swap3A_963, %swap3A_964] {strides = array<i32>} : memref<400x16xf32, #tpu.memory_space<vmem>>, vector<16xf32>,
        tpu.vector_store %arg12[%swap3A_963, %swap3A_964], %gather3A_960 {strides = array<i32>} : memref<400x16xf32, #tpu.memory_space<vmem>>, vector<16xf32>,
      }
      %scan3A_258 = arith.constant 200 : i32
      %broadcast_in_dim3A_259 = arith.constant 5 : i32
      %broadcast_in_dim3A_260 = vector.broadcast %broadcast_in_dim3A_259 : i32 to vector<16xi32>
      %scan3A_261 = arith.constant 0 : i32
      %scan3A_262 = arith.constant 0 : i32
      %scan3A_263 = arith.constant 200 : i32
      %scan3A_264 = arith.addi %scan3A_262, %scan3A_263 : i32
      %scan3A_265 = arith.constant 8 : i32
      scf.for %scan3A_897 = %scan3A_262 to %scan3A_264 step %scan3A_265  : i32 {
        %broadcast_in_dim3A_898 = vector.broadcast %scan3A_897 : i32 to vector<16xi32>
        %gather3A = tpu.vector_load_idx %arg7[%iota3A, %broadcast_in_dim3A_898, %broadcast_in_dim3A_260] : memref<16x200x16xf32, #tpu.memory_space<vmem>>[vector<16xi32>, vector<16xi32>, vector<16xi32>], vector<16xf32>,
        %add3A_899 = arith.constant 200 : i32
        %add3A_900 = arith.addi %add3A_899, %scan3A_897 : i32
        %swap3A = arith.index_cast %add3A_900 : i32 to index
        %swap3A_901 = arith.constant 0 : index
        %swap3A_902 = tpu.vector_load %arg12[%swap3A, %swap3A_901] {strides = array<i32>} : memref<400x16xf32, #tpu.memory_space<vmem>>, vector<16xf32>,
        tpu.vector_store %arg12[%swap3A, %swap3A_901], %gather3A {strides = array<i32>} : memref<400x16xf32, #tpu.memory_space<vmem>>, vector<16xf32>,
        %scan3A_903 = arith.constant 1 : i32
        %scan3A_904 = arith.addi %scan3A_897, %scan3A_903 : i32
        %broadcast_in_dim3A_905 = vector.broadcast %scan3A_904 : i32 to vector<16xi32>
        %gather3A_906 = tpu.vector_load_idx %arg7[%iota3A, %broadcast_in_dim3A_905, %broadcast_in_dim3A_260] : memref<16x200x16xf32, #tpu.memory_space<vmem>>[vector<16xi32>, vector<16xi32>, vector<16xi32>], vector<16xf32>,
        %add3A_907 = arith.constant 200 : i32
        %add3A_908 = arith.addi %add3A_907, %scan3A_904 : i32
        %swap3A_909 = arith.index_cast %add3A_908 : i32 to index
        %swap3A_910 = arith.constant 0 : index
        %swap3A_911 = tpu.vector_load %arg12[%swap3A_909, %swap3A_910] {strides = array<i32>} : memref<400x16xf32, #tpu.memory_space<vmem>>, vector<16xf32>,
        tpu.vector_store %arg12[%swap3A_909, %swap3A_910], %gather3A_906 {strides = array<i32>} : memref<400x16xf32, #tpu.memory_space<vmem>>, vector<16xf32>,
        %scan3A_912 = arith.constant 2 : i32
        %scan3A_913 = arith.addi %scan3A_897, %scan3A_912 : i32
        %broadcast_in_dim3A_914 = vector.broadcast %scan3A_913 : i32 to vector<16xi32>
        %gather3A_915 = tpu.vector_load_idx %arg7[%iota3A, %broadcast_in_dim3A_914, %broadcast_in_dim3A_260] : memref<16x200x16xf32, #tpu.memory_space<vmem>>[vector<16xi32>, vector<16xi32>, vector<16xi32>], vector<16xf32>,
        %add3A_916 = arith.constant 200 : i32
        %add3A_917 = arith.addi %add3A_916, %scan3A_913 : i32
        %swap3A_918 = arith.index_cast %add3A_917 : i32 to index
        %swap3A_919 = arith.constant 0 : index
        %swap3A_920 = tpu.vector_load %arg12[%swap3A_918, %swap3A_919] {strides = array<i32>} : memref<400x16xf32, #tpu.memory_space<vmem>>, vector<16xf32>,
        tpu.vector_store %arg12[%swap3A_918, %swap3A_919], %gather3A_915 {strides = array<i32>} : memref<400x16xf32, #tpu.memory_space<vmem>>, vector<16xf32>,
        %scan3A_921 = arith.constant 3 : i32
        %scan3A_922 = arith.addi %scan3A_897, %scan3A_921 : i32
        %broadcast_in_dim3A_923 = vector.broadcast %scan3A_922 : i32 to vector<16xi32>
        %gather3A_924 = tpu.vector_load_idx %arg7[%iota3A, %broadcast_in_dim3A_923, %broadcast_in_dim3A_260] : memref<16x200x16xf32, #tpu.memory_space<vmem>>[vector<16xi32>, vector<16xi32>, vector<16xi32>], vector<16xf32>,
        %add3A_925 = arith.constant 200 : i32
        %add3A_926 = arith.addi %add3A_925, %scan3A_922 : i32
        %swap3A_927 = arith.index_cast %add3A_926 : i32 to index
        %swap3A_928 = arith.constant 0 : index
        %swap3A_929 = tpu.vector_load %arg12[%swap3A_927, %swap3A_928] {strides = array<i32>} : memref<400x16xf32, #tpu.memory_space<vmem>>, vector<16xf32>,
        tpu.vector_store %arg12[%swap3A_927, %swap3A_928], %gather3A_924 {strides = array<i32>} : memref<400x16xf32, #tpu.memory_space<vmem>>, vector<16xf32>,
        %scan3A_930 = arith.constant 4 : i32
        %scan3A_931 = arith.addi %scan3A_897, %scan3A_930 : i32
        %broadcast_in_dim3A_932 = vector.broadcast %scan3A_931 : i32 to vector<16xi32>
        %gather3A_933 = tpu.vector_load_idx %arg7[%iota3A, %broadcast_in_dim3A_932, %broadcast_in_dim3A_260] : memref<16x200x16xf32, #tpu.memory_space<vmem>>[vector<16xi32>, vector<16xi32>, vector<16xi32>], vector<16xf32>,
        %add3A_934 = arith.constant 200 : i32
        %add3A_935 = arith.addi %add3A_934, %scan3A_931 : i32
        %swap3A_936 = arith.index_cast %add3A_935 : i32 to index
        %swap3A_937 = arith.constant 0 : index
        %swap3A_938 = tpu.vector_load %arg12[%swap3A_936, %swap3A_937] {strides = array<i32>} : memref<400x16xf32, #tpu.memory_space<vmem>>, vector<16xf32>,
        tpu.vector_store %arg12[%swap3A_936, %swap3A_937], %gather3A_933 {strides = array<i32>} : memref<400x16xf32, #tpu.memory_space<vmem>>, vector<16xf32>,
        %scan3A_939 = arith.constant 5 : i32
        %scan3A_940 = arith.addi %scan3A_897, %scan3A_939 : i32
        %broadcast_in_dim3A_941 = vector.broadcast %scan3A_940 : i32 to vector<16xi32>
        %gather3A_942 = tpu.vector_load_idx %arg7[%iota3A, %broadcast_in_dim3A_941, %broadcast_in_dim3A_260] : memref<16x200x16xf32, #tpu.memory_space<vmem>>[vector<16xi32>, vector<16xi32>, vector<16xi32>], vector<16xf32>,
        %add3A_943 = arith.constant 200 : i32
        %add3A_944 = arith.addi %add3A_943, %scan3A_940 : i32
        %swap3A_945 = arith.index_cast %add3A_944 : i32 to index
        %swap3A_946 = arith.constant 0 : index
        %swap3A_947 = tpu.vector_load %arg12[%swap3A_945, %swap3A_946] {strides = array<i32>} : memref<400x16xf32, #tpu.memory_space<vmem>>, vector<16xf32>,
        tpu.vector_store %arg12[%swap3A_945, %swap3A_946], %gather3A_942 {strides = array<i32>} : memref<400x16xf32, #tpu.memory_space<vmem>>, vector<16xf32>,
        %scan3A_948 = arith.constant 6 : i32
        %scan3A_949 = arith.addi %scan3A_897, %scan3A_948 : i32
        %broadcast_in_dim3A_950 = vector.broadcast %scan3A_949 : i32 to vector<16xi32>
        %gather3A_951 = tpu.vector_load_idx %arg7[%iota3A, %broadcast_in_dim3A_950, %broadcast_in_dim3A_260] : memref<16x200x16xf32, #tpu.memory_space<vmem>>[vector<16xi32>, vector<16xi32>, vector<16xi32>], vector<16xf32>,
        %add3A_952 = arith.constant 200 : i32
        %add3A_953 = arith.addi %add3A_952, %scan3A_949 : i32
        %swap3A_954 = arith.index_cast %add3A_953 : i32 to index
        %swap3A_955 = arith.constant 0 : index
        %swap3A_956 = tpu.vector_load %arg12[%swap3A_954, %swap3A_955] {strides = array<i32>} : memref<400x16xf32, #tpu.memory_space<vmem>>, vector<16xf32>,
        tpu.vector_store %arg12[%swap3A_954, %swap3A_955], %gather3A_951 {strides = array<i32>} : memref<400x16xf32, #tpu.memory_space<vmem>>, vector<16xf32>,
        %scan3A_957 = arith.constant 7 : i32
        %scan3A_958 = arith.addi %scan3A_897, %scan3A_957 : i32
        %broadcast_in_dim3A_959 = vector.broadcast %scan3A_958 : i32 to vector<16xi32>
        %gather3A_960 = tpu.vector_load_idx %arg7[%iota3A, %broadcast_in_dim3A_959, %broadcast_in_dim3A_260] : memref<16x200x16xf32, #tpu.memory_space<vmem>>[vector<16xi32>, vector<16xi32>, vector<16xi32>], vector<16xf32>,
        %add3A_961 = arith.constant 200 : i32
        %add3A_962 = arith.addi %add3A_961, %scan3A_958 : i32
        %swap3A_963 = arith.index_cast %add3A_962 : i32 to index
        %swap3A_964 = arith.constant 0 : index
        %swap3A_965 = tpu.vector_load %arg12[%swap3A_963, %swap3A_964] {strides = array<i32>} : memref<400x16xf32, #tpu.memory_space<vmem>>, vector<16xf32>,
        tpu.vector_store %arg12[%swap3A_963, %swap3A_964], %gather3A_960 {strides = array<i32>} : memref<400x16xf32, #tpu.memory_space<vmem>>, vector<16xf32>,
      }
      %scan3A_266 = arith.constant 200 : i32
      %dma_wait3A_267 = arith.constant 0 : i32
      %dma_wait3A_268 = arith.constant 0 : i32
      %dma_wait3A_269 = arith.constant 0 : i32
      %dma_wait3A_270 = tpu.memref_slice %arg10[%dma_wait3A_267, %dma_wait3A_268, %dma_wait3A_269] : memref<2x400x32xf32, #tpu.memory_space<vmem>> -> memref<1x400x32xf32, #tpu.memory_space<vmem>>
      %dma_wait3A_271 = tpu.memref_squeeze %dma_wait3A_270 : memref<1x400x32xf32, #tpu.memory_space<vmem>> -> memref<400x32xf32, #tpu.memory_space<vmem>>
      %dma_wait3A_272 = arith.constant 800 : i32
      %dma_wait3A_273 = tpu.memref_slice %arg8[%dma_wait3A_272] : memref<3200xi32, #tpu.memory_space<vmem>> -> memref<400xi32, #tpu.memory_space<vmem>>
      %dma_wait3A_274 = arith.constant 0 : i32
      %dma_wait3A_275 = arith.constant 0 : i32
      %dma_wait3A_276 = tpu.memref_slice %arg3[%dma_wait3A_274, %dma_wait3A_275] : memref<1000001x32xf32, #tpu.memory_space<hbm>> -> memref<1000001x32xf32, #tpu.memory_space<hbm>>
      tpu.wait_indirect_dma semaphore(%arg13 : memref<!tpu.dma_semaphore, #tpu.memory_space<semaphore_mem>>) src(%dma_wait3A_276 : memref<1000001x32xf32, #tpu.memory_space<hbm>>) dst(%dma_wait3A_271 : memref<400x32xf32, #tpu.memory_space<vmem>>)
      %dma_wait3A_277 = arith.constant 0 : i32
      %dma_wait3A_278 = arith.constant 0 : i32
      %dma_wait3A_279 = arith.constant 0 : i32
      %dma_wait3A_280 = tpu.memref_slice %arg11[%dma_wait3A_277, %dma_wait3A_278, %dma_wait3A_279] : memref<2x400x32xf32, #tpu.memory_space<vmem>> -> memref<1x400x32xf32, #tpu.memory_space<vmem>>
      %dma_wait3A_281 = tpu.memref_squeeze %dma_wait3A_280 : memref<1x400x32xf32, #tpu.memory_space<vmem>> -> memref<400x32xf32, #tpu.memory_space<vmem>>
      %dma_wait3A_282 = arith.constant 800 : i32
      %dma_wait3A_283 = tpu.memref_slice %arg9[%dma_wait3A_282] : memref<3200xi32, #tpu.memory_space<vmem>> -> memref<400xi32, #tpu.memory_space<vmem>>
      %dma_wait3A_284 = arith.constant 0 : i32
      %dma_wait3A_285 = arith.constant 0 : i32
      %dma_wait3A_286 = tpu.memref_slice %arg4[%dma_wait3A_284, %dma_wait3A_285] : memref<100001x32xf32, #tpu.memory_space<hbm>> -> memref<100001x32xf32, #tpu.memory_space<hbm>>
      tpu.wait_indirect_dma semaphore(%arg15 : memref<!tpu.dma_semaphore, #tpu.memory_space<semaphore_mem>>) src(%dma_wait3A_286 : memref<100001x32xf32, #tpu.memory_space<hbm>>) dst(%dma_wait3A_281 : memref<400x32xf32, #tpu.memory_space<vmem>>)
      %add3A_287 = arith.constant 800 : i32
      %add3A_288 = arith.addi %mul3A_13, %add3A_287 : i32
      %dma_start3A_289 = arith.constant 0 : i32
      %dma_start3A_290 = arith.constant 0 : i32
      %dma_start3A_291 = arith.constant 0 : i32
      %dma_start3A_292 = tpu.memref_slice %arg10[%dma_start3A_289, %dma_start3A_290, %dma_start3A_291] : memref<2x400x32xf32, #tpu.memory_space<vmem>> -> memref<1x400x32xf32, #tpu.memory_space<vmem>>
      %dma_start3A_293 = tpu.memref_squeeze %dma_start3A_292 : memref<1x400x32xf32, #tpu.memory_space<vmem>> -> memref<400x32xf32, #tpu.memory_space<vmem>>
      %dma_start3A_294 = arith.constant 0 : i32
      %dma_start3A_295 = tpu.memref_slice %arg5[%add3A_288, %dma_start3A_294] : memref<819200x80xf32, #tpu.memory_space<hbm>> -> memref<400x32xf32, #tpu.memory_space<hbm>>
      %dma_start3A_296 = arith.constant 0 : i32
      %dma_start3A_297 = tpu.memref_slice %arg5[%add3A_288, %dma_start3A_296] : memref<819200x80xf32, #tpu.memory_space<hbm>> -> memref<400x32xf32, #tpu.memory_space<hbm>>
      %dma_start3A_298 = arith.constant 0 : i32
      %dma_start3A_299 = arith.constant 0 : i32
      %dma_start3A_300 = tpu.memref_slice %arg10[%dma_start3A_289, %dma_start3A_298, %dma_start3A_299] : memref<2x400x32xf32, #tpu.memory_space<vmem>> -> memref<1x400x32xf32, #tpu.memory_space<vmem>>
      %dma_start3A_301 = tpu.memref_squeeze %dma_start3A_300 : memref<1x400x32xf32, #tpu.memory_space<vmem>> -> memref<400x32xf32, #tpu.memory_space<vmem>>
      tpu.enqueue_dma source(%dma_start3A_301 : memref<400x32xf32, #tpu.memory_space<vmem>>) target(%dma_start3A_297 : memref<400x32xf32, #tpu.memory_space<hbm>>) target_semaphore(%arg17 : memref<!tpu.dma_semaphore, #tpu.memory_space<semaphore_mem>>)
      %dma_start3A_302 = arith.constant 0 : i32
      %dma_start3A_303 = arith.constant 0 : i32
      %dma_start3A_304 = arith.constant 0 : i32
      %dma_start3A_305 = tpu.memref_slice %arg11[%dma_start3A_302, %dma_start3A_303, %dma_start3A_304] : memref<2x400x32xf32, #tpu.memory_space<vmem>> -> memref<1x400x32xf32, #tpu.memory_space<vmem>>
      %dma_start3A_306 = tpu.memref_squeeze %dma_start3A_305 : memref<1x400x32xf32, #tpu.memory_space<vmem>> -> memref<400x32xf32, #tpu.memory_space<vmem>>
      %dma_start3A_307 = arith.constant 32 : i32
      %dma_start3A_308 = tpu.memref_slice %arg5[%add3A_288, %dma_start3A_307] : memref<819200x80xf32, #tpu.memory_space<hbm>> -> memref<400x32xf32, #tpu.memory_space<hbm>>
      %dma_start3A_309 = arith.constant 32 : i32
      %dma_start3A_310 = tpu.memref_slice %arg5[%add3A_288, %dma_start3A_309] : memref<819200x80xf32, #tpu.memory_space<hbm>> -> memref<400x32xf32, #tpu.memory_space<hbm>>
      %dma_start3A_311 = arith.constant 0 : i32
      %dma_start3A_312 = arith.constant 0 : i32
      %dma_start3A_313 = tpu.memref_slice %arg11[%dma_start3A_302, %dma_start3A_311, %dma_start3A_312] : memref<2x400x32xf32, #tpu.memory_space<vmem>> -> memref<1x400x32xf32, #tpu.memory_space<vmem>>
      %dma_start3A_314 = tpu.memref_squeeze %dma_start3A_313 : memref<1x400x32xf32, #tpu.memory_space<vmem>> -> memref<400x32xf32, #tpu.memory_space<vmem>>
      tpu.enqueue_dma source(%dma_start3A_314 : memref<400x32xf32, #tpu.memory_space<vmem>>) target(%dma_start3A_310 : memref<400x32xf32, #tpu.memory_space<hbm>>) target_semaphore(%arg17 : memref<!tpu.dma_semaphore, #tpu.memory_space<semaphore_mem>>)
      "tpu.region"() ({
        %run_scoped3A = tpu.sem_alloc : memref<!tpu.dma_semaphore, #tpu.memory_space<semaphore_mem>>
        %dma_start3A_897 = arith.constant 64 : i32
        %dma_start3A_898 = tpu.memref_slice %arg5[%add3A_288, %dma_start3A_897] : memref<819200x80xf32, #tpu.memory_space<hbm>> -> memref<400x16xf32, #tpu.memory_space<hbm>>
        %dma_start3A_899 = arith.constant 64 : i32
        %dma_start3A_900 = tpu.memref_slice %arg5[%add3A_288, %dma_start3A_899] : memref<819200x80xf32, #tpu.memory_space<hbm>> -> memref<400x16xf32, #tpu.memory_space<hbm>>
        tpu.enqueue_dma source(%arg12 : memref<400x16xf32, #tpu.memory_space<vmem>>) target(%dma_start3A_900 : memref<400x16xf32, #tpu.memory_space<hbm>>) target_semaphore(%run_scoped3A : memref<!tpu.dma_semaphore, #tpu.memory_space<semaphore_mem>>)
        %dma_wait3A_901 = arith.constant 64 : i32
        %dma_wait3A_902 = tpu.memref_slice %arg5[%add3A_288, %dma_wait3A_901] : memref<819200x80xf32, #tpu.memory_space<hbm>> -> memref<400x16xf32, #tpu.memory_space<hbm>>
        %dma_wait3A_903 = arith.constant 64 : i32
        %dma_wait3A_904 = tpu.memref_slice %arg5[%add3A_288, %dma_wait3A_903] : memref<819200x80xf32, #tpu.memory_space<hbm>> -> memref<400x16xf32, #tpu.memory_space<hbm>>
        tpu.wait_dma2 semaphore(%run_scoped3A : memref<!tpu.dma_semaphore, #tpu.memory_space<semaphore_mem>>) src(%arg12 : memref<400x16xf32, #tpu.memory_space<vmem>>) dst(%dma_wait3A_904 : memref<400x16xf32, #tpu.memory_space<hbm>>)
        tpu.yield
      }) : () -> ()
      %dma_wait3A_315 = arith.constant 1 : i32
      %dma_wait3A_316 = arith.constant 0 : i32
      %dma_wait3A_317 = arith.constant 0 : i32
      %dma_wait3A_318 = tpu.memref_slice %arg10[%dma_wait3A_315, %dma_wait3A_316, %dma_wait3A_317] : memref<2x400x32xf32, #tpu.memory_space<vmem>> -> memref<1x400x32xf32, #tpu.memory_space<vmem>>
      %dma_wait3A_319 = tpu.memref_squeeze %dma_wait3A_318 : memref<1x400x32xf32, #tpu.memory_space<vmem>> -> memref<400x32xf32, #tpu.memory_space<vmem>>
      %dma_wait3A_320 = arith.constant 0 : i32
      %dma_wait3A_321 = tpu.memref_slice %arg5[%add3A_178, %dma_wait3A_320] : memref<819200x80xf32, #tpu.memory_space<hbm>> -> memref<400x32xf32, #tpu.memory_space<hbm>>
      %dma_wait3A_322 = arith.constant 0 : i32
      %dma_wait3A_323 = tpu.memref_slice %arg5[%add3A_178, %dma_wait3A_322] : memref<819200x80xf32, #tpu.memory_space<hbm>> -> memref<400x32xf32, #tpu.memory_space<hbm>>
      %dma_wait3A_324 = arith.constant 0 : i32
      %dma_wait3A_325 = arith.constant 0 : i32
      %dma_wait3A_326 = tpu.memref_slice %arg10[%dma_wait3A_315, %dma_wait3A_324, %dma_wait3A_325] : memref<2x400x32xf32, #tpu.memory_space<vmem>> -> memref<1x400x32xf32, #tpu.memory_space<vmem>>
      %dma_wait3A_327 = tpu.memref_squeeze %dma_wait3A_326 : memref<1x400x32xf32, #tpu.memory_space<vmem>> -> memref<400x32xf32, #tpu.memory_space<vmem>>
      tpu.wait_dma2 semaphore(%arg18 : memref<!tpu.dma_semaphore, #tpu.memory_space<semaphore_mem>>) src(%dma_wait3A_327 : memref<400x32xf32, #tpu.memory_space<vmem>>) dst(%dma_wait3A_323 : memref<400x32xf32, #tpu.memory_space<hbm>>)
      %dma_wait3A_328 = arith.constant 1 : i32
      %dma_wait3A_329 = arith.constant 0 : i32
      %dma_wait3A_330 = arith.constant 0 : i32
      %dma_wait3A_331 = tpu.memref_slice %arg11[%dma_wait3A_328, %dma_wait3A_329, %dma_wait3A_330] : memref<2x400x32xf32, #tpu.memory_space<vmem>> -> memref<1x400x32xf32, #tpu.memory_space<vmem>>
      %dma_wait3A_332 = tpu.memref_squeeze %dma_wait3A_331 : memref<1x400x32xf32, #tpu.memory_space<vmem>> -> memref<400x32xf32, #tpu.memory_space<vmem>>
      %dma_wait3A_333 = arith.constant 32 : i32
      %dma_wait3A_334 = tpu.memref_slice %arg5[%add3A_178, %dma_wait3A_333] : memref<819200x80xf32, #tpu.memory_space<hbm>> -> memref<400x32xf32, #tpu.memory_space<hbm>>
      %dma_wait3A_335 = arith.constant 32 : i32
      %dma_wait3A_336 = tpu.memref_slice %arg5[%add3A_178, %dma_wait3A_335] : memref<819200x80xf32, #tpu.memory_space<hbm>> -> memref<400x32xf32, #tpu.memory_space<hbm>>
      %dma_wait3A_337 = arith.constant 0 : i32
      %dma_wait3A_338 = arith.constant 0 : i32
      %dma_wait3A_339 = tpu.memref_slice %arg11[%dma_wait3A_328, %dma_wait3A_337, %dma_wait3A_338] : memref<2x400x32xf32, #tpu.memory_space<vmem>> -> memref<1x400x32xf32, #tpu.memory_space<vmem>>
      %dma_wait3A_340 = tpu.memref_squeeze %dma_wait3A_339 : memref<1x400x32xf32, #tpu.memory_space<vmem>> -> memref<400x32xf32, #tpu.memory_space<vmem>>
      tpu.wait_dma2 semaphore(%arg18 : memref<!tpu.dma_semaphore, #tpu.memory_space<semaphore_mem>>) src(%dma_wait3A_340 : memref<400x32xf32, #tpu.memory_space<vmem>>) dst(%dma_wait3A_336 : memref<400x32xf32, #tpu.memory_space<hbm>>)
      %dma_start3A_341 = arith.constant 0 : i32
      %dma_start3A_342 = arith.constant 0 : i32
      %dma_start3A_343 = arith.constant 0 : i32
      %dma_start3A_344 = tpu.memref_slice %arg10[%dma_start3A_341, %dma_start3A_342, %dma_start3A_343] : memref<2x400x32xf32, #tpu.memory_space<vmem>> -> memref<1x400x32xf32, #tpu.memory_space<vmem>>
      %dma_start3A_345 = tpu.memref_squeeze %dma_start3A_344 : memref<1x400x32xf32, #tpu.memory_space<vmem>> -> memref<400x32xf32, #tpu.memory_space<vmem>>
      %dma_start3A_346 = arith.constant 1600 : i32
      %dma_start3A_347 = tpu.memref_slice %arg8[%dma_start3A_346] : memref<3200xi32, #tpu.memory_space<vmem>> -> memref<400xi32, #tpu.memory_space<vmem>>
      %dma_start3A_348 = arith.constant 0 : i32
      %dma_start3A_349 = arith.constant 0 : i32
      %dma_start3A_350 = tpu.memref_slice %arg3[%dma_start3A_348, %dma_start3A_349] : memref<1000001x32xf32, #tpu.memory_space<hbm>> -> memref<1000001x32xf32, #tpu.memory_space<hbm>>
      tpu.enqueue_indirect_dma source(%dma_start3A_350 : memref<1000001x32xf32, #tpu.memory_space<hbm>>) target(%dma_start3A_345 : memref<400x32xf32, #tpu.memory_space<vmem>>) offsets(%dma_start3A_347 : memref<400xi32, #tpu.memory_space<vmem>>) semaphore(%arg13 : memref<!tpu.dma_semaphore, #tpu.memory_space<semaphore_mem>>)
      %dma_start3A_351 = arith.constant 0 : i32
      %dma_start3A_352 = arith.constant 0 : i32
      %dma_start3A_353 = arith.constant 0 : i32
      %dma_start3A_354 = tpu.memref_slice %arg11[%dma_start3A_351, %dma_start3A_352, %dma_start3A_353] : memref<2x400x32xf32, #tpu.memory_space<vmem>> -> memref<1x400x32xf32, #tpu.memory_space<vmem>>
      %dma_start3A_355 = tpu.memref_squeeze %dma_start3A_354 : memref<1x400x32xf32, #tpu.memory_space<vmem>> -> memref<400x32xf32, #tpu.memory_space<vmem>>
      %dma_start3A_356 = arith.constant 1600 : i32
      %dma_start3A_357 = tpu.memref_slice %arg9[%dma_start3A_356] : memref<3200xi32, #tpu.memory_space<vmem>> -> memref<400xi32, #tpu.memory_space<vmem>>
      %dma_start3A_358 = arith.constant 0 : i32
      %dma_start3A_359 = arith.constant 0 : i32
      %dma_start3A_360 = tpu.memref_slice %arg4[%dma_start3A_358, %dma_start3A_359] : memref<100001x32xf32, #tpu.memory_space<hbm>> -> memref<100001x32xf32, #tpu.memory_space<hbm>>
      tpu.enqueue_indirect_dma source(%dma_start3A_360 : memref<100001x32xf32, #tpu.memory_space<hbm>>) target(%dma_start3A_355 : memref<400x32xf32, #tpu.memory_space<vmem>>) offsets(%dma_start3A_357 : memref<400xi32, #tpu.memory_space<vmem>>) semaphore(%arg15 : memref<!tpu.dma_semaphore, #tpu.memory_space<semaphore_mem>>)
      %broadcast_in_dim3A_361 = arith.constant 6 : i32
      %broadcast_in_dim3A_362 = vector.broadcast %broadcast_in_dim3A_361 : i32 to vector<16xi32>
      %scan3A_363 = arith.constant 0 : i32
      %scan3A_364 = arith.constant 0 : i32
      %scan3A_365 = arith.constant 200 : i32
      %scan3A_366 = arith.addi %scan3A_364, %scan3A_365 : i32
      %scan3A_367 = arith.constant 8 : i32
      scf.for %scan3A_897 = %scan3A_364 to %scan3A_366 step %scan3A_367  : i32 {
        %broadcast_in_dim3A_898 = vector.broadcast %scan3A_897 : i32 to vector<16xi32>
        %gather3A = tpu.vector_load_idx %arg7[%iota3A, %broadcast_in_dim3A_898, %broadcast_in_dim3A_362] : memref<16x200x16xf32, #tpu.memory_space<vmem>>[vector<16xi32>, vector<16xi32>, vector<16xi32>], vector<16xf32>,
        %add3A_899 = arith.constant 0 : i32
        %add3A_900 = arith.addi %add3A_899, %scan3A_897 : i32
        %swap3A = arith.index_cast %add3A_900 : i32 to index
        %swap3A_901 = arith.constant 0 : index
        %swap3A_902 = tpu.vector_load %arg12[%swap3A, %swap3A_901] {strides = array<i32>} : memref<400x16xf32, #tpu.memory_space<vmem>>, vector<16xf32>,
        tpu.vector_store %arg12[%swap3A, %swap3A_901], %gather3A {strides = array<i32>} : memref<400x16xf32, #tpu.memory_space<vmem>>, vector<16xf32>,
        %scan3A_903 = arith.constant 1 : i32
        %scan3A_904 = arith.addi %scan3A_897, %scan3A_903 : i32
        %broadcast_in_dim3A_905 = vector.broadcast %scan3A_904 : i32 to vector<16xi32>
        %gather3A_906 = tpu.vector_load_idx %arg7[%iota3A, %broadcast_in_dim3A_905, %broadcast_in_dim3A_362] : memref<16x200x16xf32, #tpu.memory_space<vmem>>[vector<16xi32>, vector<16xi32>, vector<16xi32>], vector<16xf32>,
        %add3A_907 = arith.constant 0 : i32
        %add3A_908 = arith.addi %add3A_907, %scan3A_904 : i32
        %swap3A_909 = arith.index_cast %add3A_908 : i32 to index
        %swap3A_910 = arith.constant 0 : index
        %swap3A_911 = tpu.vector_load %arg12[%swap3A_909, %swap3A_910] {strides = array<i32>} : memref<400x16xf32, #tpu.memory_space<vmem>>, vector<16xf32>,
        tpu.vector_store %arg12[%swap3A_909, %swap3A_910], %gather3A_906 {strides = array<i32>} : memref<400x16xf32, #tpu.memory_space<vmem>>, vector<16xf32>,
        %scan3A_912 = arith.constant 2 : i32
        %scan3A_913 = arith.addi %scan3A_897, %scan3A_912 : i32
        %broadcast_in_dim3A_914 = vector.broadcast %scan3A_913 : i32 to vector<16xi32>
        %gather3A_915 = tpu.vector_load_idx %arg7[%iota3A, %broadcast_in_dim3A_914, %broadcast_in_dim3A_362] : memref<16x200x16xf32, #tpu.memory_space<vmem>>[vector<16xi32>, vector<16xi32>, vector<16xi32>], vector<16xf32>,
        %add3A_916 = arith.constant 0 : i32
        %add3A_917 = arith.addi %add3A_916, %scan3A_913 : i32
        %swap3A_918 = arith.index_cast %add3A_917 : i32 to index
        %swap3A_919 = arith.constant 0 : index
        %swap3A_920 = tpu.vector_load %arg12[%swap3A_918, %swap3A_919] {strides = array<i32>} : memref<400x16xf32, #tpu.memory_space<vmem>>, vector<16xf32>,
        tpu.vector_store %arg12[%swap3A_918, %swap3A_919], %gather3A_915 {strides = array<i32>} : memref<400x16xf32, #tpu.memory_space<vmem>>, vector<16xf32>,
        %scan3A_921 = arith.constant 3 : i32
        %scan3A_922 = arith.addi %scan3A_897, %scan3A_921 : i32
        %broadcast_in_dim3A_923 = vector.broadcast %scan3A_922 : i32 to vector<16xi32>
        %gather3A_924 = tpu.vector_load_idx %arg7[%iota3A, %broadcast_in_dim3A_923, %broadcast_in_dim3A_362] : memref<16x200x16xf32, #tpu.memory_space<vmem>>[vector<16xi32>, vector<16xi32>, vector<16xi32>], vector<16xf32>,
        %add3A_925 = arith.constant 0 : i32
        %add3A_926 = arith.addi %add3A_925, %scan3A_922 : i32
        %swap3A_927 = arith.index_cast %add3A_926 : i32 to index
        %swap3A_928 = arith.constant 0 : index
        %swap3A_929 = tpu.vector_load %arg12[%swap3A_927, %swap3A_928] {strides = array<i32>} : memref<400x16xf32, #tpu.memory_space<vmem>>, vector<16xf32>,
        tpu.vector_store %arg12[%swap3A_927, %swap3A_928], %gather3A_924 {strides = array<i32>} : memref<400x16xf32, #tpu.memory_space<vmem>>, vector<16xf32>,
        %scan3A_930 = arith.constant 4 : i32
        %scan3A_931 = arith.addi %scan3A_897, %scan3A_930 : i32
        %broadcast_in_dim3A_932 = vector.broadcast %scan3A_931 : i32 to vector<16xi32>
        %gather3A_933 = tpu.vector_load_idx %arg7[%iota3A, %broadcast_in_dim3A_932, %broadcast_in_dim3A_362] : memref<16x200x16xf32, #tpu.memory_space<vmem>>[vector<16xi32>, vector<16xi32>, vector<16xi32>], vector<16xf32>,
        %add3A_934 = arith.constant 0 : i32
        %add3A_935 = arith.addi %add3A_934, %scan3A_931 : i32
        %swap3A_936 = arith.index_cast %add3A_935 : i32 to index
        %swap3A_937 = arith.constant 0 : index
        %swap3A_938 = tpu.vector_load %arg12[%swap3A_936, %swap3A_937] {strides = array<i32>} : memref<400x16xf32, #tpu.memory_space<vmem>>, vector<16xf32>,
        tpu.vector_store %arg12[%swap3A_936, %swap3A_937], %gather3A_933 {strides = array<i32>} : memref<400x16xf32, #tpu.memory_space<vmem>>, vector<16xf32>,
        %scan3A_939 = arith.constant 5 : i32
        %scan3A_940 = arith.addi %scan3A_897, %scan3A_939 : i32
        %broadcast_in_dim3A_941 = vector.broadcast %scan3A_940 : i32 to vector<16xi32>
        %gather3A_942 = tpu.vector_load_idx %arg7[%iota3A, %broadcast_in_dim3A_941, %broadcast_in_dim3A_362] : memref<16x200x16xf32, #tpu.memory_space<vmem>>[vector<16xi32>, vector<16xi32>, vector<16xi32>], vector<16xf32>,
        %add3A_943 = arith.constant 0 : i32
        %add3A_944 = arith.addi %add3A_943, %scan3A_940 : i32
        %swap3A_945 = arith.index_cast %add3A_944 : i32 to index
        %swap3A_946 = arith.constant 0 : index
        %swap3A_947 = tpu.vector_load %arg12[%swap3A_945, %swap3A_946] {strides = array<i32>} : memref<400x16xf32, #tpu.memory_space<vmem>>, vector<16xf32>,
        tpu.vector_store %arg12[%swap3A_945, %swap3A_946], %gather3A_942 {strides = array<i32>} : memref<400x16xf32, #tpu.memory_space<vmem>>, vector<16xf32>,
        %scan3A_948 = arith.constant 6 : i32
        %scan3A_949 = arith.addi %scan3A_897, %scan3A_948 : i32
        %broadcast_in_dim3A_950 = vector.broadcast %scan3A_949 : i32 to vector<16xi32>
        %gather3A_951 = tpu.vector_load_idx %arg7[%iota3A, %broadcast_in_dim3A_950, %broadcast_in_dim3A_362] : memref<16x200x16xf32, #tpu.memory_space<vmem>>[vector<16xi32>, vector<16xi32>, vector<16xi32>], vector<16xf32>,
        %add3A_952 = arith.constant 0 : i32
        %add3A_953 = arith.addi %add3A_952, %scan3A_949 : i32
        %swap3A_954 = arith.index_cast %add3A_953 : i32 to index
        %swap3A_955 = arith.constant 0 : index
        %swap3A_956 = tpu.vector_load %arg12[%swap3A_954, %swap3A_955] {strides = array<i32>} : memref<400x16xf32, #tpu.memory_space<vmem>>, vector<16xf32>,
        tpu.vector_store %arg12[%swap3A_954, %swap3A_955], %gather3A_951 {strides = array<i32>} : memref<400x16xf32, #tpu.memory_space<vmem>>, vector<16xf32>,
        %scan3A_957 = arith.constant 7 : i32
        %scan3A_958 = arith.addi %scan3A_897, %scan3A_957 : i32
        %broadcast_in_dim3A_959 = vector.broadcast %scan3A_958 : i32 to vector<16xi32>
        %gather3A_960 = tpu.vector_load_idx %arg7[%iota3A, %broadcast_in_dim3A_959, %broadcast_in_dim3A_362] : memref<16x200x16xf32, #tpu.memory_space<vmem>>[vector<16xi32>, vector<16xi32>, vector<16xi32>], vector<16xf32>,
        %add3A_961 = arith.constant 0 : i32
        %add3A_962 = arith.addi %add3A_961, %scan3A_958 : i32
        %swap3A_963 = arith.index_cast %add3A_962 : i32 to index
        %swap3A_964 = arith.constant 0 : index
        %swap3A_965 = tpu.vector_load %arg12[%swap3A_963, %swap3A_964] {strides = array<i32>} : memref<400x16xf32, #tpu.memory_space<vmem>>, vector<16xf32>,
        tpu.vector_store %arg12[%swap3A_963, %swap3A_964], %gather3A_960 {strides = array<i32>} : memref<400x16xf32, #tpu.memory_space<vmem>>, vector<16xf32>,
      }
      %scan3A_368 = arith.constant 200 : i32
      %broadcast_in_dim3A_369 = arith.constant 7 : i32
      %broadcast_in_dim3A_370 = vector.broadcast %broadcast_in_dim3A_369 : i32 to vector<16xi32>
      %scan3A_371 = arith.constant 0 : i32
      %scan3A_372 = arith.constant 0 : i32
      %scan3A_373 = arith.constant 200 : i32
      %scan3A_374 = arith.addi %scan3A_372, %scan3A_373 : i32
      %scan3A_375 = arith.constant 8 : i32
      scf.for %scan3A_897 = %scan3A_372 to %scan3A_374 step %scan3A_375  : i32 {
        %broadcast_in_dim3A_898 = vector.broadcast %scan3A_897 : i32 to vector<16xi32>
        %gather3A = tpu.vector_load_idx %arg7[%iota3A, %broadcast_in_dim3A_898, %broadcast_in_dim3A_370] : memref<16x200x16xf32, #tpu.memory_space<vmem>>[vector<16xi32>, vector<16xi32>, vector<16xi32>], vector<16xf32>,
        %add3A_899 = arith.constant 200 : i32
        %add3A_900 = arith.addi %add3A_899, %scan3A_897 : i32
        %swap3A = arith.index_cast %add3A_900 : i32 to index
        %swap3A_901 = arith.constant 0 : index
        %swap3A_902 = tpu.vector_load %arg12[%swap3A, %swap3A_901] {strides = array<i32>} : memref<400x16xf32, #tpu.memory_space<vmem>>, vector<16xf32>,
        tpu.vector_store %arg12[%swap3A, %swap3A_901], %gather3A {strides = array<i32>} : memref<400x16xf32, #tpu.memory_space<vmem>>, vector<16xf32>,
        %scan3A_903 = arith.constant 1 : i32
        %scan3A_904 = arith.addi %scan3A_897, %scan3A_903 : i32
        %broadcast_in_dim3A_905 = vector.broadcast %scan3A_904 : i32 to vector<16xi32>
        %gather3A_906 = tpu.vector_load_idx %arg7[%iota3A, %broadcast_in_dim3A_905, %broadcast_in_dim3A_370] : memref<16x200x16xf32, #tpu.memory_space<vmem>>[vector<16xi32>, vector<16xi32>, vector<16xi32>], vector<16xf32>,
        %add3A_907 = arith.constant 200 : i32
        %add3A_908 = arith.addi %add3A_907, %scan3A_904 : i32
        %swap3A_909 = arith.index_cast %add3A_908 : i32 to index
        %swap3A_910 = arith.constant 0 : index
        %swap3A_911 = tpu.vector_load %arg12[%swap3A_909, %swap3A_910] {strides = array<i32>} : memref<400x16xf32, #tpu.memory_space<vmem>>, vector<16xf32>,
        tpu.vector_store %arg12[%swap3A_909, %swap3A_910], %gather3A_906 {strides = array<i32>} : memref<400x16xf32, #tpu.memory_space<vmem>>, vector<16xf32>,
        %scan3A_912 = arith.constant 2 : i32
        %scan3A_913 = arith.addi %scan3A_897, %scan3A_912 : i32
        %broadcast_in_dim3A_914 = vector.broadcast %scan3A_913 : i32 to vector<16xi32>
        %gather3A_915 = tpu.vector_load_idx %arg7[%iota3A, %broadcast_in_dim3A_914, %broadcast_in_dim3A_370] : memref<16x200x16xf32, #tpu.memory_space<vmem>>[vector<16xi32>, vector<16xi32>, vector<16xi32>], vector<16xf32>,
        %add3A_916 = arith.constant 200 : i32
        %add3A_917 = arith.addi %add3A_916, %scan3A_913 : i32
        %swap3A_918 = arith.index_cast %add3A_917 : i32 to index
        %swap3A_919 = arith.constant 0 : index
        %swap3A_920 = tpu.vector_load %arg12[%swap3A_918, %swap3A_919] {strides = array<i32>} : memref<400x16xf32, #tpu.memory_space<vmem>>, vector<16xf32>,
        tpu.vector_store %arg12[%swap3A_918, %swap3A_919], %gather3A_915 {strides = array<i32>} : memref<400x16xf32, #tpu.memory_space<vmem>>, vector<16xf32>,
        %scan3A_921 = arith.constant 3 : i32
        %scan3A_922 = arith.addi %scan3A_897, %scan3A_921 : i32
        %broadcast_in_dim3A_923 = vector.broadcast %scan3A_922 : i32 to vector<16xi32>
        %gather3A_924 = tpu.vector_load_idx %arg7[%iota3A, %broadcast_in_dim3A_923, %broadcast_in_dim3A_370] : memref<16x200x16xf32, #tpu.memory_space<vmem>>[vector<16xi32>, vector<16xi32>, vector<16xi32>], vector<16xf32>,
        %add3A_925 = arith.constant 200 : i32
        %add3A_926 = arith.addi %add3A_925, %scan3A_922 : i32
        %swap3A_927 = arith.index_cast %add3A_926 : i32 to index
        %swap3A_928 = arith.constant 0 : index
        %swap3A_929 = tpu.vector_load %arg12[%swap3A_927, %swap3A_928] {strides = array<i32>} : memref<400x16xf32, #tpu.memory_space<vmem>>, vector<16xf32>,
        tpu.vector_store %arg12[%swap3A_927, %swap3A_928], %gather3A_924 {strides = array<i32>} : memref<400x16xf32, #tpu.memory_space<vmem>>, vector<16xf32>,
        %scan3A_930 = arith.constant 4 : i32
        %scan3A_931 = arith.addi %scan3A_897, %scan3A_930 : i32
        %broadcast_in_dim3A_932 = vector.broadcast %scan3A_931 : i32 to vector<16xi32>
        %gather3A_933 = tpu.vector_load_idx %arg7[%iota3A, %broadcast_in_dim3A_932, %broadcast_in_dim3A_370] : memref<16x200x16xf32, #tpu.memory_space<vmem>>[vector<16xi32>, vector<16xi32>, vector<16xi32>], vector<16xf32>,
        %add3A_934 = arith.constant 200 : i32
        %add3A_935 = arith.addi %add3A_934, %scan3A_931 : i32
        %swap3A_936 = arith.index_cast %add3A_935 : i32 to index
        %swap3A_937 = arith.constant 0 : index
        %swap3A_938 = tpu.vector_load %arg12[%swap3A_936, %swap3A_937] {strides = array<i32>} : memref<400x16xf32, #tpu.memory_space<vmem>>, vector<16xf32>,
        tpu.vector_store %arg12[%swap3A_936, %swap3A_937], %gather3A_933 {strides = array<i32>} : memref<400x16xf32, #tpu.memory_space<vmem>>, vector<16xf32>,
        %scan3A_939 = arith.constant 5 : i32
        %scan3A_940 = arith.addi %scan3A_897, %scan3A_939 : i32
        %broadcast_in_dim3A_941 = vector.broadcast %scan3A_940 : i32 to vector<16xi32>
        %gather3A_942 = tpu.vector_load_idx %arg7[%iota3A, %broadcast_in_dim3A_941, %broadcast_in_dim3A_370] : memref<16x200x16xf32, #tpu.memory_space<vmem>>[vector<16xi32>, vector<16xi32>, vector<16xi32>], vector<16xf32>,
        %add3A_943 = arith.constant 200 : i32
        %add3A_944 = arith.addi %add3A_943, %scan3A_940 : i32
        %swap3A_945 = arith.index_cast %add3A_944 : i32 to index
        %swap3A_946 = arith.constant 0 : index
        %swap3A_947 = tpu.vector_load %arg12[%swap3A_945, %swap3A_946] {strides = array<i32>} : memref<400x16xf32, #tpu.memory_space<vmem>>, vector<16xf32>,
        tpu.vector_store %arg12[%swap3A_945, %swap3A_946], %gather3A_942 {strides = array<i32>} : memref<400x16xf32, #tpu.memory_space<vmem>>, vector<16xf32>,
        %scan3A_948 = arith.constant 6 : i32
        %scan3A_949 = arith.addi %scan3A_897, %scan3A_948 : i32
        %broadcast_in_dim3A_950 = vector.broadcast %scan3A_949 : i32 to vector<16xi32>
        %gather3A_951 = tpu.vector_load_idx %arg7[%iota3A, %broadcast_in_dim3A_950, %broadcast_in_dim3A_370] : memref<16x200x16xf32, #tpu.memory_space<vmem>>[vector<16xi32>, vector<16xi32>, vector<16xi32>], vector<16xf32>,
        %add3A_952 = arith.constant 200 : i32
        %add3A_953 = arith.addi %add3A_952, %scan3A_949 : i32
        %swap3A_954 = arith.index_cast %add3A_953 : i32 to index
        %swap3A_955 = arith.constant 0 : index
        %swap3A_956 = tpu.vector_load %arg12[%swap3A_954, %swap3A_955] {strides = array<i32>} : memref<400x16xf32, #tpu.memory_space<vmem>>, vector<16xf32>,
        tpu.vector_store %arg12[%swap3A_954, %swap3A_955], %gather3A_951 {strides = array<i32>} : memref<400x16xf32, #tpu.memory_space<vmem>>, vector<16xf32>,
        %scan3A_957 = arith.constant 7 : i32
        %scan3A_958 = arith.addi %scan3A_897, %scan3A_957 : i32
        %broadcast_in_dim3A_959 = vector.broadcast %scan3A_958 : i32 to vector<16xi32>
        %gather3A_960 = tpu.vector_load_idx %arg7[%iota3A, %broadcast_in_dim3A_959, %broadcast_in_dim3A_370] : memref<16x200x16xf32, #tpu.memory_space<vmem>>[vector<16xi32>, vector<16xi32>, vector<16xi32>], vector<16xf32>,
        %add3A_961 = arith.constant 200 : i32
        %add3A_962 = arith.addi %add3A_961, %scan3A_958 : i32
        %swap3A_963 = arith.index_cast %add3A_962 : i32 to index
        %swap3A_964 = arith.constant 0 : index
        %swap3A_965 = tpu.vector_load %arg12[%swap3A_963, %swap3A_964] {strides = array<i32>} : memref<400x16xf32, #tpu.memory_space<vmem>>, vector<16xf32>,
        tpu.vector_store %arg12[%swap3A_963, %swap3A_964], %gather3A_960 {strides = array<i32>} : memref<400x16xf32, #tpu.memory_space<vmem>>, vector<16xf32>,
      }
      %scan3A_376 = arith.constant 200 : i32
      %dma_wait3A_377 = arith.constant 1 : i32
      %dma_wait3A_378 = arith.constant 0 : i32
      %dma_wait3A_379 = arith.constant 0 : i32
      %dma_wait3A_380 = tpu.memref_slice %arg10[%dma_wait3A_377, %dma_wait3A_378, %dma_wait3A_379] : memref<2x400x32xf32, #tpu.memory_space<vmem>> -> memref<1x400x32xf32, #tpu.memory_space<vmem>>
      %dma_wait3A_381 = tpu.memref_squeeze %dma_wait3A_380 : memref<1x400x32xf32, #tpu.memory_space<vmem>> -> memref<400x32xf32, #tpu.memory_space<vmem>>
      %dma_wait3A_382 = arith.constant 1200 : i32
      %dma_wait3A_383 = tpu.memref_slice %arg8[%dma_wait3A_382] : memref<3200xi32, #tpu.memory_space<vmem>> -> memref<400xi32, #tpu.memory_space<vmem>>
      %dma_wait3A_384 = arith.constant 0 : i32
      %dma_wait3A_385 = arith.constant 0 : i32
      %dma_wait3A_386 = tpu.memref_slice %arg3[%dma_wait3A_384, %dma_wait3A_385] : memref<1000001x32xf32, #tpu.memory_space<hbm>> -> memref<1000001x32xf32, #tpu.memory_space<hbm>>
      tpu.wait_indirect_dma semaphore(%arg14 : memref<!tpu.dma_semaphore, #tpu.memory_space<semaphore_mem>>) src(%dma_wait3A_386 : memref<1000001x32xf32, #tpu.memory_space<hbm>>) dst(%dma_wait3A_381 : memref<400x32xf32, #tpu.memory_space<vmem>>)
      %dma_wait3A_387 = arith.constant 1 : i32
      %dma_wait3A_388 = arith.constant 0 : i32
      %dma_wait3A_389 = arith.constant 0 : i32
      %dma_wait3A_390 = tpu.memref_slice %arg11[%dma_wait3A_387, %dma_wait3A_388, %dma_wait3A_389] : memref<2x400x32xf32, #tpu.memory_space<vmem>> -> memref<1x400x32xf32, #tpu.memory_space<vmem>>
      %dma_wait3A_391 = tpu.memref_squeeze %dma_wait3A_390 : memref<1x400x32xf32, #tpu.memory_space<vmem>> -> memref<400x32xf32, #tpu.memory_space<vmem>>
      %dma_wait3A_392 = arith.constant 1200 : i32
      %dma_wait3A_393 = tpu.memref_slice %arg9[%dma_wait3A_392] : memref<3200xi32, #tpu.memory_space<vmem>> -> memref<400xi32, #tpu.memory_space<vmem>>
      %dma_wait3A_394 = arith.constant 0 : i32
      %dma_wait3A_395 = arith.constant 0 : i32
      %dma_wait3A_396 = tpu.memref_slice %arg4[%dma_wait3A_394, %dma_wait3A_395] : memref<100001x32xf32, #tpu.memory_space<hbm>> -> memref<100001x32xf32, #tpu.memory_space<hbm>>
      tpu.wait_indirect_dma semaphore(%arg16 : memref<!tpu.dma_semaphore, #tpu.memory_space<semaphore_mem>>) src(%dma_wait3A_396 : memref<100001x32xf32, #tpu.memory_space<hbm>>) dst(%dma_wait3A_391 : memref<400x32xf32, #tpu.memory_space<vmem>>)
      %add3A_397 = arith.constant 1200 : i32
      %add3A_398 = arith.addi %mul3A_13, %add3A_397 : i32
      %dma_start3A_399 = arith.constant 1 : i32
      %dma_start3A_400 = arith.constant 0 : i32
      %dma_start3A_401 = arith.constant 0 : i32
      %dma_start3A_402 = tpu.memref_slice %arg10[%dma_start3A_399, %dma_start3A_400, %dma_start3A_401] : memref<2x400x32xf32, #tpu.memory_space<vmem>> -> memref<1x400x32xf32, #tpu.memory_space<vmem>>
      %dma_start3A_403 = tpu.memref_squeeze %dma_start3A_402 : memref<1x400x32xf32, #tpu.memory_space<vmem>> -> memref<400x32xf32, #tpu.memory_space<vmem>>
      %dma_start3A_404 = arith.constant 0 : i32
      %dma_start3A_405 = tpu.memref_slice %arg5[%add3A_398, %dma_start3A_404] : memref<819200x80xf32, #tpu.memory_space<hbm>> -> memref<400x32xf32, #tpu.memory_space<hbm>>
      %dma_start3A_406 = arith.constant 0 : i32
      %dma_start3A_407 = tpu.memref_slice %arg5[%add3A_398, %dma_start3A_406] : memref<819200x80xf32, #tpu.memory_space<hbm>> -> memref<400x32xf32, #tpu.memory_space<hbm>>
      %dma_start3A_408 = arith.constant 0 : i32
      %dma_start3A_409 = arith.constant 0 : i32
      %dma_start3A_410 = tpu.memref_slice %arg10[%dma_start3A_399, %dma_start3A_408, %dma_start3A_409] : memref<2x400x32xf32, #tpu.memory_space<vmem>> -> memref<1x400x32xf32, #tpu.memory_space<vmem>>
      %dma_start3A_411 = tpu.memref_squeeze %dma_start3A_410 : memref<1x400x32xf32, #tpu.memory_space<vmem>> -> memref<400x32xf32, #tpu.memory_space<vmem>>
      tpu.enqueue_dma source(%dma_start3A_411 : memref<400x32xf32, #tpu.memory_space<vmem>>) target(%dma_start3A_407 : memref<400x32xf32, #tpu.memory_space<hbm>>) target_semaphore(%arg18 : memref<!tpu.dma_semaphore, #tpu.memory_space<semaphore_mem>>)
      %dma_start3A_412 = arith.constant 1 : i32
      %dma_start3A_413 = arith.constant 0 : i32
      %dma_start3A_414 = arith.constant 0 : i32
      %dma_start3A_415 = tpu.memref_slice %arg11[%dma_start3A_412, %dma_start3A_413, %dma_start3A_414] : memref<2x400x32xf32, #tpu.memory_space<vmem>> -> memref<1x400x32xf32, #tpu.memory_space<vmem>>
      %dma_start3A_416 = tpu.memref_squeeze %dma_start3A_415 : memref<1x400x32xf32, #tpu.memory_space<vmem>> -> memref<400x32xf32, #tpu.memory_space<vmem>>
      %dma_start3A_417 = arith.constant 32 : i32
      %dma_start3A_418 = tpu.memref_slice %arg5[%add3A_398, %dma_start3A_417] : memref<819200x80xf32, #tpu.memory_space<hbm>> -> memref<400x32xf32, #tpu.memory_space<hbm>>
      %dma_start3A_419 = arith.constant 32 : i32
      %dma_start3A_420 = tpu.memref_slice %arg5[%add3A_398, %dma_start3A_419] : memref<819200x80xf32, #tpu.memory_space<hbm>> -> memref<400x32xf32, #tpu.memory_space<hbm>>
      %dma_start3A_421 = arith.constant 0 : i32
      %dma_start3A_422 = arith.constant 0 : i32
      %dma_start3A_423 = tpu.memref_slice %arg11[%dma_start3A_412, %dma_start3A_421, %dma_start3A_422] : memref<2x400x32xf32, #tpu.memory_space<vmem>> -> memref<1x400x32xf32, #tpu.memory_space<vmem>>
      %dma_start3A_424 = tpu.memref_squeeze %dma_start3A_423 : memref<1x400x32xf32, #tpu.memory_space<vmem>> -> memref<400x32xf32, #tpu.memory_space<vmem>>
      tpu.enqueue_dma source(%dma_start3A_424 : memref<400x32xf32, #tpu.memory_space<vmem>>) target(%dma_start3A_420 : memref<400x32xf32, #tpu.memory_space<hbm>>) target_semaphore(%arg18 : memref<!tpu.dma_semaphore, #tpu.memory_space<semaphore_mem>>)
      "tpu.region"() ({
        %run_scoped3A = tpu.sem_alloc : memref<!tpu.dma_semaphore, #tpu.memory_space<semaphore_mem>>
        %dma_start3A_897 = arith.constant 64 : i32
        %dma_start3A_898 = tpu.memref_slice %arg5[%add3A_398, %dma_start3A_897] : memref<819200x80xf32, #tpu.memory_space<hbm>> -> memref<400x16xf32, #tpu.memory_space<hbm>>
        %dma_start3A_899 = arith.constant 64 : i32
        %dma_start3A_900 = tpu.memref_slice %arg5[%add3A_398, %dma_start3A_899] : memref<819200x80xf32, #tpu.memory_space<hbm>> -> memref<400x16xf32, #tpu.memory_space<hbm>>
        tpu.enqueue_dma source(%arg12 : memref<400x16xf32, #tpu.memory_space<vmem>>) target(%dma_start3A_900 : memref<400x16xf32, #tpu.memory_space<hbm>>) target_semaphore(%run_scoped3A : memref<!tpu.dma_semaphore, #tpu.memory_space<semaphore_mem>>)
        %dma_wait3A_901 = arith.constant 64 : i32
        %dma_wait3A_902 = tpu.memref_slice %arg5[%add3A_398, %dma_wait3A_901] : memref<819200x80xf32, #tpu.memory_space<hbm>> -> memref<400x16xf32, #tpu.memory_space<hbm>>
        %dma_wait3A_903 = arith.constant 64 : i32
        %dma_wait3A_904 = tpu.memref_slice %arg5[%add3A_398, %dma_wait3A_903] : memref<819200x80xf32, #tpu.memory_space<hbm>> -> memref<400x16xf32, #tpu.memory_space<hbm>>
        tpu.wait_dma2 semaphore(%run_scoped3A : memref<!tpu.dma_semaphore, #tpu.memory_space<semaphore_mem>>) src(%arg12 : memref<400x16xf32, #tpu.memory_space<vmem>>) dst(%dma_wait3A_904 : memref<400x16xf32, #tpu.memory_space<hbm>>)
        tpu.yield
      }) : () -> ()
      %dma_wait3A_425 = arith.constant 0 : i32
      %dma_wait3A_426 = arith.constant 0 : i32
      %dma_wait3A_427 = arith.constant 0 : i32
      %dma_wait3A_428 = tpu.memref_slice %arg10[%dma_wait3A_425, %dma_wait3A_426, %dma_wait3A_427] : memref<2x400x32xf32, #tpu.memory_space<vmem>> -> memref<1x400x32xf32, #tpu.memory_space<vmem>>
      %dma_wait3A_429 = tpu.memref_squeeze %dma_wait3A_428 : memref<1x400x32xf32, #tpu.memory_space<vmem>> -> memref<400x32xf32, #tpu.memory_space<vmem>>
      %dma_wait3A_430 = arith.constant 0 : i32
      %dma_wait3A_431 = tpu.memref_slice %arg5[%add3A_288, %dma_wait3A_430] : memref<819200x80xf32, #tpu.memory_space<hbm>> -> memref<400x32xf32, #tpu.memory_space<hbm>>
      %dma_wait3A_432 = arith.constant 0 : i32
      %dma_wait3A_433 = tpu.memref_slice %arg5[%add3A_288, %dma_wait3A_432] : memref<819200x80xf32, #tpu.memory_space<hbm>> -> memref<400x32xf32, #tpu.memory_space<hbm>>
      %dma_wait3A_434 = arith.constant 0 : i32
      %dma_wait3A_435 = arith.constant 0 : i32
      %dma_wait3A_436 = tpu.memref_slice %arg10[%dma_wait3A_425, %dma_wait3A_434, %dma_wait3A_435] : memref<2x400x32xf32, #tpu.memory_space<vmem>> -> memref<1x400x32xf32, #tpu.memory_space<vmem>>
      %dma_wait3A_437 = tpu.memref_squeeze %dma_wait3A_436 : memref<1x400x32xf32, #tpu.memory_space<vmem>> -> memref<400x32xf32, #tpu.memory_space<vmem>>
      tpu.wait_dma2 semaphore(%arg17 : memref<!tpu.dma_semaphore, #tpu.memory_space<semaphore_mem>>) src(%dma_wait3A_437 : memref<400x32xf32, #tpu.memory_space<vmem>>) dst(%dma_wait3A_433 : memref<400x32xf32, #tpu.memory_space<hbm>>)
      %dma_wait3A_438 = arith.constant 0 : i32
      %dma_wait3A_439 = arith.constant 0 : i32
      %dma_wait3A_440 = arith.constant 0 : i32
      %dma_wait3A_441 = tpu.memref_slice %arg11[%dma_wait3A_438, %dma_wait3A_439, %dma_wait3A_440] : memref<2x400x32xf32, #tpu.memory_space<vmem>> -> memref<1x400x32xf32, #tpu.memory_space<vmem>>
      %dma_wait3A_442 = tpu.memref_squeeze %dma_wait3A_441 : memref<1x400x32xf32, #tpu.memory_space<vmem>> -> memref<400x32xf32, #tpu.memory_space<vmem>>
      %dma_wait3A_443 = arith.constant 32 : i32
      %dma_wait3A_444 = tpu.memref_slice %arg5[%add3A_288, %dma_wait3A_443] : memref<819200x80xf32, #tpu.memory_space<hbm>> -> memref<400x32xf32, #tpu.memory_space<hbm>>
      %dma_wait3A_445 = arith.constant 32 : i32
      %dma_wait3A_446 = tpu.memref_slice %arg5[%add3A_288, %dma_wait3A_445] : memref<819200x80xf32, #tpu.memory_space<hbm>> -> memref<400x32xf32, #tpu.memory_space<hbm>>
      %dma_wait3A_447 = arith.constant 0 : i32
      %dma_wait3A_448 = arith.constant 0 : i32
      %dma_wait3A_449 = tpu.memref_slice %arg11[%dma_wait3A_438, %dma_wait3A_447, %dma_wait3A_448] : memref<2x400x32xf32, #tpu.memory_space<vmem>> -> memref<1x400x32xf32, #tpu.memory_space<vmem>>
      %dma_wait3A_450 = tpu.memref_squeeze %dma_wait3A_449 : memref<1x400x32xf32, #tpu.memory_space<vmem>> -> memref<400x32xf32, #tpu.memory_space<vmem>>
      tpu.wait_dma2 semaphore(%arg17 : memref<!tpu.dma_semaphore, #tpu.memory_space<semaphore_mem>>) src(%dma_wait3A_450 : memref<400x32xf32, #tpu.memory_space<vmem>>) dst(%dma_wait3A_446 : memref<400x32xf32, #tpu.memory_space<hbm>>)
      %dma_start3A_451 = arith.constant 1 : i32
      %dma_start3A_452 = arith.constant 0 : i32
      %dma_start3A_453 = arith.constant 0 : i32
      %dma_start3A_454 = tpu.memref_slice %arg10[%dma_start3A_451, %dma_start3A_452, %dma_start3A_453] : memref<2x400x32xf32, #tpu.memory_space<vmem>> -> memref<1x400x32xf32, #tpu.memory_space<vmem>>
      %dma_start3A_455 = tpu.memref_squeeze %dma_start3A_454 : memref<1x400x32xf32, #tpu.memory_space<vmem>> -> memref<400x32xf32, #tpu.memory_space<vmem>>
      %dma_start3A_456 = arith.constant 2000 : i32
      %dma_start3A_457 = tpu.memref_slice %arg8[%dma_start3A_456] : memref<3200xi32, #tpu.memory_space<vmem>> -> memref<400xi32, #tpu.memory_space<vmem>>
      %dma_start3A_458 = arith.constant 0 : i32
      %dma_start3A_459 = arith.constant 0 : i32
      %dma_start3A_460 = tpu.memref_slice %arg3[%dma_start3A_458, %dma_start3A_459] : memref<1000001x32xf32, #tpu.memory_space<hbm>> -> memref<1000001x32xf32, #tpu.memory_space<hbm>>
      tpu.enqueue_indirect_dma source(%dma_start3A_460 : memref<1000001x32xf32, #tpu.memory_space<hbm>>) target(%dma_start3A_455 : memref<400x32xf32, #tpu.memory_space<vmem>>) offsets(%dma_start3A_457 : memref<400xi32, #tpu.memory_space<vmem>>) semaphore(%arg14 : memref<!tpu.dma_semaphore, #tpu.memory_space<semaphore_mem>>)
      %dma_start3A_461 = arith.constant 1 : i32
      %dma_start3A_462 = arith.constant 0 : i32
      %dma_start3A_463 = arith.constant 0 : i32
      %dma_start3A_464 = tpu.memref_slice %arg11[%dma_start3A_461, %dma_start3A_462, %dma_start3A_463] : memref<2x400x32xf32, #tpu.memory_space<vmem>> -> memref<1x400x32xf32, #tpu.memory_space<vmem>>
      %dma_start3A_465 = tpu.memref_squeeze %dma_start3A_464 : memref<1x400x32xf32, #tpu.memory_space<vmem>> -> memref<400x32xf32, #tpu.memory_space<vmem>>
      %dma_start3A_466 = arith.constant 2000 : i32
      %dma_start3A_467 = tpu.memref_slice %arg9[%dma_start3A_466] : memref<3200xi32, #tpu.memory_space<vmem>> -> memref<400xi32, #tpu.memory_space<vmem>>
      %dma_start3A_468 = arith.constant 0 : i32
      %dma_start3A_469 = arith.constant 0 : i32
      %dma_start3A_470 = tpu.memref_slice %arg4[%dma_start3A_468, %dma_start3A_469] : memref<100001x32xf32, #tpu.memory_space<hbm>> -> memref<100001x32xf32, #tpu.memory_space<hbm>>
      tpu.enqueue_indirect_dma source(%dma_start3A_470 : memref<100001x32xf32, #tpu.memory_space<hbm>>) target(%dma_start3A_465 : memref<400x32xf32, #tpu.memory_space<vmem>>) offsets(%dma_start3A_467 : memref<400xi32, #tpu.memory_space<vmem>>) semaphore(%arg16 : memref<!tpu.dma_semaphore, #tpu.memory_space<semaphore_mem>>)
      %broadcast_in_dim3A_471 = arith.constant 8 : i32
      %broadcast_in_dim3A_472 = vector.broadcast %broadcast_in_dim3A_471 : i32 to vector<16xi32>
      %scan3A_473 = arith.constant 0 : i32
      %scan3A_474 = arith.constant 0 : i32
      %scan3A_475 = arith.constant 200 : i32
      %scan3A_476 = arith.addi %scan3A_474, %scan3A_475 : i32
      %scan3A_477 = arith.constant 8 : i32
      scf.for %scan3A_897 = %scan3A_474 to %scan3A_476 step %scan3A_477  : i32 {
        %broadcast_in_dim3A_898 = vector.broadcast %scan3A_897 : i32 to vector<16xi32>
        %gather3A = tpu.vector_load_idx %arg7[%iota3A, %broadcast_in_dim3A_898, %broadcast_in_dim3A_472] : memref<16x200x16xf32, #tpu.memory_space<vmem>>[vector<16xi32>, vector<16xi32>, vector<16xi32>], vector<16xf32>,
        %add3A_899 = arith.constant 0 : i32
        %add3A_900 = arith.addi %add3A_899, %scan3A_897 : i32
        %swap3A = arith.index_cast %add3A_900 : i32 to index
        %swap3A_901 = arith.constant 0 : index
        %swap3A_902 = tpu.vector_load %arg12[%swap3A, %swap3A_901] {strides = array<i32>} : memref<400x16xf32, #tpu.memory_space<vmem>>, vector<16xf32>,
        tpu.vector_store %arg12[%swap3A, %swap3A_901], %gather3A {strides = array<i32>} : memref<400x16xf32, #tpu.memory_space<vmem>>, vector<16xf32>,
        %scan3A_903 = arith.constant 1 : i32
        %scan3A_904 = arith.addi %scan3A_897, %scan3A_903 : i32
        %broadcast_in_dim3A_905 = vector.broadcast %scan3A_904 : i32 to vector<16xi32>
        %gather3A_906 = tpu.vector_load_idx %arg7[%iota3A, %broadcast_in_dim3A_905, %broadcast_in_dim3A_472] : memref<16x200x16xf32, #tpu.memory_space<vmem>>[vector<16xi32>, vector<16xi32>, vector<16xi32>], vector<16xf32>,
        %add3A_907 = arith.constant 0 : i32
        %add3A_908 = arith.addi %add3A_907, %scan3A_904 : i32
        %swap3A_909 = arith.index_cast %add3A_908 : i32 to index
        %swap3A_910 = arith.constant 0 : index
        %swap3A_911 = tpu.vector_load %arg12[%swap3A_909, %swap3A_910] {strides = array<i32>} : memref<400x16xf32, #tpu.memory_space<vmem>>, vector<16xf32>,
        tpu.vector_store %arg12[%swap3A_909, %swap3A_910], %gather3A_906 {strides = array<i32>} : memref<400x16xf32, #tpu.memory_space<vmem>>, vector<16xf32>,
        %scan3A_912 = arith.constant 2 : i32
        %scan3A_913 = arith.addi %scan3A_897, %scan3A_912 : i32
        %broadcast_in_dim3A_914 = vector.broadcast %scan3A_913 : i32 to vector<16xi32>
        %gather3A_915 = tpu.vector_load_idx %arg7[%iota3A, %broadcast_in_dim3A_914, %broadcast_in_dim3A_472] : memref<16x200x16xf32, #tpu.memory_space<vmem>>[vector<16xi32>, vector<16xi32>, vector<16xi32>], vector<16xf32>,
        %add3A_916 = arith.constant 0 : i32
        %add3A_917 = arith.addi %add3A_916, %scan3A_913 : i32
        %swap3A_918 = arith.index_cast %add3A_917 : i32 to index
        %swap3A_919 = arith.constant 0 : index
        %swap3A_920 = tpu.vector_load %arg12[%swap3A_918, %swap3A_919] {strides = array<i32>} : memref<400x16xf32, #tpu.memory_space<vmem>>, vector<16xf32>,
        tpu.vector_store %arg12[%swap3A_918, %swap3A_919], %gather3A_915 {strides = array<i32>} : memref<400x16xf32, #tpu.memory_space<vmem>>, vector<16xf32>,
        %scan3A_921 = arith.constant 3 : i32
        %scan3A_922 = arith.addi %scan3A_897, %scan3A_921 : i32
        %broadcast_in_dim3A_923 = vector.broadcast %scan3A_922 : i32 to vector<16xi32>
        %gather3A_924 = tpu.vector_load_idx %arg7[%iota3A, %broadcast_in_dim3A_923, %broadcast_in_dim3A_472] : memref<16x200x16xf32, #tpu.memory_space<vmem>>[vector<16xi32>, vector<16xi32>, vector<16xi32>], vector<16xf32>,
        %add3A_925 = arith.constant 0 : i32
        %add3A_926 = arith.addi %add3A_925, %scan3A_922 : i32
        %swap3A_927 = arith.index_cast %add3A_926 : i32 to index
        %swap3A_928 = arith.constant 0 : index
        %swap3A_929 = tpu.vector_load %arg12[%swap3A_927, %swap3A_928] {strides = array<i32>} : memref<400x16xf32, #tpu.memory_space<vmem>>, vector<16xf32>,
        tpu.vector_store %arg12[%swap3A_927, %swap3A_928], %gather3A_924 {strides = array<i32>} : memref<400x16xf32, #tpu.memory_space<vmem>>, vector<16xf32>,
        %scan3A_930 = arith.constant 4 : i32
        %scan3A_931 = arith.addi %scan3A_897, %scan3A_930 : i32
        %broadcast_in_dim3A_932 = vector.broadcast %scan3A_931 : i32 to vector<16xi32>
        %gather3A_933 = tpu.vector_load_idx %arg7[%iota3A, %broadcast_in_dim3A_932, %broadcast_in_dim3A_472] : memref<16x200x16xf32, #tpu.memory_space<vmem>>[vector<16xi32>, vector<16xi32>, vector<16xi32>], vector<16xf32>,
        %add3A_934 = arith.constant 0 : i32
        %add3A_935 = arith.addi %add3A_934, %scan3A_931 : i32
        %swap3A_936 = arith.index_cast %add3A_935 : i32 to index
        %swap3A_937 = arith.constant 0 : index
        %swap3A_938 = tpu.vector_load %arg12[%swap3A_936, %swap3A_937] {strides = array<i32>} : memref<400x16xf32, #tpu.memory_space<vmem>>, vector<16xf32>,
        tpu.vector_store %arg12[%swap3A_936, %swap3A_937], %gather3A_933 {strides = array<i32>} : memref<400x16xf32, #tpu.memory_space<vmem>>, vector<16xf32>,
        %scan3A_939 = arith.constant 5 : i32
        %scan3A_940 = arith.addi %scan3A_897, %scan3A_939 : i32
        %broadcast_in_dim3A_941 = vector.broadcast %scan3A_940 : i32 to vector<16xi32>
        %gather3A_942 = tpu.vector_load_idx %arg7[%iota3A, %broadcast_in_dim3A_941, %broadcast_in_dim3A_472] : memref<16x200x16xf32, #tpu.memory_space<vmem>>[vector<16xi32>, vector<16xi32>, vector<16xi32>], vector<16xf32>,
        %add3A_943 = arith.constant 0 : i32
        %add3A_944 = arith.addi %add3A_943, %scan3A_940 : i32
        %swap3A_945 = arith.index_cast %add3A_944 : i32 to index
        %swap3A_946 = arith.constant 0 : index
        %swap3A_947 = tpu.vector_load %arg12[%swap3A_945, %swap3A_946] {strides = array<i32>} : memref<400x16xf32, #tpu.memory_space<vmem>>, vector<16xf32>,
        tpu.vector_store %arg12[%swap3A_945, %swap3A_946], %gather3A_942 {strides = array<i32>} : memref<400x16xf32, #tpu.memory_space<vmem>>, vector<16xf32>,
        %scan3A_948 = arith.constant 6 : i32
        %scan3A_949 = arith.addi %scan3A_897, %scan3A_948 : i32
        %broadcast_in_dim3A_950 = vector.broadcast %scan3A_949 : i32 to vector<16xi32>
        %gather3A_951 = tpu.vector_load_idx %arg7[%iota3A, %broadcast_in_dim3A_950, %broadcast_in_dim3A_472] : memref<16x200x16xf32, #tpu.memory_space<vmem>>[vector<16xi32>, vector<16xi32>, vector<16xi32>], vector<16xf32>,
        %add3A_952 = arith.constant 0 : i32
        %add3A_953 = arith.addi %add3A_952, %scan3A_949 : i32
        %swap3A_954 = arith.index_cast %add3A_953 : i32 to index
        %swap3A_955 = arith.constant 0 : index
        %swap3A_956 = tpu.vector_load %arg12[%swap3A_954, %swap3A_955] {strides = array<i32>} : memref<400x16xf32, #tpu.memory_space<vmem>>, vector<16xf32>,
        tpu.vector_store %arg12[%swap3A_954, %swap3A_955], %gather3A_951 {strides = array<i32>} : memref<400x16xf32, #tpu.memory_space<vmem>>, vector<16xf32>,
        %scan3A_957 = arith.constant 7 : i32
        %scan3A_958 = arith.addi %scan3A_897, %scan3A_957 : i32
        %broadcast_in_dim3A_959 = vector.broadcast %scan3A_958 : i32 to vector<16xi32>
        %gather3A_960 = tpu.vector_load_idx %arg7[%iota3A, %broadcast_in_dim3A_959, %broadcast_in_dim3A_472] : memref<16x200x16xf32, #tpu.memory_space<vmem>>[vector<16xi32>, vector<16xi32>, vector<16xi32>], vector<16xf32>,
        %add3A_961 = arith.constant 0 : i32
        %add3A_962 = arith.addi %add3A_961, %scan3A_958 : i32
        %swap3A_963 = arith.index_cast %add3A_962 : i32 to index
        %swap3A_964 = arith.constant 0 : index
        %swap3A_965 = tpu.vector_load %arg12[%swap3A_963, %swap3A_964] {strides = array<i32>} : memref<400x16xf32, #tpu.memory_space<vmem>>, vector<16xf32>,
        tpu.vector_store %arg12[%swap3A_963, %swap3A_964], %gather3A_960 {strides = array<i32>} : memref<400x16xf32, #tpu.memory_space<vmem>>, vector<16xf32>,
      }
      %scan3A_478 = arith.constant 200 : i32
      %broadcast_in_dim3A_479 = arith.constant 9 : i32
      %broadcast_in_dim3A_480 = vector.broadcast %broadcast_in_dim3A_479 : i32 to vector<16xi32>
      %scan3A_481 = arith.constant 0 : i32
      %scan3A_482 = arith.constant 0 : i32
      %scan3A_483 = arith.constant 200 : i32
      %scan3A_484 = arith.addi %scan3A_482, %scan3A_483 : i32
      %scan3A_485 = arith.constant 8 : i32
      scf.for %scan3A_897 = %scan3A_482 to %scan3A_484 step %scan3A_485  : i32 {
        %broadcast_in_dim3A_898 = vector.broadcast %scan3A_897 : i32 to vector<16xi32>
        %gather3A = tpu.vector_load_idx %arg7[%iota3A, %broadcast_in_dim3A_898, %broadcast_in_dim3A_480] : memref<16x200x16xf32, #tpu.memory_space<vmem>>[vector<16xi32>, vector<16xi32>, vector<16xi32>], vector<16xf32>,
        %add3A_899 = arith.constant 200 : i32
        %add3A_900 = arith.addi %add3A_899, %scan3A_897 : i32
        %swap3A = arith.index_cast %add3A_900 : i32 to index
        %swap3A_901 = arith.constant 0 : index
        %swap3A_902 = tpu.vector_load %arg12[%swap3A, %swap3A_901] {strides = array<i32>} : memref<400x16xf32, #tpu.memory_space<vmem>>, vector<16xf32>,
        tpu.vector_store %arg12[%swap3A, %swap3A_901], %gather3A {strides = array<i32>} : memref<400x16xf32, #tpu.memory_space<vmem>>, vector<16xf32>,
        %scan3A_903 = arith.constant 1 : i32
        %scan3A_904 = arith.addi %scan3A_897, %scan3A_903 : i32
        %broadcast_in_dim3A_905 = vector.broadcast %scan3A_904 : i32 to vector<16xi32>
        %gather3A_906 = tpu.vector_load_idx %arg7[%iota3A, %broadcast_in_dim3A_905, %broadcast_in_dim3A_480] : memref<16x200x16xf32, #tpu.memory_space<vmem>>[vector<16xi32>, vector<16xi32>, vector<16xi32>], vector<16xf32>,
        %add3A_907 = arith.constant 200 : i32
        %add3A_908 = arith.addi %add3A_907, %scan3A_904 : i32
        %swap3A_909 = arith.index_cast %add3A_908 : i32 to index
        %swap3A_910 = arith.constant 0 : index
        %swap3A_911 = tpu.vector_load %arg12[%swap3A_909, %swap3A_910] {strides = array<i32>} : memref<400x16xf32, #tpu.memory_space<vmem>>, vector<16xf32>,
        tpu.vector_store %arg12[%swap3A_909, %swap3A_910], %gather3A_906 {strides = array<i32>} : memref<400x16xf32, #tpu.memory_space<vmem>>, vector<16xf32>,
        %scan3A_912 = arith.constant 2 : i32
        %scan3A_913 = arith.addi %scan3A_897, %scan3A_912 : i32
        %broadcast_in_dim3A_914 = vector.broadcast %scan3A_913 : i32 to vector<16xi32>
        %gather3A_915 = tpu.vector_load_idx %arg7[%iota3A, %broadcast_in_dim3A_914, %broadcast_in_dim3A_480] : memref<16x200x16xf32, #tpu.memory_space<vmem>>[vector<16xi32>, vector<16xi32>, vector<16xi32>], vector<16xf32>,
        %add3A_916 = arith.constant 200 : i32
        %add3A_917 = arith.addi %add3A_916, %scan3A_913 : i32
        %swap3A_918 = arith.index_cast %add3A_917 : i32 to index
        %swap3A_919 = arith.constant 0 : index
        %swap3A_920 = tpu.vector_load %arg12[%swap3A_918, %swap3A_919] {strides = array<i32>} : memref<400x16xf32, #tpu.memory_space<vmem>>, vector<16xf32>,
        tpu.vector_store %arg12[%swap3A_918, %swap3A_919], %gather3A_915 {strides = array<i32>} : memref<400x16xf32, #tpu.memory_space<vmem>>, vector<16xf32>,
        %scan3A_921 = arith.constant 3 : i32
        %scan3A_922 = arith.addi %scan3A_897, %scan3A_921 : i32
        %broadcast_in_dim3A_923 = vector.broadcast %scan3A_922 : i32 to vector<16xi32>
        %gather3A_924 = tpu.vector_load_idx %arg7[%iota3A, %broadcast_in_dim3A_923, %broadcast_in_dim3A_480] : memref<16x200x16xf32, #tpu.memory_space<vmem>>[vector<16xi32>, vector<16xi32>, vector<16xi32>], vector<16xf32>,
        %add3A_925 = arith.constant 200 : i32
        %add3A_926 = arith.addi %add3A_925, %scan3A_922 : i32
        %swap3A_927 = arith.index_cast %add3A_926 : i32 to index
        %swap3A_928 = arith.constant 0 : index
        %swap3A_929 = tpu.vector_load %arg12[%swap3A_927, %swap3A_928] {strides = array<i32>} : memref<400x16xf32, #tpu.memory_space<vmem>>, vector<16xf32>,
        tpu.vector_store %arg12[%swap3A_927, %swap3A_928], %gather3A_924 {strides = array<i32>} : memref<400x16xf32, #tpu.memory_space<vmem>>, vector<16xf32>,
        %scan3A_930 = arith.constant 4 : i32
        %scan3A_931 = arith.addi %scan3A_897, %scan3A_930 : i32
        %broadcast_in_dim3A_932 = vector.broadcast %scan3A_931 : i32 to vector<16xi32>
        %gather3A_933 = tpu.vector_load_idx %arg7[%iota3A, %broadcast_in_dim3A_932, %broadcast_in_dim3A_480] : memref<16x200x16xf32, #tpu.memory_space<vmem>>[vector<16xi32>, vector<16xi32>, vector<16xi32>], vector<16xf32>,
        %add3A_934 = arith.constant 200 : i32
        %add3A_935 = arith.addi %add3A_934, %scan3A_931 : i32
        %swap3A_936 = arith.index_cast %add3A_935 : i32 to index
        %swap3A_937 = arith.constant 0 : index
        %swap3A_938 = tpu.vector_load %arg12[%swap3A_936, %swap3A_937] {strides = array<i32>} : memref<400x16xf32, #tpu.memory_space<vmem>>, vector<16xf32>,
        tpu.vector_store %arg12[%swap3A_936, %swap3A_937], %gather3A_933 {strides = array<i32>} : memref<400x16xf32, #tpu.memory_space<vmem>>, vector<16xf32>,
        %scan3A_939 = arith.constant 5 : i32
        %scan3A_940 = arith.addi %scan3A_897, %scan3A_939 : i32
        %broadcast_in_dim3A_941 = vector.broadcast %scan3A_940 : i32 to vector<16xi32>
        %gather3A_942 = tpu.vector_load_idx %arg7[%iota3A, %broadcast_in_dim3A_941, %broadcast_in_dim3A_480] : memref<16x200x16xf32, #tpu.memory_space<vmem>>[vector<16xi32>, vector<16xi32>, vector<16xi32>], vector<16xf32>,
        %add3A_943 = arith.constant 200 : i32
        %add3A_944 = arith.addi %add3A_943, %scan3A_940 : i32
        %swap3A_945 = arith.index_cast %add3A_944 : i32 to index
        %swap3A_946 = arith.constant 0 : index
        %swap3A_947 = tpu.vector_load %arg12[%swap3A_945, %swap3A_946] {strides = array<i32>} : memref<400x16xf32, #tpu.memory_space<vmem>>, vector<16xf32>,
        tpu.vector_store %arg12[%swap3A_945, %swap3A_946], %gather3A_942 {strides = array<i32>} : memref<400x16xf32, #tpu.memory_space<vmem>>, vector<16xf32>,
        %scan3A_948 = arith.constant 6 : i32
        %scan3A_949 = arith.addi %scan3A_897, %scan3A_948 : i32
        %broadcast_in_dim3A_950 = vector.broadcast %scan3A_949 : i32 to vector<16xi32>
        %gather3A_951 = tpu.vector_load_idx %arg7[%iota3A, %broadcast_in_dim3A_950, %broadcast_in_dim3A_480] : memref<16x200x16xf32, #tpu.memory_space<vmem>>[vector<16xi32>, vector<16xi32>, vector<16xi32>], vector<16xf32>,
        %add3A_952 = arith.constant 200 : i32
        %add3A_953 = arith.addi %add3A_952, %scan3A_949 : i32
        %swap3A_954 = arith.index_cast %add3A_953 : i32 to index
        %swap3A_955 = arith.constant 0 : index
        %swap3A_956 = tpu.vector_load %arg12[%swap3A_954, %swap3A_955] {strides = array<i32>} : memref<400x16xf32, #tpu.memory_space<vmem>>, vector<16xf32>,
        tpu.vector_store %arg12[%swap3A_954, %swap3A_955], %gather3A_951 {strides = array<i32>} : memref<400x16xf32, #tpu.memory_space<vmem>>, vector<16xf32>,
        %scan3A_957 = arith.constant 7 : i32
        %scan3A_958 = arith.addi %scan3A_897, %scan3A_957 : i32
        %broadcast_in_dim3A_959 = vector.broadcast %scan3A_958 : i32 to vector<16xi32>
        %gather3A_960 = tpu.vector_load_idx %arg7[%iota3A, %broadcast_in_dim3A_959, %broadcast_in_dim3A_480] : memref<16x200x16xf32, #tpu.memory_space<vmem>>[vector<16xi32>, vector<16xi32>, vector<16xi32>], vector<16xf32>,
        %add3A_961 = arith.constant 200 : i32
        %add3A_962 = arith.addi %add3A_961, %scan3A_958 : i32
        %swap3A_963 = arith.index_cast %add3A_962 : i32 to index
        %swap3A_964 = arith.constant 0 : index
        %swap3A_965 = tpu.vector_load %arg12[%swap3A_963, %swap3A_964] {strides = array<i32>} : memref<400x16xf32, #tpu.memory_space<vmem>>, vector<16xf32>,
        tpu.vector_store %arg12[%swap3A_963, %swap3A_964], %gather3A_960 {strides = array<i32>} : memref<400x16xf32, #tpu.memory_space<vmem>>, vector<16xf32>,
      }
      %scan3A_486 = arith.constant 200 : i32
      %dma_wait3A_487 = arith.constant 0 : i32
      %dma_wait3A_488 = arith.constant 0 : i32
      %dma_wait3A_489 = arith.constant 0 : i32
      %dma_wait3A_490 = tpu.memref_slice %arg10[%dma_wait3A_487, %dma_wait3A_488, %dma_wait3A_489] : memref<2x400x32xf32, #tpu.memory_space<vmem>> -> memref<1x400x32xf32, #tpu.memory_space<vmem>>
      %dma_wait3A_491 = tpu.memref_squeeze %dma_wait3A_490 : memref<1x400x32xf32, #tpu.memory_space<vmem>> -> memref<400x32xf32, #tpu.memory_space<vmem>>
      %dma_wait3A_492 = arith.constant 1600 : i32
      %dma_wait3A_493 = tpu.memref_slice %arg8[%dma_wait3A_492] : memref<3200xi32, #tpu.memory_space<vmem>> -> memref<400xi32, #tpu.memory_space<vmem>>
      %dma_wait3A_494 = arith.constant 0 : i32
      %dma_wait3A_495 = arith.constant 0 : i32
      %dma_wait3A_496 = tpu.memref_slice %arg3[%dma_wait3A_494, %dma_wait3A_495] : memref<1000001x32xf32, #tpu.memory_space<hbm>> -> memref<1000001x32xf32, #tpu.memory_space<hbm>>
      tpu.wait_indirect_dma semaphore(%arg13 : memref<!tpu.dma_semaphore, #tpu.memory_space<semaphore_mem>>) src(%dma_wait3A_496 : memref<1000001x32xf32, #tpu.memory_space<hbm>>) dst(%dma_wait3A_491 : memref<400x32xf32, #tpu.memory_space<vmem>>)
      %dma_wait3A_497 = arith.constant 0 : i32
      %dma_wait3A_498 = arith.constant 0 : i32
      %dma_wait3A_499 = arith.constant 0 : i32
      %dma_wait3A_500 = tpu.memref_slice %arg11[%dma_wait3A_497, %dma_wait3A_498, %dma_wait3A_499] : memref<2x400x32xf32, #tpu.memory_space<vmem>> -> memref<1x400x32xf32, #tpu.memory_space<vmem>>
      %dma_wait3A_501 = tpu.memref_squeeze %dma_wait3A_500 : memref<1x400x32xf32, #tpu.memory_space<vmem>> -> memref<400x32xf32, #tpu.memory_space<vmem>>
      %dma_wait3A_502 = arith.constant 1600 : i32
      %dma_wait3A_503 = tpu.memref_slice %arg9[%dma_wait3A_502] : memref<3200xi32, #tpu.memory_space<vmem>> -> memref<400xi32, #tpu.memory_space<vmem>>
      %dma_wait3A_504 = arith.constant 0 : i32
      %dma_wait3A_505 = arith.constant 0 : i32
      %dma_wait3A_506 = tpu.memref_slice %arg4[%dma_wait3A_504, %dma_wait3A_505] : memref<100001x32xf32, #tpu.memory_space<hbm>> -> memref<100001x32xf32, #tpu.memory_space<hbm>>
      tpu.wait_indirect_dma semaphore(%arg15 : memref<!tpu.dma_semaphore, #tpu.memory_space<semaphore_mem>>) src(%dma_wait3A_506 : memref<100001x32xf32, #tpu.memory_space<hbm>>) dst(%dma_wait3A_501 : memref<400x32xf32, #tpu.memory_space<vmem>>)
      %add3A_507 = arith.constant 1600 : i32
      %add3A_508 = arith.addi %mul3A_13, %add3A_507 : i32
      %dma_start3A_509 = arith.constant 0 : i32
      %dma_start3A_510 = arith.constant 0 : i32
      %dma_start3A_511 = arith.constant 0 : i32
      %dma_start3A_512 = tpu.memref_slice %arg10[%dma_start3A_509, %dma_start3A_510, %dma_start3A_511] : memref<2x400x32xf32, #tpu.memory_space<vmem>> -> memref<1x400x32xf32, #tpu.memory_space<vmem>>
      %dma_start3A_513 = tpu.memref_squeeze %dma_start3A_512 : memref<1x400x32xf32, #tpu.memory_space<vmem>> -> memref<400x32xf32, #tpu.memory_space<vmem>>
      %dma_start3A_514 = arith.constant 0 : i32
      %dma_start3A_515 = tpu.memref_slice %arg5[%add3A_508, %dma_start3A_514] : memref<819200x80xf32, #tpu.memory_space<hbm>> -> memref<400x32xf32, #tpu.memory_space<hbm>>
      %dma_start3A_516 = arith.constant 0 : i32
      %dma_start3A_517 = tpu.memref_slice %arg5[%add3A_508, %dma_start3A_516] : memref<819200x80xf32, #tpu.memory_space<hbm>> -> memref<400x32xf32, #tpu.memory_space<hbm>>
      %dma_start3A_518 = arith.constant 0 : i32
      %dma_start3A_519 = arith.constant 0 : i32
      %dma_start3A_520 = tpu.memref_slice %arg10[%dma_start3A_509, %dma_start3A_518, %dma_start3A_519] : memref<2x400x32xf32, #tpu.memory_space<vmem>> -> memref<1x400x32xf32, #tpu.memory_space<vmem>>
      %dma_start3A_521 = tpu.memref_squeeze %dma_start3A_520 : memref<1x400x32xf32, #tpu.memory_space<vmem>> -> memref<400x32xf32, #tpu.memory_space<vmem>>
      tpu.enqueue_dma source(%dma_start3A_521 : memref<400x32xf32, #tpu.memory_space<vmem>>) target(%dma_start3A_517 : memref<400x32xf32, #tpu.memory_space<hbm>>) target_semaphore(%arg17 : memref<!tpu.dma_semaphore, #tpu.memory_space<semaphore_mem>>)
      %dma_start3A_522 = arith.constant 0 : i32
      %dma_start3A_523 = arith.constant 0 : i32
      %dma_start3A_524 = arith.constant 0 : i32
      %dma_start3A_525 = tpu.memref_slice %arg11[%dma_start3A_522, %dma_start3A_523, %dma_start3A_524] : memref<2x400x32xf32, #tpu.memory_space<vmem>> -> memref<1x400x32xf32, #tpu.memory_space<vmem>>
      %dma_start3A_526 = tpu.memref_squeeze %dma_start3A_525 : memref<1x400x32xf32, #tpu.memory_space<vmem>> -> memref<400x32xf32, #tpu.memory_space<vmem>>
      %dma_start3A_527 = arith.constant 32 : i32
      %dma_start3A_528 = tpu.memref_slice %arg5[%add3A_508, %dma_start3A_527] : memref<819200x80xf32, #tpu.memory_space<hbm>> -> memref<400x32xf32, #tpu.memory_space<hbm>>
      %dma_start3A_529 = arith.constant 32 : i32
      %dma_start3A_530 = tpu.memref_slice %arg5[%add3A_508, %dma_start3A_529] : memref<819200x80xf32, #tpu.memory_space<hbm>> -> memref<400x32xf32, #tpu.memory_space<hbm>>
      %dma_start3A_531 = arith.constant 0 : i32
      %dma_start3A_532 = arith.constant 0 : i32
      %dma_start3A_533 = tpu.memref_slice %arg11[%dma_start3A_522, %dma_start3A_531, %dma_start3A_532] : memref<2x400x32xf32, #tpu.memory_space<vmem>> -> memref<1x400x32xf32, #tpu.memory_space<vmem>>
      %dma_start3A_534 = tpu.memref_squeeze %dma_start3A_533 : memref<1x400x32xf32, #tpu.memory_space<vmem>> -> memref<400x32xf32, #tpu.memory_space<vmem>>
      tpu.enqueue_dma source(%dma_start3A_534 : memref<400x32xf32, #tpu.memory_space<vmem>>) target(%dma_start3A_530 : memref<400x32xf32, #tpu.memory_space<hbm>>) target_semaphore(%arg17 : memref<!tpu.dma_semaphore, #tpu.memory_space<semaphore_mem>>)
      "tpu.region"() ({
        %run_scoped3A = tpu.sem_alloc : memref<!tpu.dma_semaphore, #tpu.memory_space<semaphore_mem>>
        %dma_start3A_897 = arith.constant 64 : i32
        %dma_start3A_898 = tpu.memref_slice %arg5[%add3A_508, %dma_start3A_897] : memref<819200x80xf32, #tpu.memory_space<hbm>> -> memref<400x16xf32, #tpu.memory_space<hbm>>
        %dma_start3A_899 = arith.constant 64 : i32
        %dma_start3A_900 = tpu.memref_slice %arg5[%add3A_508, %dma_start3A_899] : memref<819200x80xf32, #tpu.memory_space<hbm>> -> memref<400x16xf32, #tpu.memory_space<hbm>>
        tpu.enqueue_dma source(%arg12 : memref<400x16xf32, #tpu.memory_space<vmem>>) target(%dma_start3A_900 : memref<400x16xf32, #tpu.memory_space<hbm>>) target_semaphore(%run_scoped3A : memref<!tpu.dma_semaphore, #tpu.memory_space<semaphore_mem>>)
        %dma_wait3A_901 = arith.constant 64 : i32
        %dma_wait3A_902 = tpu.memref_slice %arg5[%add3A_508, %dma_wait3A_901] : memref<819200x80xf32, #tpu.memory_space<hbm>> -> memref<400x16xf32, #tpu.memory_space<hbm>>
        %dma_wait3A_903 = arith.constant 64 : i32
        %dma_wait3A_904 = tpu.memref_slice %arg5[%add3A_508, %dma_wait3A_903] : memref<819200x80xf32, #tpu.memory_space<hbm>> -> memref<400x16xf32, #tpu.memory_space<hbm>>
        tpu.wait_dma2 semaphore(%run_scoped3A : memref<!tpu.dma_semaphore, #tpu.memory_space<semaphore_mem>>) src(%arg12 : memref<400x16xf32, #tpu.memory_space<vmem>>) dst(%dma_wait3A_904 : memref<400x16xf32, #tpu.memory_space<hbm>>)
        tpu.yield
      }) : () -> ()
      %dma_wait3A_535 = arith.constant 1 : i32
      %dma_wait3A_536 = arith.constant 0 : i32
      %dma_wait3A_537 = arith.constant 0 : i32
      %dma_wait3A_538 = tpu.memref_slice %arg10[%dma_wait3A_535, %dma_wait3A_536, %dma_wait3A_537] : memref<2x400x32xf32, #tpu.memory_space<vmem>> -> memref<1x400x32xf32, #tpu.memory_space<vmem>>
      %dma_wait3A_539 = tpu.memref_squeeze %dma_wait3A_538 : memref<1x400x32xf32, #tpu.memory_space<vmem>> -> memref<400x32xf32, #tpu.memory_space<vmem>>
      %dma_wait3A_540 = arith.constant 0 : i32
      %dma_wait3A_541 = tpu.memref_slice %arg5[%add3A_398, %dma_wait3A_540] : memref<819200x80xf32, #tpu.memory_space<hbm>> -> memref<400x32xf32, #tpu.memory_space<hbm>>
      %dma_wait3A_542 = arith.constant 0 : i32
      %dma_wait3A_543 = tpu.memref_slice %arg5[%add3A_398, %dma_wait3A_542] : memref<819200x80xf32, #tpu.memory_space<hbm>> -> memref<400x32xf32, #tpu.memory_space<hbm>>
      %dma_wait3A_544 = arith.constant 0 : i32
      %dma_wait3A_545 = arith.constant 0 : i32
      %dma_wait3A_546 = tpu.memref_slice %arg10[%dma_wait3A_535, %dma_wait3A_544, %dma_wait3A_545] : memref<2x400x32xf32, #tpu.memory_space<vmem>> -> memref<1x400x32xf32, #tpu.memory_space<vmem>>
      %dma_wait3A_547 = tpu.memref_squeeze %dma_wait3A_546 : memref<1x400x32xf32, #tpu.memory_space<vmem>> -> memref<400x32xf32, #tpu.memory_space<vmem>>
      tpu.wait_dma2 semaphore(%arg18 : memref<!tpu.dma_semaphore, #tpu.memory_space<semaphore_mem>>) src(%dma_wait3A_547 : memref<400x32xf32, #tpu.memory_space<vmem>>) dst(%dma_wait3A_543 : memref<400x32xf32, #tpu.memory_space<hbm>>)
      %dma_wait3A_548 = arith.constant 1 : i32
      %dma_wait3A_549 = arith.constant 0 : i32
      %dma_wait3A_550 = arith.constant 0 : i32
      %dma_wait3A_551 = tpu.memref_slice %arg11[%dma_wait3A_548, %dma_wait3A_549, %dma_wait3A_550] : memref<2x400x32xf32, #tpu.memory_space<vmem>> -> memref<1x400x32xf32, #tpu.memory_space<vmem>>
      %dma_wait3A_552 = tpu.memref_squeeze %dma_wait3A_551 : memref<1x400x32xf32, #tpu.memory_space<vmem>> -> memref<400x32xf32, #tpu.memory_space<vmem>>
      %dma_wait3A_553 = arith.constant 32 : i32
      %dma_wait3A_554 = tpu.memref_slice %arg5[%add3A_398, %dma_wait3A_553] : memref<819200x80xf32, #tpu.memory_space<hbm>> -> memref<400x32xf32, #tpu.memory_space<hbm>>
      %dma_wait3A_555 = arith.constant 32 : i32
      %dma_wait3A_556 = tpu.memref_slice %arg5[%add3A_398, %dma_wait3A_555] : memref<819200x80xf32, #tpu.memory_space<hbm>> -> memref<400x32xf32, #tpu.memory_space<hbm>>
      %dma_wait3A_557 = arith.constant 0 : i32
      %dma_wait3A_558 = arith.constant 0 : i32
      %dma_wait3A_559 = tpu.memref_slice %arg11[%dma_wait3A_548, %dma_wait3A_557, %dma_wait3A_558] : memref<2x400x32xf32, #tpu.memory_space<vmem>> -> memref<1x400x32xf32, #tpu.memory_space<vmem>>
      %dma_wait3A_560 = tpu.memref_squeeze %dma_wait3A_559 : memref<1x400x32xf32, #tpu.memory_space<vmem>> -> memref<400x32xf32, #tpu.memory_space<vmem>>
      tpu.wait_dma2 semaphore(%arg18 : memref<!tpu.dma_semaphore, #tpu.memory_space<semaphore_mem>>) src(%dma_wait3A_560 : memref<400x32xf32, #tpu.memory_space<vmem>>) dst(%dma_wait3A_556 : memref<400x32xf32, #tpu.memory_space<hbm>>)
      %dma_start3A_561 = arith.constant 0 : i32
      %dma_start3A_562 = arith.constant 0 : i32
      %dma_start3A_563 = arith.constant 0 : i32
      %dma_start3A_564 = tpu.memref_slice %arg10[%dma_start3A_561, %dma_start3A_562, %dma_start3A_563] : memref<2x400x32xf32, #tpu.memory_space<vmem>> -> memref<1x400x32xf32, #tpu.memory_space<vmem>>
      %dma_start3A_565 = tpu.memref_squeeze %dma_start3A_564 : memref<1x400x32xf32, #tpu.memory_space<vmem>> -> memref<400x32xf32, #tpu.memory_space<vmem>>
      %dma_start3A_566 = arith.constant 2400 : i32
      %dma_start3A_567 = tpu.memref_slice %arg8[%dma_start3A_566] : memref<3200xi32, #tpu.memory_space<vmem>> -> memref<400xi32, #tpu.memory_space<vmem>>
      %dma_start3A_568 = arith.constant 0 : i32
      %dma_start3A_569 = arith.constant 0 : i32
      %dma_start3A_570 = tpu.memref_slice %arg3[%dma_start3A_568, %dma_start3A_569] : memref<1000001x32xf32, #tpu.memory_space<hbm>> -> memref<1000001x32xf32, #tpu.memory_space<hbm>>
      tpu.enqueue_indirect_dma source(%dma_start3A_570 : memref<1000001x32xf32, #tpu.memory_space<hbm>>) target(%dma_start3A_565 : memref<400x32xf32, #tpu.memory_space<vmem>>) offsets(%dma_start3A_567 : memref<400xi32, #tpu.memory_space<vmem>>) semaphore(%arg13 : memref<!tpu.dma_semaphore, #tpu.memory_space<semaphore_mem>>)
      %dma_start3A_571 = arith.constant 0 : i32
      %dma_start3A_572 = arith.constant 0 : i32
      %dma_start3A_573 = arith.constant 0 : i32
      %dma_start3A_574 = tpu.memref_slice %arg11[%dma_start3A_571, %dma_start3A_572, %dma_start3A_573] : memref<2x400x32xf32, #tpu.memory_space<vmem>> -> memref<1x400x32xf32, #tpu.memory_space<vmem>>
      %dma_start3A_575 = tpu.memref_squeeze %dma_start3A_574 : memref<1x400x32xf32, #tpu.memory_space<vmem>> -> memref<400x32xf32, #tpu.memory_space<vmem>>
      %dma_start3A_576 = arith.constant 2400 : i32
      %dma_start3A_577 = tpu.memref_slice %arg9[%dma_start3A_576] : memref<3200xi32, #tpu.memory_space<vmem>> -> memref<400xi32, #tpu.memory_space<vmem>>
      %dma_start3A_578 = arith.constant 0 : i32
      %dma_start3A_579 = arith.constant 0 : i32
      %dma_start3A_580 = tpu.memref_slice %arg4[%dma_start3A_578, %dma_start3A_579] : memref<100001x32xf32, #tpu.memory_space<hbm>> -> memref<100001x32xf32, #tpu.memory_space<hbm>>
      tpu.enqueue_indirect_dma source(%dma_start3A_580 : memref<100001x32xf32, #tpu.memory_space<hbm>>) target(%dma_start3A_575 : memref<400x32xf32, #tpu.memory_space<vmem>>) offsets(%dma_start3A_577 : memref<400xi32, #tpu.memory_space<vmem>>) semaphore(%arg15 : memref<!tpu.dma_semaphore, #tpu.memory_space<semaphore_mem>>)
      %broadcast_in_dim3A_581 = arith.constant 10 : i32
      %broadcast_in_dim3A_582 = vector.broadcast %broadcast_in_dim3A_581 : i32 to vector<16xi32>
      %scan3A_583 = arith.constant 0 : i32
      %scan3A_584 = arith.constant 0 : i32
      %scan3A_585 = arith.constant 200 : i32
      %scan3A_586 = arith.addi %scan3A_584, %scan3A_585 : i32
      %scan3A_587 = arith.constant 8 : i32
      scf.for %scan3A_897 = %scan3A_584 to %scan3A_586 step %scan3A_587  : i32 {
        %broadcast_in_dim3A_898 = vector.broadcast %scan3A_897 : i32 to vector<16xi32>
        %gather3A = tpu.vector_load_idx %arg7[%iota3A, %broadcast_in_dim3A_898, %broadcast_in_dim3A_582] : memref<16x200x16xf32, #tpu.memory_space<vmem>>[vector<16xi32>, vector<16xi32>, vector<16xi32>], vector<16xf32>,
        %add3A_899 = arith.constant 0 : i32
        %add3A_900 = arith.addi %add3A_899, %scan3A_897 : i32
        %swap3A = arith.index_cast %add3A_900 : i32 to index
        %swap3A_901 = arith.constant 0 : index
        %swap3A_902 = tpu.vector_load %arg12[%swap3A, %swap3A_901] {strides = array<i32>} : memref<400x16xf32, #tpu.memory_space<vmem>>, vector<16xf32>,
        tpu.vector_store %arg12[%swap3A, %swap3A_901], %gather3A {strides = array<i32>} : memref<400x16xf32, #tpu.memory_space<vmem>>, vector<16xf32>,
        %scan3A_903 = arith.constant 1 : i32
        %scan3A_904 = arith.addi %scan3A_897, %scan3A_903 : i32
        %broadcast_in_dim3A_905 = vector.broadcast %scan3A_904 : i32 to vector<16xi32>
        %gather3A_906 = tpu.vector_load_idx %arg7[%iota3A, %broadcast_in_dim3A_905, %broadcast_in_dim3A_582] : memref<16x200x16xf32, #tpu.memory_space<vmem>>[vector<16xi32>, vector<16xi32>, vector<16xi32>], vector<16xf32>,
        %add3A_907 = arith.constant 0 : i32
        %add3A_908 = arith.addi %add3A_907, %scan3A_904 : i32
        %swap3A_909 = arith.index_cast %add3A_908 : i32 to index
        %swap3A_910 = arith.constant 0 : index
        %swap3A_911 = tpu.vector_load %arg12[%swap3A_909, %swap3A_910] {strides = array<i32>} : memref<400x16xf32, #tpu.memory_space<vmem>>, vector<16xf32>,
        tpu.vector_store %arg12[%swap3A_909, %swap3A_910], %gather3A_906 {strides = array<i32>} : memref<400x16xf32, #tpu.memory_space<vmem>>, vector<16xf32>,
        %scan3A_912 = arith.constant 2 : i32
        %scan3A_913 = arith.addi %scan3A_897, %scan3A_912 : i32
        %broadcast_in_dim3A_914 = vector.broadcast %scan3A_913 : i32 to vector<16xi32>
        %gather3A_915 = tpu.vector_load_idx %arg7[%iota3A, %broadcast_in_dim3A_914, %broadcast_in_dim3A_582] : memref<16x200x16xf32, #tpu.memory_space<vmem>>[vector<16xi32>, vector<16xi32>, vector<16xi32>], vector<16xf32>,
        %add3A_916 = arith.constant 0 : i32
        %add3A_917 = arith.addi %add3A_916, %scan3A_913 : i32
        %swap3A_918 = arith.index_cast %add3A_917 : i32 to index
        %swap3A_919 = arith.constant 0 : index
        %swap3A_920 = tpu.vector_load %arg12[%swap3A_918, %swap3A_919] {strides = array<i32>} : memref<400x16xf32, #tpu.memory_space<vmem>>, vector<16xf32>,
        tpu.vector_store %arg12[%swap3A_918, %swap3A_919], %gather3A_915 {strides = array<i32>} : memref<400x16xf32, #tpu.memory_space<vmem>>, vector<16xf32>,
        %scan3A_921 = arith.constant 3 : i32
        %scan3A_922 = arith.addi %scan3A_897, %scan3A_921 : i32
        %broadcast_in_dim3A_923 = vector.broadcast %scan3A_922 : i32 to vector<16xi32>
        %gather3A_924 = tpu.vector_load_idx %arg7[%iota3A, %broadcast_in_dim3A_923, %broadcast_in_dim3A_582] : memref<16x200x16xf32, #tpu.memory_space<vmem>>[vector<16xi32>, vector<16xi32>, vector<16xi32>], vector<16xf32>,
        %add3A_925 = arith.constant 0 : i32
        %add3A_926 = arith.addi %add3A_925, %scan3A_922 : i32
        %swap3A_927 = arith.index_cast %add3A_926 : i32 to index
        %swap3A_928 = arith.constant 0 : index
        %swap3A_929 = tpu.vector_load %arg12[%swap3A_927, %swap3A_928] {strides = array<i32>} : memref<400x16xf32, #tpu.memory_space<vmem>>, vector<16xf32>,
        tpu.vector_store %arg12[%swap3A_927, %swap3A_928], %gather3A_924 {strides = array<i32>} : memref<400x16xf32, #tpu.memory_space<vmem>>, vector<16xf32>,
        %scan3A_930 = arith.constant 4 : i32
        %scan3A_931 = arith.addi %scan3A_897, %scan3A_930 : i32
        %broadcast_in_dim3A_932 = vector.broadcast %scan3A_931 : i32 to vector<16xi32>
        %gather3A_933 = tpu.vector_load_idx %arg7[%iota3A, %broadcast_in_dim3A_932, %broadcast_in_dim3A_582] : memref<16x200x16xf32, #tpu.memory_space<vmem>>[vector<16xi32>, vector<16xi32>, vector<16xi32>], vector<16xf32>,
        %add3A_934 = arith.constant 0 : i32
        %add3A_935 = arith.addi %add3A_934, %scan3A_931 : i32
        %swap3A_936 = arith.index_cast %add3A_935 : i32 to index
        %swap3A_937 = arith.constant 0 : index
        %swap3A_938 = tpu.vector_load %arg12[%swap3A_936, %swap3A_937] {strides = array<i32>} : memref<400x16xf32, #tpu.memory_space<vmem>>, vector<16xf32>,
        tpu.vector_store %arg12[%swap3A_936, %swap3A_937], %gather3A_933 {strides = array<i32>} : memref<400x16xf32, #tpu.memory_space<vmem>>, vector<16xf32>,
        %scan3A_939 = arith.constant 5 : i32
        %scan3A_940 = arith.addi %scan3A_897, %scan3A_939 : i32
        %broadcast_in_dim3A_941 = vector.broadcast %scan3A_940 : i32 to vector<16xi32>
        %gather3A_942 = tpu.vector_load_idx %arg7[%iota3A, %broadcast_in_dim3A_941, %broadcast_in_dim3A_582] : memref<16x200x16xf32, #tpu.memory_space<vmem>>[vector<16xi32>, vector<16xi32>, vector<16xi32>], vector<16xf32>,
        %add3A_943 = arith.constant 0 : i32
        %add3A_944 = arith.addi %add3A_943, %scan3A_940 : i32
        %swap3A_945 = arith.index_cast %add3A_944 : i32 to index
        %swap3A_946 = arith.constant 0 : index
        %swap3A_947 = tpu.vector_load %arg12[%swap3A_945, %swap3A_946] {strides = array<i32>} : memref<400x16xf32, #tpu.memory_space<vmem>>, vector<16xf32>,
        tpu.vector_store %arg12[%swap3A_945, %swap3A_946], %gather3A_942 {strides = array<i32>} : memref<400x16xf32, #tpu.memory_space<vmem>>, vector<16xf32>,
        %scan3A_948 = arith.constant 6 : i32
        %scan3A_949 = arith.addi %scan3A_897, %scan3A_948 : i32
        %broadcast_in_dim3A_950 = vector.broadcast %scan3A_949 : i32 to vector<16xi32>
        %gather3A_951 = tpu.vector_load_idx %arg7[%iota3A, %broadcast_in_dim3A_950, %broadcast_in_dim3A_582] : memref<16x200x16xf32, #tpu.memory_space<vmem>>[vector<16xi32>, vector<16xi32>, vector<16xi32>], vector<16xf32>,
        %add3A_952 = arith.constant 0 : i32
        %add3A_953 = arith.addi %add3A_952, %scan3A_949 : i32
        %swap3A_954 = arith.index_cast %add3A_953 : i32 to index
        %swap3A_955 = arith.constant 0 : index
        %swap3A_956 = tpu.vector_load %arg12[%swap3A_954, %swap3A_955] {strides = array<i32>} : memref<400x16xf32, #tpu.memory_space<vmem>>, vector<16xf32>,
        tpu.vector_store %arg12[%swap3A_954, %swap3A_955], %gather3A_951 {strides = array<i32>} : memref<400x16xf32, #tpu.memory_space<vmem>>, vector<16xf32>,
        %scan3A_957 = arith.constant 7 : i32
        %scan3A_958 = arith.addi %scan3A_897, %scan3A_957 : i32
        %broadcast_in_dim3A_959 = vector.broadcast %scan3A_958 : i32 to vector<16xi32>
        %gather3A_960 = tpu.vector_load_idx %arg7[%iota3A, %broadcast_in_dim3A_959, %broadcast_in_dim3A_582] : memref<16x200x16xf32, #tpu.memory_space<vmem>>[vector<16xi32>, vector<16xi32>, vector<16xi32>], vector<16xf32>,
        %add3A_961 = arith.constant 0 : i32
        %add3A_962 = arith.addi %add3A_961, %scan3A_958 : i32
        %swap3A_963 = arith.index_cast %add3A_962 : i32 to index
        %swap3A_964 = arith.constant 0 : index
        %swap3A_965 = tpu.vector_load %arg12[%swap3A_963, %swap3A_964] {strides = array<i32>} : memref<400x16xf32, #tpu.memory_space<vmem>>, vector<16xf32>,
        tpu.vector_store %arg12[%swap3A_963, %swap3A_964], %gather3A_960 {strides = array<i32>} : memref<400x16xf32, #tpu.memory_space<vmem>>, vector<16xf32>,
      }
      %scan3A_588 = arith.constant 200 : i32
      %broadcast_in_dim3A_589 = arith.constant 11 : i32
      %broadcast_in_dim3A_590 = vector.broadcast %broadcast_in_dim3A_589 : i32 to vector<16xi32>
      %scan3A_591 = arith.constant 0 : i32
      %scan3A_592 = arith.constant 0 : i32
      %scan3A_593 = arith.constant 200 : i32
      %scan3A_594 = arith.addi %scan3A_592, %scan3A_593 : i32
      %scan3A_595 = arith.constant 8 : i32
      scf.for %scan3A_897 = %scan3A_592 to %scan3A_594 step %scan3A_595  : i32 {
        %broadcast_in_dim3A_898 = vector.broadcast %scan3A_897 : i32 to vector<16xi32>
        %gather3A = tpu.vector_load_idx %arg7[%iota3A, %broadcast_in_dim3A_898, %broadcast_in_dim3A_590] : memref<16x200x16xf32, #tpu.memory_space<vmem>>[vector<16xi32>, vector<16xi32>, vector<16xi32>], vector<16xf32>,
        %add3A_899 = arith.constant 200 : i32
        %add3A_900 = arith.addi %add3A_899, %scan3A_897 : i32
        %swap3A = arith.index_cast %add3A_900 : i32 to index
        %swap3A_901 = arith.constant 0 : index
        %swap3A_902 = tpu.vector_load %arg12[%swap3A, %swap3A_901] {strides = array<i32>} : memref<400x16xf32, #tpu.memory_space<vmem>>, vector<16xf32>,
        tpu.vector_store %arg12[%swap3A, %swap3A_901], %gather3A {strides = array<i32>} : memref<400x16xf32, #tpu.memory_space<vmem>>, vector<16xf32>,
        %scan3A_903 = arith.constant 1 : i32
        %scan3A_904 = arith.addi %scan3A_897, %scan3A_903 : i32
        %broadcast_in_dim3A_905 = vector.broadcast %scan3A_904 : i32 to vector<16xi32>
        %gather3A_906 = tpu.vector_load_idx %arg7[%iota3A, %broadcast_in_dim3A_905, %broadcast_in_dim3A_590] : memref<16x200x16xf32, #tpu.memory_space<vmem>>[vector<16xi32>, vector<16xi32>, vector<16xi32>], vector<16xf32>,
        %add3A_907 = arith.constant 200 : i32
        %add3A_908 = arith.addi %add3A_907, %scan3A_904 : i32
        %swap3A_909 = arith.index_cast %add3A_908 : i32 to index
        %swap3A_910 = arith.constant 0 : index
        %swap3A_911 = tpu.vector_load %arg12[%swap3A_909, %swap3A_910] {strides = array<i32>} : memref<400x16xf32, #tpu.memory_space<vmem>>, vector<16xf32>,
        tpu.vector_store %arg12[%swap3A_909, %swap3A_910], %gather3A_906 {strides = array<i32>} : memref<400x16xf32, #tpu.memory_space<vmem>>, vector<16xf32>,
        %scan3A_912 = arith.constant 2 : i32
        %scan3A_913 = arith.addi %scan3A_897, %scan3A_912 : i32
        %broadcast_in_dim3A_914 = vector.broadcast %scan3A_913 : i32 to vector<16xi32>
        %gather3A_915 = tpu.vector_load_idx %arg7[%iota3A, %broadcast_in_dim3A_914, %broadcast_in_dim3A_590] : memref<16x200x16xf32, #tpu.memory_space<vmem>>[vector<16xi32>, vector<16xi32>, vector<16xi32>], vector<16xf32>,
        %add3A_916 = arith.constant 200 : i32
        %add3A_917 = arith.addi %add3A_916, %scan3A_913 : i32
        %swap3A_918 = arith.index_cast %add3A_917 : i32 to index
        %swap3A_919 = arith.constant 0 : index
        %swap3A_920 = tpu.vector_load %arg12[%swap3A_918, %swap3A_919] {strides = array<i32>} : memref<400x16xf32, #tpu.memory_space<vmem>>, vector<16xf32>,
        tpu.vector_store %arg12[%swap3A_918, %swap3A_919], %gather3A_915 {strides = array<i32>} : memref<400x16xf32, #tpu.memory_space<vmem>>, vector<16xf32>,
        %scan3A_921 = arith.constant 3 : i32
        %scan3A_922 = arith.addi %scan3A_897, %scan3A_921 : i32
        %broadcast_in_dim3A_923 = vector.broadcast %scan3A_922 : i32 to vector<16xi32>
        %gather3A_924 = tpu.vector_load_idx %arg7[%iota3A, %broadcast_in_dim3A_923, %broadcast_in_dim3A_590] : memref<16x200x16xf32, #tpu.memory_space<vmem>>[vector<16xi32>, vector<16xi32>, vector<16xi32>], vector<16xf32>,
        %add3A_925 = arith.constant 200 : i32
        %add3A_926 = arith.addi %add3A_925, %scan3A_922 : i32
        %swap3A_927 = arith.index_cast %add3A_926 : i32 to index
        %swap3A_928 = arith.constant 0 : index
        %swap3A_929 = tpu.vector_load %arg12[%swap3A_927, %swap3A_928] {strides = array<i32>} : memref<400x16xf32, #tpu.memory_space<vmem>>, vector<16xf32>,
        tpu.vector_store %arg12[%swap3A_927, %swap3A_928], %gather3A_924 {strides = array<i32>} : memref<400x16xf32, #tpu.memory_space<vmem>>, vector<16xf32>,
        %scan3A_930 = arith.constant 4 : i32
        %scan3A_931 = arith.addi %scan3A_897, %scan3A_930 : i32
        %broadcast_in_dim3A_932 = vector.broadcast %scan3A_931 : i32 to vector<16xi32>
        %gather3A_933 = tpu.vector_load_idx %arg7[%iota3A, %broadcast_in_dim3A_932, %broadcast_in_dim3A_590] : memref<16x200x16xf32, #tpu.memory_space<vmem>>[vector<16xi32>, vector<16xi32>, vector<16xi32>], vector<16xf32>,
        %add3A_934 = arith.constant 200 : i32
        %add3A_935 = arith.addi %add3A_934, %scan3A_931 : i32
        %swap3A_936 = arith.index_cast %add3A_935 : i32 to index
        %swap3A_937 = arith.constant 0 : index
        %swap3A_938 = tpu.vector_load %arg12[%swap3A_936, %swap3A_937] {strides = array<i32>} : memref<400x16xf32, #tpu.memory_space<vmem>>, vector<16xf32>,
        tpu.vector_store %arg12[%swap3A_936, %swap3A_937], %gather3A_933 {strides = array<i32>} : memref<400x16xf32, #tpu.memory_space<vmem>>, vector<16xf32>,
        %scan3A_939 = arith.constant 5 : i32
        %scan3A_940 = arith.addi %scan3A_897, %scan3A_939 : i32
        %broadcast_in_dim3A_941 = vector.broadcast %scan3A_940 : i32 to vector<16xi32>
        %gather3A_942 = tpu.vector_load_idx %arg7[%iota3A, %broadcast_in_dim3A_941, %broadcast_in_dim3A_590] : memref<16x200x16xf32, #tpu.memory_space<vmem>>[vector<16xi32>, vector<16xi32>, vector<16xi32>], vector<16xf32>,
        %add3A_943 = arith.constant 200 : i32
        %add3A_944 = arith.addi %add3A_943, %scan3A_940 : i32
        %swap3A_945 = arith.index_cast %add3A_944 : i32 to index
        %swap3A_946 = arith.constant 0 : index
        %swap3A_947 = tpu.vector_load %arg12[%swap3A_945, %swap3A_946] {strides = array<i32>} : memref<400x16xf32, #tpu.memory_space<vmem>>, vector<16xf32>,
        tpu.vector_store %arg12[%swap3A_945, %swap3A_946], %gather3A_942 {strides = array<i32>} : memref<400x16xf32, #tpu.memory_space<vmem>>, vector<16xf32>,
        %scan3A_948 = arith.constant 6 : i32
        %scan3A_949 = arith.addi %scan3A_897, %scan3A_948 : i32
        %broadcast_in_dim3A_950 = vector.broadcast %scan3A_949 : i32 to vector<16xi32>
        %gather3A_951 = tpu.vector_load_idx %arg7[%iota3A, %broadcast_in_dim3A_950, %broadcast_in_dim3A_590] : memref<16x200x16xf32, #tpu.memory_space<vmem>>[vector<16xi32>, vector<16xi32>, vector<16xi32>], vector<16xf32>,
        %add3A_952 = arith.constant 200 : i32
        %add3A_953 = arith.addi %add3A_952, %scan3A_949 : i32
        %swap3A_954 = arith.index_cast %add3A_953 : i32 to index
        %swap3A_955 = arith.constant 0 : index
        %swap3A_956 = tpu.vector_load %arg12[%swap3A_954, %swap3A_955] {strides = array<i32>} : memref<400x16xf32, #tpu.memory_space<vmem>>, vector<16xf32>,
        tpu.vector_store %arg12[%swap3A_954, %swap3A_955], %gather3A_951 {strides = array<i32>} : memref<400x16xf32, #tpu.memory_space<vmem>>, vector<16xf32>,
        %scan3A_957 = arith.constant 7 : i32
        %scan3A_958 = arith.addi %scan3A_897, %scan3A_957 : i32
        %broadcast_in_dim3A_959 = vector.broadcast %scan3A_958 : i32 to vector<16xi32>
        %gather3A_960 = tpu.vector_load_idx %arg7[%iota3A, %broadcast_in_dim3A_959, %broadcast_in_dim3A_590] : memref<16x200x16xf32, #tpu.memory_space<vmem>>[vector<16xi32>, vector<16xi32>, vector<16xi32>], vector<16xf32>,
        %add3A_961 = arith.constant 200 : i32
        %add3A_962 = arith.addi %add3A_961, %scan3A_958 : i32
        %swap3A_963 = arith.index_cast %add3A_962 : i32 to index
        %swap3A_964 = arith.constant 0 : index
        %swap3A_965 = tpu.vector_load %arg12[%swap3A_963, %swap3A_964] {strides = array<i32>} : memref<400x16xf32, #tpu.memory_space<vmem>>, vector<16xf32>,
        tpu.vector_store %arg12[%swap3A_963, %swap3A_964], %gather3A_960 {strides = array<i32>} : memref<400x16xf32, #tpu.memory_space<vmem>>, vector<16xf32>,
      }
      %scan3A_596 = arith.constant 200 : i32
      %dma_wait3A_597 = arith.constant 1 : i32
      %dma_wait3A_598 = arith.constant 0 : i32
      %dma_wait3A_599 = arith.constant 0 : i32
      %dma_wait3A_600 = tpu.memref_slice %arg10[%dma_wait3A_597, %dma_wait3A_598, %dma_wait3A_599] : memref<2x400x32xf32, #tpu.memory_space<vmem>> -> memref<1x400x32xf32, #tpu.memory_space<vmem>>
      %dma_wait3A_601 = tpu.memref_squeeze %dma_wait3A_600 : memref<1x400x32xf32, #tpu.memory_space<vmem>> -> memref<400x32xf32, #tpu.memory_space<vmem>>
      %dma_wait3A_602 = arith.constant 2000 : i32
      %dma_wait3A_603 = tpu.memref_slice %arg8[%dma_wait3A_602] : memref<3200xi32, #tpu.memory_space<vmem>> -> memref<400xi32, #tpu.memory_space<vmem>>
      %dma_wait3A_604 = arith.constant 0 : i32
      %dma_wait3A_605 = arith.constant 0 : i32
      %dma_wait3A_606 = tpu.memref_slice %arg3[%dma_wait3A_604, %dma_wait3A_605] : memref<1000001x32xf32, #tpu.memory_space<hbm>> -> memref<1000001x32xf32, #tpu.memory_space<hbm>>
      tpu.wait_indirect_dma semaphore(%arg14 : memref<!tpu.dma_semaphore, #tpu.memory_space<semaphore_mem>>) src(%dma_wait3A_606 : memref<1000001x32xf32, #tpu.memory_space<hbm>>) dst(%dma_wait3A_601 : memref<400x32xf32, #tpu.memory_space<vmem>>)
      %dma_wait3A_607 = arith.constant 1 : i32
      %dma_wait3A_608 = arith.constant 0 : i32
      %dma_wait3A_609 = arith.constant 0 : i32
      %dma_wait3A_610 = tpu.memref_slice %arg11[%dma_wait3A_607, %dma_wait3A_608, %dma_wait3A_609] : memref<2x400x32xf32, #tpu.memory_space<vmem>> -> memref<1x400x32xf32, #tpu.memory_space<vmem>>
      %dma_wait3A_611 = tpu.memref_squeeze %dma_wait3A_610 : memref<1x400x32xf32, #tpu.memory_space<vmem>> -> memref<400x32xf32, #tpu.memory_space<vmem>>
      %dma_wait3A_612 = arith.constant 2000 : i32
      %dma_wait3A_613 = tpu.memref_slice %arg9[%dma_wait3A_612] : memref<3200xi32, #tpu.memory_space<vmem>> -> memref<400xi32, #tpu.memory_space<vmem>>
      %dma_wait3A_614 = arith.constant 0 : i32
      %dma_wait3A_615 = arith.constant 0 : i32
      %dma_wait3A_616 = tpu.memref_slice %arg4[%dma_wait3A_614, %dma_wait3A_615] : memref<100001x32xf32, #tpu.memory_space<hbm>> -> memref<100001x32xf32, #tpu.memory_space<hbm>>
      tpu.wait_indirect_dma semaphore(%arg16 : memref<!tpu.dma_semaphore, #tpu.memory_space<semaphore_mem>>) src(%dma_wait3A_616 : memref<100001x32xf32, #tpu.memory_space<hbm>>) dst(%dma_wait3A_611 : memref<400x32xf32, #tpu.memory_space<vmem>>)
      %add3A_617 = arith.constant 2000 : i32
      %add3A_618 = arith.addi %mul3A_13, %add3A_617 : i32
      %dma_start3A_619 = arith.constant 1 : i32
      %dma_start3A_620 = arith.constant 0 : i32
      %dma_start3A_621 = arith.constant 0 : i32
      %dma_start3A_622 = tpu.memref_slice %arg10[%dma_start3A_619, %dma_start3A_620, %dma_start3A_621] : memref<2x400x32xf32, #tpu.memory_space<vmem>> -> memref<1x400x32xf32, #tpu.memory_space<vmem>>
      %dma_start3A_623 = tpu.memref_squeeze %dma_start3A_622 : memref<1x400x32xf32, #tpu.memory_space<vmem>> -> memref<400x32xf32, #tpu.memory_space<vmem>>
      %dma_start3A_624 = arith.constant 0 : i32
      %dma_start3A_625 = tpu.memref_slice %arg5[%add3A_618, %dma_start3A_624] : memref<819200x80xf32, #tpu.memory_space<hbm>> -> memref<400x32xf32, #tpu.memory_space<hbm>>
      %dma_start3A_626 = arith.constant 0 : i32
      %dma_start3A_627 = tpu.memref_slice %arg5[%add3A_618, %dma_start3A_626] : memref<819200x80xf32, #tpu.memory_space<hbm>> -> memref<400x32xf32, #tpu.memory_space<hbm>>
      %dma_start3A_628 = arith.constant 0 : i32
      %dma_start3A_629 = arith.constant 0 : i32
      %dma_start3A_630 = tpu.memref_slice %arg10[%dma_start3A_619, %dma_start3A_628, %dma_start3A_629] : memref<2x400x32xf32, #tpu.memory_space<vmem>> -> memref<1x400x32xf32, #tpu.memory_space<vmem>>
      %dma_start3A_631 = tpu.memref_squeeze %dma_start3A_630 : memref<1x400x32xf32, #tpu.memory_space<vmem>> -> memref<400x32xf32, #tpu.memory_space<vmem>>
      tpu.enqueue_dma source(%dma_start3A_631 : memref<400x32xf32, #tpu.memory_space<vmem>>) target(%dma_start3A_627 : memref<400x32xf32, #tpu.memory_space<hbm>>) target_semaphore(%arg18 : memref<!tpu.dma_semaphore, #tpu.memory_space<semaphore_mem>>)
      %dma_start3A_632 = arith.constant 1 : i32
      %dma_start3A_633 = arith.constant 0 : i32
      %dma_start3A_634 = arith.constant 0 : i32
      %dma_start3A_635 = tpu.memref_slice %arg11[%dma_start3A_632, %dma_start3A_633, %dma_start3A_634] : memref<2x400x32xf32, #tpu.memory_space<vmem>> -> memref<1x400x32xf32, #tpu.memory_space<vmem>>
      %dma_start3A_636 = tpu.memref_squeeze %dma_start3A_635 : memref<1x400x32xf32, #tpu.memory_space<vmem>> -> memref<400x32xf32, #tpu.memory_space<vmem>>
      %dma_start3A_637 = arith.constant 32 : i32
      %dma_start3A_638 = tpu.memref_slice %arg5[%add3A_618, %dma_start3A_637] : memref<819200x80xf32, #tpu.memory_space<hbm>> -> memref<400x32xf32, #tpu.memory_space<hbm>>
      %dma_start3A_639 = arith.constant 32 : i32
      %dma_start3A_640 = tpu.memref_slice %arg5[%add3A_618, %dma_start3A_639] : memref<819200x80xf32, #tpu.memory_space<hbm>> -> memref<400x32xf32, #tpu.memory_space<hbm>>
      %dma_start3A_641 = arith.constant 0 : i32
      %dma_start3A_642 = arith.constant 0 : i32
      %dma_start3A_643 = tpu.memref_slice %arg11[%dma_start3A_632, %dma_start3A_641, %dma_start3A_642] : memref<2x400x32xf32, #tpu.memory_space<vmem>> -> memref<1x400x32xf32, #tpu.memory_space<vmem>>
      %dma_start3A_644 = tpu.memref_squeeze %dma_start3A_643 : memref<1x400x32xf32, #tpu.memory_space<vmem>> -> memref<400x32xf32, #tpu.memory_space<vmem>>
      tpu.enqueue_dma source(%dma_start3A_644 : memref<400x32xf32, #tpu.memory_space<vmem>>) target(%dma_start3A_640 : memref<400x32xf32, #tpu.memory_space<hbm>>) target_semaphore(%arg18 : memref<!tpu.dma_semaphore, #tpu.memory_space<semaphore_mem>>)
      "tpu.region"() ({
        %run_scoped3A = tpu.sem_alloc : memref<!tpu.dma_semaphore, #tpu.memory_space<semaphore_mem>>
        %dma_start3A_897 = arith.constant 64 : i32
        %dma_start3A_898 = tpu.memref_slice %arg5[%add3A_618, %dma_start3A_897] : memref<819200x80xf32, #tpu.memory_space<hbm>> -> memref<400x16xf32, #tpu.memory_space<hbm>>
        %dma_start3A_899 = arith.constant 64 : i32
        %dma_start3A_900 = tpu.memref_slice %arg5[%add3A_618, %dma_start3A_899] : memref<819200x80xf32, #tpu.memory_space<hbm>> -> memref<400x16xf32, #tpu.memory_space<hbm>>
        tpu.enqueue_dma source(%arg12 : memref<400x16xf32, #tpu.memory_space<vmem>>) target(%dma_start3A_900 : memref<400x16xf32, #tpu.memory_space<hbm>>) target_semaphore(%run_scoped3A : memref<!tpu.dma_semaphore, #tpu.memory_space<semaphore_mem>>)
        %dma_wait3A_901 = arith.constant 64 : i32
        %dma_wait3A_902 = tpu.memref_slice %arg5[%add3A_618, %dma_wait3A_901] : memref<819200x80xf32, #tpu.memory_space<hbm>> -> memref<400x16xf32, #tpu.memory_space<hbm>>
        %dma_wait3A_903 = arith.constant 64 : i32
        %dma_wait3A_904 = tpu.memref_slice %arg5[%add3A_618, %dma_wait3A_903] : memref<819200x80xf32, #tpu.memory_space<hbm>> -> memref<400x16xf32, #tpu.memory_space<hbm>>
        tpu.wait_dma2 semaphore(%run_scoped3A : memref<!tpu.dma_semaphore, #tpu.memory_space<semaphore_mem>>) src(%arg12 : memref<400x16xf32, #tpu.memory_space<vmem>>) dst(%dma_wait3A_904 : memref<400x16xf32, #tpu.memory_space<hbm>>)
        tpu.yield
      }) : () -> ()
      %dma_wait3A_645 = arith.constant 0 : i32
      %dma_wait3A_646 = arith.constant 0 : i32
      %dma_wait3A_647 = arith.constant 0 : i32
      %dma_wait3A_648 = tpu.memref_slice %arg10[%dma_wait3A_645, %dma_wait3A_646, %dma_wait3A_647] : memref<2x400x32xf32, #tpu.memory_space<vmem>> -> memref<1x400x32xf32, #tpu.memory_space<vmem>>
      %dma_wait3A_649 = tpu.memref_squeeze %dma_wait3A_648 : memref<1x400x32xf32, #tpu.memory_space<vmem>> -> memref<400x32xf32, #tpu.memory_space<vmem>>
      %dma_wait3A_650 = arith.constant 0 : i32
      %dma_wait3A_651 = tpu.memref_slice %arg5[%add3A_508, %dma_wait3A_650] : memref<819200x80xf32, #tpu.memory_space<hbm>> -> memref<400x32xf32, #tpu.memory_space<hbm>>
      %dma_wait3A_652 = arith.constant 0 : i32
      %dma_wait3A_653 = tpu.memref_slice %arg5[%add3A_508, %dma_wait3A_652] : memref<819200x80xf32, #tpu.memory_space<hbm>> -> memref<400x32xf32, #tpu.memory_space<hbm>>
      %dma_wait3A_654 = arith.constant 0 : i32
      %dma_wait3A_655 = arith.constant 0 : i32
      %dma_wait3A_656 = tpu.memref_slice %arg10[%dma_wait3A_645, %dma_wait3A_654, %dma_wait3A_655] : memref<2x400x32xf32, #tpu.memory_space<vmem>> -> memref<1x400x32xf32, #tpu.memory_space<vmem>>
      %dma_wait3A_657 = tpu.memref_squeeze %dma_wait3A_656 : memref<1x400x32xf32, #tpu.memory_space<vmem>> -> memref<400x32xf32, #tpu.memory_space<vmem>>
      tpu.wait_dma2 semaphore(%arg17 : memref<!tpu.dma_semaphore, #tpu.memory_space<semaphore_mem>>) src(%dma_wait3A_657 : memref<400x32xf32, #tpu.memory_space<vmem>>) dst(%dma_wait3A_653 : memref<400x32xf32, #tpu.memory_space<hbm>>)
      %dma_wait3A_658 = arith.constant 0 : i32
      %dma_wait3A_659 = arith.constant 0 : i32
      %dma_wait3A_660 = arith.constant 0 : i32
      %dma_wait3A_661 = tpu.memref_slice %arg11[%dma_wait3A_658, %dma_wait3A_659, %dma_wait3A_660] : memref<2x400x32xf32, #tpu.memory_space<vmem>> -> memref<1x400x32xf32, #tpu.memory_space<vmem>>
      %dma_wait3A_662 = tpu.memref_squeeze %dma_wait3A_661 : memref<1x400x32xf32, #tpu.memory_space<vmem>> -> memref<400x32xf32, #tpu.memory_space<vmem>>
      %dma_wait3A_663 = arith.constant 32 : i32
      %dma_wait3A_664 = tpu.memref_slice %arg5[%add3A_508, %dma_wait3A_663] : memref<819200x80xf32, #tpu.memory_space<hbm>> -> memref<400x32xf32, #tpu.memory_space<hbm>>
      %dma_wait3A_665 = arith.constant 32 : i32
      %dma_wait3A_666 = tpu.memref_slice %arg5[%add3A_508, %dma_wait3A_665] : memref<819200x80xf32, #tpu.memory_space<hbm>> -> memref<400x32xf32, #tpu.memory_space<hbm>>
      %dma_wait3A_667 = arith.constant 0 : i32
      %dma_wait3A_668 = arith.constant 0 : i32
      %dma_wait3A_669 = tpu.memref_slice %arg11[%dma_wait3A_658, %dma_wait3A_667, %dma_wait3A_668] : memref<2x400x32xf32, #tpu.memory_space<vmem>> -> memref<1x400x32xf32, #tpu.memory_space<vmem>>
      %dma_wait3A_670 = tpu.memref_squeeze %dma_wait3A_669 : memref<1x400x32xf32, #tpu.memory_space<vmem>> -> memref<400x32xf32, #tpu.memory_space<vmem>>
      tpu.wait_dma2 semaphore(%arg17 : memref<!tpu.dma_semaphore, #tpu.memory_space<semaphore_mem>>) src(%dma_wait3A_670 : memref<400x32xf32, #tpu.memory_space<vmem>>) dst(%dma_wait3A_666 : memref<400x32xf32, #tpu.memory_space<hbm>>)
      %dma_start3A_671 = arith.constant 1 : i32
      %dma_start3A_672 = arith.constant 0 : i32
      %dma_start3A_673 = arith.constant 0 : i32
      %dma_start3A_674 = tpu.memref_slice %arg10[%dma_start3A_671, %dma_start3A_672, %dma_start3A_673] : memref<2x400x32xf32, #tpu.memory_space<vmem>> -> memref<1x400x32xf32, #tpu.memory_space<vmem>>
      %dma_start3A_675 = tpu.memref_squeeze %dma_start3A_674 : memref<1x400x32xf32, #tpu.memory_space<vmem>> -> memref<400x32xf32, #tpu.memory_space<vmem>>
      %dma_start3A_676 = arith.constant 2800 : i32
      %dma_start3A_677 = tpu.memref_slice %arg8[%dma_start3A_676] : memref<3200xi32, #tpu.memory_space<vmem>> -> memref<400xi32, #tpu.memory_space<vmem>>
      %dma_start3A_678 = arith.constant 0 : i32
      %dma_start3A_679 = arith.constant 0 : i32
      %dma_start3A_680 = tpu.memref_slice %arg3[%dma_start3A_678, %dma_start3A_679] : memref<1000001x32xf32, #tpu.memory_space<hbm>> -> memref<1000001x32xf32, #tpu.memory_space<hbm>>
      tpu.enqueue_indirect_dma source(%dma_start3A_680 : memref<1000001x32xf32, #tpu.memory_space<hbm>>) target(%dma_start3A_675 : memref<400x32xf32, #tpu.memory_space<vmem>>) offsets(%dma_start3A_677 : memref<400xi32, #tpu.memory_space<vmem>>) semaphore(%arg14 : memref<!tpu.dma_semaphore, #tpu.memory_space<semaphore_mem>>)
      %dma_start3A_681 = arith.constant 1 : i32
      %dma_start3A_682 = arith.constant 0 : i32
      %dma_start3A_683 = arith.constant 0 : i32
      %dma_start3A_684 = tpu.memref_slice %arg11[%dma_start3A_681, %dma_start3A_682, %dma_start3A_683] : memref<2x400x32xf32, #tpu.memory_space<vmem>> -> memref<1x400x32xf32, #tpu.memory_space<vmem>>
      %dma_start3A_685 = tpu.memref_squeeze %dma_start3A_684 : memref<1x400x32xf32, #tpu.memory_space<vmem>> -> memref<400x32xf32, #tpu.memory_space<vmem>>
      %dma_start3A_686 = arith.constant 2800 : i32
      %dma_start3A_687 = tpu.memref_slice %arg9[%dma_start3A_686] : memref<3200xi32, #tpu.memory_space<vmem>> -> memref<400xi32, #tpu.memory_space<vmem>>
      %dma_start3A_688 = arith.constant 0 : i32
      %dma_start3A_689 = arith.constant 0 : i32
      %dma_start3A_690 = tpu.memref_slice %arg4[%dma_start3A_688, %dma_start3A_689] : memref<100001x32xf32, #tpu.memory_space<hbm>> -> memref<100001x32xf32, #tpu.memory_space<hbm>>
      tpu.enqueue_indirect_dma source(%dma_start3A_690 : memref<100001x32xf32, #tpu.memory_space<hbm>>) target(%dma_start3A_685 : memref<400x32xf32, #tpu.memory_space<vmem>>) offsets(%dma_start3A_687 : memref<400xi32, #tpu.memory_space<vmem>>) semaphore(%arg16 : memref<!tpu.dma_semaphore, #tpu.memory_space<semaphore_mem>>)
      %broadcast_in_dim3A_691 = arith.constant 12 : i32
      %broadcast_in_dim3A_692 = vector.broadcast %broadcast_in_dim3A_691 : i32 to vector<16xi32>
      %scan3A_693 = arith.constant 0 : i32
      %scan3A_694 = arith.constant 0 : i32
      %scan3A_695 = arith.constant 200 : i32
      %scan3A_696 = arith.addi %scan3A_694, %scan3A_695 : i32
      %scan3A_697 = arith.constant 8 : i32
      scf.for %scan3A_897 = %scan3A_694 to %scan3A_696 step %scan3A_697  : i32 {
        %broadcast_in_dim3A_898 = vector.broadcast %scan3A_897 : i32 to vector<16xi32>
        %gather3A = tpu.vector_load_idx %arg7[%iota3A, %broadcast_in_dim3A_898, %broadcast_in_dim3A_692] : memref<16x200x16xf32, #tpu.memory_space<vmem>>[vector<16xi32>, vector<16xi32>, vector<16xi32>], vector<16xf32>,
        %add3A_899 = arith.constant 0 : i32
        %add3A_900 = arith.addi %add3A_899, %scan3A_897 : i32
        %swap3A = arith.index_cast %add3A_900 : i32 to index
        %swap3A_901 = arith.constant 0 : index
        %swap3A_902 = tpu.vector_load %arg12[%swap3A, %swap3A_901] {strides = array<i32>} : memref<400x16xf32, #tpu.memory_space<vmem>>, vector<16xf32>,
        tpu.vector_store %arg12[%swap3A, %swap3A_901], %gather3A {strides = array<i32>} : memref<400x16xf32, #tpu.memory_space<vmem>>, vector<16xf32>,
        %scan3A_903 = arith.constant 1 : i32
        %scan3A_904 = arith.addi %scan3A_897, %scan3A_903 : i32
        %broadcast_in_dim3A_905 = vector.broadcast %scan3A_904 : i32 to vector<16xi32>
        %gather3A_906 = tpu.vector_load_idx %arg7[%iota3A, %broadcast_in_dim3A_905, %broadcast_in_dim3A_692] : memref<16x200x16xf32, #tpu.memory_space<vmem>>[vector<16xi32>, vector<16xi32>, vector<16xi32>], vector<16xf32>,
        %add3A_907 = arith.constant 0 : i32
        %add3A_908 = arith.addi %add3A_907, %scan3A_904 : i32
        %swap3A_909 = arith.index_cast %add3A_908 : i32 to index
        %swap3A_910 = arith.constant 0 : index
        %swap3A_911 = tpu.vector_load %arg12[%swap3A_909, %swap3A_910] {strides = array<i32>} : memref<400x16xf32, #tpu.memory_space<vmem>>, vector<16xf32>,
        tpu.vector_store %arg12[%swap3A_909, %swap3A_910], %gather3A_906 {strides = array<i32>} : memref<400x16xf32, #tpu.memory_space<vmem>>, vector<16xf32>,
        %scan3A_912 = arith.constant 2 : i32
        %scan3A_913 = arith.addi %scan3A_897, %scan3A_912 : i32
        %broadcast_in_dim3A_914 = vector.broadcast %scan3A_913 : i32 to vector<16xi32>
        %gather3A_915 = tpu.vector_load_idx %arg7[%iota3A, %broadcast_in_dim3A_914, %broadcast_in_dim3A_692] : memref<16x200x16xf32, #tpu.memory_space<vmem>>[vector<16xi32>, vector<16xi32>, vector<16xi32>], vector<16xf32>,
        %add3A_916 = arith.constant 0 : i32
        %add3A_917 = arith.addi %add3A_916, %scan3A_913 : i32
        %swap3A_918 = arith.index_cast %add3A_917 : i32 to index
        %swap3A_919 = arith.constant 0 : index
        %swap3A_920 = tpu.vector_load %arg12[%swap3A_918, %swap3A_919] {strides = array<i32>} : memref<400x16xf32, #tpu.memory_space<vmem>>, vector<16xf32>,
        tpu.vector_store %arg12[%swap3A_918, %swap3A_919], %gather3A_915 {strides = array<i32>} : memref<400x16xf32, #tpu.memory_space<vmem>>, vector<16xf32>,
        %scan3A_921 = arith.constant 3 : i32
        %scan3A_922 = arith.addi %scan3A_897, %scan3A_921 : i32
        %broadcast_in_dim3A_923 = vector.broadcast %scan3A_922 : i32 to vector<16xi32>
        %gather3A_924 = tpu.vector_load_idx %arg7[%iota3A, %broadcast_in_dim3A_923, %broadcast_in_dim3A_692] : memref<16x200x16xf32, #tpu.memory_space<vmem>>[vector<16xi32>, vector<16xi32>, vector<16xi32>], vector<16xf32>,
        %add3A_925 = arith.constant 0 : i32
        %add3A_926 = arith.addi %add3A_925, %scan3A_922 : i32
        %swap3A_927 = arith.index_cast %add3A_926 : i32 to index
        %swap3A_928 = arith.constant 0 : index
        %swap3A_929 = tpu.vector_load %arg12[%swap3A_927, %swap3A_928] {strides = array<i32>} : memref<400x16xf32, #tpu.memory_space<vmem>>, vector<16xf32>,
        tpu.vector_store %arg12[%swap3A_927, %swap3A_928], %gather3A_924 {strides = array<i32>} : memref<400x16xf32, #tpu.memory_space<vmem>>, vector<16xf32>,
        %scan3A_930 = arith.constant 4 : i32
        %scan3A_931 = arith.addi %scan3A_897, %scan3A_930 : i32
        %broadcast_in_dim3A_932 = vector.broadcast %scan3A_931 : i32 to vector<16xi32>
        %gather3A_933 = tpu.vector_load_idx %arg7[%iota3A, %broadcast_in_dim3A_932, %broadcast_in_dim3A_692] : memref<16x200x16xf32, #tpu.memory_space<vmem>>[vector<16xi32>, vector<16xi32>, vector<16xi32>], vector<16xf32>,
        %add3A_934 = arith.constant 0 : i32
        %add3A_935 = arith.addi %add3A_934, %scan3A_931 : i32
        %swap3A_936 = arith.index_cast %add3A_935 : i32 to index
        %swap3A_937 = arith.constant 0 : index
        %swap3A_938 = tpu.vector_load %arg12[%swap3A_936, %swap3A_937] {strides = array<i32>} : memref<400x16xf32, #tpu.memory_space<vmem>>, vector<16xf32>,
        tpu.vector_store %arg12[%swap3A_936, %swap3A_937], %gather3A_933 {strides = array<i32>} : memref<400x16xf32, #tpu.memory_space<vmem>>, vector<16xf32>,
        %scan3A_939 = arith.constant 5 : i32
        %scan3A_940 = arith.addi %scan3A_897, %scan3A_939 : i32
        %broadcast_in_dim3A_941 = vector.broadcast %scan3A_940 : i32 to vector<16xi32>
        %gather3A_942 = tpu.vector_load_idx %arg7[%iota3A, %broadcast_in_dim3A_941, %broadcast_in_dim3A_692] : memref<16x200x16xf32, #tpu.memory_space<vmem>>[vector<16xi32>, vector<16xi32>, vector<16xi32>], vector<16xf32>,
        %add3A_943 = arith.constant 0 : i32
        %add3A_944 = arith.addi %add3A_943, %scan3A_940 : i32
        %swap3A_945 = arith.index_cast %add3A_944 : i32 to index
        %swap3A_946 = arith.constant 0 : index
        %swap3A_947 = tpu.vector_load %arg12[%swap3A_945, %swap3A_946] {strides = array<i32>} : memref<400x16xf32, #tpu.memory_space<vmem>>, vector<16xf32>,
        tpu.vector_store %arg12[%swap3A_945, %swap3A_946], %gather3A_942 {strides = array<i32>} : memref<400x16xf32, #tpu.memory_space<vmem>>, vector<16xf32>,
        %scan3A_948 = arith.constant 6 : i32
        %scan3A_949 = arith.addi %scan3A_897, %scan3A_948 : i32
        %broadcast_in_dim3A_950 = vector.broadcast %scan3A_949 : i32 to vector<16xi32>
        %gather3A_951 = tpu.vector_load_idx %arg7[%iota3A, %broadcast_in_dim3A_950, %broadcast_in_dim3A_692] : memref<16x200x16xf32, #tpu.memory_space<vmem>>[vector<16xi32>, vector<16xi32>, vector<16xi32>], vector<16xf32>,
        %add3A_952 = arith.constant 0 : i32
        %add3A_953 = arith.addi %add3A_952, %scan3A_949 : i32
        %swap3A_954 = arith.index_cast %add3A_953 : i32 to index
        %swap3A_955 = arith.constant 0 : index
        %swap3A_956 = tpu.vector_load %arg12[%swap3A_954, %swap3A_955] {strides = array<i32>} : memref<400x16xf32, #tpu.memory_space<vmem>>, vector<16xf32>,
        tpu.vector_store %arg12[%swap3A_954, %swap3A_955], %gather3A_951 {strides = array<i32>} : memref<400x16xf32, #tpu.memory_space<vmem>>, vector<16xf32>,
        %scan3A_957 = arith.constant 7 : i32
        %scan3A_958 = arith.addi %scan3A_897, %scan3A_957 : i32
        %broadcast_in_dim3A_959 = vector.broadcast %scan3A_958 : i32 to vector<16xi32>
        %gather3A_960 = tpu.vector_load_idx %arg7[%iota3A, %broadcast_in_dim3A_959, %broadcast_in_dim3A_692] : memref<16x200x16xf32, #tpu.memory_space<vmem>>[vector<16xi32>, vector<16xi32>, vector<16xi32>], vector<16xf32>,
        %add3A_961 = arith.constant 0 : i32
        %add3A_962 = arith.addi %add3A_961, %scan3A_958 : i32
        %swap3A_963 = arith.index_cast %add3A_962 : i32 to index
        %swap3A_964 = arith.constant 0 : index
        %swap3A_965 = tpu.vector_load %arg12[%swap3A_963, %swap3A_964] {strides = array<i32>} : memref<400x16xf32, #tpu.memory_space<vmem>>, vector<16xf32>,
        tpu.vector_store %arg12[%swap3A_963, %swap3A_964], %gather3A_960 {strides = array<i32>} : memref<400x16xf32, #tpu.memory_space<vmem>>, vector<16xf32>,
      }
      %scan3A_698 = arith.constant 200 : i32
      %broadcast_in_dim3A_699 = arith.constant 13 : i32
      %broadcast_in_dim3A_700 = vector.broadcast %broadcast_in_dim3A_699 : i32 to vector<16xi32>
      %scan3A_701 = arith.constant 0 : i32
      %scan3A_702 = arith.constant 0 : i32
      %scan3A_703 = arith.constant 200 : i32
      %scan3A_704 = arith.addi %scan3A_702, %scan3A_703 : i32
      %scan3A_705 = arith.constant 8 : i32
      scf.for %scan3A_897 = %scan3A_702 to %scan3A_704 step %scan3A_705  : i32 {
        %broadcast_in_dim3A_898 = vector.broadcast %scan3A_897 : i32 to vector<16xi32>
        %gather3A = tpu.vector_load_idx %arg7[%iota3A, %broadcast_in_dim3A_898, %broadcast_in_dim3A_700] : memref<16x200x16xf32, #tpu.memory_space<vmem>>[vector<16xi32>, vector<16xi32>, vector<16xi32>], vector<16xf32>,
        %add3A_899 = arith.constant 200 : i32
        %add3A_900 = arith.addi %add3A_899, %scan3A_897 : i32
        %swap3A = arith.index_cast %add3A_900 : i32 to index
        %swap3A_901 = arith.constant 0 : index
        %swap3A_902 = tpu.vector_load %arg12[%swap3A, %swap3A_901] {strides = array<i32>} : memref<400x16xf32, #tpu.memory_space<vmem>>, vector<16xf32>,
        tpu.vector_store %arg12[%swap3A, %swap3A_901], %gather3A {strides = array<i32>} : memref<400x16xf32, #tpu.memory_space<vmem>>, vector<16xf32>,
        %scan3A_903 = arith.constant 1 : i32
        %scan3A_904 = arith.addi %scan3A_897, %scan3A_903 : i32
        %broadcast_in_dim3A_905 = vector.broadcast %scan3A_904 : i32 to vector<16xi32>
        %gather3A_906 = tpu.vector_load_idx %arg7[%iota3A, %broadcast_in_dim3A_905, %broadcast_in_dim3A_700] : memref<16x200x16xf32, #tpu.memory_space<vmem>>[vector<16xi32>, vector<16xi32>, vector<16xi32>], vector<16xf32>,
        %add3A_907 = arith.constant 200 : i32
        %add3A_908 = arith.addi %add3A_907, %scan3A_904 : i32
        %swap3A_909 = arith.index_cast %add3A_908 : i32 to index
        %swap3A_910 = arith.constant 0 : index
        %swap3A_911 = tpu.vector_load %arg12[%swap3A_909, %swap3A_910] {strides = array<i32>} : memref<400x16xf32, #tpu.memory_space<vmem>>, vector<16xf32>,
        tpu.vector_store %arg12[%swap3A_909, %swap3A_910], %gather3A_906 {strides = array<i32>} : memref<400x16xf32, #tpu.memory_space<vmem>>, vector<16xf32>,
        %scan3A_912 = arith.constant 2 : i32
        %scan3A_913 = arith.addi %scan3A_897, %scan3A_912 : i32
        %broadcast_in_dim3A_914 = vector.broadcast %scan3A_913 : i32 to vector<16xi32>
        %gather3A_915 = tpu.vector_load_idx %arg7[%iota3A, %broadcast_in_dim3A_914, %broadcast_in_dim3A_700] : memref<16x200x16xf32, #tpu.memory_space<vmem>>[vector<16xi32>, vector<16xi32>, vector<16xi32>], vector<16xf32>,
        %add3A_916 = arith.constant 200 : i32
        %add3A_917 = arith.addi %add3A_916, %scan3A_913 : i32
        %swap3A_918 = arith.index_cast %add3A_917 : i32 to index
        %swap3A_919 = arith.constant 0 : index
        %swap3A_920 = tpu.vector_load %arg12[%swap3A_918, %swap3A_919] {strides = array<i32>} : memref<400x16xf32, #tpu.memory_space<vmem>>, vector<16xf32>,
        tpu.vector_store %arg12[%swap3A_918, %swap3A_919], %gather3A_915 {strides = array<i32>} : memref<400x16xf32, #tpu.memory_space<vmem>>, vector<16xf32>,
        %scan3A_921 = arith.constant 3 : i32
        %scan3A_922 = arith.addi %scan3A_897, %scan3A_921 : i32
        %broadcast_in_dim3A_923 = vector.broadcast %scan3A_922 : i32 to vector<16xi32>
        %gather3A_924 = tpu.vector_load_idx %arg7[%iota3A, %broadcast_in_dim3A_923, %broadcast_in_dim3A_700] : memref<16x200x16xf32, #tpu.memory_space<vmem>>[vector<16xi32>, vector<16xi32>, vector<16xi32>], vector<16xf32>,
        %add3A_925 = arith.constant 200 : i32
        %add3A_926 = arith.addi %add3A_925, %scan3A_922 : i32
        %swap3A_927 = arith.index_cast %add3A_926 : i32 to index
        %swap3A_928 = arith.constant 0 : index
        %swap3A_929 = tpu.vector_load %arg12[%swap3A_927, %swap3A_928] {strides = array<i32>} : memref<400x16xf32, #tpu.memory_space<vmem>>, vector<16xf32>,
        tpu.vector_store %arg12[%swap3A_927, %swap3A_928], %gather3A_924 {strides = array<i32>} : memref<400x16xf32, #tpu.memory_space<vmem>>, vector<16xf32>,
        %scan3A_930 = arith.constant 4 : i32
        %scan3A_931 = arith.addi %scan3A_897, %scan3A_930 : i32
        %broadcast_in_dim3A_932 = vector.broadcast %scan3A_931 : i32 to vector<16xi32>
        %gather3A_933 = tpu.vector_load_idx %arg7[%iota3A, %broadcast_in_dim3A_932, %broadcast_in_dim3A_700] : memref<16x200x16xf32, #tpu.memory_space<vmem>>[vector<16xi32>, vector<16xi32>, vector<16xi32>], vector<16xf32>,
        %add3A_934 = arith.constant 200 : i32
        %add3A_935 = arith.addi %add3A_934, %scan3A_931 : i32
        %swap3A_936 = arith.index_cast %add3A_935 : i32 to index
        %swap3A_937 = arith.constant 0 : index
        %swap3A_938 = tpu.vector_load %arg12[%swap3A_936, %swap3A_937] {strides = array<i32>} : memref<400x16xf32, #tpu.memory_space<vmem>>, vector<16xf32>,
        tpu.vector_store %arg12[%swap3A_936, %swap3A_937], %gather3A_933 {strides = array<i32>} : memref<400x16xf32, #tpu.memory_space<vmem>>, vector<16xf32>,
        %scan3A_939 = arith.constant 5 : i32
        %scan3A_940 = arith.addi %scan3A_897, %scan3A_939 : i32
        %broadcast_in_dim3A_941 = vector.broadcast %scan3A_940 : i32 to vector<16xi32>
        %gather3A_942 = tpu.vector_load_idx %arg7[%iota3A, %broadcast_in_dim3A_941, %broadcast_in_dim3A_700] : memref<16x200x16xf32, #tpu.memory_space<vmem>>[vector<16xi32>, vector<16xi32>, vector<16xi32>], vector<16xf32>,
        %add3A_943 = arith.constant 200 : i32
        %add3A_944 = arith.addi %add3A_943, %scan3A_940 : i32
        %swap3A_945 = arith.index_cast %add3A_944 : i32 to index
        %swap3A_946 = arith.constant 0 : index
        %swap3A_947 = tpu.vector_load %arg12[%swap3A_945, %swap3A_946] {strides = array<i32>} : memref<400x16xf32, #tpu.memory_space<vmem>>, vector<16xf32>,
        tpu.vector_store %arg12[%swap3A_945, %swap3A_946], %gather3A_942 {strides = array<i32>} : memref<400x16xf32, #tpu.memory_space<vmem>>, vector<16xf32>,
        %scan3A_948 = arith.constant 6 : i32
        %scan3A_949 = arith.addi %scan3A_897, %scan3A_948 : i32
        %broadcast_in_dim3A_950 = vector.broadcast %scan3A_949 : i32 to vector<16xi32>
        %gather3A_951 = tpu.vector_load_idx %arg7[%iota3A, %broadcast_in_dim3A_950, %broadcast_in_dim3A_700] : memref<16x200x16xf32, #tpu.memory_space<vmem>>[vector<16xi32>, vector<16xi32>, vector<16xi32>], vector<16xf32>,
        %add3A_952 = arith.constant 200 : i32
        %add3A_953 = arith.addi %add3A_952, %scan3A_949 : i32
        %swap3A_954 = arith.index_cast %add3A_953 : i32 to index
        %swap3A_955 = arith.constant 0 : index
        %swap3A_956 = tpu.vector_load %arg12[%swap3A_954, %swap3A_955] {strides = array<i32>} : memref<400x16xf32, #tpu.memory_space<vmem>>, vector<16xf32>,
        tpu.vector_store %arg12[%swap3A_954, %swap3A_955], %gather3A_951 {strides = array<i32>} : memref<400x16xf32, #tpu.memory_space<vmem>>, vector<16xf32>,
        %scan3A_957 = arith.constant 7 : i32
        %scan3A_958 = arith.addi %scan3A_897, %scan3A_957 : i32
        %broadcast_in_dim3A_959 = vector.broadcast %scan3A_958 : i32 to vector<16xi32>
        %gather3A_960 = tpu.vector_load_idx %arg7[%iota3A, %broadcast_in_dim3A_959, %broadcast_in_dim3A_700] : memref<16x200x16xf32, #tpu.memory_space<vmem>>[vector<16xi32>, vector<16xi32>, vector<16xi32>], vector<16xf32>,
        %add3A_961 = arith.constant 200 : i32
        %add3A_962 = arith.addi %add3A_961, %scan3A_958 : i32
        %swap3A_963 = arith.index_cast %add3A_962 : i32 to index
        %swap3A_964 = arith.constant 0 : index
        %swap3A_965 = tpu.vector_load %arg12[%swap3A_963, %swap3A_964] {strides = array<i32>} : memref<400x16xf32, #tpu.memory_space<vmem>>, vector<16xf32>,
        tpu.vector_store %arg12[%swap3A_963, %swap3A_964], %gather3A_960 {strides = array<i32>} : memref<400x16xf32, #tpu.memory_space<vmem>>, vector<16xf32>,
      }
      %scan3A_706 = arith.constant 200 : i32
      %dma_wait3A_707 = arith.constant 0 : i32
      %dma_wait3A_708 = arith.constant 0 : i32
      %dma_wait3A_709 = arith.constant 0 : i32
      %dma_wait3A_710 = tpu.memref_slice %arg10[%dma_wait3A_707, %dma_wait3A_708, %dma_wait3A_709] : memref<2x400x32xf32, #tpu.memory_space<vmem>> -> memref<1x400x32xf32, #tpu.memory_space<vmem>>
      %dma_wait3A_711 = tpu.memref_squeeze %dma_wait3A_710 : memref<1x400x32xf32, #tpu.memory_space<vmem>> -> memref<400x32xf32, #tpu.memory_space<vmem>>
      %dma_wait3A_712 = arith.constant 2400 : i32
      %dma_wait3A_713 = tpu.memref_slice %arg8[%dma_wait3A_712] : memref<3200xi32, #tpu.memory_space<vmem>> -> memref<400xi32, #tpu.memory_space<vmem>>
      %dma_wait3A_714 = arith.constant 0 : i32
      %dma_wait3A_715 = arith.constant 0 : i32
      %dma_wait3A_716 = tpu.memref_slice %arg3[%dma_wait3A_714, %dma_wait3A_715] : memref<1000001x32xf32, #tpu.memory_space<hbm>> -> memref<1000001x32xf32, #tpu.memory_space<hbm>>
      tpu.wait_indirect_dma semaphore(%arg13 : memref<!tpu.dma_semaphore, #tpu.memory_space<semaphore_mem>>) src(%dma_wait3A_716 : memref<1000001x32xf32, #tpu.memory_space<hbm>>) dst(%dma_wait3A_711 : memref<400x32xf32, #tpu.memory_space<vmem>>)
      %dma_wait3A_717 = arith.constant 0 : i32
      %dma_wait3A_718 = arith.constant 0 : i32
      %dma_wait3A_719 = arith.constant 0 : i32
      %dma_wait3A_720 = tpu.memref_slice %arg11[%dma_wait3A_717, %dma_wait3A_718, %dma_wait3A_719] : memref<2x400x32xf32, #tpu.memory_space<vmem>> -> memref<1x400x32xf32, #tpu.memory_space<vmem>>
      %dma_wait3A_721 = tpu.memref_squeeze %dma_wait3A_720 : memref<1x400x32xf32, #tpu.memory_space<vmem>> -> memref<400x32xf32, #tpu.memory_space<vmem>>
      %dma_wait3A_722 = arith.constant 2400 : i32
      %dma_wait3A_723 = tpu.memref_slice %arg9[%dma_wait3A_722] : memref<3200xi32, #tpu.memory_space<vmem>> -> memref<400xi32, #tpu.memory_space<vmem>>
      %dma_wait3A_724 = arith.constant 0 : i32
      %dma_wait3A_725 = arith.constant 0 : i32
      %dma_wait3A_726 = tpu.memref_slice %arg4[%dma_wait3A_724, %dma_wait3A_725] : memref<100001x32xf32, #tpu.memory_space<hbm>> -> memref<100001x32xf32, #tpu.memory_space<hbm>>
      tpu.wait_indirect_dma semaphore(%arg15 : memref<!tpu.dma_semaphore, #tpu.memory_space<semaphore_mem>>) src(%dma_wait3A_726 : memref<100001x32xf32, #tpu.memory_space<hbm>>) dst(%dma_wait3A_721 : memref<400x32xf32, #tpu.memory_space<vmem>>)
      %add3A_727 = arith.constant 2400 : i32
      %add3A_728 = arith.addi %mul3A_13, %add3A_727 : i32
      %dma_start3A_729 = arith.constant 0 : i32
      %dma_start3A_730 = arith.constant 0 : i32
      %dma_start3A_731 = arith.constant 0 : i32
      %dma_start3A_732 = tpu.memref_slice %arg10[%dma_start3A_729, %dma_start3A_730, %dma_start3A_731] : memref<2x400x32xf32, #tpu.memory_space<vmem>> -> memref<1x400x32xf32, #tpu.memory_space<vmem>>
      %dma_start3A_733 = tpu.memref_squeeze %dma_start3A_732 : memref<1x400x32xf32, #tpu.memory_space<vmem>> -> memref<400x32xf32, #tpu.memory_space<vmem>>
      %dma_start3A_734 = arith.constant 0 : i32
      %dma_start3A_735 = tpu.memref_slice %arg5[%add3A_728, %dma_start3A_734] : memref<819200x80xf32, #tpu.memory_space<hbm>> -> memref<400x32xf32, #tpu.memory_space<hbm>>
      %dma_start3A_736 = arith.constant 0 : i32
      %dma_start3A_737 = tpu.memref_slice %arg5[%add3A_728, %dma_start3A_736] : memref<819200x80xf32, #tpu.memory_space<hbm>> -> memref<400x32xf32, #tpu.memory_space<hbm>>
      %dma_start3A_738 = arith.constant 0 : i32
      %dma_start3A_739 = arith.constant 0 : i32
      %dma_start3A_740 = tpu.memref_slice %arg10[%dma_start3A_729, %dma_start3A_738, %dma_start3A_739] : memref<2x400x32xf32, #tpu.memory_space<vmem>> -> memref<1x400x32xf32, #tpu.memory_space<vmem>>
      %dma_start3A_741 = tpu.memref_squeeze %dma_start3A_740 : memref<1x400x32xf32, #tpu.memory_space<vmem>> -> memref<400x32xf32, #tpu.memory_space<vmem>>
      tpu.enqueue_dma source(%dma_start3A_741 : memref<400x32xf32, #tpu.memory_space<vmem>>) target(%dma_start3A_737 : memref<400x32xf32, #tpu.memory_space<hbm>>) target_semaphore(%arg17 : memref<!tpu.dma_semaphore, #tpu.memory_space<semaphore_mem>>)
      %dma_start3A_742 = arith.constant 0 : i32
      %dma_start3A_743 = arith.constant 0 : i32
      %dma_start3A_744 = arith.constant 0 : i32
      %dma_start3A_745 = tpu.memref_slice %arg11[%dma_start3A_742, %dma_start3A_743, %dma_start3A_744] : memref<2x400x32xf32, #tpu.memory_space<vmem>> -> memref<1x400x32xf32, #tpu.memory_space<vmem>>
      %dma_start3A_746 = tpu.memref_squeeze %dma_start3A_745 : memref<1x400x32xf32, #tpu.memory_space<vmem>> -> memref<400x32xf32, #tpu.memory_space<vmem>>
      %dma_start3A_747 = arith.constant 32 : i32
      %dma_start3A_748 = tpu.memref_slice %arg5[%add3A_728, %dma_start3A_747] : memref<819200x80xf32, #tpu.memory_space<hbm>> -> memref<400x32xf32, #tpu.memory_space<hbm>>
      %dma_start3A_749 = arith.constant 32 : i32
      %dma_start3A_750 = tpu.memref_slice %arg5[%add3A_728, %dma_start3A_749] : memref<819200x80xf32, #tpu.memory_space<hbm>> -> memref<400x32xf32, #tpu.memory_space<hbm>>
      %dma_start3A_751 = arith.constant 0 : i32
      %dma_start3A_752 = arith.constant 0 : i32
      %dma_start3A_753 = tpu.memref_slice %arg11[%dma_start3A_742, %dma_start3A_751, %dma_start3A_752] : memref<2x400x32xf32, #tpu.memory_space<vmem>> -> memref<1x400x32xf32, #tpu.memory_space<vmem>>
      %dma_start3A_754 = tpu.memref_squeeze %dma_start3A_753 : memref<1x400x32xf32, #tpu.memory_space<vmem>> -> memref<400x32xf32, #tpu.memory_space<vmem>>
      tpu.enqueue_dma source(%dma_start3A_754 : memref<400x32xf32, #tpu.memory_space<vmem>>) target(%dma_start3A_750 : memref<400x32xf32, #tpu.memory_space<hbm>>) target_semaphore(%arg17 : memref<!tpu.dma_semaphore, #tpu.memory_space<semaphore_mem>>)
      "tpu.region"() ({
        %run_scoped3A = tpu.sem_alloc : memref<!tpu.dma_semaphore, #tpu.memory_space<semaphore_mem>>
        %dma_start3A_897 = arith.constant 64 : i32
        %dma_start3A_898 = tpu.memref_slice %arg5[%add3A_728, %dma_start3A_897] : memref<819200x80xf32, #tpu.memory_space<hbm>> -> memref<400x16xf32, #tpu.memory_space<hbm>>
        %dma_start3A_899 = arith.constant 64 : i32
        %dma_start3A_900 = tpu.memref_slice %arg5[%add3A_728, %dma_start3A_899] : memref<819200x80xf32, #tpu.memory_space<hbm>> -> memref<400x16xf32, #tpu.memory_space<hbm>>
        tpu.enqueue_dma source(%arg12 : memref<400x16xf32, #tpu.memory_space<vmem>>) target(%dma_start3A_900 : memref<400x16xf32, #tpu.memory_space<hbm>>) target_semaphore(%run_scoped3A : memref<!tpu.dma_semaphore, #tpu.memory_space<semaphore_mem>>)
        %dma_wait3A_901 = arith.constant 64 : i32
        %dma_wait3A_902 = tpu.memref_slice %arg5[%add3A_728, %dma_wait3A_901] : memref<819200x80xf32, #tpu.memory_space<hbm>> -> memref<400x16xf32, #tpu.memory_space<hbm>>
        %dma_wait3A_903 = arith.constant 64 : i32
        %dma_wait3A_904 = tpu.memref_slice %arg5[%add3A_728, %dma_wait3A_903] : memref<819200x80xf32, #tpu.memory_space<hbm>> -> memref<400x16xf32, #tpu.memory_space<hbm>>
        tpu.wait_dma2 semaphore(%run_scoped3A : memref<!tpu.dma_semaphore, #tpu.memory_space<semaphore_mem>>) src(%arg12 : memref<400x16xf32, #tpu.memory_space<vmem>>) dst(%dma_wait3A_904 : memref<400x16xf32, #tpu.memory_space<hbm>>)
        tpu.yield
      }) : () -> ()
      %dma_wait3A_755 = arith.constant 1 : i32
      %dma_wait3A_756 = arith.constant 0 : i32
      %dma_wait3A_757 = arith.constant 0 : i32
      %dma_wait3A_758 = tpu.memref_slice %arg10[%dma_wait3A_755, %dma_wait3A_756, %dma_wait3A_757] : memref<2x400x32xf32, #tpu.memory_space<vmem>> -> memref<1x400x32xf32, #tpu.memory_space<vmem>>
      %dma_wait3A_759 = tpu.memref_squeeze %dma_wait3A_758 : memref<1x400x32xf32, #tpu.memory_space<vmem>> -> memref<400x32xf32, #tpu.memory_space<vmem>>
      %dma_wait3A_760 = arith.constant 0 : i32
      %dma_wait3A_761 = tpu.memref_slice %arg5[%add3A_618, %dma_wait3A_760] : memref<819200x80xf32, #tpu.memory_space<hbm>> -> memref<400x32xf32, #tpu.memory_space<hbm>>
      %dma_wait3A_762 = arith.constant 0 : i32
      %dma_wait3A_763 = tpu.memref_slice %arg5[%add3A_618, %dma_wait3A_762] : memref<819200x80xf32, #tpu.memory_space<hbm>> -> memref<400x32xf32, #tpu.memory_space<hbm>>
      %dma_wait3A_764 = arith.constant 0 : i32
      %dma_wait3A_765 = arith.constant 0 : i32
      %dma_wait3A_766 = tpu.memref_slice %arg10[%dma_wait3A_755, %dma_wait3A_764, %dma_wait3A_765] : memref<2x400x32xf32, #tpu.memory_space<vmem>> -> memref<1x400x32xf32, #tpu.memory_space<vmem>>
      %dma_wait3A_767 = tpu.memref_squeeze %dma_wait3A_766 : memref<1x400x32xf32, #tpu.memory_space<vmem>> -> memref<400x32xf32, #tpu.memory_space<vmem>>
      tpu.wait_dma2 semaphore(%arg18 : memref<!tpu.dma_semaphore, #tpu.memory_space<semaphore_mem>>) src(%dma_wait3A_767 : memref<400x32xf32, #tpu.memory_space<vmem>>) dst(%dma_wait3A_763 : memref<400x32xf32, #tpu.memory_space<hbm>>)
      %dma_wait3A_768 = arith.constant 1 : i32
      %dma_wait3A_769 = arith.constant 0 : i32
      %dma_wait3A_770 = arith.constant 0 : i32
      %dma_wait3A_771 = tpu.memref_slice %arg11[%dma_wait3A_768, %dma_wait3A_769, %dma_wait3A_770] : memref<2x400x32xf32, #tpu.memory_space<vmem>> -> memref<1x400x32xf32, #tpu.memory_space<vmem>>
      %dma_wait3A_772 = tpu.memref_squeeze %dma_wait3A_771 : memref<1x400x32xf32, #tpu.memory_space<vmem>> -> memref<400x32xf32, #tpu.memory_space<vmem>>
      %dma_wait3A_773 = arith.constant 32 : i32
      %dma_wait3A_774 = tpu.memref_slice %arg5[%add3A_618, %dma_wait3A_773] : memref<819200x80xf32, #tpu.memory_space<hbm>> -> memref<400x32xf32, #tpu.memory_space<hbm>>
      %dma_wait3A_775 = arith.constant 32 : i32
      %dma_wait3A_776 = tpu.memref_slice %arg5[%add3A_618, %dma_wait3A_775] : memref<819200x80xf32, #tpu.memory_space<hbm>> -> memref<400x32xf32, #tpu.memory_space<hbm>>
      %dma_wait3A_777 = arith.constant 0 : i32
      %dma_wait3A_778 = arith.constant 0 : i32
      %dma_wait3A_779 = tpu.memref_slice %arg11[%dma_wait3A_768, %dma_wait3A_777, %dma_wait3A_778] : memref<2x400x32xf32, #tpu.memory_space<vmem>> -> memref<1x400x32xf32, #tpu.memory_space<vmem>>
      %dma_wait3A_780 = tpu.memref_squeeze %dma_wait3A_779 : memref<1x400x32xf32, #tpu.memory_space<vmem>> -> memref<400x32xf32, #tpu.memory_space<vmem>>
      tpu.wait_dma2 semaphore(%arg18 : memref<!tpu.dma_semaphore, #tpu.memory_space<semaphore_mem>>) src(%dma_wait3A_780 : memref<400x32xf32, #tpu.memory_space<vmem>>) dst(%dma_wait3A_776 : memref<400x32xf32, #tpu.memory_space<hbm>>)
      %broadcast_in_dim3A_781 = arith.constant 14 : i32
      %broadcast_in_dim3A_782 = vector.broadcast %broadcast_in_dim3A_781 : i32 to vector<16xi32>
      %scan3A_783 = arith.constant 0 : i32
      %scan3A_784 = arith.constant 0 : i32
      %scan3A_785 = arith.constant 200 : i32
      %scan3A_786 = arith.addi %scan3A_784, %scan3A_785 : i32
      %scan3A_787 = arith.constant 8 : i32
      scf.for %scan3A_897 = %scan3A_784 to %scan3A_786 step %scan3A_787  : i32 {
        %broadcast_in_dim3A_898 = vector.broadcast %scan3A_897 : i32 to vector<16xi32>
        %gather3A = tpu.vector_load_idx %arg7[%iota3A, %broadcast_in_dim3A_898, %broadcast_in_dim3A_782] : memref<16x200x16xf32, #tpu.memory_space<vmem>>[vector<16xi32>, vector<16xi32>, vector<16xi32>], vector<16xf32>,
        %add3A_899 = arith.constant 0 : i32
        %add3A_900 = arith.addi %add3A_899, %scan3A_897 : i32
        %swap3A = arith.index_cast %add3A_900 : i32 to index
        %swap3A_901 = arith.constant 0 : index
        %swap3A_902 = tpu.vector_load %arg12[%swap3A, %swap3A_901] {strides = array<i32>} : memref<400x16xf32, #tpu.memory_space<vmem>>, vector<16xf32>,
        tpu.vector_store %arg12[%swap3A, %swap3A_901], %gather3A {strides = array<i32>} : memref<400x16xf32, #tpu.memory_space<vmem>>, vector<16xf32>,
        %scan3A_903 = arith.constant 1 : i32
        %scan3A_904 = arith.addi %scan3A_897, %scan3A_903 : i32
        %broadcast_in_dim3A_905 = vector.broadcast %scan3A_904 : i32 to vector<16xi32>
        %gather3A_906 = tpu.vector_load_idx %arg7[%iota3A, %broadcast_in_dim3A_905, %broadcast_in_dim3A_782] : memref<16x200x16xf32, #tpu.memory_space<vmem>>[vector<16xi32>, vector<16xi32>, vector<16xi32>], vector<16xf32>,
        %add3A_907 = arith.constant 0 : i32
        %add3A_908 = arith.addi %add3A_907, %scan3A_904 : i32
        %swap3A_909 = arith.index_cast %add3A_908 : i32 to index
        %swap3A_910 = arith.constant 0 : index
        %swap3A_911 = tpu.vector_load %arg12[%swap3A_909, %swap3A_910] {strides = array<i32>} : memref<400x16xf32, #tpu.memory_space<vmem>>, vector<16xf32>,
        tpu.vector_store %arg12[%swap3A_909, %swap3A_910], %gather3A_906 {strides = array<i32>} : memref<400x16xf32, #tpu.memory_space<vmem>>, vector<16xf32>,
        %scan3A_912 = arith.constant 2 : i32
        %scan3A_913 = arith.addi %scan3A_897, %scan3A_912 : i32
        %broadcast_in_dim3A_914 = vector.broadcast %scan3A_913 : i32 to vector<16xi32>
        %gather3A_915 = tpu.vector_load_idx %arg7[%iota3A, %broadcast_in_dim3A_914, %broadcast_in_dim3A_782] : memref<16x200x16xf32, #tpu.memory_space<vmem>>[vector<16xi32>, vector<16xi32>, vector<16xi32>], vector<16xf32>,
        %add3A_916 = arith.constant 0 : i32
        %add3A_917 = arith.addi %add3A_916, %scan3A_913 : i32
        %swap3A_918 = arith.index_cast %add3A_917 : i32 to index
        %swap3A_919 = arith.constant 0 : index
        %swap3A_920 = tpu.vector_load %arg12[%swap3A_918, %swap3A_919] {strides = array<i32>} : memref<400x16xf32, #tpu.memory_space<vmem>>, vector<16xf32>,
        tpu.vector_store %arg12[%swap3A_918, %swap3A_919], %gather3A_915 {strides = array<i32>} : memref<400x16xf32, #tpu.memory_space<vmem>>, vector<16xf32>,
        %scan3A_921 = arith.constant 3 : i32
        %scan3A_922 = arith.addi %scan3A_897, %scan3A_921 : i32
        %broadcast_in_dim3A_923 = vector.broadcast %scan3A_922 : i32 to vector<16xi32>
        %gather3A_924 = tpu.vector_load_idx %arg7[%iota3A, %broadcast_in_dim3A_923, %broadcast_in_dim3A_782] : memref<16x200x16xf32, #tpu.memory_space<vmem>>[vector<16xi32>, vector<16xi32>, vector<16xi32>], vector<16xf32>,
        %add3A_925 = arith.constant 0 : i32
        %add3A_926 = arith.addi %add3A_925, %scan3A_922 : i32
        %swap3A_927 = arith.index_cast %add3A_926 : i32 to index
        %swap3A_928 = arith.constant 0 : index
        %swap3A_929 = tpu.vector_load %arg12[%swap3A_927, %swap3A_928] {strides = array<i32>} : memref<400x16xf32, #tpu.memory_space<vmem>>, vector<16xf32>,
        tpu.vector_store %arg12[%swap3A_927, %swap3A_928], %gather3A_924 {strides = array<i32>} : memref<400x16xf32, #tpu.memory_space<vmem>>, vector<16xf32>,
        %scan3A_930 = arith.constant 4 : i32
        %scan3A_931 = arith.addi %scan3A_897, %scan3A_930 : i32
        %broadcast_in_dim3A_932 = vector.broadcast %scan3A_931 : i32 to vector<16xi32>
        %gather3A_933 = tpu.vector_load_idx %arg7[%iota3A, %broadcast_in_dim3A_932, %broadcast_in_dim3A_782] : memref<16x200x16xf32, #tpu.memory_space<vmem>>[vector<16xi32>, vector<16xi32>, vector<16xi32>], vector<16xf32>,
        %add3A_934 = arith.constant 0 : i32
        %add3A_935 = arith.addi %add3A_934, %scan3A_931 : i32
        %swap3A_936 = arith.index_cast %add3A_935 : i32 to index
        %swap3A_937 = arith.constant 0 : index
        %swap3A_938 = tpu.vector_load %arg12[%swap3A_936, %swap3A_937] {strides = array<i32>} : memref<400x16xf32, #tpu.memory_space<vmem>>, vector<16xf32>,
        tpu.vector_store %arg12[%swap3A_936, %swap3A_937], %gather3A_933 {strides = array<i32>} : memref<400x16xf32, #tpu.memory_space<vmem>>, vector<16xf32>,
        %scan3A_939 = arith.constant 5 : i32
        %scan3A_940 = arith.addi %scan3A_897, %scan3A_939 : i32
        %broadcast_in_dim3A_941 = vector.broadcast %scan3A_940 : i32 to vector<16xi32>
        %gather3A_942 = tpu.vector_load_idx %arg7[%iota3A, %broadcast_in_dim3A_941, %broadcast_in_dim3A_782] : memref<16x200x16xf32, #tpu.memory_space<vmem>>[vector<16xi32>, vector<16xi32>, vector<16xi32>], vector<16xf32>,
        %add3A_943 = arith.constant 0 : i32
        %add3A_944 = arith.addi %add3A_943, %scan3A_940 : i32
        %swap3A_945 = arith.index_cast %add3A_944 : i32 to index
        %swap3A_946 = arith.constant 0 : index
        %swap3A_947 = tpu.vector_load %arg12[%swap3A_945, %swap3A_946] {strides = array<i32>} : memref<400x16xf32, #tpu.memory_space<vmem>>, vector<16xf32>,
        tpu.vector_store %arg12[%swap3A_945, %swap3A_946], %gather3A_942 {strides = array<i32>} : memref<400x16xf32, #tpu.memory_space<vmem>>, vector<16xf32>,
        %scan3A_948 = arith.constant 6 : i32
        %scan3A_949 = arith.addi %scan3A_897, %scan3A_948 : i32
        %broadcast_in_dim3A_950 = vector.broadcast %scan3A_949 : i32 to vector<16xi32>
        %gather3A_951 = tpu.vector_load_idx %arg7[%iota3A, %broadcast_in_dim3A_950, %broadcast_in_dim3A_782] : memref<16x200x16xf32, #tpu.memory_space<vmem>>[vector<16xi32>, vector<16xi32>, vector<16xi32>], vector<16xf32>,
        %add3A_952 = arith.constant 0 : i32
        %add3A_953 = arith.addi %add3A_952, %scan3A_949 : i32
        %swap3A_954 = arith.index_cast %add3A_953 : i32 to index
        %swap3A_955 = arith.constant 0 : index
        %swap3A_956 = tpu.vector_load %arg12[%swap3A_954, %swap3A_955] {strides = array<i32>} : memref<400x16xf32, #tpu.memory_space<vmem>>, vector<16xf32>,
        tpu.vector_store %arg12[%swap3A_954, %swap3A_955], %gather3A_951 {strides = array<i32>} : memref<400x16xf32, #tpu.memory_space<vmem>>, vector<16xf32>,
        %scan3A_957 = arith.constant 7 : i32
        %scan3A_958 = arith.addi %scan3A_897, %scan3A_957 : i32
        %broadcast_in_dim3A_959 = vector.broadcast %scan3A_958 : i32 to vector<16xi32>
        %gather3A_960 = tpu.vector_load_idx %arg7[%iota3A, %broadcast_in_dim3A_959, %broadcast_in_dim3A_782] : memref<16x200x16xf32, #tpu.memory_space<vmem>>[vector<16xi32>, vector<16xi32>, vector<16xi32>], vector<16xf32>,
        %add3A_961 = arith.constant 0 : i32
        %add3A_962 = arith.addi %add3A_961, %scan3A_958 : i32
        %swap3A_963 = arith.index_cast %add3A_962 : i32 to index
        %swap3A_964 = arith.constant 0 : index
        %swap3A_965 = tpu.vector_load %arg12[%swap3A_963, %swap3A_964] {strides = array<i32>} : memref<400x16xf32, #tpu.memory_space<vmem>>, vector<16xf32>,
        tpu.vector_store %arg12[%swap3A_963, %swap3A_964], %gather3A_960 {strides = array<i32>} : memref<400x16xf32, #tpu.memory_space<vmem>>, vector<16xf32>,
      }
      %scan3A_788 = arith.constant 200 : i32
      %broadcast_in_dim3A_789 = arith.constant 15 : i32
      %broadcast_in_dim3A_790 = vector.broadcast %broadcast_in_dim3A_789 : i32 to vector<16xi32>
      %scan3A_791 = arith.constant 0 : i32
      %scan3A_792 = arith.constant 0 : i32
      %scan3A_793 = arith.constant 200 : i32
      %scan3A_794 = arith.addi %scan3A_792, %scan3A_793 : i32
      %scan3A_795 = arith.constant 8 : i32
      scf.for %scan3A_897 = %scan3A_792 to %scan3A_794 step %scan3A_795  : i32 {
        %broadcast_in_dim3A_898 = vector.broadcast %scan3A_897 : i32 to vector<16xi32>
        %gather3A = tpu.vector_load_idx %arg7[%iota3A, %broadcast_in_dim3A_898, %broadcast_in_dim3A_790] : memref<16x200x16xf32, #tpu.memory_space<vmem>>[vector<16xi32>, vector<16xi32>, vector<16xi32>], vector<16xf32>,
        %add3A_899 = arith.constant 200 : i32
        %add3A_900 = arith.addi %add3A_899, %scan3A_897 : i32
        %swap3A = arith.index_cast %add3A_900 : i32 to index
        %swap3A_901 = arith.constant 0 : index
        %swap3A_902 = tpu.vector_load %arg12[%swap3A, %swap3A_901] {strides = array<i32>} : memref<400x16xf32, #tpu.memory_space<vmem>>, vector<16xf32>,
        tpu.vector_store %arg12[%swap3A, %swap3A_901], %gather3A {strides = array<i32>} : memref<400x16xf32, #tpu.memory_space<vmem>>, vector<16xf32>,
        %scan3A_903 = arith.constant 1 : i32
        %scan3A_904 = arith.addi %scan3A_897, %scan3A_903 : i32
        %broadcast_in_dim3A_905 = vector.broadcast %scan3A_904 : i32 to vector<16xi32>
        %gather3A_906 = tpu.vector_load_idx %arg7[%iota3A, %broadcast_in_dim3A_905, %broadcast_in_dim3A_790] : memref<16x200x16xf32, #tpu.memory_space<vmem>>[vector<16xi32>, vector<16xi32>, vector<16xi32>], vector<16xf32>,
        %add3A_907 = arith.constant 200 : i32
        %add3A_908 = arith.addi %add3A_907, %scan3A_904 : i32
        %swap3A_909 = arith.index_cast %add3A_908 : i32 to index
        %swap3A_910 = arith.constant 0 : index
        %swap3A_911 = tpu.vector_load %arg12[%swap3A_909, %swap3A_910] {strides = array<i32>} : memref<400x16xf32, #tpu.memory_space<vmem>>, vector<16xf32>,
        tpu.vector_store %arg12[%swap3A_909, %swap3A_910], %gather3A_906 {strides = array<i32>} : memref<400x16xf32, #tpu.memory_space<vmem>>, vector<16xf32>,
        %scan3A_912 = arith.constant 2 : i32
        %scan3A_913 = arith.addi %scan3A_897, %scan3A_912 : i32
        %broadcast_in_dim3A_914 = vector.broadcast %scan3A_913 : i32 to vector<16xi32>
        %gather3A_915 = tpu.vector_load_idx %arg7[%iota3A, %broadcast_in_dim3A_914, %broadcast_in_dim3A_790] : memref<16x200x16xf32, #tpu.memory_space<vmem>>[vector<16xi32>, vector<16xi32>, vector<16xi32>], vector<16xf32>,
        %add3A_916 = arith.constant 200 : i32
        %add3A_917 = arith.addi %add3A_916, %scan3A_913 : i32
        %swap3A_918 = arith.index_cast %add3A_917 : i32 to index
        %swap3A_919 = arith.constant 0 : index
        %swap3A_920 = tpu.vector_load %arg12[%swap3A_918, %swap3A_919] {strides = array<i32>} : memref<400x16xf32, #tpu.memory_space<vmem>>, vector<16xf32>,
        tpu.vector_store %arg12[%swap3A_918, %swap3A_919], %gather3A_915 {strides = array<i32>} : memref<400x16xf32, #tpu.memory_space<vmem>>, vector<16xf32>,
        %scan3A_921 = arith.constant 3 : i32
        %scan3A_922 = arith.addi %scan3A_897, %scan3A_921 : i32
        %broadcast_in_dim3A_923 = vector.broadcast %scan3A_922 : i32 to vector<16xi32>
        %gather3A_924 = tpu.vector_load_idx %arg7[%iota3A, %broadcast_in_dim3A_923, %broadcast_in_dim3A_790] : memref<16x200x16xf32, #tpu.memory_space<vmem>>[vector<16xi32>, vector<16xi32>, vector<16xi32>], vector<16xf32>,
        %add3A_925 = arith.constant 200 : i32
        %add3A_926 = arith.addi %add3A_925, %scan3A_922 : i32
        %swap3A_927 = arith.index_cast %add3A_926 : i32 to index
        %swap3A_928 = arith.constant 0 : index
        %swap3A_929 = tpu.vector_load %arg12[%swap3A_927, %swap3A_928] {strides = array<i32>} : memref<400x16xf32, #tpu.memory_space<vmem>>, vector<16xf32>,
        tpu.vector_store %arg12[%swap3A_927, %swap3A_928], %gather3A_924 {strides = array<i32>} : memref<400x16xf32, #tpu.memory_space<vmem>>, vector<16xf32>,
        %scan3A_930 = arith.constant 4 : i32
        %scan3A_931 = arith.addi %scan3A_897, %scan3A_930 : i32
        %broadcast_in_dim3A_932 = vector.broadcast %scan3A_931 : i32 to vector<16xi32>
        %gather3A_933 = tpu.vector_load_idx %arg7[%iota3A, %broadcast_in_dim3A_932, %broadcast_in_dim3A_790] : memref<16x200x16xf32, #tpu.memory_space<vmem>>[vector<16xi32>, vector<16xi32>, vector<16xi32>], vector<16xf32>,
        %add3A_934 = arith.constant 200 : i32
        %add3A_935 = arith.addi %add3A_934, %scan3A_931 : i32
        %swap3A_936 = arith.index_cast %add3A_935 : i32 to index
        %swap3A_937 = arith.constant 0 : index
        %swap3A_938 = tpu.vector_load %arg12[%swap3A_936, %swap3A_937] {strides = array<i32>} : memref<400x16xf32, #tpu.memory_space<vmem>>, vector<16xf32>,
        tpu.vector_store %arg12[%swap3A_936, %swap3A_937], %gather3A_933 {strides = array<i32>} : memref<400x16xf32, #tpu.memory_space<vmem>>, vector<16xf32>,
        %scan3A_939 = arith.constant 5 : i32
        %scan3A_940 = arith.addi %scan3A_897, %scan3A_939 : i32
        %broadcast_in_dim3A_941 = vector.broadcast %scan3A_940 : i32 to vector<16xi32>
        %gather3A_942 = tpu.vector_load_idx %arg7[%iota3A, %broadcast_in_dim3A_941, %broadcast_in_dim3A_790] : memref<16x200x16xf32, #tpu.memory_space<vmem>>[vector<16xi32>, vector<16xi32>, vector<16xi32>], vector<16xf32>,
        %add3A_943 = arith.constant 200 : i32
        %add3A_944 = arith.addi %add3A_943, %scan3A_940 : i32
        %swap3A_945 = arith.index_cast %add3A_944 : i32 to index
        %swap3A_946 = arith.constant 0 : index
        %swap3A_947 = tpu.vector_load %arg12[%swap3A_945, %swap3A_946] {strides = array<i32>} : memref<400x16xf32, #tpu.memory_space<vmem>>, vector<16xf32>,
        tpu.vector_store %arg12[%swap3A_945, %swap3A_946], %gather3A_942 {strides = array<i32>} : memref<400x16xf32, #tpu.memory_space<vmem>>, vector<16xf32>,
        %scan3A_948 = arith.constant 6 : i32
        %scan3A_949 = arith.addi %scan3A_897, %scan3A_948 : i32
        %broadcast_in_dim3A_950 = vector.broadcast %scan3A_949 : i32 to vector<16xi32>
        %gather3A_951 = tpu.vector_load_idx %arg7[%iota3A, %broadcast_in_dim3A_950, %broadcast_in_dim3A_790] : memref<16x200x16xf32, #tpu.memory_space<vmem>>[vector<16xi32>, vector<16xi32>, vector<16xi32>], vector<16xf32>,
        %add3A_952 = arith.constant 200 : i32
        %add3A_953 = arith.addi %add3A_952, %scan3A_949 : i32
        %swap3A_954 = arith.index_cast %add3A_953 : i32 to index
        %swap3A_955 = arith.constant 0 : index
        %swap3A_956 = tpu.vector_load %arg12[%swap3A_954, %swap3A_955] {strides = array<i32>} : memref<400x16xf32, #tpu.memory_space<vmem>>, vector<16xf32>,
        tpu.vector_store %arg12[%swap3A_954, %swap3A_955], %gather3A_951 {strides = array<i32>} : memref<400x16xf32, #tpu.memory_space<vmem>>, vector<16xf32>,
        %scan3A_957 = arith.constant 7 : i32
        %scan3A_958 = arith.addi %scan3A_897, %scan3A_957 : i32
        %broadcast_in_dim3A_959 = vector.broadcast %scan3A_958 : i32 to vector<16xi32>
        %gather3A_960 = tpu.vector_load_idx %arg7[%iota3A, %broadcast_in_dim3A_959, %broadcast_in_dim3A_790] : memref<16x200x16xf32, #tpu.memory_space<vmem>>[vector<16xi32>, vector<16xi32>, vector<16xi32>], vector<16xf32>,
        %add3A_961 = arith.constant 200 : i32
        %add3A_962 = arith.addi %add3A_961, %scan3A_958 : i32
        %swap3A_963 = arith.index_cast %add3A_962 : i32 to index
        %swap3A_964 = arith.constant 0 : index
        %swap3A_965 = tpu.vector_load %arg12[%swap3A_963, %swap3A_964] {strides = array<i32>} : memref<400x16xf32, #tpu.memory_space<vmem>>, vector<16xf32>,
        tpu.vector_store %arg12[%swap3A_963, %swap3A_964], %gather3A_960 {strides = array<i32>} : memref<400x16xf32, #tpu.memory_space<vmem>>, vector<16xf32>,
      }
      %scan3A_796 = arith.constant 200 : i32
      %dma_wait3A_797 = arith.constant 1 : i32
      %dma_wait3A_798 = arith.constant 0 : i32
      %dma_wait3A_799 = arith.constant 0 : i32
      %dma_wait3A_800 = tpu.memref_slice %arg10[%dma_wait3A_797, %dma_wait3A_798, %dma_wait3A_799] : memref<2x400x32xf32, #tpu.memory_space<vmem>> -> memref<1x400x32xf32, #tpu.memory_space<vmem>>
      %dma_wait3A_801 = tpu.memref_squeeze %dma_wait3A_800 : memref<1x400x32xf32, #tpu.memory_space<vmem>> -> memref<400x32xf32, #tpu.memory_space<vmem>>
      %dma_wait3A_802 = arith.constant 2800 : i32
      %dma_wait3A_803 = tpu.memref_slice %arg8[%dma_wait3A_802] : memref<3200xi32, #tpu.memory_space<vmem>> -> memref<400xi32, #tpu.memory_space<vmem>>
      %dma_wait3A_804 = arith.constant 0 : i32
      %dma_wait3A_805 = arith.constant 0 : i32
      %dma_wait3A_806 = tpu.memref_slice %arg3[%dma_wait3A_804, %dma_wait3A_805] : memref<1000001x32xf32, #tpu.memory_space<hbm>> -> memref<1000001x32xf32, #tpu.memory_space<hbm>>
      tpu.wait_indirect_dma semaphore(%arg14 : memref<!tpu.dma_semaphore, #tpu.memory_space<semaphore_mem>>) src(%dma_wait3A_806 : memref<1000001x32xf32, #tpu.memory_space<hbm>>) dst(%dma_wait3A_801 : memref<400x32xf32, #tpu.memory_space<vmem>>)
      %dma_wait3A_807 = arith.constant 1 : i32
      %dma_wait3A_808 = arith.constant 0 : i32
      %dma_wait3A_809 = arith.constant 0 : i32
      %dma_wait3A_810 = tpu.memref_slice %arg11[%dma_wait3A_807, %dma_wait3A_808, %dma_wait3A_809] : memref<2x400x32xf32, #tpu.memory_space<vmem>> -> memref<1x400x32xf32, #tpu.memory_space<vmem>>
      %dma_wait3A_811 = tpu.memref_squeeze %dma_wait3A_810 : memref<1x400x32xf32, #tpu.memory_space<vmem>> -> memref<400x32xf32, #tpu.memory_space<vmem>>
      %dma_wait3A_812 = arith.constant 2800 : i32
      %dma_wait3A_813 = tpu.memref_slice %arg9[%dma_wait3A_812] : memref<3200xi32, #tpu.memory_space<vmem>> -> memref<400xi32, #tpu.memory_space<vmem>>
      %dma_wait3A_814 = arith.constant 0 : i32
      %dma_wait3A_815 = arith.constant 0 : i32
      %dma_wait3A_816 = tpu.memref_slice %arg4[%dma_wait3A_814, %dma_wait3A_815] : memref<100001x32xf32, #tpu.memory_space<hbm>> -> memref<100001x32xf32, #tpu.memory_space<hbm>>
      tpu.wait_indirect_dma semaphore(%arg16 : memref<!tpu.dma_semaphore, #tpu.memory_space<semaphore_mem>>) src(%dma_wait3A_816 : memref<100001x32xf32, #tpu.memory_space<hbm>>) dst(%dma_wait3A_811 : memref<400x32xf32, #tpu.memory_space<vmem>>)
      %add3A_817 = arith.constant 2800 : i32
      %add3A_818 = arith.addi %mul3A_13, %add3A_817 : i32
      %dma_start3A_819 = arith.constant 1 : i32
      %dma_start3A_820 = arith.constant 0 : i32
      %dma_start3A_821 = arith.constant 0 : i32
      %dma_start3A_822 = tpu.memref_slice %arg10[%dma_start3A_819, %dma_start3A_820, %dma_start3A_821] : memref<2x400x32xf32, #tpu.memory_space<vmem>> -> memref<1x400x32xf32, #tpu.memory_space<vmem>>
      %dma_start3A_823 = tpu.memref_squeeze %dma_start3A_822 : memref<1x400x32xf32, #tpu.memory_space<vmem>> -> memref<400x32xf32, #tpu.memory_space<vmem>>
      %dma_start3A_824 = arith.constant 0 : i32
      %dma_start3A_825 = tpu.memref_slice %arg5[%add3A_818, %dma_start3A_824] : memref<819200x80xf32, #tpu.memory_space<hbm>> -> memref<400x32xf32, #tpu.memory_space<hbm>>
      %dma_start3A_826 = arith.constant 0 : i32
      %dma_start3A_827 = tpu.memref_slice %arg5[%add3A_818, %dma_start3A_826] : memref<819200x80xf32, #tpu.memory_space<hbm>> -> memref<400x32xf32, #tpu.memory_space<hbm>>
      %dma_start3A_828 = arith.constant 0 : i32
      %dma_start3A_829 = arith.constant 0 : i32
      %dma_start3A_830 = tpu.memref_slice %arg10[%dma_start3A_819, %dma_start3A_828, %dma_start3A_829] : memref<2x400x32xf32, #tpu.memory_space<vmem>> -> memref<1x400x32xf32, #tpu.memory_space<vmem>>
      %dma_start3A_831 = tpu.memref_squeeze %dma_start3A_830 : memref<1x400x32xf32, #tpu.memory_space<vmem>> -> memref<400x32xf32, #tpu.memory_space<vmem>>
      tpu.enqueue_dma source(%dma_start3A_831 : memref<400x32xf32, #tpu.memory_space<vmem>>) target(%dma_start3A_827 : memref<400x32xf32, #tpu.memory_space<hbm>>) target_semaphore(%arg18 : memref<!tpu.dma_semaphore, #tpu.memory_space<semaphore_mem>>)
      %dma_start3A_832 = arith.constant 1 : i32
      %dma_start3A_833 = arith.constant 0 : i32
      %dma_start3A_834 = arith.constant 0 : i32
      %dma_start3A_835 = tpu.memref_slice %arg11[%dma_start3A_832, %dma_start3A_833, %dma_start3A_834] : memref<2x400x32xf32, #tpu.memory_space<vmem>> -> memref<1x400x32xf32, #tpu.memory_space<vmem>>
      %dma_start3A_836 = tpu.memref_squeeze %dma_start3A_835 : memref<1x400x32xf32, #tpu.memory_space<vmem>> -> memref<400x32xf32, #tpu.memory_space<vmem>>
      %dma_start3A_837 = arith.constant 32 : i32
      %dma_start3A_838 = tpu.memref_slice %arg5[%add3A_818, %dma_start3A_837] : memref<819200x80xf32, #tpu.memory_space<hbm>> -> memref<400x32xf32, #tpu.memory_space<hbm>>
      %dma_start3A_839 = arith.constant 32 : i32
      %dma_start3A_840 = tpu.memref_slice %arg5[%add3A_818, %dma_start3A_839] : memref<819200x80xf32, #tpu.memory_space<hbm>> -> memref<400x32xf32, #tpu.memory_space<hbm>>
      %dma_start3A_841 = arith.constant 0 : i32
      %dma_start3A_842 = arith.constant 0 : i32
      %dma_start3A_843 = tpu.memref_slice %arg11[%dma_start3A_832, %dma_start3A_841, %dma_start3A_842] : memref<2x400x32xf32, #tpu.memory_space<vmem>> -> memref<1x400x32xf32, #tpu.memory_space<vmem>>
      %dma_start3A_844 = tpu.memref_squeeze %dma_start3A_843 : memref<1x400x32xf32, #tpu.memory_space<vmem>> -> memref<400x32xf32, #tpu.memory_space<vmem>>
      tpu.enqueue_dma source(%dma_start3A_844 : memref<400x32xf32, #tpu.memory_space<vmem>>) target(%dma_start3A_840 : memref<400x32xf32, #tpu.memory_space<hbm>>) target_semaphore(%arg18 : memref<!tpu.dma_semaphore, #tpu.memory_space<semaphore_mem>>)
      "tpu.region"() ({
        %run_scoped3A = tpu.sem_alloc : memref<!tpu.dma_semaphore, #tpu.memory_space<semaphore_mem>>
        %dma_start3A_897 = arith.constant 64 : i32
        %dma_start3A_898 = tpu.memref_slice %arg5[%add3A_818, %dma_start3A_897] : memref<819200x80xf32, #tpu.memory_space<hbm>> -> memref<400x16xf32, #tpu.memory_space<hbm>>
        %dma_start3A_899 = arith.constant 64 : i32
        %dma_start3A_900 = tpu.memref_slice %arg5[%add3A_818, %dma_start3A_899] : memref<819200x80xf32, #tpu.memory_space<hbm>> -> memref<400x16xf32, #tpu.memory_space<hbm>>
        tpu.enqueue_dma source(%arg12 : memref<400x16xf32, #tpu.memory_space<vmem>>) target(%dma_start3A_900 : memref<400x16xf32, #tpu.memory_space<hbm>>) target_semaphore(%run_scoped3A : memref<!tpu.dma_semaphore, #tpu.memory_space<semaphore_mem>>)
        %dma_wait3A_901 = arith.constant 64 : i32
        %dma_wait3A_902 = tpu.memref_slice %arg5[%add3A_818, %dma_wait3A_901] : memref<819200x80xf32, #tpu.memory_space<hbm>> -> memref<400x16xf32, #tpu.memory_space<hbm>>
        %dma_wait3A_903 = arith.constant 64 : i32
        %dma_wait3A_904 = tpu.memref_slice %arg5[%add3A_818, %dma_wait3A_903] : memref<819200x80xf32, #tpu.memory_space<hbm>> -> memref<400x16xf32, #tpu.memory_space<hbm>>
        tpu.wait_dma2 semaphore(%run_scoped3A : memref<!tpu.dma_semaphore, #tpu.memory_space<semaphore_mem>>) src(%arg12 : memref<400x16xf32, #tpu.memory_space<vmem>>) dst(%dma_wait3A_904 : memref<400x16xf32, #tpu.memory_space<hbm>>)
        tpu.yield
      }) : () -> ()
      %dma_wait3A_845 = arith.constant 0 : i32
      %dma_wait3A_846 = arith.constant 0 : i32
      %dma_wait3A_847 = arith.constant 0 : i32
      %dma_wait3A_848 = tpu.memref_slice %arg10[%dma_wait3A_845, %dma_wait3A_846, %dma_wait3A_847] : memref<2x400x32xf32, #tpu.memory_space<vmem>> -> memref<1x400x32xf32, #tpu.memory_space<vmem>>
      %dma_wait3A_849 = tpu.memref_squeeze %dma_wait3A_848 : memref<1x400x32xf32, #tpu.memory_space<vmem>> -> memref<400x32xf32, #tpu.memory_space<vmem>>
      %dma_wait3A_850 = arith.constant 0 : i32
      %dma_wait3A_851 = tpu.memref_slice %arg5[%add3A_728, %dma_wait3A_850] : memref<819200x80xf32, #tpu.memory_space<hbm>> -> memref<400x32xf32, #tpu.memory_space<hbm>>
      %dma_wait3A_852 = arith.constant 0 : i32
      %dma_wait3A_853 = tpu.memref_slice %arg5[%add3A_728, %dma_wait3A_852] : memref<819200x80xf32, #tpu.memory_space<hbm>> -> memref<400x32xf32, #tpu.memory_space<hbm>>
      %dma_wait3A_854 = arith.constant 0 : i32
      %dma_wait3A_855 = arith.constant 0 : i32
      %dma_wait3A_856 = tpu.memref_slice %arg10[%dma_wait3A_845, %dma_wait3A_854, %dma_wait3A_855] : memref<2x400x32xf32, #tpu.memory_space<vmem>> -> memref<1x400x32xf32, #tpu.memory_space<vmem>>
      %dma_wait3A_857 = tpu.memref_squeeze %dma_wait3A_856 : memref<1x400x32xf32, #tpu.memory_space<vmem>> -> memref<400x32xf32, #tpu.memory_space<vmem>>
      tpu.wait_dma2 semaphore(%arg17 : memref<!tpu.dma_semaphore, #tpu.memory_space<semaphore_mem>>) src(%dma_wait3A_857 : memref<400x32xf32, #tpu.memory_space<vmem>>) dst(%dma_wait3A_853 : memref<400x32xf32, #tpu.memory_space<hbm>>)
      %dma_wait3A_858 = arith.constant 0 : i32
      %dma_wait3A_859 = arith.constant 0 : i32
      %dma_wait3A_860 = arith.constant 0 : i32
      %dma_wait3A_861 = tpu.memref_slice %arg11[%dma_wait3A_858, %dma_wait3A_859, %dma_wait3A_860] : memref<2x400x32xf32, #tpu.memory_space<vmem>> -> memref<1x400x32xf32, #tpu.memory_space<vmem>>
      %dma_wait3A_862 = tpu.memref_squeeze %dma_wait3A_861 : memref<1x400x32xf32, #tpu.memory_space<vmem>> -> memref<400x32xf32, #tpu.memory_space<vmem>>
      %dma_wait3A_863 = arith.constant 32 : i32
      %dma_wait3A_864 = tpu.memref_slice %arg5[%add3A_728, %dma_wait3A_863] : memref<819200x80xf32, #tpu.memory_space<hbm>> -> memref<400x32xf32, #tpu.memory_space<hbm>>
      %dma_wait3A_865 = arith.constant 32 : i32
      %dma_wait3A_866 = tpu.memref_slice %arg5[%add3A_728, %dma_wait3A_865] : memref<819200x80xf32, #tpu.memory_space<hbm>> -> memref<400x32xf32, #tpu.memory_space<hbm>>
      %dma_wait3A_867 = arith.constant 0 : i32
      %dma_wait3A_868 = arith.constant 0 : i32
      %dma_wait3A_869 = tpu.memref_slice %arg11[%dma_wait3A_858, %dma_wait3A_867, %dma_wait3A_868] : memref<2x400x32xf32, #tpu.memory_space<vmem>> -> memref<1x400x32xf32, #tpu.memory_space<vmem>>
      %dma_wait3A_870 = tpu.memref_squeeze %dma_wait3A_869 : memref<1x400x32xf32, #tpu.memory_space<vmem>> -> memref<400x32xf32, #tpu.memory_space<vmem>>
      tpu.wait_dma2 semaphore(%arg17 : memref<!tpu.dma_semaphore, #tpu.memory_space<semaphore_mem>>) src(%dma_wait3A_870 : memref<400x32xf32, #tpu.memory_space<vmem>>) dst(%dma_wait3A_866 : memref<400x32xf32, #tpu.memory_space<hbm>>)
      %dma_wait3A_871 = arith.constant 1 : i32
      %dma_wait3A_872 = arith.constant 0 : i32
      %dma_wait3A_873 = arith.constant 0 : i32
      %dma_wait3A_874 = tpu.memref_slice %arg10[%dma_wait3A_871, %dma_wait3A_872, %dma_wait3A_873] : memref<2x400x32xf32, #tpu.memory_space<vmem>> -> memref<1x400x32xf32, #tpu.memory_space<vmem>>
      %dma_wait3A_875 = tpu.memref_squeeze %dma_wait3A_874 : memref<1x400x32xf32, #tpu.memory_space<vmem>> -> memref<400x32xf32, #tpu.memory_space<vmem>>
      %dma_wait3A_876 = arith.constant 0 : i32
      %dma_wait3A_877 = tpu.memref_slice %arg5[%add3A_818, %dma_wait3A_876] : memref<819200x80xf32, #tpu.memory_space<hbm>> -> memref<400x32xf32, #tpu.memory_space<hbm>>
      %dma_wait3A_878 = arith.constant 0 : i32
      %dma_wait3A_879 = tpu.memref_slice %arg5[%add3A_818, %dma_wait3A_878] : memref<819200x80xf32, #tpu.memory_space<hbm>> -> memref<400x32xf32, #tpu.memory_space<hbm>>
      %dma_wait3A_880 = arith.constant 0 : i32
      %dma_wait3A_881 = arith.constant 0 : i32
      %dma_wait3A_882 = tpu.memref_slice %arg10[%dma_wait3A_871, %dma_wait3A_880, %dma_wait3A_881] : memref<2x400x32xf32, #tpu.memory_space<vmem>> -> memref<1x400x32xf32, #tpu.memory_space<vmem>>
      %dma_wait3A_883 = tpu.memref_squeeze %dma_wait3A_882 : memref<1x400x32xf32, #tpu.memory_space<vmem>> -> memref<400x32xf32, #tpu.memory_space<vmem>>
      tpu.wait_dma2 semaphore(%arg18 : memref<!tpu.dma_semaphore, #tpu.memory_space<semaphore_mem>>) src(%dma_wait3A_883 : memref<400x32xf32, #tpu.memory_space<vmem>>) dst(%dma_wait3A_879 : memref<400x32xf32, #tpu.memory_space<hbm>>)
      %dma_wait3A_884 = arith.constant 1 : i32
      %dma_wait3A_885 = arith.constant 0 : i32
      %dma_wait3A_886 = arith.constant 0 : i32
      %dma_wait3A_887 = tpu.memref_slice %arg11[%dma_wait3A_884, %dma_wait3A_885, %dma_wait3A_886] : memref<2x400x32xf32, #tpu.memory_space<vmem>> -> memref<1x400x32xf32, #tpu.memory_space<vmem>>
      %dma_wait3A_888 = tpu.memref_squeeze %dma_wait3A_887 : memref<1x400x32xf32, #tpu.memory_space<vmem>> -> memref<400x32xf32, #tpu.memory_space<vmem>>
      %dma_wait3A_889 = arith.constant 32 : i32
      %dma_wait3A_890 = tpu.memref_slice %arg5[%add3A_818, %dma_wait3A_889] : memref<819200x80xf32, #tpu.memory_space<hbm>> -> memref<400x32xf32, #tpu.memory_space<hbm>>
      %dma_wait3A_891 = arith.constant 32 : i32
      %dma_wait3A_892 = tpu.memref_slice %arg5[%add3A_818, %dma_wait3A_891] : memref<819200x80xf32, #tpu.memory_space<hbm>> -> memref<400x32xf32, #tpu.memory_space<hbm>>
      %dma_wait3A_893 = arith.constant 0 : i32
      %dma_wait3A_894 = arith.constant 0 : i32
      %dma_wait3A_895 = tpu.memref_slice %arg11[%dma_wait3A_884, %dma_wait3A_893, %dma_wait3A_894] : memref<2x400x32xf32, #tpu.memory_space<vmem>> -> memref<1x400x32xf32, #tpu.memory_space<vmem>>
      %dma_wait3A_896 = tpu.memref_squeeze %dma_wait3A_895 : memref<1x400x32xf32, #tpu.memory_space<vmem>> -> memref<400x32xf32, #tpu.memory_space<vmem>>
      tpu.wait_dma2 semaphore(%arg18 : memref<!tpu.dma_semaphore, #tpu.memory_space<semaphore_mem>>) src(%dma_wait3A_896 : memref<400x32xf32, #tpu.memory_space<vmem>>) dst(%dma_wait3A_892 : memref<400x32xf32, #tpu.memory_space<hbm>>)
    }
    %scan3A_5 = arith.constant 8 : i32
    return
  }
}

</mosaic_0001>

<sc_bundles>
// kernel: kernel.3.cloned.1.call-start
scs
__scs_entry_jumppad:
0x0: {  	(pc) =	sbr.rel $0x88, $3  }
0x1: {  	(tag) =	ssettag $0x0;
	lr =	simm.s32 $0x1  }
0x2: {  	[smem:$0x3F9E] =	sst lr;
	_ =	strace $0xD0000000  }
0x3: {  	_ = 	snop  }
0x4: {  	_ = 	snop  }
0x5: {  	_ = 	snop  }
0x6: {  	_ = 	snop  }
0x7: {  	_ = 	snop  }
__scs_overlays_trampoline_lowered:
0x8: {  	[smem:$0x3FAD] =	sst s0  }
0x9: {  	[smem:$0x3FAE] =	sst s1  }
0xa: {  	[smem:$0x3FAF] =	sst s2  }
0xb: {  	[smem:$0x3FB0] =	sst s3  }
0xc: {  	[smem:$0x3FB1] =	sst s4  }
0xd: {  	[smem:$0x3FB2] =	sst s5  }
0xe: {  	[smem:$0x3FB3] =	sst s6  }
0xf: {  	[smem:$0x3FB4] =	sst s7  }
0x10: {  	[smem:$0x3FB5] =	sst s8  }
0x11: {  	[smem:$0x3FB6] =	sst s9;
	s0 =	simm.s32 @!p0 $0x0  }
0x12: {  	s1 =	sld [smem:$0x3F9C];
	s0 =	simm.s32 @p0 $0x1  }
0x13: {  	[smem:$0x3FB7] =	sst s0;
	s0 =	simm.s32 @!p1 $0x0  }
0x14: {  	s2 =	sld [smem:$0x3F9B];
	s0 =	simm.s32 @p1 $0x1  }
0x15: {  	[smem:$0x3FB8] =	sst s0;
	s0 =	simm.s32 @!p2 $0x0  }
0x16: {  	s3 =	sld [smem:$0x3FDB];
	s0 =	simm.s32 @p2 $0x1  }
0x17: {  	s4 =	simm.s32 $0x1BF5;
	[smem:$0x3FBA] =	sst s0  }
0x18: {  	s0 =	sld [smem:$0x3F9D];
	_ =	swait.ge [sflag:s4], $0x0  }
0x19: {  	s7 =	sld [smem:$0x3F9E]  }
0x1a: {  	s8 =	sadd.s32 $0xFFFFE003, lr  }
0x1b: {  	s9 =	sadd.s32 $0xFFFFFEF7, lr;
	s5 =	simm.s32 $0xFFFFFFFF;
	p2 =	slt.u32 s8, $0xFFFFF086  }
0x1c: {  	p1 =	slt.u32 s9, $0xF7A;
	s5 =	simm.s32 @!p2 $0x0  }
0x1d: {  	s5 =	simm.s32 @p1 $0x1;
	p0 =	seq.s32 s7, s2  }
0x1e: {  	s7 =	smul.u32 @!p0 $0xF7A, s2;
	p2 =	seq.s32 @!p0 s5, $0x0  }
0x1f: {  	s9 =	smul.u32 $0xF7A, s1;
	s8 =	simm.s32 @!p0 $0x1BF5;
	p2 =	por !p2, p0  }
0x20: {  	[sflag:s8] =	ssyncset.s32 @!p0 $0xFFFFF086;
	s6 =	sadd.s32 @!p0 s3, s7;
	s7 =	simm.s32 @!p0 $0x108  }
0x21: {  	s3 =	sadd.s32 s3, s9;
	s6 =	sadd.s32 @!p0 $0x88, s6;
	s7 =	simm.s32 @p2 $0x1082  }
0x22: {  	[simem:s7], [sflag:s8] =	dma.local @!p0 [hbm:s6], $0xF7A  }
0x23: {  	s9 =	sor.u32 $0xD0000000, s2;
	s6 =	simm.s32 $0x108;
	_ =	swait.ge @!p0 [sflag:s8], $0x0  }
0x24: {  	s3 =	sadd.s32 $0x88, s3;
	s6 =	simm.s32 @!p1 $0x1082;
	[sflag:s4] =	ssyncset.s32 $0xFFFFF086  }
0x25: {  	[simem:s6], [sflag:s4] =	dma.local [hbm:s3], $0xF7A  }
0x26: {  	[smem:$0x3F9E] =	sst s1;
	(tag) =	ssettag s2;
	_ =	strace s9  }
0x27: {  	s1 =	sld [smem:$0x3FAE]  }
0x28: {  	s2 =	sld [smem:$0x3FAF]  }
0x29: {  	s4 =	sld [smem:$0x3FB1]  }
0x2a: {  	p0 =	seq.s32 s5, $0x0;
	s5 =	sld [smem:$0x3FB2]  }
0x2b: {  	s6 =	sld [smem:$0x3FB3]  }
0x2c: {  	s7 =	sld [smem:$0x3FB4]  }
0x2d: {  	s3 =	simm.s32 $0x108;
	s8 =	sld [smem:$0x3FB5]  }
0x2e: {  	s3 =	simm.s32 @!p0 $0x1082;
	s9 =	sld [smem:$0x3FB6]  }
0x2f: {  	lr =	sadd.s32 s0, s3;
	s0 =	sld [smem:$0x3FAD]  }
0x30: {  	s3 =	sld [smem:$0x3FB0]  }
0x31: {  	[smem:$0x3FB9] =	sst s10  }
0x32: {  	s10 =	sld [smem:$0x3FB7];
	_ =	sdelay $0x3  }
0x33: {  	p0 =	seq.s32 s10, $0x1;
	s10 =	sld [smem:$0x3FB9];
	_ =	sdelay $0x3  }
0x34: {  	[smem:$0x3FB9] =	sst s10  }
0x35: {  	s10 =	sld [smem:$0x3FB8];
	_ =	sdelay $0x3  }
0x36: {  	p1 =	seq.s32 s10, $0x1;
	s10 =	sld [smem:$0x3FB9];
	_ =	sdelay $0x3  }
0x37: {  	[smem:$0x3FB9] =	sst s10  }
0x38: {  	s10 =	sld [smem:$0x3FBA]  }
0x39: {  	_ = 	snop;
	(pc) =	sbr.ind lr, $3  }
0x3a: {  	_ = 	snop  }
0x3b: {  	_ = 	snop  }
0x3c: {  	p2 =	seq.s32 s10, $0x1;
	s10 =	sld [smem:$0x3FB9]  }
0x3d: {  	_ =	shalt  }
0x3e: {  	_ =	shalt  }
0x3f: {  	_ =	shalt  }
0x40: {  	_ =	shalt  }
0x41: {  	_ =	shalt  }
0x42: {  	_ =	shalt  }
0x43: {  	_ =	shalt  }
0x44: {  	_ =	shalt  }
0x45: {  	_ =	shalt  }
0x46: {  	_ =	shalt  }
0x47: {  	_ =	shalt  }
0x48: {  	_ =	shalt  }
0x49: {  	_ =	shalt  }
0x4a: {  	_ =	shalt  }
0x4b: {  	_ =	shalt  }
0x4c: {  	_ =	shalt  }
0x4d: {  	_ =	shalt  }
0x4e: {  	_ =	shalt  }
0x4f: {  	_ =	shalt  }
0x50: {  	_ =	shalt  }
0x51: {  	_ =	shalt  }
0x52: {  	_ =	shalt  }
0x53: {  	_ =	shalt  }
0x54: {  	_ =	shalt  }
0x55: {  	_ =	shalt  }
0x56: {  	_ =	shalt  }
0x57: {  	_ =	shalt  }
0x58: {  	_ =	shalt  }
0x59: {  	_ =	shalt  }
0x5a: {  	_ =	shalt  }
0x5b: {  	_ =	shalt  }
0x5c: {  	_ =	shalt  }
0x5d: {  	_ =	shalt  }
0x5e: {  	_ =	shalt  }
0x5f: {  	_ =	shalt  }
0x60: {  	_ =	shalt  }
0x61: {  	_ =	shalt  }
0x62: {  	_ =	shalt  }
0x63: {  	_ =	shalt  }
0x64: {  	_ =	shalt  }
0x65: {  	_ =	shalt  }
0x66: {  	_ =	shalt  }
0x67: {  	_ =	shalt  }
0x68: {  	_ =	shalt  }
0x69: {  	_ =	shalt  }
0x6a: {  	_ =	shalt  }
0x6b: {  	_ =	shalt  }
0x6c: {  	_ =	shalt  }
0x6d: {  	_ =	shalt  }
0x6e: {  	_ =	shalt  }
0x6f: {  	_ =	shalt  }
0x70: {  	_ =	shalt  }
0x71: {  	_ =	shalt  }
0x72: {  	_ =	shalt  }
0x73: {  	_ =	shalt  }
0x74: {  	_ =	shalt  }
0x75: {  	_ =	shalt  }
0x76: {  	_ =	shalt  }
0x77: {  	_ =	shalt  }
0x78: {  	_ =	shalt  }
0x79: {  	_ =	shalt  }
0x7a: {  	_ =	shalt  }
0x7b: {  	_ =	shalt  }
0x7c: {  	_ =	shalt  }
0x7d: {  	_ =	shalt  }
0x7e: {  	_ =	shalt  }
0x7f: {  	_ =	shalt  }
0x80: {  	_ =	shalt  }
0x81: {  	_ =	shalt  }
0x82: {  	_ =	shalt  }
0x83: {  	_ =	shalt  }
0x84: {  	_ =	shalt  }
0x85: {  	_ =	shalt  }
0x86: {  	_ =	shalt  }
0x87: {  	_ =	shalt  }
.Lfunc_end0:
.L_simem_size_0:
called_computation.2_lowered:
.L_overlay_start_0:
0x88: {  	s2 =	sld [smem:$0x3FD9]  }
0x89: {  	s3 =	sld [smem:$0x3FFE];
	_ =	sdelay $0x1  }
0x8a: {  	s1 =	srdreg.scid  }
0x8b: {  	s0 =	sand.u32 $0x1, s1  }
0x8c: {  	s17 =	sshll.u32 s0, $0xA;
	s2 =	sadd.s32 s3, s2  }
0x8d: {  	s2 =	sadd.s32 s2, s17  }
0x8e: {  	[smem:$0x3FC5] =	sst s2  }
0x8f: {  	_ = 	snop  }
0x90: {  	s2 =	sld [smem:$0x3FD0];
	(tm) =	ssettm $0x1  }
0x91: {  	s18 =	sld [smem:$0x3FFB];
	_ =	sdelay $0x3  }
0x92: {  	_ =	strace s18  }
0x93: {  	s3 =	sld [smem:$0x3FFC];
	_ =	sdelay $0x3  }
0x94: {  	_ =	strace s3  }
0x95: {  	s3 =	sld [smem:$0x3FFD];
	_ =	sdelay $0x3  }
0x96: {  	_ =	strace s3  }
0x97: {  	_ =	strace $0x8FFFFFFF  }
0x98: {  	s19 =	sld [smem:$0x3FDB];
	_ =	sdelay $0x1  }
0x99: {  	s4 =	simm.s32 $_scs_section_size  }
0x9a: {  	s5 =	simm.s32 $_size__tile_overlayer_lowered;
	s6 =	simm.s32 $_tile_overlayer_lowered  }
0x9b: {  	s22 =	simm.s32 $0x1BFF;
	s21 =	sshll.u32 s6, $0x1;
	s3 =	sadd.s32 s4, s19  }
0x9c: {  	s7 =	simm.s32 $0x0;
	s20 =	sshll.u32 s5, $0x1;
	s5 =	sadd.s32 s21, s3  }
0x9d: {  	[timem:s7], [sflag:s22] =	dma.local [hbm:s5], s20  }
0x9e: {  	_ =	swait.ge [sflag:s22], s20  }
0x9f: {  	s4 =	ssub.s32 $0x0, s20;
	[sflag:s22] =	ssyncset.done $0x0  }
0xa0: {  	[sflag:s22] =	ssyncadd.s32 s4;
	_ =	sdelay $0x1  }
0xa1: {  	s23 =	simm.s32 $0x1B8B  }
0xa2: {  	_ =	swait.ge [sflag:s23], $0x1  }
0xa3: {  	[sflag:s23] =	ssyncset.done $0x0  }
0xa4: {  	s25 =	simm.s32 $0x1B8E;
	s24 =	sld [smem:$0x3FFE];
	[sflag:s23] =	ssyncadd.s32 $0xFFFFFFFF  }
0xa5: {  	s26 =	simm.s32 $execute0_lowered;
	[smem:$0x3FD2] =	sst s25  }
0xa6: {  	s5 =	sshll.u32 s26, $0x1;
	_ =	strace $0x80000049;
	[dreg:$0x1] =	wrdreg $0xFFFFFFFF  }
0xa7: {  	s28 =	simm.s32 $_size_execute0_lowered;
	s3 =	sadd.s32 s3, s5;
	[dreg:$0x0] =	wrdreg $0x0  }
0xa8: {  	s5 =	sshll.u32 s28, $0x1;
	[dreg:$0x2] =	wrdreg s3  }
0xa9: {  	[dreg:$0x3] =	wrdreg s5  }
0xaa: {  	[dreg:$0x4] =	wrdreg $0xC0  }
0xab: {  	_ =	task [dreg:s7], $0x5FFFF  }
0xac: {  	[dreg:$0x1] =	wrdreg $0xFFFFFFFF  }
0xad: {  	[dreg:$0x0] =	wrdreg $0x60  }
0xae: {  	[dreg:$0x2] =	wrdreg s24  }
0xaf: {  	[dreg:$0x3] =	wrdreg s2  }
0xb0: {  	[dreg:$0x4] =	wrdreg $0x9  }
0xb1: {  	_ =	task.clear_ibuf [dreg:s7], $0x5FFFF;
	_ =	strace $0x90000049  }
0xb2: {  	s29 =	simm.s32 $0x9;
	_ =	strace $0x8000004B  }
0xb3: {  	_ =	swait.ge [sflag:s29], $0x1  }
0xb4: {  	[sflag:s29] =	ssyncadd.s32 $0xFFFFFFFF  }
0xb5: {  	_ =	strace $0x9000004B  }
0xb6: {  	_ =	sfence  }
0xb7: {  	s30 =	sld [smem:$0x0];
	_ =	sdelay $0x2  }
0xb8: {  	s31 =	sshll.u32 s1, $0xD;
	s1 =	sshrl.u32 s1, $0x2  }
0xb9: {  	s3 =	sand.u32 $0x4000, s31;
	s1 =	sadd.s32 s1, s30  }
0xba: {  	s0 =	sor.u32 s3, s0;
	s1 =	sshll.u32 s1, $0x11  }
0xbb: {  	s0 =	sor.u32 s1, s0  }
0xbc: {  	s0 =	sadd.s32 $0x8F2B, s0  }
0xbd: {  	[sflag:s0] =	ssyncadd.remote.s32 $0x1  }
0xbe: {  	_ =	sfence.sel $0xFFFF  }
0xbf: {  	[dreg:$0x0] =	wrdreg $0xFFFFFFFF;
	(pc) =	sbr.abs _section_cstart, $3  }
0xc0: {  	[dreg:$0x1] =	wrdreg $0xFFFFFFFF  }
0xc1: {  	_ =	task.clear_ibuf [dreg:s7], $0x2FFFF;
	_ =	strace $0x9FFFFFFF  }
0xc2: {  	(tm) =	ssettm $0x7FFFFFFF  }
0xc3: {  	_ =	shalt  }
tec
execute0_lowered:
.L_overlay_start_1:
0x0: {  	(tag) =	ssettag $0x1  }
0x1: {  	s0 =	rddreg [dreg:$0x0]  }
0x2: {  	s4 =	rddreg [dreg:$0x1]  }
0x3: {  	s7 =	simm.s32 $0x0;
	s1 =	srdreg.scid;
	s8 =	stileid.u32  }
0x4: {  	s14 =	simm.s32 $0x7;
	s15 =	simm.s32 $0x1900;
	s16 =	simm.s32 $0xE100  }
0x5: {  	s17 =	simm.s32 $0xED80;
	s18 =	simm.s32 $0x190;
	s30 =	simm.s32 $0xFA00  }
0x6: {  	s12 =	simm.s32 $0x15E00;
	s28 =	simm.s32 $0x20;
	s29 =	simm.s32 $0x50  }
0x7: {  	s11 =	simm.s32 $0x4;
	[smem:$0x7FF] =	sst s7;
	s2 =	sadd.s32 $0xE00, s0  }
0x8: {  	v1 =	vlaneseq.u32;
	s1 =	sand.u32 $0x1, s1;
	s5 =	sadd.s32 $0x1105400, s0;
	s6 =	sadd.s32 $0x1C2E00, s0  }
0x9: {  	s0 =	sadd.s32 $0x32E00, s0;
	v0 =	vmul.u32 $0xC80, v1;
	_ =	strace $0x8000004A;
	[dreg:$0x4] =	wrdreg s2  }
0xa: {  	s24 =	sshll.u32 s8, $0x8;
	s25 =	sadd.s32 $0x4, s4;
	v1 =	vmul.u32 $0xC8, v1;
	[dreg:$0x6] =	wrdreg s0  }
0xb: {  	s26 =	sadd.s32 $0x8, s4;
	s23 =	ssub.s32 $0x2, s1;
	[dreg:$0x7] =	wrdreg s25;
	v2 =	vor.u32 $0x1, v0;
	v3 =	vor.u32 $0x2, v0;
	v4 =	vor.u32 $0x3, v0  }
0xc: {  	s1 =	sshll.u32 s1, $0x7;
	[dreg:$0x8] =	wrdreg s26;
	s3 =	sshrl.u32 s23, $0x1;
	v5 =	vor.u32 $0x4, v0;
	v6 =	vor.u32 $0x5, v0;
	v7 =	vor.u32 $0x6, v0  }
0xd: {  	s25 =	simm.s32 $0x12C00;
	s1 =	sor.u32 s1, s24;
	v8 =	vor.u32 $0x7, v0;
	v9 =	vor.u32 $0x8, v0;
	v10 =	vor.u32 $0x9, v0;
	s2 =	ssub.s32 s23, s3  }
0xe: {  	s26 =	simm.s32 $0x19000;
	v11 =	vor.u32 $0xA, v0;
	v12 =	vor.u32 $0xB, v0;
	v13 =	vor.u32 $0xC, v0;
	[dreg:$0x5] =	wrdreg s1;
	s31 =	smax.u32 s2, $0x1  }
0xf: {  	v14 =	vor.u32 $0xD, v0;
	v15 =	vor.u32 $0xE, v0;
	v16 =	vor.u32 $0xF, v0;
	s23 =	simm.s32 $0x6;
	s2 =	simm.s32 $0x5;
	[dreg:$0x9] =	wrdreg s31  }
.LBB2_1:
0x10: {  	[dreg:$0x3] =	wrdreg s7;
	s31 =	simm.s32 $0x0;
	s9 =	simm.s32 $0x10  }
.LBB2_2:
0x11: {  	s0 =	sshll.u32 s31, $0x4;
	s1 =	rddreg [dreg:$0x5]  }
0x12: {  	s0 =	sadd.s32 s1, s0  }
0x13: {  	s4 =	rddreg [dreg:$0x4];
	s1 =	sshrl.u32 s0, $0x3  }
0x14: {  	s7 =	simm.s32 $0x0;
	s8 =	simm.s32 $0x1000;
	s4 =	sadd.s32 s4, s1  }
0x15: {  	[tilespmem:s7], [sflag:$0x7] =	stream.strided.gather [hbm4b:s4+s9], $0x1900, s8, s9, $0x38;
	[tilespmem:$0x1DB00] =	vst v63  }
0x16: {  	_ =	swait.ge [sflag:s14], $0x1900  }
0x17: {  	[sflag:s14] =	ssyncset.done $0x0;
	s22 =	rddreg [dreg:$0x6]  }
0x18: {  	[sflag:s14] =	ssyncadd.s32 $0xFFFFE700;
	s1 =	sadd.s32 s1, s22  }
0x19: {  	[tilespmem:s15], [sflag:$0x7] =	stream.strided.gather [hbm4b:s1+s9], $0xC800, s8, s9, $0x38;
	[tilespmem:$0x1DB00] =	vst v63  }
0x1a: {  	_ =	swait.ge [sflag:s14], $0xC800  }
0x1b: {  	[sflag:s14] =	ssyncset.done $0x0  }
0x1c: {  	s1 =	simm.s32 $0xC90;
	[sflag:s14] =	ssyncadd.s32 $0xFFFF3800  }
0x1d: {  	v17 =	vld [tilespmem:s1+$0xFFFFF370]  }
0x1e: {  	v18 =	vmov s7;
	v19 =	vadd.s32 s7, v1;
	v20 =	vld [tilespmem:s1+$0xFFFFFFF0]  }
0x1f: {  	v19 =	vand.u32 $0x1FF8, v19;
	v18 =	vand.u32 $0x6, v18  }
0x20: {  	v18 =	vor.u32 v18, v19;
	_ =	sdelay $0x1  }
0x21: {  	v17 =	vtrunc.f32 v17  }
0x22: {  	v19 =	vtrunc.f32 v20;
	v17 =	vcvt.f32.s32 v17  }
0x23: {  	v19 =	vcvt.f32.s32 v19  }
0x24: {  	[tilespmem:v18+s16+$0x0] =	vst.idx.msk $0xffff, v17  }
0x25: {  	[tilespmem:v18+s17+$0x0] =	vst.idx.msk $0xffff, v19  }
0x26: {  	v18 =	vld [tilespmem:s1+$0xFFFFF380];
	_ =	sdelay $0x1  }
0x27: {  	s24 =	simm.s32 $0x1;
	v19 =	vld [tilespmem:s1+$0x0]  }
0x28: {  	v17 =	vadd.s32 s24, v1;
	_ =	sdelay $0x1  }
0x29: {  	v18 =	vtrunc.f32 v18  }
0x2a: {  	v20 =	vcvt.f32.s32 v18  }
0x2b: {  	v18 =	vtrunc.f32 v19  }
0x2c: {  	s4 =	simm.s32 $0x2;
	v18 =	vcvt.f32.s32 v18;
	[tilespmem:v17+s16+$0x0] =	vst.idx.msk $0xffff, v20  }
.LBB2_3:
0x2d: {  	p0 =	slt.u32 s4, $0xC6  }
0x2e: {  	[tilespmem:v17+s17+$0x0] =	vst.idx.msk $0xffff, v18;
	s1 =	sadd.s32 $0x20, s1;
	s7 =	smov.u32 s4;
	s4 =	sadd.s32 $0x2, s4  }
0x2f: {  	v17 =	vld [tilespmem:s1+$0xFFFFF370]  }
0x30: {  	v18 =	vmov s7;
	v19 =	vadd.s32 s7, v1;
	v20 =	vld [tilespmem:s1+$0xFFFFFFF0]  }
0x31: {  	v19 =	vand.u32 $0x1FF8, v19;
	v18 =	vand.u32 $0x6, v18  }
0x32: {  	v18 =	vor.u32 v18, v19;
	_ =	sdelay $0x1  }
0x33: {  	v17 =	vtrunc.f32 v17  }
0x34: {  	v17 =	vcvt.f32.s32 v17;
	v19 =	vtrunc.f32 v20  }
0x35: {  	v19 =	vcvt.f32.s32 v19  }
0x36: {  	[tilespmem:v18+s16+$0x0] =	vst.idx.msk $0xffff, v17  }
0x37: {  	[tilespmem:v18+s17+$0x0] =	vst.idx.msk $0xffff, v19  }
0x38: {  	v18 =	vld [tilespmem:s1+$0xFFFFF380]  }
0x39: {  	v19 =	vld [tilespmem:s1+$0x0]  }
0x3a: {  	s7 =	sadd.s32 $0x1, s7  }
0x3b: {  	v17 =	vadd.s32 s7, v1  }
.Ltmp0:
0x3c: {  	(pc) =	sbr.rel @p0 .LBB2_3-.Ltmp0, $4  }
0x3d: {  	v18 =	vtrunc.f32 v18  }
0x3e: {  	v20 =	vcvt.f32.s32 v18;
	v18 =	vtrunc.f32 v19  }
0x3f: {  	v18 =	vcvt.f32.s32 v18  }
0x40: {  	[tilespmem:v17+s16+$0x0] =	vst.idx.msk $0xffff, v20  }
0x41: {  	_ =	sdelay $0x3  }
0x42: {  	[tilespmem:v17+s17+$0x0] =	vst.idx.msk $0xffff, v18  }
0x43: {  	[tilespmem:s30], [sflag:$0x1] =	stream.indirect.gather [hbm4b:s5+s18], $0x20, s16, s18, $0xb8;
	[tilespmem:$0x1DB00] =	vst v63  }
0x44: {  	s21 =	simm.s32 $0x0  }
0x45: {  	v17 =	vadd.s32 s21, v0;
	[tilespmem:s12], [sflag:$0x3] =	stream.indirect.gather [hbm4b:s6+s18], $0x20, s17, s18, $0xb8;
	[tilespmem:$0x1DB00] =	vst v63  }
0x46: {  	s1 =	simm.s32 $0xE290  }
0x47: {  	[tilespmem:s25], [sflag:$0x2] =	stream.indirect.gather [hbm4b:s5+s18], $0x20, s1, s18, $0xb8;
	[tilespmem:$0x1DB00] =	vst v63  }
0x48: {  	s30 =	simm.s32 $0xEF10  }
0x49: {  	[tilespmem:s26], [sflag:$0x4] =	stream.indirect.gather [hbm4b:s6+s18], $0x20, s30, s18, $0xb8;
	[tilespmem:$0x1DB00] =	vst v63  }
0x4a: {  	s4 =	simm.s32 $0x10;
	v17 =	vld.idx.msk [tilespmem:v17+s15+$0x0], $0xffff  }
0x4b: {  	v18 =	vadd.s32 s4, v0;
	_ =	sdelay $0x2  }
0x4c: {  	s20 =	simm.s32 $0x1C240  }
0x4d: {  	[tilespmem:s20+$0xFFFFFFC0] =	vst v17  }
0x4e: {  	s7 =	simm.s32 $0x20;
	v17 =	vld.idx.msk [tilespmem:v18+s15+$0x0], $0xffff  }
0x4f: {  	v18 =	vadd.s32 s7, v0;
	_ =	sdelay $0x3  }
0x50: {  	[tilespmem:s20+$0xFFFFFFD0] =	vst v17  }
0x51: {  	s8 =	simm.s32 $0x30;
	v17 =	vld.idx.msk [tilespmem:v18+s15+$0x0], $0xffff  }
0x52: {  	v18 =	vadd.s32 s8, v0;
	_ =	sdelay $0x3  }
0x53: {  	[tilespmem:s20+$0xFFFFFFE0] =	vst v17  }
0x54: {  	s9 =	simm.s32 $0x40;
	v17 =	vld.idx.msk [tilespmem:v18+s15+$0x0], $0xffff  }
0x55: {  	v18 =	vadd.s32 s9, v0;
	_ =	sdelay $0x3  }
0x56: {  	[tilespmem:s20+$0xFFFFFFF0] =	vst v17  }
0x57: {  	s10 =	simm.s32 $0x50;
	v17 =	vld.idx.msk [tilespmem:v18+s15+$0x0], $0xffff  }
0x58: {  	v18 =	vadd.s32 s10, v0;
	_ =	sdelay $0x3  }
0x59: {  	[tilespmem:s20+$0x0] =	vst v17  }
0x5a: {  	s13 =	simm.s32 $0x60;
	v17 =	vld.idx.msk [tilespmem:v18+s15+$0x0], $0xffff  }
0x5b: {  	v18 =	vadd.s32 s13, v0;
	_ =	sdelay $0x3  }
0x5c: {  	[tilespmem:s20+$0x10] =	vst v17  }
0x5d: {  	s19 =	simm.s32 $0x70;
	v17 =	vld.idx.msk [tilespmem:v18+s15+$0x0], $0xffff  }
0x5e: {  	v18 =	vadd.s32 s19, v0;
	_ =	sdelay $0x3  }
0x5f: {  	[tilespmem:s20+$0x20] =	vst v17  }
0x60: {  	s22 =	simm.s32 $0x80;
	s24 =	simm.s32 $0x10;
	v17 =	vld.idx.msk [tilespmem:v18+s15+$0x0], $0xffff  }
.LBB2_5:
0x61: {  	p0 =	slt.u32 s24, $0xC0;
	v18 =	vadd.s32 s22, v0;
	_ =	sdelay $0x3  }
0x62: {  	s1 =	simm.s32 $0x1CEF0;
	[tilespmem:s20+$0x30] =	vst v17  }
0x63: {  	v17 =	vld.idx.msk [tilespmem:v18+s15+$0x0], $0xffff  }
0x64: {  	s30 =	sadd.s32 $0x10, s22  }
0x65: {  	v18 =	vadd.s32 s30, v0;
	_ =	sdelay $0x2  }
0x66: {  	s20 =	sadd.s32 $0x80, s20  }
0x67: {  	[tilespmem:s20+$0xFFFFFFC0] =	vst v17  }
0x68: {  	v17 =	vld.idx.msk [tilespmem:v18+s15+$0x0], $0xffff  }
0x69: {  	s30 =	sadd.s32 $0x20, s22  }
0x6a: {  	v18 =	vadd.s32 s30, v0;
	_ =	sdelay $0x3  }
0x6b: {  	[tilespmem:s20+$0xFFFFFFD0] =	vst v17  }
0x6c: {  	v17 =	vld.idx.msk [tilespmem:v18+s15+$0x0], $0xffff  }
0x6d: {  	s30 =	sadd.s32 $0x30, s22  }
0x6e: {  	v18 =	vadd.s32 s30, v0;
	_ =	sdelay $0x3  }
0x6f: {  	[tilespmem:s20+$0xFFFFFFE0] =	vst v17  }
0x70: {  	v17 =	vld.idx.msk [tilespmem:v18+s15+$0x0], $0xffff  }
0x71: {  	s30 =	sadd.s32 $0x40, s22  }
0x72: {  	v18 =	vadd.s32 s30, v0;
	_ =	sdelay $0x3  }
0x73: {  	[tilespmem:s20+$0xFFFFFFF0] =	vst v17  }
0x74: {  	v17 =	vld.idx.msk [tilespmem:v18+s15+$0x0], $0xffff  }
0x75: {  	s30 =	sadd.s32 $0x50, s22  }
0x76: {  	v18 =	vadd.s32 s30, v0;
	_ =	sdelay $0x3  }
0x77: {  	[tilespmem:s20+$0x0] =	vst v17  }
0x78: {  	v17 =	vld.idx.msk [tilespmem:v18+s15+$0x0], $0xffff  }
0x79: {  	s30 =	sadd.s32 $0x60, s22  }
0x7a: {  	v18 =	vadd.s32 s30, v0;
	_ =	sdelay $0x3  }
0x7b: {  	[tilespmem:s20+$0x10] =	vst v17  }
0x7c: {  	v17 =	vld.idx.msk [tilespmem:v18+s15+$0x0], $0xffff  }
0x7d: {  	s22 =	sadd.s32 $0x70, s22  }
0x7e: {  	v18 =	vadd.s32 s22, v0;
	_ =	sdelay $0x1  }
.Ltmp1:
0x7f: {  	(pc) =	sbr.rel @p0 .LBB2_5-.Ltmp1, $4  }
0x80: {  	_ = 	snop  }
0x81: {  	[tilespmem:s20+$0x20] =	vst v17  }
0x82: {  	v17 =	vld.idx.msk [tilespmem:v18+s15+$0x0], $0xffff  }
0x83: {  	s22 =	sshll.u32 s24, $0x4;
	s24 =	sadd.s32 $0x8, s24  }
0x84: {  	v18 =	vadd.s32 s22, v0;
	_ =	sdelay $0x3  }
0x85: {  	[tilespmem:s20+$0x30] =	vst v17  }
0x86: {  	s24 =	sadd.s32 $0x10, s22;
	v17 =	vld.idx.msk [tilespmem:v18+s15+$0x0], $0xffff  }
0x87: {  	v18 =	vadd.s32 s24, v0;
	_ =	sdelay $0x2  }
0x88: {  	s20 =	sadd.s32 $0x80, s20  }
0x89: {  	[tilespmem:s20+$0xFFFFFFC0] =	vst v17  }
0x8a: {  	s26 =	sadd.s32 $0x20, s22;
	v17 =	vld.idx.msk [tilespmem:v18+s15+$0x0], $0xffff  }
0x8b: {  	v18 =	vadd.s32 s26, v0;
	_ =	sdelay $0x3  }
0x8c: {  	[tilespmem:s20+$0xFFFFFFD0] =	vst v17  }
0x8d: {  	s30 =	sadd.s32 $0x30, s22;
	v17 =	vld.idx.msk [tilespmem:v18+s15+$0x0], $0xffff  }
0x8e: {  	v18 =	vadd.s32 s30, v0;
	_ =	sdelay $0x3  }
0x8f: {  	[tilespmem:s20+$0xFFFFFFE0] =	vst v17  }
0x90: {  	s3 =	sadd.s32 $0x40, s22;
	v17 =	vld.idx.msk [tilespmem:v18+s15+$0x0], $0xffff  }
0x91: {  	v18 =	vadd.s32 s3, v0;
	_ =	sdelay $0x3  }
0x92: {  	[tilespmem:s20+$0xFFFFFFF0] =	vst v17  }
0x93: {  	s12 =	sadd.s32 $0x50, s22;
	v17 =	vld.idx.msk [tilespmem:v18+s15+$0x0], $0xffff  }
0x94: {  	v18 =	vadd.s32 s12, v0;
	_ =	sdelay $0x3  }
0x95: {  	[tilespmem:s20+$0x0] =	vst v17  }
0x96: {  	s26 =	sadd.s32 $0x60, s22;
	v17 =	vld.idx.msk [tilespmem:v18+s15+$0x0], $0xffff  }
0x97: {  	v18 =	vadd.s32 s26, v0;
	_ =	sdelay $0x3  }
0x98: {  	[tilespmem:s20+$0x10] =	vst v17  }
0x99: {  	s30 =	sadd.s32 $0x70, s22;
	v17 =	vld.idx.msk [tilespmem:v18+s15+$0x0], $0xffff  }
0x9a: {  	v18 =	vadd.s32 s30, v0;
	_ =	sdelay $0x3  }
0x9b: {  	[tilespmem:s20+$0x20] =	vst v17  }
0x9c: {  	v17 =	vld.idx.msk [tilespmem:v18+s15+$0x0], $0xffff  }
0x9d: {  	v18 =	vadd.s32 s21, v2;
	_ =	sdelay $0x3  }
0x9e: {  	[tilespmem:s20+$0x30] =	vst v17  }
0x9f: {  	v17 =	vld.idx.msk [tilespmem:v18+s15+$0x0], $0xffff  }
0xa0: {  	v18 =	vadd.s32 s4, v2;
	_ =	sdelay $0x3  }
0xa1: {  	[tilespmem:s1+$0xFFFFFF90] =	vst v17  }
0xa2: {  	v17 =	vld.idx.msk [tilespmem:v18+s15+$0x0], $0xffff  }
0xa3: {  	v18 =	vadd.s32 s7, v2;
	_ =	sdelay $0x3  }
0xa4: {  	[tilespmem:s1+$0xFFFFFFA0] =	vst v17  }
0xa5: {  	v17 =	vld.idx.msk [tilespmem:v18+s15+$0x0], $0xffff  }
0xa6: {  	v18 =	vadd.s32 s8, v2;
	_ =	sdelay $0x3  }
0xa7: {  	[tilespmem:s1+$0xFFFFFFB0] =	vst v17  }
0xa8: {  	v17 =	vld.idx.msk [tilespmem:v18+s15+$0x0], $0xffff  }
0xa9: {  	v18 =	vadd.s32 s9, v2;
	_ =	sdelay $0x3  }
0xaa: {  	[tilespmem:s1+$0xFFFFFFC0] =	vst v17  }
0xab: {  	v17 =	vld.idx.msk [tilespmem:v18+s15+$0x0], $0xffff  }
0xac: {  	v18 =	vadd.s32 s10, v2;
	_ =	sdelay $0x3  }
0xad: {  	[tilespmem:s1+$0xFFFFFFD0] =	vst v17  }
0xae: {  	v17 =	vld.idx.msk [tilespmem:v18+s15+$0x0], $0xffff  }
0xaf: {  	v18 =	vadd.s32 s13, v2;
	_ =	sdelay $0x3  }
0xb0: {  	[tilespmem:s1+$0xFFFFFFE0] =	vst v17  }
0xb1: {  	v17 =	vld.idx.msk [tilespmem:v18+s15+$0x0], $0xffff  }
0xb2: {  	v18 =	vadd.s32 s19, v2;
	_ =	sdelay $0x3  }
0xb3: {  	s12 =	simm.s32 $0x10;
	[tilespmem:s1+$0xFFFFFFF0] =	vst v17  }
0xb4: {  	s26 =	simm.s32 $0x1C200;
	s4 =	simm.s32 $0x80;
	s7 =	simm.s32 $0x10;
	v17 =	vld.idx.msk [tilespmem:v18+s15+$0x0], $0xffff  }
.LBB2_7:
0xb5: {  	p0 =	slt.u32 s7, $0xC0;
	v18 =	vadd.s32 s4, v2;
	_ =	sdelay $0x3  }
0xb6: {  	[tilespmem:s1+$0x0] =	vst v17  }
0xb7: {  	v17 =	vld.idx.msk [tilespmem:v18+s15+$0x0], $0xffff  }
0xb8: {  	s8 =	sadd.s32 $0x10, s4  }
0xb9: {  	v18 =	vadd.s32 s8, v2;
	_ =	sdelay $0x2  }
0xba: {  	s1 =	sadd.s32 $0x80, s1  }
0xbb: {  	[tilespmem:s1+$0xFFFFFF90] =	vst v17  }
0xbc: {  	v17 =	vld.idx.msk [tilespmem:v18+s15+$0x0], $0xffff  }
0xbd: {  	s8 =	sadd.s32 $0x20, s4  }
0xbe: {  	v18 =	vadd.s32 s8, v2;
	_ =	sdelay $0x3  }
0xbf: {  	[tilespmem:s1+$0xFFFFFFA0] =	vst v17  }
0xc0: {  	v17 =	vld.idx.msk [tilespmem:v18+s15+$0x0], $0xffff  }
0xc1: {  	s8 =	sadd.s32 $0x30, s4  }
0xc2: {  	v18 =	vadd.s32 s8, v2;
	_ =	sdelay $0x3  }
0xc3: {  	[tilespmem:s1+$0xFFFFFFB0] =	vst v17  }
0xc4: {  	v17 =	vld.idx.msk [tilespmem:v18+s15+$0x0], $0xffff  }
0xc5: {  	s8 =	sadd.s32 $0x40, s4  }
0xc6: {  	v18 =	vadd.s32 s8, v2;
	_ =	sdelay $0x3  }
0xc7: {  	[tilespmem:s1+$0xFFFFFFC0] =	vst v17  }
0xc8: {  	v17 =	vld.idx.msk [tilespmem:v18+s15+$0x0], $0xffff  }
0xc9: {  	s8 =	sadd.s32 $0x50, s4  }
0xca: {  	v18 =	vadd.s32 s8, v2;
	_ =	sdelay $0x3  }
0xcb: {  	[tilespmem:s1+$0xFFFFFFD0] =	vst v17  }
0xcc: {  	v17 =	vld.idx.msk [tilespmem:v18+s15+$0x0], $0xffff  }
0xcd: {  	s8 =	sadd.s32 $0x60, s4  }
0xce: {  	v18 =	vadd.s32 s8, v2;
	_ =	sdelay $0x3  }
0xcf: {  	[tilespmem:s1+$0xFFFFFFE0] =	vst v17  }
0xd0: {  	v17 =	vld.idx.msk [tilespmem:v18+s15+$0x0], $0xffff  }
0xd1: {  	s4 =	sadd.s32 $0x70, s4  }
0xd2: {  	v18 =	vadd.s32 s4, v2;
	_ =	sdelay $0x1  }
.Ltmp2:
0xd3: {  	(pc) =	sbr.rel @p0 .LBB2_7-.Ltmp2, $4  }
0xd4: {  	_ = 	snop  }
0xd5: {  	[tilespmem:s1+$0xFFFFFFF0] =	vst v17  }
0xd6: {  	v17 =	vld.idx.msk [tilespmem:v18+s15+$0x0], $0xffff  }
0xd7: {  	s4 =	sshll.u32 s7, $0x4;
	s7 =	sadd.s32 $0x8, s7  }
0xd8: {  	v18 =	vadd.s32 s4, v2;
	_ =	sdelay $0x3  }
0xd9: {  	[tilespmem:s1+$0x0] =	vst v17  }
0xda: {  	s7 =	sadd.s32 $0x10, s4;
	v17 =	vld.idx.msk [tilespmem:v18+s15+$0x0], $0xffff  }
0xdb: {  	v18 =	vadd.s32 s7, v2;
	_ =	sdelay $0x2  }
0xdc: {  	s19 =	sadd.s32 $0x80, s1  }
0xdd: {  	[tilespmem:s19+$0xFFFFFF90] =	vst v17  }
0xde: {  	s20 =	sadd.s32 $0x20, s4;
	v17 =	vld.idx.msk [tilespmem:v18+s15+$0x0], $0xffff  }
0xdf: {  	v18 =	vadd.s32 s20, v2;
	_ =	sdelay $0x3  }
0xe0: {  	[tilespmem:s19+$0xFFFFFFA0] =	vst v17  }
0xe1: {  	s21 =	sadd.s32 $0x30, s4;
	v17 =	vld.idx.msk [tilespmem:v18+s15+$0x0], $0xffff  }
0xe2: {  	v18 =	vadd.s32 s21, v2;
	_ =	sdelay $0x3  }
0xe3: {  	[tilespmem:s19+$0xFFFFFFB0] =	vst v17  }
0xe4: {  	s22 =	sadd.s32 $0x40, s4;
	v17 =	vld.idx.msk [tilespmem:v18+s15+$0x0], $0xffff  }
0xe5: {  	v18 =	vadd.s32 s22, v2;
	_ =	sdelay $0x3  }
0xe6: {  	[tilespmem:s19+$0xFFFFFFC0] =	vst v17  }
0xe7: {  	s24 =	sadd.s32 $0x50, s4;
	v17 =	vld.idx.msk [tilespmem:v18+s15+$0x0], $0xffff  }
0xe8: {  	v18 =	vadd.s32 s24, v2;
	_ =	sdelay $0x3  }
0xe9: {  	[tilespmem:s19+$0xFFFFFFD0] =	vst v17  }
0xea: {  	s3 =	sadd.s32 $0x60, s4;
	v17 =	vld.idx.msk [tilespmem:v18+s15+$0x0], $0xffff  }
0xeb: {  	v18 =	vadd.s32 s3, v2;
	_ =	sdelay $0x3  }
0xec: {  	[tilespmem:s19+$0xFFFFFFE0] =	vst v17  }
0xed: {  	s8 =	sadd.s32 $0x70, s4;
	v17 =	vld.idx.msk [tilespmem:v18+s15+$0x0], $0xffff  }
0xee: {  	v18 =	vadd.s32 s8, v2;
	_ =	sdelay $0x3  }
0xef: {  	[tilespmem:s19+$0xFFFFFFF0] =	vst v17  }
0xf0: {  	v17 =	vld.idx.msk [tilespmem:v18+s15+$0x0], $0xffff;
	_ =	sdelay $0x4  }
0xf1: {  	s9 =	simm.s32 $0x1;
	[tilespmem:s19+$0x0] =	vst v17  }
0xf2: {  	_ =	swait.ge [sflag:s9], $0x3200  }
0xf3: {  	[sflag:s9] =	ssyncset.done $0x0  }
0xf4: {  	s10 =	simm.s32 $0x3;
	[sflag:s9] =	ssyncadd.s32 $0xFFFFCE00  }
0xf5: {  	_ =	swait.ge [sflag:s10], $0x3200  }
0xf6: {  	s0 =	smul.u32 $0x3E80, s0;
	[sflag:s10] =	ssyncset.done $0x0  }
0xf7: {  	[sflag:s10] =	ssyncadd.s32 $0xFFFFCE00  }
0xf8: {  	s13 =	sshrl.u32 s0, $0x3;
	s19 =	rddreg [dreg:$0x1]  }
0xf9: {  	s30 =	simm.s32 $0xFA00;
	s20 =	rddreg [dreg:$0x7];
	s0 =	sadd.s32 s19, s13  }
0xfa: {  	[hbm4b:s0+s28] =	stream.strided.scatter [tilespmem:s30], [sflag:$0x5], $0x3200, s29, s28, $0x38;
	[tilespmem:$0x1DB00] =	vst v63  }
0xfb: {  	s21 =	simm.s32 $0x15E00;
	s22 =	rddreg [dreg:$0x8];
	s4 =	sadd.s32 s13, s20  }
0xfc: {  	[hbm4b:s4+s28] =	stream.strided.scatter [tilespmem:s21], [sflag:$0x5], $0x3200, s29, s28, $0x38;
	[tilespmem:$0x1DB00] =	vst v63  }
0xfd: {  	s1 =	sadd.s32 s13, s22  }
0xfe: {  	[hbm4b:s1+s12] =	stream.strided.scatter [tilespmem:s26], [sflag:$0x7], $0x1900, s29, s12, $0x38;
	[tilespmem:$0x1DB00] =	vst v63  }
0xff: {  	s1 =	simm.s32 $0x0;
	_ =	swait.ge [sflag:s14], $0x1900  }
0x100: {  	v17 =	vadd.s32 s1, v3;
	[sflag:s14] =	ssyncset.done $0x0  }
0x101: {  	s3 =	simm.s32 $0xE420;
	[sflag:s14] =	ssyncadd.s32 $0xFFFFE700  }
0x102: {  	[tilespmem:s30], [sflag:$0x1] =	stream.indirect.gather [hbm4b:s5+s18], $0x20, s3, s18, $0xb8;
	[tilespmem:$0x1DB00] =	vst v63  }
0x103: {  	s24 =	simm.s32 $0xF0A0  }
0x104: {  	[tilespmem:s21], [sflag:$0x3] =	stream.indirect.gather [hbm4b:s6+s18], $0x20, s24, s18, $0xb8;
	[tilespmem:$0x1DB00] =	vst v63  }
0x105: {  	s4 =	simm.s32 $0x10;
	v17 =	vld.idx.msk [tilespmem:v17+s15+$0x0], $0xffff  }
0x106: {  	v18 =	vadd.s32 s4, v3;
	_ =	sdelay $0x2  }
0x107: {  	s20 =	simm.s32 $0x1C240  }
0x108: {  	[tilespmem:s20+$0xFFFFFFC0] =	vst v17  }
0x109: {  	s7 =	simm.s32 $0x20;
	v17 =	vld.idx.msk [tilespmem:v18+s15+$0x0], $0xffff  }
0x10a: {  	v18 =	vadd.s32 s7, v3;
	_ =	sdelay $0x3  }
0x10b: {  	[tilespmem:s20+$0xFFFFFFD0] =	vst v17  }
0x10c: {  	s8 =	simm.s32 $0x30;
	v17 =	vld.idx.msk [tilespmem:v18+s15+$0x0], $0xffff  }
0x10d: {  	v18 =	vadd.s32 s8, v3;
	_ =	sdelay $0x3  }
0x10e: {  	[tilespmem:s20+$0xFFFFFFE0] =	vst v17  }
0x10f: {  	s9 =	simm.s32 $0x40;
	v17 =	vld.idx.msk [tilespmem:v18+s15+$0x0], $0xffff  }
0x110: {  	v18 =	vadd.s32 s9, v3;
	_ =	sdelay $0x3  }
0x111: {  	[tilespmem:s20+$0xFFFFFFF0] =	vst v17  }
0x112: {  	s10 =	simm.s32 $0x50;
	v17 =	vld.idx.msk [tilespmem:v18+s15+$0x0], $0xffff  }
0x113: {  	v18 =	vadd.s32 s10, v3;
	_ =	sdelay $0x3  }
0x114: {  	[tilespmem:s20+$0x0] =	vst v17  }
0x115: {  	s13 =	simm.s32 $0x60;
	v17 =	vld.idx.msk [tilespmem:v18+s15+$0x0], $0xffff  }
0x116: {  	v18 =	vadd.s32 s13, v3;
	_ =	sdelay $0x3  }
0x117: {  	[tilespmem:s20+$0x10] =	vst v17  }
0x118: {  	s19 =	simm.s32 $0x70;
	v17 =	vld.idx.msk [tilespmem:v18+s15+$0x0], $0xffff  }
0x119: {  	v18 =	vadd.s32 s19, v3;
	_ =	sdelay $0x3  }
0x11a: {  	[tilespmem:s20+$0x20] =	vst v17  }
0x11b: {  	s22 =	simm.s32 $0x10;
	s21 =	simm.s32 $0x80;
	v17 =	vld.idx.msk [tilespmem:v18+s15+$0x0], $0xffff  }
.LBB2_9:
0x11c: {  	p0 =	slt.u32 s22, $0xC0;
	v18 =	vadd.s32 s21, v3;
	_ =	sdelay $0x3  }
0x11d: {  	[tilespmem:s20+$0x30] =	vst v17  }
0x11e: {  	v17 =	vld.idx.msk [tilespmem:v18+s15+$0x0], $0xffff  }
0x11f: {  	s24 =	sadd.s32 $0x10, s21  }
0x120: {  	v18 =	vadd.s32 s24, v3;
	_ =	sdelay $0x2  }
0x121: {  	s20 =	sadd.s32 $0x80, s20  }
0x122: {  	[tilespmem:s20+$0xFFFFFFC0] =	vst v17  }
0x123: {  	v17 =	vld.idx.msk [tilespmem:v18+s15+$0x0], $0xffff  }
0x124: {  	s24 =	sadd.s32 $0x20, s21  }
0x125: {  	v18 =	vadd.s32 s24, v3;
	_ =	sdelay $0x3  }
0x126: {  	[tilespmem:s20+$0xFFFFFFD0] =	vst v17  }
0x127: {  	v17 =	vld.idx.msk [tilespmem:v18+s15+$0x0], $0xffff  }
0x128: {  	s24 =	sadd.s32 $0x30, s21  }
0x129: {  	v18 =	vadd.s32 s24, v3;
	_ =	sdelay $0x3  }
0x12a: {  	[tilespmem:s20+$0xFFFFFFE0] =	vst v17  }
0x12b: {  	v17 =	vld.idx.msk [tilespmem:v18+s15+$0x0], $0xffff  }
0x12c: {  	s24 =	sadd.s32 $0x40, s21  }
0x12d: {  	v18 =	vadd.s32 s24, v3;
	_ =	sdelay $0x3  }
0x12e: {  	[tilespmem:s20+$0xFFFFFFF0] =	vst v17  }
0x12f: {  	v17 =	vld.idx.msk [tilespmem:v18+s15+$0x0], $0xffff  }
0x130: {  	s24 =	sadd.s32 $0x50, s21  }
0x131: {  	v18 =	vadd.s32 s24, v3;
	_ =	sdelay $0x3  }
0x132: {  	[tilespmem:s20+$0x0] =	vst v17  }
0x133: {  	v17 =	vld.idx.msk [tilespmem:v18+s15+$0x0], $0xffff  }
0x134: {  	s24 =	sadd.s32 $0x60, s21  }
0x135: {  	v18 =	vadd.s32 s24, v3;
	_ =	sdelay $0x3  }
0x136: {  	[tilespmem:s20+$0x10] =	vst v17  }
0x137: {  	v17 =	vld.idx.msk [tilespmem:v18+s15+$0x0], $0xffff  }
0x138: {  	s21 =	sadd.s32 $0x70, s21  }
0x139: {  	v18 =	vadd.s32 s21, v3;
	_ =	sdelay $0x1  }
.Ltmp3:
0x13a: {  	(pc) =	sbr.rel @p0 .LBB2_9-.Ltmp3, $4  }
0x13b: {  	_ = 	snop  }
0x13c: {  	[tilespmem:s20+$0x20] =	vst v17  }
0x13d: {  	v17 =	vld.idx.msk [tilespmem:v18+s15+$0x0], $0xffff  }
0x13e: {  	s21 =	sshll.u32 s22, $0x4;
	s22 =	sadd.s32 $0x8, s22  }
0x13f: {  	v18 =	vadd.s32 s21, v3;
	_ =	sdelay $0x3  }
0x140: {  	[tilespmem:s20+$0x30] =	vst v17  }
0x141: {  	s22 =	sadd.s32 $0x10, s21;
	v17 =	vld.idx.msk [tilespmem:v18+s15+$0x0], $0xffff  }
0x142: {  	v18 =	vadd.s32 s22, v3;
	_ =	sdelay $0x2  }
0x143: {  	s20 =	sadd.s32 $0x80, s20  }
0x144: {  	[tilespmem:s20+$0xFFFFFFC0] =	vst v17  }
0x145: {  	s3 =	sadd.s32 $0x20, s21;
	v17 =	vld.idx.msk [tilespmem:v18+s15+$0x0], $0xffff  }
0x146: {  	v18 =	vadd.s32 s3, v3;
	_ =	sdelay $0x3  }
0x147: {  	[tilespmem:s20+$0xFFFFFFD0] =	vst v17  }
0x148: {  	s24 =	sadd.s32 $0x30, s21;
	v17 =	vld.idx.msk [tilespmem:v18+s15+$0x0], $0xffff  }
0x149: {  	v18 =	vadd.s32 s24, v3;
	_ =	sdelay $0x3  }
0x14a: {  	[tilespmem:s20+$0xFFFFFFE0] =	vst v17  }
0x14b: {  	s3 =	sadd.s32 $0x40, s21;
	v17 =	vld.idx.msk [tilespmem:v18+s15+$0x0], $0xffff  }
0x14c: {  	v18 =	vadd.s32 s3, v3;
	_ =	sdelay $0x3  }
0x14d: {  	[tilespmem:s20+$0xFFFFFFF0] =	vst v17  }
0x14e: {  	s24 =	sadd.s32 $0x50, s21;
	v17 =	vld.idx.msk [tilespmem:v18+s15+$0x0], $0xffff  }
0x14f: {  	v18 =	vadd.s32 s24, v3;
	_ =	sdelay $0x3  }
0x150: {  	[tilespmem:s20+$0x0] =	vst v17  }
0x151: {  	s3 =	sadd.s32 $0x60, s21;
	v17 =	vld.idx.msk [tilespmem:v18+s15+$0x0], $0xffff  }
0x152: {  	v18 =	vadd.s32 s3, v3;
	_ =	sdelay $0x3  }
0x153: {  	[tilespmem:s20+$0x10] =	vst v17  }
0x154: {  	s24 =	sadd.s32 $0x70, s21;
	v17 =	vld.idx.msk [tilespmem:v18+s15+$0x0], $0xffff  }
0x155: {  	v18 =	vadd.s32 s24, v3;
	_ =	sdelay $0x3  }
0x156: {  	[tilespmem:s20+$0x20] =	vst v17  }
0x157: {  	v17 =	vld.idx.msk [tilespmem:v18+s15+$0x0], $0xffff  }
0x158: {  	v18 =	vadd.s32 s1, v4;
	_ =	sdelay $0x3  }
0x159: {  	[tilespmem:s20+$0x30] =	vst v17  }
0x15a: {  	v17 =	vld.idx.msk [tilespmem:v18+s15+$0x0], $0xffff  }
0x15b: {  	v18 =	vadd.s32 s4, v4;
	_ =	sdelay $0x2  }
0x15c: {  	s1 =	simm.s32 $0x1CEF0  }
0x15d: {  	[tilespmem:s1+$0xFFFFFF90] =	vst v17  }
0x15e: {  	v17 =	vld.idx.msk [tilespmem:v18+s15+$0x0], $0xffff  }
0x15f: {  	v18 =	vadd.s32 s7, v4;
	_ =	sdelay $0x3  }
0x160: {  	[tilespmem:s1+$0xFFFFFFA0] =	vst v17  }
0x161: {  	v17 =	vld.idx.msk [tilespmem:v18+s15+$0x0], $0xffff  }
0x162: {  	v18 =	vadd.s32 s8, v4;
	_ =	sdelay $0x3  }
0x163: {  	[tilespmem:s1+$0xFFFFFFB0] =	vst v17  }
0x164: {  	v17 =	vld.idx.msk [tilespmem:v18+s15+$0x0], $0xffff  }
0x165: {  	v18 =	vadd.s32 s9, v4;
	_ =	sdelay $0x3  }
0x166: {  	[tilespmem:s1+$0xFFFFFFC0] =	vst v17  }
0x167: {  	v17 =	vld.idx.msk [tilespmem:v18+s15+$0x0], $0xffff  }
0x168: {  	v18 =	vadd.s32 s10, v4;
	_ =	sdelay $0x3  }
0x169: {  	[tilespmem:s1+$0xFFFFFFD0] =	vst v17  }
0x16a: {  	v17 =	vld.idx.msk [tilespmem:v18+s15+$0x0], $0xffff  }
0x16b: {  	v18 =	vadd.s32 s13, v4;
	_ =	sdelay $0x3  }
0x16c: {  	[tilespmem:s1+$0xFFFFFFE0] =	vst v17  }
0x16d: {  	v17 =	vld.idx.msk [tilespmem:v18+s15+$0x0], $0xffff  }
0x16e: {  	v18 =	vadd.s32 s19, v4;
	_ =	sdelay $0x3  }
0x16f: {  	[tilespmem:s1+$0xFFFFFFF0] =	vst v17  }
0x170: {  	s4 =	simm.s32 $0x80;
	s7 =	simm.s32 $0x10;
	v17 =	vld.idx.msk [tilespmem:v18+s15+$0x0], $0xffff  }
.LBB2_11:
0x171: {  	p0 =	slt.u32 s7, $0xC0;
	v18 =	vadd.s32 s4, v4;
	_ =	sdelay $0x3  }
0x172: {  	[tilespmem:s1+$0x0] =	vst v17  }
0x173: {  	v17 =	vld.idx.msk [tilespmem:v18+s15+$0x0], $0xffff  }
0x174: {  	s8 =	sadd.s32 $0x10, s4  }
0x175: {  	v18 =	vadd.s32 s8, v4;
	_ =	sdelay $0x2  }
0x176: {  	s1 =	sadd.s32 $0x80, s1  }
0x177: {  	[tilespmem:s1+$0xFFFFFF90] =	vst v17  }
0x178: {  	v17 =	vld.idx.msk [tilespmem:v18+s15+$0x0], $0xffff  }
0x179: {  	s8 =	sadd.s32 $0x20, s4  }
0x17a: {  	v18 =	vadd.s32 s8, v4;
	_ =	sdelay $0x3  }
0x17b: {  	[tilespmem:s1+$0xFFFFFFA0] =	vst v17  }
0x17c: {  	v17 =	vld.idx.msk [tilespmem:v18+s15+$0x0], $0xffff  }
0x17d: {  	s8 =	sadd.s32 $0x30, s4  }
0x17e: {  	v18 =	vadd.s32 s8, v4;
	_ =	sdelay $0x3  }
0x17f: {  	[tilespmem:s1+$0xFFFFFFB0] =	vst v17  }
0x180: {  	v17 =	vld.idx.msk [tilespmem:v18+s15+$0x0], $0xffff  }
0x181: {  	s8 =	sadd.s32 $0x40, s4  }
0x182: {  	v18 =	vadd.s32 s8, v4;
	_ =	sdelay $0x3  }
0x183: {  	[tilespmem:s1+$0xFFFFFFC0] =	vst v17  }
0x184: {  	v17 =	vld.idx.msk [tilespmem:v18+s15+$0x0], $0xffff  }
0x185: {  	s8 =	sadd.s32 $0x50, s4  }
0x186: {  	v18 =	vadd.s32 s8, v4;
	_ =	sdelay $0x3  }
0x187: {  	[tilespmem:s1+$0xFFFFFFD0] =	vst v17  }
0x188: {  	v17 =	vld.idx.msk [tilespmem:v18+s15+$0x0], $0xffff  }
0x189: {  	s8 =	sadd.s32 $0x60, s4  }
0x18a: {  	v18 =	vadd.s32 s8, v4;
	_ =	sdelay $0x3  }
0x18b: {  	[tilespmem:s1+$0xFFFFFFE0] =	vst v17  }
0x18c: {  	v17 =	vld.idx.msk [tilespmem:v18+s15+$0x0], $0xffff  }
0x18d: {  	s4 =	sadd.s32 $0x70, s4  }
0x18e: {  	v18 =	vadd.s32 s4, v4;
	_ =	sdelay $0x1  }
.Ltmp4:
0x18f: {  	(pc) =	sbr.rel @p0 .LBB2_11-.Ltmp4, $4  }
0x190: {  	_ = 	snop  }
0x191: {  	[tilespmem:s1+$0xFFFFFFF0] =	vst v17  }
0x192: {  	v17 =	vld.idx.msk [tilespmem:v18+s15+$0x0], $0xffff  }
0x193: {  	s4 =	sshll.u32 s7, $0x4;
	s7 =	sadd.s32 $0x8, s7  }
0x194: {  	v18 =	vadd.s32 s4, v4;
	_ =	sdelay $0x3  }
0x195: {  	[tilespmem:s1+$0x0] =	vst v17  }
0x196: {  	s7 =	sadd.s32 $0x10, s4;
	v17 =	vld.idx.msk [tilespmem:v18+s15+$0x0], $0xffff  }
0x197: {  	v18 =	vadd.s32 s7, v4;
	_ =	sdelay $0x2  }
0x198: {  	s21 =	sadd.s32 $0x80, s1  }
0x199: {  	[tilespmem:s21+$0xFFFFFF90] =	vst v17  }
0x19a: {  	s22 =	sadd.s32 $0x20, s4;
	v17 =	vld.idx.msk [tilespmem:v18+s15+$0x0], $0xffff  }
0x19b: {  	v18 =	vadd.s32 s22, v4;
	_ =	sdelay $0x3  }
0x19c: {  	[tilespmem:s21+$0xFFFFFFA0] =	vst v17  }
0x19d: {  	s24 =	sadd.s32 $0x30, s4;
	v17 =	vld.idx.msk [tilespmem:v18+s15+$0x0], $0xffff  }
0x19e: {  	v18 =	vadd.s32 s24, v4;
	_ =	sdelay $0x3  }
0x19f: {  	[tilespmem:s21+$0xFFFFFFB0] =	vst v17  }
0x1a0: {  	s3 =	sadd.s32 $0x40, s4;
	v17 =	vld.idx.msk [tilespmem:v18+s15+$0x0], $0xffff  }
0x1a1: {  	v18 =	vadd.s32 s3, v4;
	_ =	sdelay $0x3  }
0x1a2: {  	[tilespmem:s21+$0xFFFFFFC0] =	vst v17  }
0x1a3: {  	s8 =	sadd.s32 $0x50, s4;
	v17 =	vld.idx.msk [tilespmem:v18+s15+$0x0], $0xffff  }
0x1a4: {  	v18 =	vadd.s32 s8, v4;
	_ =	sdelay $0x3  }
0x1a5: {  	[tilespmem:s21+$0xFFFFFFD0] =	vst v17  }
0x1a6: {  	s9 =	sadd.s32 $0x60, s4;
	v17 =	vld.idx.msk [tilespmem:v18+s15+$0x0], $0xffff  }
0x1a7: {  	v18 =	vadd.s32 s9, v4;
	_ =	sdelay $0x3  }
0x1a8: {  	[tilespmem:s21+$0xFFFFFFE0] =	vst v17  }
0x1a9: {  	s10 =	sadd.s32 $0x70, s4;
	v17 =	vld.idx.msk [tilespmem:v18+s15+$0x0], $0xffff  }
0x1aa: {  	v18 =	vadd.s32 s10, v4;
	_ =	sdelay $0x3  }
0x1ab: {  	[tilespmem:s21+$0xFFFFFFF0] =	vst v17  }
0x1ac: {  	v17 =	vld.idx.msk [tilespmem:v18+s15+$0x0], $0xffff;
	_ =	sdelay $0x4  }
0x1ad: {  	s13 =	simm.s32 $0x2;
	[tilespmem:s21+$0x0] =	vst v17  }
0x1ae: {  	_ =	swait.ge [sflag:s13], $0x3200  }
0x1af: {  	[sflag:s13] =	ssyncset.done $0x0  }
0x1b0: {  	[sflag:s13] =	ssyncadd.s32 $0xFFFFCE00  }
0x1b1: {  	_ =	swait.ge [sflag:s11], $0x3200  }
0x1b2: {  	[sflag:s11] =	ssyncset.done $0x0  }
0x1b3: {  	s19 =	sadd.s32 $0xFA0, s0;
	[sflag:s11] =	ssyncadd.s32 $0xFFFFCE00  }
0x1b4: {  	[hbm4b:s19+s28] =	stream.strided.scatter [tilespmem:s25], [sflag:$0x6], $0x3200, s29, s28, $0x38;
	[tilespmem:$0x1DB00] =	vst v63  }
0x1b5: {  	s20 =	sadd.s32 $0xFA4, s0;
	s21 =	simm.s32 $0x19000  }
0x1b6: {  	[hbm4b:s20+s28] =	stream.strided.scatter [tilespmem:s21], [sflag:$0x6], $0x3200, s29, s28, $0x38;
	[tilespmem:$0x1DB00] =	vst v63  }
0x1b7: {  	s22 =	sadd.s32 $0xFA8, s0  }
0x1b8: {  	[hbm4b:s22+s12] =	stream.strided.scatter [tilespmem:s26], [sflag:$0x7], $0x1900, s29, s12, $0x38;
	[tilespmem:$0x1DB00] =	vst v63  }
0x1b9: {  	_ =	swait.ge [sflag:s14], $0x1900  }
0x1ba: {  	[sflag:s14] =	ssyncset.done $0x0  }
0x1bb: {  	[sflag:s14] =	ssyncadd.s32 $0xFFFFE700  }
0x1bc: {  	_ =	swait.ge [sflag:s2], $0x3200  }
0x1bd: {  	[sflag:s2] =	ssyncset.done $0x0  }
0x1be: {  	[sflag:s2] =	ssyncadd.s32 $0xFFFFCE00  }
0x1bf: {  	s1 =	simm.s32 $0x0;
	_ =	swait.ge [sflag:s2], $0x3200  }
0x1c0: {  	v17 =	vadd.s32 s1, v5;
	[sflag:s2] =	ssyncset.done $0x0  }
0x1c1: {  	s3 =	simm.s32 $0xE5B0;
	[sflag:s2] =	ssyncadd.s32 $0xFFFFCE00  }
0x1c2: {  	[tilespmem:s25], [sflag:$0x2] =	stream.indirect.gather [hbm4b:s5+s18], $0x20, s3, s18, $0xb8;
	[tilespmem:$0x1DB00] =	vst v63  }
0x1c3: {  	s24 =	simm.s32 $0xF230  }
0x1c4: {  	[tilespmem:s21], [sflag:$0x4] =	stream.indirect.gather [hbm4b:s6+s18], $0x20, s24, s18, $0xb8;
	[tilespmem:$0x1DB00] =	vst v63  }
0x1c5: {  	s4 =	simm.s32 $0x10;
	v17 =	vld.idx.msk [tilespmem:v17+s15+$0x0], $0xffff  }
0x1c6: {  	v18 =	vadd.s32 s4, v5;
	_ =	sdelay $0x2  }
0x1c7: {  	s20 =	simm.s32 $0x1C240  }
0x1c8: {  	[tilespmem:s20+$0xFFFFFFC0] =	vst v17  }
0x1c9: {  	s7 =	simm.s32 $0x20;
	v17 =	vld.idx.msk [tilespmem:v18+s15+$0x0], $0xffff  }
0x1ca: {  	v18 =	vadd.s32 s7, v5;
	_ =	sdelay $0x3  }
0x1cb: {  	[tilespmem:s20+$0xFFFFFFD0] =	vst v17  }
0x1cc: {  	s8 =	simm.s32 $0x30;
	v17 =	vld.idx.msk [tilespmem:v18+s15+$0x0], $0xffff  }
0x1cd: {  	v18 =	vadd.s32 s8, v5;
	_ =	sdelay $0x3  }
0x1ce: {  	[tilespmem:s20+$0xFFFFFFE0] =	vst v17  }
0x1cf: {  	s9 =	simm.s32 $0x40;
	v17 =	vld.idx.msk [tilespmem:v18+s15+$0x0], $0xffff  }
0x1d0: {  	v18 =	vadd.s32 s9, v5;
	_ =	sdelay $0x3  }
0x1d1: {  	[tilespmem:s20+$0xFFFFFFF0] =	vst v17  }
0x1d2: {  	s10 =	simm.s32 $0x50;
	v17 =	vld.idx.msk [tilespmem:v18+s15+$0x0], $0xffff  }
0x1d3: {  	v18 =	vadd.s32 s10, v5;
	_ =	sdelay $0x3  }
0x1d4: {  	[tilespmem:s20+$0x0] =	vst v17  }
0x1d5: {  	s13 =	simm.s32 $0x60;
	v17 =	vld.idx.msk [tilespmem:v18+s15+$0x0], $0xffff  }
0x1d6: {  	v18 =	vadd.s32 s13, v5;
	_ =	sdelay $0x3  }
0x1d7: {  	[tilespmem:s20+$0x10] =	vst v17  }
0x1d8: {  	s19 =	simm.s32 $0x70;
	v17 =	vld.idx.msk [tilespmem:v18+s15+$0x0], $0xffff  }
0x1d9: {  	v18 =	vadd.s32 s19, v5;
	_ =	sdelay $0x3  }
0x1da: {  	[tilespmem:s20+$0x20] =	vst v17  }
0x1db: {  	s22 =	simm.s32 $0x10;
	s21 =	simm.s32 $0x80;
	v17 =	vld.idx.msk [tilespmem:v18+s15+$0x0], $0xffff  }
.LBB2_13:
0x1dc: {  	p0 =	slt.u32 s22, $0xC0;
	v18 =	vadd.s32 s21, v5;
	_ =	sdelay $0x3  }
0x1dd: {  	[tilespmem:s20+$0x30] =	vst v17  }
0x1de: {  	v17 =	vld.idx.msk [tilespmem:v18+s15+$0x0], $0xffff  }
0x1df: {  	s24 =	sadd.s32 $0x10, s21  }
0x1e0: {  	v18 =	vadd.s32 s24, v5;
	_ =	sdelay $0x2  }
0x1e1: {  	s20 =	sadd.s32 $0x80, s20  }
0x1e2: {  	[tilespmem:s20+$0xFFFFFFC0] =	vst v17  }
0x1e3: {  	v17 =	vld.idx.msk [tilespmem:v18+s15+$0x0], $0xffff  }
0x1e4: {  	s24 =	sadd.s32 $0x20, s21  }
0x1e5: {  	v18 =	vadd.s32 s24, v5;
	_ =	sdelay $0x3  }
0x1e6: {  	[tilespmem:s20+$0xFFFFFFD0] =	vst v17  }
0x1e7: {  	v17 =	vld.idx.msk [tilespmem:v18+s15+$0x0], $0xffff  }
0x1e8: {  	s24 =	sadd.s32 $0x30, s21  }
0x1e9: {  	v18 =	vadd.s32 s24, v5;
	_ =	sdelay $0x3  }
0x1ea: {  	[tilespmem:s20+$0xFFFFFFE0] =	vst v17  }
0x1eb: {  	v17 =	vld.idx.msk [tilespmem:v18+s15+$0x0], $0xffff  }
0x1ec: {  	s24 =	sadd.s32 $0x40, s21  }
0x1ed: {  	v18 =	vadd.s32 s24, v5;
	_ =	sdelay $0x3  }
0x1ee: {  	[tilespmem:s20+$0xFFFFFFF0] =	vst v17  }
0x1ef: {  	v17 =	vld.idx.msk [tilespmem:v18+s15+$0x0], $0xffff  }
0x1f0: {  	s24 =	sadd.s32 $0x50, s21  }
0x1f1: {  	v18 =	vadd.s32 s24, v5;
	_ =	sdelay $0x3  }
0x1f2: {  	[tilespmem:s20+$0x0] =	vst v17  }
0x1f3: {  	v17 =	vld.idx.msk [tilespmem:v18+s15+$0x0], $0xffff  }
0x1f4: {  	s24 =	sadd.s32 $0x60, s21  }
0x1f5: {  	v18 =	vadd.s32 s24, v5;
	_ =	sdelay $0x3  }
0x1f6: {  	[tilespmem:s20+$0x10] =	vst v17  }
0x1f7: {  	v17 =	vld.idx.msk [tilespmem:v18+s15+$0x0], $0xffff  }
0x1f8: {  	s21 =	sadd.s32 $0x70, s21  }
0x1f9: {  	v18 =	vadd.s32 s21, v5;
	_ =	sdelay $0x1  }
.Ltmp5:
0x1fa: {  	(pc) =	sbr.rel @p0 .LBB2_13-.Ltmp5, $4  }
0x1fb: {  	_ = 	snop  }
0x1fc: {  	[tilespmem:s20+$0x20] =	vst v17  }
0x1fd: {  	v17 =	vld.idx.msk [tilespmem:v18+s15+$0x0], $0xffff  }
0x1fe: {  	s21 =	sshll.u32 s22, $0x4;
	s22 =	sadd.s32 $0x8, s22  }
0x1ff: {  	v18 =	vadd.s32 s21, v5;
	_ =	sdelay $0x3  }
0x200: {  	[tilespmem:s20+$0x30] =	vst v17  }
0x201: {  	s22 =	sadd.s32 $0x10, s21;
	v17 =	vld.idx.msk [tilespmem:v18+s15+$0x0], $0xffff  }
0x202: {  	v18 =	vadd.s32 s22, v5;
	_ =	sdelay $0x2  }
0x203: {  	s20 =	sadd.s32 $0x80, s20  }
0x204: {  	[tilespmem:s20+$0xFFFFFFC0] =	vst v17  }
0x205: {  	s3 =	sadd.s32 $0x20, s21;
	v17 =	vld.idx.msk [tilespmem:v18+s15+$0x0], $0xffff  }
0x206: {  	v18 =	vadd.s32 s3, v5;
	_ =	sdelay $0x3  }
0x207: {  	[tilespmem:s20+$0xFFFFFFD0] =	vst v17  }
0x208: {  	s24 =	sadd.s32 $0x30, s21;
	v17 =	vld.idx.msk [tilespmem:v18+s15+$0x0], $0xffff  }
0x209: {  	v18 =	vadd.s32 s24, v5;
	_ =	sdelay $0x3  }
0x20a: {  	[tilespmem:s20+$0xFFFFFFE0] =	vst v17  }
0x20b: {  	s3 =	sadd.s32 $0x40, s21;
	v17 =	vld.idx.msk [tilespmem:v18+s15+$0x0], $0xffff  }
0x20c: {  	v18 =	vadd.s32 s3, v5;
	_ =	sdelay $0x3  }
0x20d: {  	[tilespmem:s20+$0xFFFFFFF0] =	vst v17  }
0x20e: {  	s24 =	sadd.s32 $0x50, s21;
	v17 =	vld.idx.msk [tilespmem:v18+s15+$0x0], $0xffff  }
0x20f: {  	v18 =	vadd.s32 s24, v5;
	_ =	sdelay $0x3  }
0x210: {  	[tilespmem:s20+$0x0] =	vst v17  }
0x211: {  	s3 =	sadd.s32 $0x60, s21;
	v17 =	vld.idx.msk [tilespmem:v18+s15+$0x0], $0xffff  }
0x212: {  	v18 =	vadd.s32 s3, v5;
	_ =	sdelay $0x3  }
0x213: {  	[tilespmem:s20+$0x10] =	vst v17  }
0x214: {  	s24 =	sadd.s32 $0x70, s21;
	v17 =	vld.idx.msk [tilespmem:v18+s15+$0x0], $0xffff  }
0x215: {  	v18 =	vadd.s32 s24, v5;
	_ =	sdelay $0x3  }
0x216: {  	[tilespmem:s20+$0x20] =	vst v17  }
0x217: {  	v17 =	vld.idx.msk [tilespmem:v18+s15+$0x0], $0xffff  }
0x218: {  	v18 =	vadd.s32 s1, v6;
	_ =	sdelay $0x3  }
0x219: {  	[tilespmem:s20+$0x30] =	vst v17  }
0x21a: {  	v17 =	vld.idx.msk [tilespmem:v18+s15+$0x0], $0xffff  }
0x21b: {  	v18 =	vadd.s32 s4, v6;
	_ =	sdelay $0x2  }
0x21c: {  	s1 =	simm.s32 $0x1CEF0  }
0x21d: {  	[tilespmem:s1+$0xFFFFFF90] =	vst v17  }
0x21e: {  	v17 =	vld.idx.msk [tilespmem:v18+s15+$0x0], $0xffff  }
0x21f: {  	v18 =	vadd.s32 s7, v6;
	_ =	sdelay $0x3  }
0x220: {  	[tilespmem:s1+$0xFFFFFFA0] =	vst v17  }
0x221: {  	v17 =	vld.idx.msk [tilespmem:v18+s15+$0x0], $0xffff  }
0x222: {  	v18 =	vadd.s32 s8, v6;
	_ =	sdelay $0x3  }
0x223: {  	[tilespmem:s1+$0xFFFFFFB0] =	vst v17  }
0x224: {  	v17 =	vld.idx.msk [tilespmem:v18+s15+$0x0], $0xffff  }
0x225: {  	v18 =	vadd.s32 s9, v6;
	_ =	sdelay $0x3  }
0x226: {  	[tilespmem:s1+$0xFFFFFFC0] =	vst v17  }
0x227: {  	v17 =	vld.idx.msk [tilespmem:v18+s15+$0x0], $0xffff  }
0x228: {  	v18 =	vadd.s32 s10, v6;
	_ =	sdelay $0x3  }
0x229: {  	[tilespmem:s1+$0xFFFFFFD0] =	vst v17  }
0x22a: {  	v17 =	vld.idx.msk [tilespmem:v18+s15+$0x0], $0xffff  }
0x22b: {  	v18 =	vadd.s32 s13, v6;
	_ =	sdelay $0x3  }
0x22c: {  	[tilespmem:s1+$0xFFFFFFE0] =	vst v17  }
0x22d: {  	v17 =	vld.idx.msk [tilespmem:v18+s15+$0x0], $0xffff  }
0x22e: {  	v18 =	vadd.s32 s19, v6;
	_ =	sdelay $0x3  }
0x22f: {  	[tilespmem:s1+$0xFFFFFFF0] =	vst v17  }
0x230: {  	s4 =	simm.s32 $0x80;
	s7 =	simm.s32 $0x10;
	v17 =	vld.idx.msk [tilespmem:v18+s15+$0x0], $0xffff  }
.LBB2_15:
0x231: {  	p0 =	slt.u32 s7, $0xC0;
	v18 =	vadd.s32 s4, v6;
	_ =	sdelay $0x3  }
0x232: {  	[tilespmem:s1+$0x0] =	vst v17  }
0x233: {  	v17 =	vld.idx.msk [tilespmem:v18+s15+$0x0], $0xffff  }
0x234: {  	s8 =	sadd.s32 $0x10, s4  }
0x235: {  	v18 =	vadd.s32 s8, v6;
	_ =	sdelay $0x2  }
0x236: {  	s1 =	sadd.s32 $0x80, s1  }
0x237: {  	[tilespmem:s1+$0xFFFFFF90] =	vst v17  }
0x238: {  	v17 =	vld.idx.msk [tilespmem:v18+s15+$0x0], $0xffff  }
0x239: {  	s8 =	sadd.s32 $0x20, s4  }
0x23a: {  	v18 =	vadd.s32 s8, v6;
	_ =	sdelay $0x3  }
0x23b: {  	[tilespmem:s1+$0xFFFFFFA0] =	vst v17  }
0x23c: {  	v17 =	vld.idx.msk [tilespmem:v18+s15+$0x0], $0xffff  }
0x23d: {  	s8 =	sadd.s32 $0x30, s4  }
0x23e: {  	v18 =	vadd.s32 s8, v6;
	_ =	sdelay $0x3  }
0x23f: {  	[tilespmem:s1+$0xFFFFFFB0] =	vst v17  }
0x240: {  	v17 =	vld.idx.msk [tilespmem:v18+s15+$0x0], $0xffff  }
0x241: {  	s8 =	sadd.s32 $0x40, s4  }
0x242: {  	v18 =	vadd.s32 s8, v6;
	_ =	sdelay $0x3  }
0x243: {  	[tilespmem:s1+$0xFFFFFFC0] =	vst v17  }
0x244: {  	v17 =	vld.idx.msk [tilespmem:v18+s15+$0x0], $0xffff  }
0x245: {  	s8 =	sadd.s32 $0x50, s4  }
0x246: {  	v18 =	vadd.s32 s8, v6;
	_ =	sdelay $0x3  }
0x247: {  	[tilespmem:s1+$0xFFFFFFD0] =	vst v17  }
0x248: {  	v17 =	vld.idx.msk [tilespmem:v18+s15+$0x0], $0xffff  }
0x249: {  	s8 =	sadd.s32 $0x60, s4  }
0x24a: {  	v18 =	vadd.s32 s8, v6;
	_ =	sdelay $0x3  }
0x24b: {  	[tilespmem:s1+$0xFFFFFFE0] =	vst v17  }
0x24c: {  	v17 =	vld.idx.msk [tilespmem:v18+s15+$0x0], $0xffff  }
0x24d: {  	s4 =	sadd.s32 $0x70, s4  }
0x24e: {  	v18 =	vadd.s32 s4, v6;
	_ =	sdelay $0x1  }
.Ltmp6:
0x24f: {  	(pc) =	sbr.rel @p0 .LBB2_15-.Ltmp6, $4  }
0x250: {  	_ = 	snop  }
0x251: {  	[tilespmem:s1+$0xFFFFFFF0] =	vst v17  }
0x252: {  	v17 =	vld.idx.msk [tilespmem:v18+s15+$0x0], $0xffff  }
0x253: {  	s4 =	sshll.u32 s7, $0x4;
	s7 =	sadd.s32 $0x8, s7  }
0x254: {  	v18 =	vadd.s32 s4, v6;
	_ =	sdelay $0x3  }
0x255: {  	[tilespmem:s1+$0x0] =	vst v17  }
0x256: {  	s7 =	sadd.s32 $0x10, s4;
	v17 =	vld.idx.msk [tilespmem:v18+s15+$0x0], $0xffff  }
0x257: {  	v18 =	vadd.s32 s7, v6;
	_ =	sdelay $0x2  }
0x258: {  	s20 =	sadd.s32 $0x80, s1  }
0x259: {  	[tilespmem:s20+$0xFFFFFF90] =	vst v17  }
0x25a: {  	s21 =	sadd.s32 $0x20, s4;
	v17 =	vld.idx.msk [tilespmem:v18+s15+$0x0], $0xffff  }
0x25b: {  	v18 =	vadd.s32 s21, v6;
	_ =	sdelay $0x3  }
0x25c: {  	[tilespmem:s20+$0xFFFFFFA0] =	vst v17  }
0x25d: {  	s22 =	sadd.s32 $0x30, s4;
	v17 =	vld.idx.msk [tilespmem:v18+s15+$0x0], $0xffff  }
0x25e: {  	v18 =	vadd.s32 s22, v6;
	_ =	sdelay $0x3  }
0x25f: {  	[tilespmem:s20+$0xFFFFFFB0] =	vst v17  }
0x260: {  	s24 =	sadd.s32 $0x40, s4;
	v17 =	vld.idx.msk [tilespmem:v18+s15+$0x0], $0xffff  }
0x261: {  	v18 =	vadd.s32 s24, v6;
	_ =	sdelay $0x3  }
0x262: {  	[tilespmem:s20+$0xFFFFFFC0] =	vst v17  }
0x263: {  	s3 =	sadd.s32 $0x50, s4;
	v17 =	vld.idx.msk [tilespmem:v18+s15+$0x0], $0xffff  }
0x264: {  	v18 =	vadd.s32 s3, v6;
	_ =	sdelay $0x3  }
0x265: {  	[tilespmem:s20+$0xFFFFFFD0] =	vst v17  }
0x266: {  	s8 =	sadd.s32 $0x60, s4;
	v17 =	vld.idx.msk [tilespmem:v18+s15+$0x0], $0xffff  }
0x267: {  	v18 =	vadd.s32 s8, v6;
	_ =	sdelay $0x3  }
0x268: {  	[tilespmem:s20+$0xFFFFFFE0] =	vst v17  }
0x269: {  	s9 =	sadd.s32 $0x70, s4;
	v17 =	vld.idx.msk [tilespmem:v18+s15+$0x0], $0xffff  }
0x26a: {  	v18 =	vadd.s32 s9, v6;
	_ =	sdelay $0x3  }
0x26b: {  	[tilespmem:s20+$0xFFFFFFF0] =	vst v17  }
0x26c: {  	v17 =	vld.idx.msk [tilespmem:v18+s15+$0x0], $0xffff;
	_ =	sdelay $0x4  }
0x26d: {  	s10 =	simm.s32 $0x1;
	[tilespmem:s20+$0x0] =	vst v17  }
0x26e: {  	_ =	swait.ge [sflag:s10], $0x3200  }
0x26f: {  	[sflag:s10] =	ssyncset.done $0x0  }
0x270: {  	s13 =	simm.s32 $0x3;
	[sflag:s10] =	ssyncadd.s32 $0xFFFFCE00  }
0x271: {  	_ =	swait.ge [sflag:s13], $0x3200  }
0x272: {  	[sflag:s13] =	ssyncset.done $0x0  }
0x273: {  	s19 =	sadd.s32 $0x1F40, s0;
	[sflag:s13] =	ssyncadd.s32 $0xFFFFCE00  }
0x274: {  	[hbm4b:s19+s28] =	stream.strided.scatter [tilespmem:s30], [sflag:$0x5], $0x3200, s29, s28, $0x38;
	[tilespmem:$0x1DB00] =	vst v63  }
0x275: {  	s21 =	simm.s32 $0x15E00;
	s20 =	sadd.s32 $0x1F44, s0  }
0x276: {  	[hbm4b:s20+s28] =	stream.strided.scatter [tilespmem:s21], [sflag:$0x5], $0x3200, s29, s28, $0x38;
	[tilespmem:$0x1DB00] =	vst v63  }
0x277: {  	s22 =	sadd.s32 $0x1F48, s0  }
0x278: {  	[hbm4b:s22+s12] =	stream.strided.scatter [tilespmem:s26], [sflag:$0x7], $0x1900, s29, s12, $0x38;
	[tilespmem:$0x1DB00] =	vst v63  }
0x279: {  	_ =	swait.ge [sflag:s14], $0x1900  }
0x27a: {  	[sflag:s14] =	ssyncset.done $0x0  }
0x27b: {  	[sflag:s14] =	ssyncadd.s32 $0xFFFFE700  }
0x27c: {  	_ =	swait.ge [sflag:s23], $0x3200  }
0x27d: {  	[sflag:s23] =	ssyncset.done $0x0  }
0x27e: {  	[sflag:s23] =	ssyncadd.s32 $0xFFFFCE00  }
0x27f: {  	s1 =	simm.s32 $0x0;
	_ =	swait.ge [sflag:s23], $0x3200  }
0x280: {  	v17 =	vadd.s32 s1, v7;
	[sflag:s23] =	ssyncset.done $0x0  }
0x281: {  	s3 =	simm.s32 $0xE740;
	[sflag:s23] =	ssyncadd.s32 $0xFFFFCE00  }
0x282: {  	[tilespmem:s30], [sflag:$0x1] =	stream.indirect.gather [hbm4b:s5+s18], $0x20, s3, s18, $0xb8;
	[tilespmem:$0x1DB00] =	vst v63  }
0x283: {  	s24 =	simm.s32 $0xF3C0  }
0x284: {  	[tilespmem:s21], [sflag:$0x3] =	stream.indirect.gather [hbm4b:s6+s18], $0x20, s24, s18, $0xb8;
	[tilespmem:$0x1DB00] =	vst v63  }
0x285: {  	s4 =	simm.s32 $0x10;
	v17 =	vld.idx.msk [tilespmem:v17+s15+$0x0], $0xffff  }
0x286: {  	v18 =	vadd.s32 s4, v7;
	_ =	sdelay $0x2  }
0x287: {  	s20 =	simm.s32 $0x1C240  }
0x288: {  	[tilespmem:s20+$0xFFFFFFC0] =	vst v17  }
0x289: {  	s7 =	simm.s32 $0x20;
	v17 =	vld.idx.msk [tilespmem:v18+s15+$0x0], $0xffff  }
0x28a: {  	v18 =	vadd.s32 s7, v7;
	_ =	sdelay $0x3  }
0x28b: {  	[tilespmem:s20+$0xFFFFFFD0] =	vst v17  }
0x28c: {  	s8 =	simm.s32 $0x30;
	v17 =	vld.idx.msk [tilespmem:v18+s15+$0x0], $0xffff  }
0x28d: {  	v18 =	vadd.s32 s8, v7;
	_ =	sdelay $0x3  }
0x28e: {  	[tilespmem:s20+$0xFFFFFFE0] =	vst v17  }
0x28f: {  	s9 =	simm.s32 $0x40;
	v17 =	vld.idx.msk [tilespmem:v18+s15+$0x0], $0xffff  }
0x290: {  	v18 =	vadd.s32 s9, v7;
	_ =	sdelay $0x3  }
0x291: {  	[tilespmem:s20+$0xFFFFFFF0] =	vst v17  }
0x292: {  	s10 =	simm.s32 $0x50;
	v17 =	vld.idx.msk [tilespmem:v18+s15+$0x0], $0xffff  }
0x293: {  	v18 =	vadd.s32 s10, v7;
	_ =	sdelay $0x3  }
0x294: {  	[tilespmem:s20+$0x0] =	vst v17  }
0x295: {  	s13 =	simm.s32 $0x60;
	v17 =	vld.idx.msk [tilespmem:v18+s15+$0x0], $0xffff  }
0x296: {  	v18 =	vadd.s32 s13, v7;
	_ =	sdelay $0x3  }
0x297: {  	[tilespmem:s20+$0x10] =	vst v17  }
0x298: {  	s19 =	simm.s32 $0x70;
	v17 =	vld.idx.msk [tilespmem:v18+s15+$0x0], $0xffff  }
0x299: {  	v18 =	vadd.s32 s19, v7;
	_ =	sdelay $0x3  }
0x29a: {  	[tilespmem:s20+$0x20] =	vst v17  }
0x29b: {  	s22 =	simm.s32 $0x10;
	s21 =	simm.s32 $0x80;
	v17 =	vld.idx.msk [tilespmem:v18+s15+$0x0], $0xffff  }
.LBB2_17:
0x29c: {  	p0 =	slt.u32 s22, $0xC0;
	v18 =	vadd.s32 s21, v7;
	_ =	sdelay $0x3  }
0x29d: {  	[tilespmem:s20+$0x30] =	vst v17  }
0x29e: {  	v17 =	vld.idx.msk [tilespmem:v18+s15+$0x0], $0xffff  }
0x29f: {  	s24 =	sadd.s32 $0x10, s21  }
0x2a0: {  	v18 =	vadd.s32 s24, v7;
	_ =	sdelay $0x2  }
0x2a1: {  	s20 =	sadd.s32 $0x80, s20  }
0x2a2: {  	[tilespmem:s20+$0xFFFFFFC0] =	vst v17  }
0x2a3: {  	v17 =	vld.idx.msk [tilespmem:v18+s15+$0x0], $0xffff  }
0x2a4: {  	s24 =	sadd.s32 $0x20, s21  }
0x2a5: {  	v18 =	vadd.s32 s24, v7;
	_ =	sdelay $0x3  }
0x2a6: {  	[tilespmem:s20+$0xFFFFFFD0] =	vst v17  }
0x2a7: {  	v17 =	vld.idx.msk [tilespmem:v18+s15+$0x0], $0xffff  }
0x2a8: {  	s24 =	sadd.s32 $0x30, s21  }
0x2a9: {  	v18 =	vadd.s32 s24, v7;
	_ =	sdelay $0x3  }
0x2aa: {  	[tilespmem:s20+$0xFFFFFFE0] =	vst v17  }
0x2ab: {  	v17 =	vld.idx.msk [tilespmem:v18+s15+$0x0], $0xffff  }
0x2ac: {  	s24 =	sadd.s32 $0x40, s21  }
0x2ad: {  	v18 =	vadd.s32 s24, v7;
	_ =	sdelay $0x3  }
0x2ae: {  	[tilespmem:s20+$0xFFFFFFF0] =	vst v17  }
0x2af: {  	v17 =	vld.idx.msk [tilespmem:v18+s15+$0x0], $0xffff  }
0x2b0: {  	s24 =	sadd.s32 $0x50, s21  }
0x2b1: {  	v18 =	vadd.s32 s24, v7;
	_ =	sdelay $0x3  }
0x2b2: {  	[tilespmem:s20+$0x0] =	vst v17  }
0x2b3: {  	v17 =	vld.idx.msk [tilespmem:v18+s15+$0x0], $0xffff  }
0x2b4: {  	s24 =	sadd.s32 $0x60, s21  }
0x2b5: {  	v18 =	vadd.s32 s24, v7;
	_ =	sdelay $0x3  }
0x2b6: {  	[tilespmem:s20+$0x10] =	vst v17  }
0x2b7: {  	v17 =	vld.idx.msk [tilespmem:v18+s15+$0x0], $0xffff  }
0x2b8: {  	s21 =	sadd.s32 $0x70, s21  }
0x2b9: {  	v18 =	vadd.s32 s21, v7;
	_ =	sdelay $0x1  }
.Ltmp7:
0x2ba: {  	(pc) =	sbr.rel @p0 .LBB2_17-.Ltmp7, $4  }
0x2bb: {  	_ = 	snop  }
0x2bc: {  	[tilespmem:s20+$0x20] =	vst v17  }
0x2bd: {  	v17 =	vld.idx.msk [tilespmem:v18+s15+$0x0], $0xffff  }
0x2be: {  	s21 =	sshll.u32 s22, $0x4;
	s22 =	sadd.s32 $0x8, s22  }
0x2bf: {  	v18 =	vadd.s32 s21, v7;
	_ =	sdelay $0x3  }
0x2c0: {  	[tilespmem:s20+$0x30] =	vst v17  }
0x2c1: {  	s22 =	sadd.s32 $0x10, s21;
	v17 =	vld.idx.msk [tilespmem:v18+s15+$0x0], $0xffff  }
0x2c2: {  	v18 =	vadd.s32 s22, v7;
	_ =	sdelay $0x2  }
0x2c3: {  	s20 =	sadd.s32 $0x80, s20  }
0x2c4: {  	[tilespmem:s20+$0xFFFFFFC0] =	vst v17  }
0x2c5: {  	s3 =	sadd.s32 $0x20, s21;
	v17 =	vld.idx.msk [tilespmem:v18+s15+$0x0], $0xffff  }
0x2c6: {  	v18 =	vadd.s32 s3, v7;
	_ =	sdelay $0x3  }
0x2c7: {  	[tilespmem:s20+$0xFFFFFFD0] =	vst v17  }
0x2c8: {  	s24 =	sadd.s32 $0x30, s21;
	v17 =	vld.idx.msk [tilespmem:v18+s15+$0x0], $0xffff  }
0x2c9: {  	v18 =	vadd.s32 s24, v7;
	_ =	sdelay $0x3  }
0x2ca: {  	[tilespmem:s20+$0xFFFFFFE0] =	vst v17  }
0x2cb: {  	s3 =	sadd.s32 $0x40, s21;
	v17 =	vld.idx.msk [tilespmem:v18+s15+$0x0], $0xffff  }
0x2cc: {  	v18 =	vadd.s32 s3, v7;
	_ =	sdelay $0x3  }
0x2cd: {  	[tilespmem:s20+$0xFFFFFFF0] =	vst v17  }
0x2ce: {  	s24 =	sadd.s32 $0x50, s21;
	v17 =	vld.idx.msk [tilespmem:v18+s15+$0x0], $0xffff  }
0x2cf: {  	v18 =	vadd.s32 s24, v7;
	_ =	sdelay $0x3  }
0x2d0: {  	[tilespmem:s20+$0x0] =	vst v17  }
0x2d1: {  	s3 =	sadd.s32 $0x60, s21;
	v17 =	vld.idx.msk [tilespmem:v18+s15+$0x0], $0xffff  }
0x2d2: {  	v18 =	vadd.s32 s3, v7;
	_ =	sdelay $0x3  }
0x2d3: {  	[tilespmem:s20+$0x10] =	vst v17  }
0x2d4: {  	s24 =	sadd.s32 $0x70, s21;
	v17 =	vld.idx.msk [tilespmem:v18+s15+$0x0], $0xffff  }
0x2d5: {  	v18 =	vadd.s32 s24, v7;
	_ =	sdelay $0x3  }
0x2d6: {  	[tilespmem:s20+$0x20] =	vst v17  }
0x2d7: {  	v17 =	vld.idx.msk [tilespmem:v18+s15+$0x0], $0xffff  }
0x2d8: {  	v18 =	vadd.s32 s1, v8;
	_ =	sdelay $0x3  }
0x2d9: {  	[tilespmem:s20+$0x30] =	vst v17  }
0x2da: {  	v17 =	vld.idx.msk [tilespmem:v18+s15+$0x0], $0xffff  }
0x2db: {  	v18 =	vadd.s32 s4, v8;
	_ =	sdelay $0x2  }
0x2dc: {  	s1 =	simm.s32 $0x1CEF0  }
0x2dd: {  	[tilespmem:s1+$0xFFFFFF90] =	vst v17  }
0x2de: {  	v17 =	vld.idx.msk [tilespmem:v18+s15+$0x0], $0xffff  }
0x2df: {  	v18 =	vadd.s32 s7, v8;
	_ =	sdelay $0x3  }
0x2e0: {  	[tilespmem:s1+$0xFFFFFFA0] =	vst v17  }
0x2e1: {  	v17 =	vld.idx.msk [tilespmem:v18+s15+$0x0], $0xffff  }
0x2e2: {  	v18 =	vadd.s32 s8, v8;
	_ =	sdelay $0x3  }
0x2e3: {  	[tilespmem:s1+$0xFFFFFFB0] =	vst v17  }
0x2e4: {  	v17 =	vld.idx.msk [tilespmem:v18+s15+$0x0], $0xffff  }
0x2e5: {  	v18 =	vadd.s32 s9, v8;
	_ =	sdelay $0x3  }
0x2e6: {  	[tilespmem:s1+$0xFFFFFFC0] =	vst v17  }
0x2e7: {  	v17 =	vld.idx.msk [tilespmem:v18+s15+$0x0], $0xffff  }
0x2e8: {  	v18 =	vadd.s32 s10, v8;
	_ =	sdelay $0x3  }
0x2e9: {  	[tilespmem:s1+$0xFFFFFFD0] =	vst v17  }
0x2ea: {  	v17 =	vld.idx.msk [tilespmem:v18+s15+$0x0], $0xffff  }
0x2eb: {  	v18 =	vadd.s32 s13, v8;
	_ =	sdelay $0x3  }
0x2ec: {  	[tilespmem:s1+$0xFFFFFFE0] =	vst v17  }
0x2ed: {  	v17 =	vld.idx.msk [tilespmem:v18+s15+$0x0], $0xffff  }
0x2ee: {  	v18 =	vadd.s32 s19, v8;
	_ =	sdelay $0x3  }
0x2ef: {  	[tilespmem:s1+$0xFFFFFFF0] =	vst v17  }
0x2f0: {  	s4 =	simm.s32 $0x80;
	s7 =	simm.s32 $0x10;
	v17 =	vld.idx.msk [tilespmem:v18+s15+$0x0], $0xffff  }
.LBB2_19:
0x2f1: {  	p0 =	slt.u32 s7, $0xC0;
	v18 =	vadd.s32 s4, v8;
	_ =	sdelay $0x3  }
0x2f2: {  	[tilespmem:s1+$0x0] =	vst v17  }
0x2f3: {  	v17 =	vld.idx.msk [tilespmem:v18+s15+$0x0], $0xffff  }
0x2f4: {  	s8 =	sadd.s32 $0x10, s4  }
0x2f5: {  	v18 =	vadd.s32 s8, v8;
	_ =	sdelay $0x2  }
0x2f6: {  	s1 =	sadd.s32 $0x80, s1  }
0x2f7: {  	[tilespmem:s1+$0xFFFFFF90] =	vst v17  }
0x2f8: {  	v17 =	vld.idx.msk [tilespmem:v18+s15+$0x0], $0xffff  }
0x2f9: {  	s8 =	sadd.s32 $0x20, s4  }
0x2fa: {  	v18 =	vadd.s32 s8, v8;
	_ =	sdelay $0x3  }
0x2fb: {  	[tilespmem:s1+$0xFFFFFFA0] =	vst v17  }
0x2fc: {  	v17 =	vld.idx.msk [tilespmem:v18+s15+$0x0], $0xffff  }
0x2fd: {  	s8 =	sadd.s32 $0x30, s4  }
0x2fe: {  	v18 =	vadd.s32 s8, v8;
	_ =	sdelay $0x3  }
0x2ff: {  	[tilespmem:s1+$0xFFFFFFB0] =	vst v17  }
0x300: {  	v17 =	vld.idx.msk [tilespmem:v18+s15+$0x0], $0xffff  }
0x301: {  	s8 =	sadd.s32 $0x40, s4  }
0x302: {  	v18 =	vadd.s32 s8, v8;
	_ =	sdelay $0x3  }
0x303: {  	[tilespmem:s1+$0xFFFFFFC0] =	vst v17  }
0x304: {  	v17 =	vld.idx.msk [tilespmem:v18+s15+$0x0], $0xffff  }
0x305: {  	s8 =	sadd.s32 $0x50, s4  }
0x306: {  	v18 =	vadd.s32 s8, v8;
	_ =	sdelay $0x3  }
0x307: {  	[tilespmem:s1+$0xFFFFFFD0] =	vst v17  }
0x308: {  	v17 =	vld.idx.msk [tilespmem:v18+s15+$0x0], $0xffff  }
0x309: {  	s8 =	sadd.s32 $0x60, s4  }
0x30a: {  	v18 =	vadd.s32 s8, v8;
	_ =	sdelay $0x3  }
0x30b: {  	[tilespmem:s1+$0xFFFFFFE0] =	vst v17  }
0x30c: {  	v17 =	vld.idx.msk [tilespmem:v18+s15+$0x0], $0xffff  }
0x30d: {  	s4 =	sadd.s32 $0x70, s4  }
0x30e: {  	v18 =	vadd.s32 s4, v8;
	_ =	sdelay $0x1  }
.Ltmp8:
0x30f: {  	(pc) =	sbr.rel @p0 .LBB2_19-.Ltmp8, $4  }
0x310: {  	_ = 	snop  }
0x311: {  	[tilespmem:s1+$0xFFFFFFF0] =	vst v17  }
0x312: {  	v17 =	vld.idx.msk [tilespmem:v18+s15+$0x0], $0xffff  }
0x313: {  	s4 =	sshll.u32 s7, $0x4;
	s7 =	sadd.s32 $0x8, s7  }
0x314: {  	v18 =	vadd.s32 s4, v8;
	_ =	sdelay $0x3  }
0x315: {  	[tilespmem:s1+$0x0] =	vst v17  }
0x316: {  	s7 =	sadd.s32 $0x10, s4;
	v17 =	vld.idx.msk [tilespmem:v18+s15+$0x0], $0xffff  }
0x317: {  	v18 =	vadd.s32 s7, v8;
	_ =	sdelay $0x2  }
0x318: {  	s22 =	sadd.s32 $0x80, s1  }
0x319: {  	[tilespmem:s22+$0xFFFFFF90] =	vst v17  }
0x31a: {  	s24 =	sadd.s32 $0x20, s4;
	v17 =	vld.idx.msk [tilespmem:v18+s15+$0x0], $0xffff  }
0x31b: {  	v18 =	vadd.s32 s24, v8;
	_ =	sdelay $0x3  }
0x31c: {  	[tilespmem:s22+$0xFFFFFFA0] =	vst v17  }
0x31d: {  	s3 =	sadd.s32 $0x30, s4;
	v17 =	vld.idx.msk [tilespmem:v18+s15+$0x0], $0xffff  }
0x31e: {  	v18 =	vadd.s32 s3, v8;
	_ =	sdelay $0x3  }
0x31f: {  	[tilespmem:s22+$0xFFFFFFB0] =	vst v17  }
0x320: {  	s8 =	sadd.s32 $0x40, s4;
	v17 =	vld.idx.msk [tilespmem:v18+s15+$0x0], $0xffff  }
0x321: {  	v18 =	vadd.s32 s8, v8;
	_ =	sdelay $0x3  }
0x322: {  	[tilespmem:s22+$0xFFFFFFC0] =	vst v17  }
0x323: {  	s9 =	sadd.s32 $0x50, s4;
	v17 =	vld.idx.msk [tilespmem:v18+s15+$0x0], $0xffff  }
0x324: {  	v18 =	vadd.s32 s9, v8;
	_ =	sdelay $0x3  }
0x325: {  	[tilespmem:s22+$0xFFFFFFD0] =	vst v17  }
0x326: {  	s10 =	sadd.s32 $0x60, s4;
	v17 =	vld.idx.msk [tilespmem:v18+s15+$0x0], $0xffff  }
0x327: {  	v18 =	vadd.s32 s10, v8;
	_ =	sdelay $0x3  }
0x328: {  	[tilespmem:s22+$0xFFFFFFE0] =	vst v17  }
0x329: {  	s13 =	sadd.s32 $0x70, s4;
	v17 =	vld.idx.msk [tilespmem:v18+s15+$0x0], $0xffff  }
0x32a: {  	v18 =	vadd.s32 s13, v8;
	_ =	sdelay $0x3  }
0x32b: {  	[tilespmem:s22+$0xFFFFFFF0] =	vst v17  }
0x32c: {  	v17 =	vld.idx.msk [tilespmem:v18+s15+$0x0], $0xffff;
	_ =	sdelay $0x4  }
0x32d: {  	s19 =	simm.s32 $0x2;
	[tilespmem:s22+$0x0] =	vst v17  }
0x32e: {  	_ =	swait.ge [sflag:s19], $0x3200  }
0x32f: {  	[sflag:s19] =	ssyncset.done $0x0  }
0x330: {  	[sflag:s19] =	ssyncadd.s32 $0xFFFFCE00  }
0x331: {  	_ =	swait.ge [sflag:s11], $0x3200  }
0x332: {  	[sflag:s11] =	ssyncset.done $0x0  }
0x333: {  	s20 =	sadd.s32 $0x2EE0, s0;
	[sflag:s11] =	ssyncadd.s32 $0xFFFFCE00  }
0x334: {  	[hbm4b:s20+s28] =	stream.strided.scatter [tilespmem:s25], [sflag:$0x6], $0x3200, s29, s28, $0x38;
	[tilespmem:$0x1DB00] =	vst v63  }
0x335: {  	s21 =	sadd.s32 $0x2EE4, s0;
	s22 =	simm.s32 $0x19000  }
0x336: {  	[hbm4b:s21+s28] =	stream.strided.scatter [tilespmem:s22], [sflag:$0x6], $0x3200, s29, s28, $0x38;
	[tilespmem:$0x1DB00] =	vst v63  }
0x337: {  	s24 =	sadd.s32 $0x2EE8, s0  }
0x338: {  	[hbm4b:s24+s12] =	stream.strided.scatter [tilespmem:s26], [sflag:$0x7], $0x1900, s29, s12, $0x38;
	[tilespmem:$0x1DB00] =	vst v63  }
0x339: {  	_ =	swait.ge [sflag:s14], $0x1900  }
0x33a: {  	[sflag:s14] =	ssyncset.done $0x0  }
0x33b: {  	[sflag:s14] =	ssyncadd.s32 $0xFFFFE700  }
0x33c: {  	_ =	swait.ge [sflag:s2], $0x3200  }
0x33d: {  	[sflag:s2] =	ssyncset.done $0x0  }
0x33e: {  	[sflag:s2] =	ssyncadd.s32 $0xFFFFCE00  }
0x33f: {  	s1 =	simm.s32 $0x0;
	_ =	swait.ge [sflag:s2], $0x3200  }
0x340: {  	v17 =	vadd.s32 s1, v9;
	[sflag:s2] =	ssyncset.done $0x0  }
0x341: {  	s3 =	simm.s32 $0xE8D0;
	[sflag:s2] =	ssyncadd.s32 $0xFFFFCE00  }
0x342: {  	[tilespmem:s25], [sflag:$0x2] =	stream.indirect.gather [hbm4b:s5+s18], $0x20, s3, s18, $0xb8;
	[tilespmem:$0x1DB00] =	vst v63  }
0x343: {  	s25 =	simm.s32 $0xF550  }
0x344: {  	[tilespmem:s22], [sflag:$0x4] =	stream.indirect.gather [hbm4b:s6+s18], $0x20, s25, s18, $0xb8;
	[tilespmem:$0x1DB00] =	vst v63  }
0x345: {  	s4 =	simm.s32 $0x10;
	v17 =	vld.idx.msk [tilespmem:v17+s15+$0x0], $0xffff  }
0x346: {  	v18 =	vadd.s32 s4, v9;
	_ =	sdelay $0x2  }
0x347: {  	s20 =	simm.s32 $0x1C240  }
0x348: {  	[tilespmem:s20+$0xFFFFFFC0] =	vst v17  }
0x349: {  	s7 =	simm.s32 $0x20;
	v17 =	vld.idx.msk [tilespmem:v18+s15+$0x0], $0xffff  }
0x34a: {  	v18 =	vadd.s32 s7, v9;
	_ =	sdelay $0x3  }
0x34b: {  	[tilespmem:s20+$0xFFFFFFD0] =	vst v17  }
0x34c: {  	s8 =	simm.s32 $0x30;
	v17 =	vld.idx.msk [tilespmem:v18+s15+$0x0], $0xffff  }
0x34d: {  	v18 =	vadd.s32 s8, v9;
	_ =	sdelay $0x3  }
0x34e: {  	[tilespmem:s20+$0xFFFFFFE0] =	vst v17  }
0x34f: {  	s9 =	simm.s32 $0x40;
	v17 =	vld.idx.msk [tilespmem:v18+s15+$0x0], $0xffff  }
0x350: {  	v18 =	vadd.s32 s9, v9;
	_ =	sdelay $0x3  }
0x351: {  	[tilespmem:s20+$0xFFFFFFF0] =	vst v17  }
0x352: {  	s10 =	simm.s32 $0x50;
	v17 =	vld.idx.msk [tilespmem:v18+s15+$0x0], $0xffff  }
0x353: {  	v18 =	vadd.s32 s10, v9;
	_ =	sdelay $0x3  }
0x354: {  	[tilespmem:s20+$0x0] =	vst v17  }
0x355: {  	s13 =	simm.s32 $0x60;
	v17 =	vld.idx.msk [tilespmem:v18+s15+$0x0], $0xffff  }
0x356: {  	v18 =	vadd.s32 s13, v9;
	_ =	sdelay $0x3  }
0x357: {  	[tilespmem:s20+$0x10] =	vst v17  }
0x358: {  	s19 =	simm.s32 $0x70;
	v17 =	vld.idx.msk [tilespmem:v18+s15+$0x0], $0xffff  }
0x359: {  	v18 =	vadd.s32 s19, v9;
	_ =	sdelay $0x3  }
0x35a: {  	[tilespmem:s20+$0x20] =	vst v17  }
0x35b: {  	s21 =	simm.s32 $0x80;
	s22 =	simm.s32 $0x10;
	v17 =	vld.idx.msk [tilespmem:v18+s15+$0x0], $0xffff  }
.LBB2_21:
0x35c: {  	p0 =	slt.u32 s22, $0xC0;
	v18 =	vadd.s32 s21, v9;
	_ =	sdelay $0x3  }
0x35d: {  	[tilespmem:s20+$0x30] =	vst v17  }
0x35e: {  	v17 =	vld.idx.msk [tilespmem:v18+s15+$0x0], $0xffff  }
0x35f: {  	s24 =	sadd.s32 $0x10, s21  }
0x360: {  	v18 =	vadd.s32 s24, v9;
	_ =	sdelay $0x2  }
0x361: {  	s20 =	sadd.s32 $0x80, s20  }
0x362: {  	[tilespmem:s20+$0xFFFFFFC0] =	vst v17  }
0x363: {  	v17 =	vld.idx.msk [tilespmem:v18+s15+$0x0], $0xffff  }
0x364: {  	s24 =	sadd.s32 $0x20, s21  }
0x365: {  	v18 =	vadd.s32 s24, v9;
	_ =	sdelay $0x3  }
0x366: {  	[tilespmem:s20+$0xFFFFFFD0] =	vst v17  }
0x367: {  	v17 =	vld.idx.msk [tilespmem:v18+s15+$0x0], $0xffff  }
0x368: {  	s24 =	sadd.s32 $0x30, s21  }
0x369: {  	v18 =	vadd.s32 s24, v9;
	_ =	sdelay $0x3  }
0x36a: {  	[tilespmem:s20+$0xFFFFFFE0] =	vst v17  }
0x36b: {  	v17 =	vld.idx.msk [tilespmem:v18+s15+$0x0], $0xffff  }
0x36c: {  	s24 =	sadd.s32 $0x40, s21  }
0x36d: {  	v18 =	vadd.s32 s24, v9;
	_ =	sdelay $0x3  }
0x36e: {  	[tilespmem:s20+$0xFFFFFFF0] =	vst v17  }
0x36f: {  	v17 =	vld.idx.msk [tilespmem:v18+s15+$0x0], $0xffff  }
0x370: {  	s24 =	sadd.s32 $0x50, s21  }
0x371: {  	v18 =	vadd.s32 s24, v9;
	_ =	sdelay $0x3  }
0x372: {  	[tilespmem:s20+$0x0] =	vst v17  }
0x373: {  	v17 =	vld.idx.msk [tilespmem:v18+s15+$0x0], $0xffff  }
0x374: {  	s24 =	sadd.s32 $0x60, s21  }
0x375: {  	v18 =	vadd.s32 s24, v9;
	_ =	sdelay $0x3  }
0x376: {  	[tilespmem:s20+$0x10] =	vst v17  }
0x377: {  	v17 =	vld.idx.msk [tilespmem:v18+s15+$0x0], $0xffff  }
0x378: {  	s21 =	sadd.s32 $0x70, s21  }
0x379: {  	v18 =	vadd.s32 s21, v9;
	_ =	sdelay $0x1  }
.Ltmp9:
0x37a: {  	(pc) =	sbr.rel @p0 .LBB2_21-.Ltmp9, $4  }
0x37b: {  	_ = 	snop  }
0x37c: {  	[tilespmem:s20+$0x20] =	vst v17  }
0x37d: {  	v17 =	vld.idx.msk [tilespmem:v18+s15+$0x0], $0xffff  }
0x37e: {  	s21 =	sshll.u32 s22, $0x4;
	s22 =	sadd.s32 $0x8, s22  }
0x37f: {  	v18 =	vadd.s32 s21, v9;
	_ =	sdelay $0x3  }
0x380: {  	[tilespmem:s20+$0x30] =	vst v17  }
0x381: {  	s22 =	sadd.s32 $0x10, s21;
	v17 =	vld.idx.msk [tilespmem:v18+s15+$0x0], $0xffff  }
0x382: {  	v18 =	vadd.s32 s22, v9;
	_ =	sdelay $0x2  }
0x383: {  	s20 =	sadd.s32 $0x80, s20  }
0x384: {  	[tilespmem:s20+$0xFFFFFFC0] =	vst v17  }
0x385: {  	s3 =	sadd.s32 $0x20, s21;
	v17 =	vld.idx.msk [tilespmem:v18+s15+$0x0], $0xffff  }
0x386: {  	v18 =	vadd.s32 s3, v9;
	_ =	sdelay $0x3  }
0x387: {  	[tilespmem:s20+$0xFFFFFFD0] =	vst v17  }
0x388: {  	s24 =	sadd.s32 $0x30, s21;
	v17 =	vld.idx.msk [tilespmem:v18+s15+$0x0], $0xffff  }
0x389: {  	v18 =	vadd.s32 s24, v9;
	_ =	sdelay $0x3  }
0x38a: {  	[tilespmem:s20+$0xFFFFFFE0] =	vst v17  }
0x38b: {  	s25 =	sadd.s32 $0x40, s21;
	v17 =	vld.idx.msk [tilespmem:v18+s15+$0x0], $0xffff  }
0x38c: {  	v18 =	vadd.s32 s25, v9;
	_ =	sdelay $0x3  }
0x38d: {  	[tilespmem:s20+$0xFFFFFFF0] =	vst v17  }
0x38e: {  	s3 =	sadd.s32 $0x50, s21;
	v17 =	vld.idx.msk [tilespmem:v18+s15+$0x0], $0xffff  }
0x38f: {  	v18 =	vadd.s32 s3, v9;
	_ =	sdelay $0x3  }
0x390: {  	[tilespmem:s20+$0x0] =	vst v17  }
0x391: {  	s24 =	sadd.s32 $0x60, s21;
	v17 =	vld.idx.msk [tilespmem:v18+s15+$0x0], $0xffff  }
0x392: {  	v18 =	vadd.s32 s24, v9;
	_ =	sdelay $0x3  }
0x393: {  	[tilespmem:s20+$0x10] =	vst v17  }
0x394: {  	s25 =	sadd.s32 $0x70, s21;
	v17 =	vld.idx.msk [tilespmem:v18+s15+$0x0], $0xffff  }
0x395: {  	v18 =	vadd.s32 s25, v9;
	_ =	sdelay $0x3  }
0x396: {  	[tilespmem:s20+$0x20] =	vst v17  }
0x397: {  	v17 =	vld.idx.msk [tilespmem:v18+s15+$0x0], $0xffff  }
0x398: {  	v18 =	vadd.s32 s1, v10;
	_ =	sdelay $0x3  }
0x399: {  	[tilespmem:s20+$0x30] =	vst v17  }
0x39a: {  	v17 =	vld.idx.msk [tilespmem:v18+s15+$0x0], $0xffff  }
0x39b: {  	v18 =	vadd.s32 s4, v10;
	_ =	sdelay $0x2  }
0x39c: {  	s1 =	simm.s32 $0x1CEF0  }
0x39d: {  	[tilespmem:s1+$0xFFFFFF90] =	vst v17  }
0x39e: {  	v17 =	vld.idx.msk [tilespmem:v18+s15+$0x0], $0xffff  }
0x39f: {  	v18 =	vadd.s32 s7, v10;
	_ =	sdelay $0x3  }
0x3a0: {  	[tilespmem:s1+$0xFFFFFFA0] =	vst v17  }
0x3a1: {  	v17 =	vld.idx.msk [tilespmem:v18+s15+$0x0], $0xffff  }
0x3a2: {  	v18 =	vadd.s32 s8, v10;
	_ =	sdelay $0x3  }
0x3a3: {  	[tilespmem:s1+$0xFFFFFFB0] =	vst v17  }
0x3a4: {  	v17 =	vld.idx.msk [tilespmem:v18+s15+$0x0], $0xffff  }
0x3a5: {  	v18 =	vadd.s32 s9, v10;
	_ =	sdelay $0x3  }
0x3a6: {  	[tilespmem:s1+$0xFFFFFFC0] =	vst v17  }
0x3a7: {  	v17 =	vld.idx.msk [tilespmem:v18+s15+$0x0], $0xffff  }
0x3a8: {  	v18 =	vadd.s32 s10, v10;
	_ =	sdelay $0x3  }
0x3a9: {  	[tilespmem:s1+$0xFFFFFFD0] =	vst v17  }
0x3aa: {  	v17 =	vld.idx.msk [tilespmem:v18+s15+$0x0], $0xffff  }
0x3ab: {  	v18 =	vadd.s32 s13, v10;
	_ =	sdelay $0x3  }
0x3ac: {  	[tilespmem:s1+$0xFFFFFFE0] =	vst v17  }
0x3ad: {  	v17 =	vld.idx.msk [tilespmem:v18+s15+$0x0], $0xffff  }
0x3ae: {  	v18 =	vadd.s32 s19, v10;
	_ =	sdelay $0x3  }
0x3af: {  	[tilespmem:s1+$0xFFFFFFF0] =	vst v17  }
0x3b0: {  	s4 =	simm.s32 $0x80;
	s7 =	simm.s32 $0x10;
	v17 =	vld.idx.msk [tilespmem:v18+s15+$0x0], $0xffff  }
.LBB2_23:
0x3b1: {  	p0 =	slt.u32 s7, $0xC0;
	v18 =	vadd.s32 s4, v10;
	_ =	sdelay $0x3  }
0x3b2: {  	[tilespmem:s1+$0x0] =	vst v17  }
0x3b3: {  	v17 =	vld.idx.msk [tilespmem:v18+s15+$0x0], $0xffff  }
0x3b4: {  	s8 =	sadd.s32 $0x10, s4  }
0x3b5: {  	v18 =	vadd.s32 s8, v10;
	_ =	sdelay $0x2  }
0x3b6: {  	s1 =	sadd.s32 $0x80, s1  }
0x3b7: {  	[tilespmem:s1+$0xFFFFFF90] =	vst v17  }
0x3b8: {  	v17 =	vld.idx.msk [tilespmem:v18+s15+$0x0], $0xffff  }
0x3b9: {  	s8 =	sadd.s32 $0x20, s4  }
0x3ba: {  	v18 =	vadd.s32 s8, v10;
	_ =	sdelay $0x3  }
0x3bb: {  	[tilespmem:s1+$0xFFFFFFA0] =	vst v17  }
0x3bc: {  	v17 =	vld.idx.msk [tilespmem:v18+s15+$0x0], $0xffff  }
0x3bd: {  	s8 =	sadd.s32 $0x30, s4  }
0x3be: {  	v18 =	vadd.s32 s8, v10;
	_ =	sdelay $0x3  }
0x3bf: {  	[tilespmem:s1+$0xFFFFFFB0] =	vst v17  }
0x3c0: {  	v17 =	vld.idx.msk [tilespmem:v18+s15+$0x0], $0xffff  }
0x3c1: {  	s8 =	sadd.s32 $0x40, s4  }
0x3c2: {  	v18 =	vadd.s32 s8, v10;
	_ =	sdelay $0x3  }
0x3c3: {  	[tilespmem:s1+$0xFFFFFFC0] =	vst v17  }
0x3c4: {  	v17 =	vld.idx.msk [tilespmem:v18+s15+$0x0], $0xffff  }
0x3c5: {  	s8 =	sadd.s32 $0x50, s4  }
0x3c6: {  	v18 =	vadd.s32 s8, v10;
	_ =	sdelay $0x3  }
0x3c7: {  	[tilespmem:s1+$0xFFFFFFD0] =	vst v17  }
0x3c8: {  	v17 =	vld.idx.msk [tilespmem:v18+s15+$0x0], $0xffff  }
0x3c9: {  	s8 =	sadd.s32 $0x60, s4  }
0x3ca: {  	v18 =	vadd.s32 s8, v10;
	_ =	sdelay $0x3  }
0x3cb: {  	[tilespmem:s1+$0xFFFFFFE0] =	vst v17  }
0x3cc: {  	v17 =	vld.idx.msk [tilespmem:v18+s15+$0x0], $0xffff  }
0x3cd: {  	s4 =	sadd.s32 $0x70, s4  }
0x3ce: {  	v18 =	vadd.s32 s4, v10;
	_ =	sdelay $0x1  }
.Ltmp10:
0x3cf: {  	(pc) =	sbr.rel @p0 .LBB2_23-.Ltmp10, $4  }
0x3d0: {  	_ = 	snop  }
0x3d1: {  	[tilespmem:s1+$0xFFFFFFF0] =	vst v17  }
0x3d2: {  	v17 =	vld.idx.msk [tilespmem:v18+s15+$0x0], $0xffff  }
0x3d3: {  	s4 =	sshll.u32 s7, $0x4;
	s7 =	sadd.s32 $0x8, s7  }
0x3d4: {  	v18 =	vadd.s32 s4, v10;
	_ =	sdelay $0x3  }
0x3d5: {  	[tilespmem:s1+$0x0] =	vst v17  }
0x3d6: {  	s7 =	sadd.s32 $0x10, s4;
	v17 =	vld.idx.msk [tilespmem:v18+s15+$0x0], $0xffff  }
0x3d7: {  	v18 =	vadd.s32 s7, v10;
	_ =	sdelay $0x2  }
0x3d8: {  	s21 =	sadd.s32 $0x80, s1  }
0x3d9: {  	[tilespmem:s21+$0xFFFFFF90] =	vst v17  }
0x3da: {  	s22 =	sadd.s32 $0x20, s4;
	v17 =	vld.idx.msk [tilespmem:v18+s15+$0x0], $0xffff  }
0x3db: {  	v18 =	vadd.s32 s22, v10;
	_ =	sdelay $0x3  }
0x3dc: {  	[tilespmem:s21+$0xFFFFFFA0] =	vst v17  }
0x3dd: {  	s24 =	sadd.s32 $0x30, s4;
	v17 =	vld.idx.msk [tilespmem:v18+s15+$0x0], $0xffff  }
0x3de: {  	v18 =	vadd.s32 s24, v10;
	_ =	sdelay $0x3  }
0x3df: {  	[tilespmem:s21+$0xFFFFFFB0] =	vst v17  }
0x3e0: {  	s25 =	sadd.s32 $0x40, s4;
	v17 =	vld.idx.msk [tilespmem:v18+s15+$0x0], $0xffff  }
0x3e1: {  	v18 =	vadd.s32 s25, v10;
	_ =	sdelay $0x3  }
0x3e2: {  	[tilespmem:s21+$0xFFFFFFC0] =	vst v17  }
0x3e3: {  	s3 =	sadd.s32 $0x50, s4;
	v17 =	vld.idx.msk [tilespmem:v18+s15+$0x0], $0xffff  }
0x3e4: {  	v18 =	vadd.s32 s3, v10;
	_ =	sdelay $0x3  }
0x3e5: {  	[tilespmem:s21+$0xFFFFFFD0] =	vst v17  }
0x3e6: {  	s8 =	sadd.s32 $0x60, s4;
	v17 =	vld.idx.msk [tilespmem:v18+s15+$0x0], $0xffff  }
0x3e7: {  	v18 =	vadd.s32 s8, v10;
	_ =	sdelay $0x3  }
0x3e8: {  	[tilespmem:s21+$0xFFFFFFE0] =	vst v17  }
0x3e9: {  	s9 =	sadd.s32 $0x70, s4;
	v17 =	vld.idx.msk [tilespmem:v18+s15+$0x0], $0xffff  }
0x3ea: {  	v18 =	vadd.s32 s9, v10;
	_ =	sdelay $0x3  }
0x3eb: {  	[tilespmem:s21+$0xFFFFFFF0] =	vst v17  }
0x3ec: {  	v17 =	vld.idx.msk [tilespmem:v18+s15+$0x0], $0xffff;
	_ =	sdelay $0x4  }
0x3ed: {  	s10 =	simm.s32 $0x1;
	[tilespmem:s21+$0x0] =	vst v17  }
0x3ee: {  	_ =	swait.ge [sflag:s10], $0x3200  }
0x3ef: {  	[sflag:s10] =	ssyncset.done $0x0  }
0x3f0: {  	s13 =	simm.s32 $0x3;
	[sflag:s10] =	ssyncadd.s32 $0xFFFFCE00  }
0x3f1: {  	_ =	swait.ge [sflag:s13], $0x3200  }
0x3f2: {  	[sflag:s13] =	ssyncset.done $0x0  }
0x3f3: {  	s19 =	sadd.s32 $0x3E80, s0;
	[sflag:s13] =	ssyncadd.s32 $0xFFFFCE00  }
0x3f4: {  	[hbm4b:s19+s28] =	stream.strided.scatter [tilespmem:s30], [sflag:$0x5], $0x3200, s29, s28, $0x38;
	[tilespmem:$0x1DB00] =	vst v63  }
0x3f5: {  	s20 =	sadd.s32 $0x3E84, s0;
	s21 =	simm.s32 $0x15E00  }
0x3f6: {  	[hbm4b:s20+s28] =	stream.strided.scatter [tilespmem:s21], [sflag:$0x5], $0x3200, s29, s28, $0x38;
	[tilespmem:$0x1DB00] =	vst v63  }
0x3f7: {  	s22 =	sadd.s32 $0x3E88, s0  }
0x3f8: {  	[hbm4b:s22+s12] =	stream.strided.scatter [tilespmem:s26], [sflag:$0x7], $0x1900, s29, s12, $0x38;
	[tilespmem:$0x1DB00] =	vst v63  }
0x3f9: {  	_ =	swait.ge [sflag:s14], $0x1900  }
0x3fa: {  	[sflag:s14] =	ssyncset.done $0x0  }
0x3fb: {  	[sflag:s14] =	ssyncadd.s32 $0xFFFFE700  }
0x3fc: {  	_ =	swait.ge [sflag:s23], $0x3200  }
0x3fd: {  	[sflag:s23] =	ssyncset.done $0x0  }
0x3fe: {  	[sflag:s23] =	ssyncadd.s32 $0xFFFFCE00  }
0x3ff: {  	s1 =	simm.s32 $0x0;
	_ =	swait.ge [sflag:s23], $0x3200  }
0x400: {  	v17 =	vadd.s32 s1, v11;
	[sflag:s23] =	ssyncset.done $0x0  }
0x401: {  	s3 =	simm.s32 $0xEA60;
	[sflag:s23] =	ssyncadd.s32 $0xFFFFCE00  }
0x402: {  	[tilespmem:s30], [sflag:$0x1] =	stream.indirect.gather [hbm4b:s5+s18], $0x20, s3, s18, $0xb8;
	[tilespmem:$0x1DB00] =	vst v63  }
0x403: {  	s24 =	simm.s32 $0xF6E0  }
0x404: {  	[tilespmem:s21], [sflag:$0x3] =	stream.indirect.gather [hbm4b:s6+s18], $0x20, s24, s18, $0xb8;
	[tilespmem:$0x1DB00] =	vst v63  }
0x405: {  	s4 =	simm.s32 $0x10;
	v17 =	vld.idx.msk [tilespmem:v17+s15+$0x0], $0xffff  }
0x406: {  	v18 =	vadd.s32 s4, v11;
	_ =	sdelay $0x2  }
0x407: {  	s20 =	simm.s32 $0x1C240  }
0x408: {  	[tilespmem:s20+$0xFFFFFFC0] =	vst v17  }
0x409: {  	s7 =	simm.s32 $0x20;
	v17 =	vld.idx.msk [tilespmem:v18+s15+$0x0], $0xffff  }
0x40a: {  	v18 =	vadd.s32 s7, v11;
	_ =	sdelay $0x3  }
0x40b: {  	[tilespmem:s20+$0xFFFFFFD0] =	vst v17  }
0x40c: {  	s8 =	simm.s32 $0x30;
	v17 =	vld.idx.msk [tilespmem:v18+s15+$0x0], $0xffff  }
0x40d: {  	v18 =	vadd.s32 s8, v11;
	_ =	sdelay $0x3  }
0x40e: {  	[tilespmem:s20+$0xFFFFFFE0] =	vst v17  }
0x40f: {  	s9 =	simm.s32 $0x40;
	v17 =	vld.idx.msk [tilespmem:v18+s15+$0x0], $0xffff  }
0x410: {  	v18 =	vadd.s32 s9, v11;
	_ =	sdelay $0x3  }
0x411: {  	[tilespmem:s20+$0xFFFFFFF0] =	vst v17  }
0x412: {  	s10 =	simm.s32 $0x50;
	v17 =	vld.idx.msk [tilespmem:v18+s15+$0x0], $0xffff  }
0x413: {  	v18 =	vadd.s32 s10, v11;
	_ =	sdelay $0x3  }
0x414: {  	[tilespmem:s20+$0x0] =	vst v17  }
0x415: {  	s13 =	simm.s32 $0x60;
	v17 =	vld.idx.msk [tilespmem:v18+s15+$0x0], $0xffff  }
0x416: {  	v18 =	vadd.s32 s13, v11;
	_ =	sdelay $0x3  }
0x417: {  	[tilespmem:s20+$0x10] =	vst v17  }
0x418: {  	s19 =	simm.s32 $0x70;
	v17 =	vld.idx.msk [tilespmem:v18+s15+$0x0], $0xffff  }
0x419: {  	v18 =	vadd.s32 s19, v11;
	_ =	sdelay $0x3  }
0x41a: {  	s25 =	simm.s32 $0x10;
	[tilespmem:s20+$0x20] =	vst v17  }
0x41b: {  	s12 =	simm.s32 $0x15E00;
	s22 =	simm.s32 $0x10;
	s21 =	simm.s32 $0x80;
	v17 =	vld.idx.msk [tilespmem:v18+s15+$0x0], $0xffff  }
.LBB2_25:
0x41c: {  	p0 =	slt.u32 s22, $0xC0;
	v18 =	vadd.s32 s21, v11;
	_ =	sdelay $0x3  }
0x41d: {  	[tilespmem:s20+$0x30] =	vst v17  }
0x41e: {  	v17 =	vld.idx.msk [tilespmem:v18+s15+$0x0], $0xffff  }
0x41f: {  	s24 =	sadd.s32 $0x10, s21  }
0x420: {  	v18 =	vadd.s32 s24, v11;
	_ =	sdelay $0x2  }
0x421: {  	s20 =	sadd.s32 $0x80, s20  }
0x422: {  	[tilespmem:s20+$0xFFFFFFC0] =	vst v17  }
0x423: {  	v17 =	vld.idx.msk [tilespmem:v18+s15+$0x0], $0xffff  }
0x424: {  	s24 =	sadd.s32 $0x20, s21  }
0x425: {  	v18 =	vadd.s32 s24, v11;
	_ =	sdelay $0x3  }
0x426: {  	[tilespmem:s20+$0xFFFFFFD0] =	vst v17  }
0x427: {  	v17 =	vld.idx.msk [tilespmem:v18+s15+$0x0], $0xffff  }
0x428: {  	s24 =	sadd.s32 $0x30, s21  }
0x429: {  	v18 =	vadd.s32 s24, v11;
	_ =	sdelay $0x3  }
0x42a: {  	[tilespmem:s20+$0xFFFFFFE0] =	vst v17  }
0x42b: {  	v17 =	vld.idx.msk [tilespmem:v18+s15+$0x0], $0xffff  }
0x42c: {  	s24 =	sadd.s32 $0x40, s21  }
0x42d: {  	v18 =	vadd.s32 s24, v11;
	_ =	sdelay $0x3  }
0x42e: {  	[tilespmem:s20+$0xFFFFFFF0] =	vst v17  }
0x42f: {  	v17 =	vld.idx.msk [tilespmem:v18+s15+$0x0], $0xffff  }
0x430: {  	s24 =	sadd.s32 $0x50, s21  }
0x431: {  	v18 =	vadd.s32 s24, v11;
	_ =	sdelay $0x3  }
0x432: {  	[tilespmem:s20+$0x0] =	vst v17  }
0x433: {  	v17 =	vld.idx.msk [tilespmem:v18+s15+$0x0], $0xffff  }
0x434: {  	s24 =	sadd.s32 $0x60, s21  }
0x435: {  	v18 =	vadd.s32 s24, v11;
	_ =	sdelay $0x3  }
0x436: {  	[tilespmem:s20+$0x10] =	vst v17  }
0x437: {  	v17 =	vld.idx.msk [tilespmem:v18+s15+$0x0], $0xffff  }
0x438: {  	s21 =	sadd.s32 $0x70, s21  }
0x439: {  	v18 =	vadd.s32 s21, v11;
	_ =	sdelay $0x1  }
.Ltmp11:
0x43a: {  	(pc) =	sbr.rel @p0 .LBB2_25-.Ltmp11, $4  }
0x43b: {  	_ = 	snop  }
0x43c: {  	[tilespmem:s20+$0x20] =	vst v17  }
0x43d: {  	v17 =	vld.idx.msk [tilespmem:v18+s15+$0x0], $0xffff  }
0x43e: {  	s21 =	sshll.u32 s22, $0x4;
	s22 =	sadd.s32 $0x8, s22  }
0x43f: {  	v18 =	vadd.s32 s21, v11;
	_ =	sdelay $0x3  }
0x440: {  	[tilespmem:s20+$0x30] =	vst v17  }
0x441: {  	s22 =	sadd.s32 $0x10, s21;
	v17 =	vld.idx.msk [tilespmem:v18+s15+$0x0], $0xffff  }
0x442: {  	v18 =	vadd.s32 s22, v11;
	_ =	sdelay $0x2  }
0x443: {  	s20 =	sadd.s32 $0x80, s20  }
0x444: {  	[tilespmem:s20+$0xFFFFFFC0] =	vst v17  }
0x445: {  	s3 =	sadd.s32 $0x20, s21;
	v17 =	vld.idx.msk [tilespmem:v18+s15+$0x0], $0xffff  }
0x446: {  	v18 =	vadd.s32 s3, v11;
	_ =	sdelay $0x3  }
0x447: {  	[tilespmem:s20+$0xFFFFFFD0] =	vst v17  }
0x448: {  	s24 =	sadd.s32 $0x30, s21;
	v17 =	vld.idx.msk [tilespmem:v18+s15+$0x0], $0xffff  }
0x449: {  	v18 =	vadd.s32 s24, v11;
	_ =	sdelay $0x3  }
0x44a: {  	[tilespmem:s20+$0xFFFFFFE0] =	vst v17  }
0x44b: {  	s3 =	sadd.s32 $0x40, s21;
	v17 =	vld.idx.msk [tilespmem:v18+s15+$0x0], $0xffff  }
0x44c: {  	v18 =	vadd.s32 s3, v11;
	_ =	sdelay $0x3  }
0x44d: {  	[tilespmem:s20+$0xFFFFFFF0] =	vst v17  }
0x44e: {  	s24 =	sadd.s32 $0x50, s21;
	v17 =	vld.idx.msk [tilespmem:v18+s15+$0x0], $0xffff  }
0x44f: {  	v18 =	vadd.s32 s24, v11;
	_ =	sdelay $0x3  }
0x450: {  	[tilespmem:s20+$0x0] =	vst v17  }
0x451: {  	s3 =	sadd.s32 $0x60, s21;
	v17 =	vld.idx.msk [tilespmem:v18+s15+$0x0], $0xffff  }
0x452: {  	v18 =	vadd.s32 s3, v11;
	_ =	sdelay $0x3  }
0x453: {  	[tilespmem:s20+$0x10] =	vst v17  }
0x454: {  	s24 =	sadd.s32 $0x70, s21;
	v17 =	vld.idx.msk [tilespmem:v18+s15+$0x0], $0xffff  }
0x455: {  	v18 =	vadd.s32 s24, v11;
	_ =	sdelay $0x3  }
0x456: {  	[tilespmem:s20+$0x20] =	vst v17  }
0x457: {  	v17 =	vld.idx.msk [tilespmem:v18+s15+$0x0], $0xffff  }
0x458: {  	v18 =	vadd.s32 s1, v12;
	_ =	sdelay $0x3  }
0x459: {  	[tilespmem:s20+$0x30] =	vst v17  }
0x45a: {  	v17 =	vld.idx.msk [tilespmem:v18+s15+$0x0], $0xffff  }
0x45b: {  	v18 =	vadd.s32 s4, v12;
	_ =	sdelay $0x2  }
0x45c: {  	s1 =	simm.s32 $0x1CEF0  }
0x45d: {  	[tilespmem:s1+$0xFFFFFF90] =	vst v17  }
0x45e: {  	v17 =	vld.idx.msk [tilespmem:v18+s15+$0x0], $0xffff  }
0x45f: {  	v18 =	vadd.s32 s7, v12;
	_ =	sdelay $0x3  }
0x460: {  	[tilespmem:s1+$0xFFFFFFA0] =	vst v17  }
0x461: {  	v17 =	vld.idx.msk [tilespmem:v18+s15+$0x0], $0xffff  }
0x462: {  	v18 =	vadd.s32 s8, v12;
	_ =	sdelay $0x3  }
0x463: {  	[tilespmem:s1+$0xFFFFFFB0] =	vst v17  }
0x464: {  	v17 =	vld.idx.msk [tilespmem:v18+s15+$0x0], $0xffff  }
0x465: {  	v18 =	vadd.s32 s9, v12;
	_ =	sdelay $0x3  }
0x466: {  	[tilespmem:s1+$0xFFFFFFC0] =	vst v17  }
0x467: {  	v17 =	vld.idx.msk [tilespmem:v18+s15+$0x0], $0xffff  }
0x468: {  	v18 =	vadd.s32 s10, v12;
	_ =	sdelay $0x3  }
0x469: {  	[tilespmem:s1+$0xFFFFFFD0] =	vst v17  }
0x46a: {  	v17 =	vld.idx.msk [tilespmem:v18+s15+$0x0], $0xffff  }
0x46b: {  	v18 =	vadd.s32 s13, v12;
	_ =	sdelay $0x3  }
0x46c: {  	[tilespmem:s1+$0xFFFFFFE0] =	vst v17  }
0x46d: {  	v17 =	vld.idx.msk [tilespmem:v18+s15+$0x0], $0xffff  }
0x46e: {  	v18 =	vadd.s32 s19, v12;
	_ =	sdelay $0x3  }
0x46f: {  	[tilespmem:s1+$0xFFFFFFF0] =	vst v17  }
0x470: {  	s4 =	simm.s32 $0x80;
	s7 =	simm.s32 $0x10;
	v17 =	vld.idx.msk [tilespmem:v18+s15+$0x0], $0xffff  }
.LBB2_27:
0x471: {  	p0 =	slt.u32 s7, $0xC0;
	v18 =	vadd.s32 s4, v12;
	_ =	sdelay $0x3  }
0x472: {  	[tilespmem:s1+$0x0] =	vst v17  }
0x473: {  	v17 =	vld.idx.msk [tilespmem:v18+s15+$0x0], $0xffff  }
0x474: {  	s8 =	sadd.s32 $0x10, s4  }
0x475: {  	v18 =	vadd.s32 s8, v12;
	_ =	sdelay $0x2  }
0x476: {  	s1 =	sadd.s32 $0x80, s1  }
0x477: {  	[tilespmem:s1+$0xFFFFFF90] =	vst v17  }
0x478: {  	v17 =	vld.idx.msk [tilespmem:v18+s15+$0x0], $0xffff  }
0x479: {  	s8 =	sadd.s32 $0x20, s4  }
0x47a: {  	v18 =	vadd.s32 s8, v12;
	_ =	sdelay $0x3  }
0x47b: {  	[tilespmem:s1+$0xFFFFFFA0] =	vst v17  }
0x47c: {  	v17 =	vld.idx.msk [tilespmem:v18+s15+$0x0], $0xffff  }
0x47d: {  	s8 =	sadd.s32 $0x30, s4  }
0x47e: {  	v18 =	vadd.s32 s8, v12;
	_ =	sdelay $0x3  }
0x47f: {  	[tilespmem:s1+$0xFFFFFFB0] =	vst v17  }
0x480: {  	v17 =	vld.idx.msk [tilespmem:v18+s15+$0x0], $0xffff  }
0x481: {  	s8 =	sadd.s32 $0x40, s4  }
0x482: {  	v18 =	vadd.s32 s8, v12;
	_ =	sdelay $0x3  }
0x483: {  	[tilespmem:s1+$0xFFFFFFC0] =	vst v17  }
0x484: {  	v17 =	vld.idx.msk [tilespmem:v18+s15+$0x0], $0xffff  }
0x485: {  	s8 =	sadd.s32 $0x50, s4  }
0x486: {  	v18 =	vadd.s32 s8, v12;
	_ =	sdelay $0x3  }
0x487: {  	[tilespmem:s1+$0xFFFFFFD0] =	vst v17  }
0x488: {  	v17 =	vld.idx.msk [tilespmem:v18+s15+$0x0], $0xffff  }
0x489: {  	s8 =	sadd.s32 $0x60, s4  }
0x48a: {  	v18 =	vadd.s32 s8, v12;
	_ =	sdelay $0x3  }
0x48b: {  	[tilespmem:s1+$0xFFFFFFE0] =	vst v17  }
0x48c: {  	v17 =	vld.idx.msk [tilespmem:v18+s15+$0x0], $0xffff  }
0x48d: {  	s4 =	sadd.s32 $0x70, s4  }
0x48e: {  	v18 =	vadd.s32 s4, v12;
	_ =	sdelay $0x1  }
.Ltmp12:
0x48f: {  	(pc) =	sbr.rel @p0 .LBB2_27-.Ltmp12, $4  }
0x490: {  	_ = 	snop  }
0x491: {  	[tilespmem:s1+$0xFFFFFFF0] =	vst v17  }
0x492: {  	v17 =	vld.idx.msk [tilespmem:v18+s15+$0x0], $0xffff  }
0x493: {  	s4 =	sshll.u32 s7, $0x4;
	s7 =	sadd.s32 $0x8, s7  }
0x494: {  	v18 =	vadd.s32 s4, v12;
	_ =	sdelay $0x3  }
0x495: {  	[tilespmem:s1+$0x0] =	vst v17  }
0x496: {  	s7 =	sadd.s32 $0x10, s4;
	v17 =	vld.idx.msk [tilespmem:v18+s15+$0x0], $0xffff  }
0x497: {  	v18 =	vadd.s32 s7, v12;
	_ =	sdelay $0x2  }
0x498: {  	s20 =	sadd.s32 $0x80, s1  }
0x499: {  	[tilespmem:s20+$0xFFFFFF90] =	vst v17  }
0x49a: {  	s21 =	sadd.s32 $0x20, s4;
	v17 =	vld.idx.msk [tilespmem:v18+s15+$0x0], $0xffff  }
0x49b: {  	v18 =	vadd.s32 s21, v12;
	_ =	sdelay $0x3  }
0x49c: {  	[tilespmem:s20+$0xFFFFFFA0] =	vst v17  }
0x49d: {  	s22 =	sadd.s32 $0x30, s4;
	v17 =	vld.idx.msk [tilespmem:v18+s15+$0x0], $0xffff  }
0x49e: {  	v18 =	vadd.s32 s22, v12;
	_ =	sdelay $0x3  }
0x49f: {  	[tilespmem:s20+$0xFFFFFFB0] =	vst v17  }
0x4a0: {  	s24 =	sadd.s32 $0x40, s4;
	v17 =	vld.idx.msk [tilespmem:v18+s15+$0x0], $0xffff  }
0x4a1: {  	v18 =	vadd.s32 s24, v12;
	_ =	sdelay $0x3  }
0x4a2: {  	[tilespmem:s20+$0xFFFFFFC0] =	vst v17  }
0x4a3: {  	s3 =	sadd.s32 $0x50, s4;
	v17 =	vld.idx.msk [tilespmem:v18+s15+$0x0], $0xffff  }
0x4a4: {  	v18 =	vadd.s32 s3, v12;
	_ =	sdelay $0x3  }
0x4a5: {  	[tilespmem:s20+$0xFFFFFFD0] =	vst v17  }
0x4a6: {  	s8 =	sadd.s32 $0x60, s4;
	v17 =	vld.idx.msk [tilespmem:v18+s15+$0x0], $0xffff  }
0x4a7: {  	v18 =	vadd.s32 s8, v12;
	_ =	sdelay $0x3  }
0x4a8: {  	[tilespmem:s20+$0xFFFFFFE0] =	vst v17  }
0x4a9: {  	s9 =	sadd.s32 $0x70, s4;
	v17 =	vld.idx.msk [tilespmem:v18+s15+$0x0], $0xffff  }
0x4aa: {  	v18 =	vadd.s32 s9, v12;
	_ =	sdelay $0x3  }
0x4ab: {  	[tilespmem:s20+$0xFFFFFFF0] =	vst v17  }
0x4ac: {  	v17 =	vld.idx.msk [tilespmem:v18+s15+$0x0], $0xffff;
	_ =	sdelay $0x4  }
0x4ad: {  	s10 =	simm.s32 $0x2;
	[tilespmem:s20+$0x0] =	vst v17  }
0x4ae: {  	_ =	swait.ge [sflag:s10], $0x3200  }
0x4af: {  	[sflag:s10] =	ssyncset.done $0x0  }
0x4b0: {  	[sflag:s10] =	ssyncadd.s32 $0xFFFFCE00  }
0x4b1: {  	_ =	swait.ge [sflag:s11], $0x3200  }
0x4b2: {  	[sflag:s11] =	ssyncset.done $0x0  }
0x4b3: {  	s13 =	sadd.s32 $0x4E20, s0;
	s19 =	simm.s32 $0x12C00;
	[sflag:s11] =	ssyncadd.s32 $0xFFFFCE00  }
0x4b4: {  	[hbm4b:s13+s28] =	stream.strided.scatter [tilespmem:s19], [sflag:$0x6], $0x3200, s29, s28, $0x38;
	[tilespmem:$0x1DB00] =	vst v63  }
0x4b5: {  	s21 =	simm.s32 $0x19000;
	s20 =	sadd.s32 $0x4E24, s0  }
0x4b6: {  	[hbm4b:s20+s28] =	stream.strided.scatter [tilespmem:s21], [sflag:$0x6], $0x3200, s29, s28, $0x38;
	[tilespmem:$0x1DB00] =	vst v63  }
0x4b7: {  	s22 =	sadd.s32 $0x4E28, s0  }
0x4b8: {  	[hbm4b:s22+s25] =	stream.strided.scatter [tilespmem:s26], [sflag:$0x7], $0x1900, s29, s25, $0x38;
	[tilespmem:$0x1DB00] =	vst v63  }
0x4b9: {  	_ =	swait.ge [sflag:s14], $0x1900  }
0x4ba: {  	[sflag:s14] =	ssyncset.done $0x0  }
0x4bb: {  	[sflag:s14] =	ssyncadd.s32 $0xFFFFE700  }
0x4bc: {  	_ =	swait.ge [sflag:s2], $0x3200  }
0x4bd: {  	[sflag:s2] =	ssyncset.done $0x0  }
0x4be: {  	[sflag:s2] =	ssyncadd.s32 $0xFFFFCE00  }
0x4bf: {  	s1 =	simm.s32 $0x0;
	_ =	swait.ge [sflag:s2], $0x3200  }
0x4c0: {  	v17 =	vadd.s32 s1, v13;
	[sflag:s2] =	ssyncset.done $0x0  }
0x4c1: {  	s8 =	simm.s32 $0xEBF0;
	[sflag:s2] =	ssyncadd.s32 $0xFFFFCE00  }
0x4c2: {  	[tilespmem:s19], [sflag:$0x2] =	stream.indirect.gather [hbm4b:s5+s18], $0x20, s8, s18, $0xb8;
	[tilespmem:$0x1DB00] =	vst v63  }
0x4c3: {  	s24 =	simm.s32 $0xF870  }
0x4c4: {  	[tilespmem:s21], [sflag:$0x4] =	stream.indirect.gather [hbm4b:s6+s18], $0x20, s24, s18, $0xb8;
	[tilespmem:$0x1DB00] =	vst v63  }
0x4c5: {  	s4 =	simm.s32 $0x10;
	v17 =	vld.idx.msk [tilespmem:v17+s15+$0x0], $0xffff  }
0x4c6: {  	v18 =	vadd.s32 s4, v13;
	_ =	sdelay $0x2  }
0x4c7: {  	s20 =	simm.s32 $0x1C240  }
0x4c8: {  	[tilespmem:s20+$0xFFFFFFC0] =	vst v17  }
0x4c9: {  	s7 =	simm.s32 $0x20;
	v17 =	vld.idx.msk [tilespmem:v18+s15+$0x0], $0xffff  }
0x4ca: {  	v18 =	vadd.s32 s7, v13;
	_ =	sdelay $0x3  }
0x4cb: {  	[tilespmem:s20+$0xFFFFFFD0] =	vst v17  }
0x4cc: {  	s8 =	simm.s32 $0x30;
	v17 =	vld.idx.msk [tilespmem:v18+s15+$0x0], $0xffff  }
0x4cd: {  	v18 =	vadd.s32 s8, v13;
	_ =	sdelay $0x3  }
0x4ce: {  	[tilespmem:s20+$0xFFFFFFE0] =	vst v17  }
0x4cf: {  	s9 =	simm.s32 $0x40;
	v17 =	vld.idx.msk [tilespmem:v18+s15+$0x0], $0xffff  }
0x4d0: {  	v18 =	vadd.s32 s9, v13;
	_ =	sdelay $0x3  }
0x4d1: {  	[tilespmem:s20+$0xFFFFFFF0] =	vst v17  }
0x4d2: {  	s10 =	simm.s32 $0x50;
	v17 =	vld.idx.msk [tilespmem:v18+s15+$0x0], $0xffff  }
0x4d3: {  	v18 =	vadd.s32 s10, v13;
	_ =	sdelay $0x3  }
0x4d4: {  	[tilespmem:s20+$0x0] =	vst v17  }
0x4d5: {  	s13 =	simm.s32 $0x60;
	v17 =	vld.idx.msk [tilespmem:v18+s15+$0x0], $0xffff  }
0x4d6: {  	v18 =	vadd.s32 s13, v13;
	_ =	sdelay $0x3  }
0x4d7: {  	[tilespmem:s20+$0x10] =	vst v17  }
0x4d8: {  	s19 =	simm.s32 $0x70;
	v17 =	vld.idx.msk [tilespmem:v18+s15+$0x0], $0xffff  }
0x4d9: {  	v18 =	vadd.s32 s19, v13;
	_ =	sdelay $0x3  }
0x4da: {  	s3 =	simm.s32 $0x1C200;
	[tilespmem:s20+$0x20] =	vst v17  }
0x4db: {  	s26 =	simm.s32 $0x19000;
	s22 =	simm.s32 $0x10;
	s21 =	simm.s32 $0x80;
	v17 =	vld.idx.msk [tilespmem:v18+s15+$0x0], $0xffff  }
.LBB2_29:
0x4dc: {  	p0 =	slt.u32 s22, $0xC0;
	v18 =	vadd.s32 s21, v13;
	_ =	sdelay $0x3  }
0x4dd: {  	[tilespmem:s20+$0x30] =	vst v17  }
0x4de: {  	v17 =	vld.idx.msk [tilespmem:v18+s15+$0x0], $0xffff  }
0x4df: {  	s24 =	sadd.s32 $0x10, s21  }
0x4e0: {  	v18 =	vadd.s32 s24, v13;
	_ =	sdelay $0x2  }
0x4e1: {  	s20 =	sadd.s32 $0x80, s20  }
0x4e2: {  	[tilespmem:s20+$0xFFFFFFC0] =	vst v17  }
0x4e3: {  	v17 =	vld.idx.msk [tilespmem:v18+s15+$0x0], $0xffff  }
0x4e4: {  	s24 =	sadd.s32 $0x20, s21  }
0x4e5: {  	v18 =	vadd.s32 s24, v13;
	_ =	sdelay $0x3  }
0x4e6: {  	[tilespmem:s20+$0xFFFFFFD0] =	vst v17  }
0x4e7: {  	v17 =	vld.idx.msk [tilespmem:v18+s15+$0x0], $0xffff  }
0x4e8: {  	s24 =	sadd.s32 $0x30, s21  }
0x4e9: {  	v18 =	vadd.s32 s24, v13;
	_ =	sdelay $0x3  }
0x4ea: {  	[tilespmem:s20+$0xFFFFFFE0] =	vst v17  }
0x4eb: {  	v17 =	vld.idx.msk [tilespmem:v18+s15+$0x0], $0xffff  }
0x4ec: {  	s24 =	sadd.s32 $0x40, s21  }
0x4ed: {  	v18 =	vadd.s32 s24, v13;
	_ =	sdelay $0x3  }
0x4ee: {  	[tilespmem:s20+$0xFFFFFFF0] =	vst v17  }
0x4ef: {  	v17 =	vld.idx.msk [tilespmem:v18+s15+$0x0], $0xffff  }
0x4f0: {  	s24 =	sadd.s32 $0x50, s21  }
0x4f1: {  	v18 =	vadd.s32 s24, v13;
	_ =	sdelay $0x3  }
0x4f2: {  	[tilespmem:s20+$0x0] =	vst v17  }
0x4f3: {  	v17 =	vld.idx.msk [tilespmem:v18+s15+$0x0], $0xffff  }
0x4f4: {  	s24 =	sadd.s32 $0x60, s21  }
0x4f5: {  	v18 =	vadd.s32 s24, v13;
	_ =	sdelay $0x3  }
0x4f6: {  	[tilespmem:s20+$0x10] =	vst v17  }
0x4f7: {  	v17 =	vld.idx.msk [tilespmem:v18+s15+$0x0], $0xffff  }
0x4f8: {  	s21 =	sadd.s32 $0x70, s21  }
0x4f9: {  	v18 =	vadd.s32 s21, v13;
	_ =	sdelay $0x1  }
.Ltmp13:
0x4fa: {  	(pc) =	sbr.rel @p0 .LBB2_29-.Ltmp13, $4  }
0x4fb: {  	_ = 	snop  }
0x4fc: {  	[tilespmem:s20+$0x20] =	vst v17  }
0x4fd: {  	v17 =	vld.idx.msk [tilespmem:v18+s15+$0x0], $0xffff  }
0x4fe: {  	s21 =	sshll.u32 s22, $0x4;
	s22 =	sadd.s32 $0x8, s22  }
0x4ff: {  	v18 =	vadd.s32 s21, v13;
	_ =	sdelay $0x3  }
0x500: {  	[tilespmem:s20+$0x30] =	vst v17  }
0x501: {  	s22 =	sadd.s32 $0x10, s21;
	v17 =	vld.idx.msk [tilespmem:v18+s15+$0x0], $0xffff  }
0x502: {  	v18 =	vadd.s32 s22, v13;
	_ =	sdelay $0x2  }
0x503: {  	s20 =	sadd.s32 $0x80, s20  }
0x504: {  	[tilespmem:s20+$0xFFFFFFC0] =	vst v17  }
0x505: {  	s24 =	sadd.s32 $0x20, s21;
	v17 =	vld.idx.msk [tilespmem:v18+s15+$0x0], $0xffff  }
0x506: {  	v18 =	vadd.s32 s24, v13;
	_ =	sdelay $0x3  }
0x507: {  	[tilespmem:s20+$0xFFFFFFD0] =	vst v17  }
0x508: {  	s24 =	sadd.s32 $0x30, s21;
	v17 =	vld.idx.msk [tilespmem:v18+s15+$0x0], $0xffff  }
0x509: {  	v18 =	vadd.s32 s24, v13;
	_ =	sdelay $0x3  }
0x50a: {  	[tilespmem:s20+$0xFFFFFFE0] =	vst v17  }
0x50b: {  	s24 =	sadd.s32 $0x40, s21;
	v17 =	vld.idx.msk [tilespmem:v18+s15+$0x0], $0xffff  }
0x50c: {  	v18 =	vadd.s32 s24, v13;
	_ =	sdelay $0x3  }
0x50d: {  	[tilespmem:s20+$0xFFFFFFF0] =	vst v17  }
0x50e: {  	s24 =	sadd.s32 $0x50, s21;
	v17 =	vld.idx.msk [tilespmem:v18+s15+$0x0], $0xffff  }
0x50f: {  	v18 =	vadd.s32 s24, v13;
	_ =	sdelay $0x3  }
0x510: {  	[tilespmem:s20+$0x0] =	vst v17  }
0x511: {  	s24 =	sadd.s32 $0x60, s21;
	v17 =	vld.idx.msk [tilespmem:v18+s15+$0x0], $0xffff  }
0x512: {  	v18 =	vadd.s32 s24, v13;
	_ =	sdelay $0x3  }
0x513: {  	[tilespmem:s20+$0x10] =	vst v17  }
0x514: {  	s24 =	sadd.s32 $0x70, s21;
	v17 =	vld.idx.msk [tilespmem:v18+s15+$0x0], $0xffff  }
0x515: {  	v18 =	vadd.s32 s24, v13;
	_ =	sdelay $0x3  }
0x516: {  	[tilespmem:s20+$0x20] =	vst v17  }
0x517: {  	v17 =	vld.idx.msk [tilespmem:v18+s15+$0x0], $0xffff  }
0x518: {  	v18 =	vadd.s32 s1, v14;
	_ =	sdelay $0x3  }
0x519: {  	[tilespmem:s20+$0x30] =	vst v17  }
0x51a: {  	v17 =	vld.idx.msk [tilespmem:v18+s15+$0x0], $0xffff  }
0x51b: {  	v18 =	vadd.s32 s4, v14;
	_ =	sdelay $0x2  }
0x51c: {  	s1 =	simm.s32 $0x1CEF0  }
0x51d: {  	[tilespmem:s1+$0xFFFFFF90] =	vst v17  }
0x51e: {  	v17 =	vld.idx.msk [tilespmem:v18+s15+$0x0], $0xffff  }
0x51f: {  	v18 =	vadd.s32 s7, v14;
	_ =	sdelay $0x3  }
0x520: {  	[tilespmem:s1+$0xFFFFFFA0] =	vst v17  }
0x521: {  	v17 =	vld.idx.msk [tilespmem:v18+s15+$0x0], $0xffff  }
0x522: {  	v18 =	vadd.s32 s8, v14;
	_ =	sdelay $0x3  }
0x523: {  	[tilespmem:s1+$0xFFFFFFB0] =	vst v17  }
0x524: {  	v17 =	vld.idx.msk [tilespmem:v18+s15+$0x0], $0xffff  }
0x525: {  	v18 =	vadd.s32 s9, v14;
	_ =	sdelay $0x3  }
0x526: {  	[tilespmem:s1+$0xFFFFFFC0] =	vst v17  }
0x527: {  	v17 =	vld.idx.msk [tilespmem:v18+s15+$0x0], $0xffff  }
0x528: {  	v18 =	vadd.s32 s10, v14;
	_ =	sdelay $0x3  }
0x529: {  	[tilespmem:s1+$0xFFFFFFD0] =	vst v17  }
0x52a: {  	v17 =	vld.idx.msk [tilespmem:v18+s15+$0x0], $0xffff  }
0x52b: {  	v18 =	vadd.s32 s13, v14;
	_ =	sdelay $0x3  }
0x52c: {  	[tilespmem:s1+$0xFFFFFFE0] =	vst v17  }
0x52d: {  	v17 =	vld.idx.msk [tilespmem:v18+s15+$0x0], $0xffff  }
0x52e: {  	v18 =	vadd.s32 s19, v14;
	_ =	sdelay $0x3  }
0x52f: {  	[tilespmem:s1+$0xFFFFFFF0] =	vst v17  }
0x530: {  	s4 =	simm.s32 $0x80;
	s7 =	simm.s32 $0x10;
	v17 =	vld.idx.msk [tilespmem:v18+s15+$0x0], $0xffff  }
.LBB2_31:
0x531: {  	p0 =	slt.u32 s7, $0xC0;
	v18 =	vadd.s32 s4, v14;
	_ =	sdelay $0x3  }
0x532: {  	[tilespmem:s1+$0x0] =	vst v17  }
0x533: {  	v17 =	vld.idx.msk [tilespmem:v18+s15+$0x0], $0xffff  }
0x534: {  	s8 =	sadd.s32 $0x10, s4  }
0x535: {  	v18 =	vadd.s32 s8, v14;
	_ =	sdelay $0x2  }
0x536: {  	s1 =	sadd.s32 $0x80, s1  }
0x537: {  	[tilespmem:s1+$0xFFFFFF90] =	vst v17  }
0x538: {  	v17 =	vld.idx.msk [tilespmem:v18+s15+$0x0], $0xffff  }
0x539: {  	s8 =	sadd.s32 $0x20, s4  }
0x53a: {  	v18 =	vadd.s32 s8, v14;
	_ =	sdelay $0x3  }
0x53b: {  	[tilespmem:s1+$0xFFFFFFA0] =	vst v17  }
0x53c: {  	v17 =	vld.idx.msk [tilespmem:v18+s15+$0x0], $0xffff  }
0x53d: {  	s8 =	sadd.s32 $0x30, s4  }
0x53e: {  	v18 =	vadd.s32 s8, v14;
	_ =	sdelay $0x3  }
0x53f: {  	[tilespmem:s1+$0xFFFFFFB0] =	vst v17  }
0x540: {  	v17 =	vld.idx.msk [tilespmem:v18+s15+$0x0], $0xffff  }
0x541: {  	s8 =	sadd.s32 $0x40, s4  }
0x542: {  	v18 =	vadd.s32 s8, v14;
	_ =	sdelay $0x3  }
0x543: {  	[tilespmem:s1+$0xFFFFFFC0] =	vst v17  }
0x544: {  	v17 =	vld.idx.msk [tilespmem:v18+s15+$0x0], $0xffff  }
0x545: {  	s8 =	sadd.s32 $0x50, s4  }
0x546: {  	v18 =	vadd.s32 s8, v14;
	_ =	sdelay $0x3  }
0x547: {  	[tilespmem:s1+$0xFFFFFFD0] =	vst v17  }
0x548: {  	v17 =	vld.idx.msk [tilespmem:v18+s15+$0x0], $0xffff  }
0x549: {  	s8 =	sadd.s32 $0x60, s4  }
0x54a: {  	v18 =	vadd.s32 s8, v14;
	_ =	sdelay $0x3  }
0x54b: {  	[tilespmem:s1+$0xFFFFFFE0] =	vst v17  }
0x54c: {  	v17 =	vld.idx.msk [tilespmem:v18+s15+$0x0], $0xffff  }
0x54d: {  	s4 =	sadd.s32 $0x70, s4  }
0x54e: {  	v18 =	vadd.s32 s4, v14;
	_ =	sdelay $0x1  }
.Ltmp14:
0x54f: {  	(pc) =	sbr.rel @p0 .LBB2_31-.Ltmp14, $4  }
0x550: {  	_ = 	snop  }
0x551: {  	[tilespmem:s1+$0xFFFFFFF0] =	vst v17  }
0x552: {  	v17 =	vld.idx.msk [tilespmem:v18+s15+$0x0], $0xffff  }
0x553: {  	s4 =	sshll.u32 s7, $0x4;
	s7 =	sadd.s32 $0x8, s7  }
0x554: {  	v18 =	vadd.s32 s4, v14;
	_ =	sdelay $0x3  }
0x555: {  	[tilespmem:s1+$0x0] =	vst v17  }
0x556: {  	s7 =	sadd.s32 $0x10, s4;
	v17 =	vld.idx.msk [tilespmem:v18+s15+$0x0], $0xffff  }
0x557: {  	v18 =	vadd.s32 s7, v14;
	_ =	sdelay $0x2  }
0x558: {  	s21 =	sadd.s32 $0x80, s1  }
0x559: {  	[tilespmem:s21+$0xFFFFFF90] =	vst v17  }
0x55a: {  	s22 =	sadd.s32 $0x20, s4;
	v17 =	vld.idx.msk [tilespmem:v18+s15+$0x0], $0xffff  }
0x55b: {  	v18 =	vadd.s32 s22, v14;
	_ =	sdelay $0x3  }
0x55c: {  	[tilespmem:s21+$0xFFFFFFA0] =	vst v17  }
0x55d: {  	s24 =	sadd.s32 $0x30, s4;
	v17 =	vld.idx.msk [tilespmem:v18+s15+$0x0], $0xffff  }
0x55e: {  	v18 =	vadd.s32 s24, v14;
	_ =	sdelay $0x3  }
0x55f: {  	[tilespmem:s21+$0xFFFFFFB0] =	vst v17  }
0x560: {  	s8 =	sadd.s32 $0x40, s4;
	v17 =	vld.idx.msk [tilespmem:v18+s15+$0x0], $0xffff  }
0x561: {  	v18 =	vadd.s32 s8, v14;
	_ =	sdelay $0x3  }
0x562: {  	[tilespmem:s21+$0xFFFFFFC0] =	vst v17  }
0x563: {  	s9 =	sadd.s32 $0x50, s4;
	v17 =	vld.idx.msk [tilespmem:v18+s15+$0x0], $0xffff  }
0x564: {  	v18 =	vadd.s32 s9, v14;
	_ =	sdelay $0x3  }
0x565: {  	[tilespmem:s21+$0xFFFFFFD0] =	vst v17  }
0x566: {  	s10 =	sadd.s32 $0x60, s4;
	v17 =	vld.idx.msk [tilespmem:v18+s15+$0x0], $0xffff  }
0x567: {  	v18 =	vadd.s32 s10, v14;
	_ =	sdelay $0x3  }
0x568: {  	[tilespmem:s21+$0xFFFFFFE0] =	vst v17  }
0x569: {  	s13 =	sadd.s32 $0x70, s4;
	v17 =	vld.idx.msk [tilespmem:v18+s15+$0x0], $0xffff  }
0x56a: {  	v18 =	vadd.s32 s13, v14;
	_ =	sdelay $0x3  }
0x56b: {  	[tilespmem:s21+$0xFFFFFFF0] =	vst v17  }
0x56c: {  	v17 =	vld.idx.msk [tilespmem:v18+s15+$0x0], $0xffff;
	_ =	sdelay $0x4  }
0x56d: {  	s19 =	simm.s32 $0x1;
	[tilespmem:s21+$0x0] =	vst v17  }
0x56e: {  	_ =	swait.ge [sflag:s19], $0x3200  }
0x56f: {  	[sflag:s19] =	ssyncset.done $0x0  }
0x570: {  	s20 =	simm.s32 $0x3;
	[sflag:s19] =	ssyncadd.s32 $0xFFFFCE00  }
0x571: {  	_ =	swait.ge [sflag:s20], $0x3200  }
0x572: {  	[sflag:s20] =	ssyncset.done $0x0  }
0x573: {  	s21 =	sadd.s32 $0x5DC0, s0;
	[sflag:s20] =	ssyncadd.s32 $0xFFFFCE00  }
0x574: {  	[hbm4b:s21+s28] =	stream.strided.scatter [tilespmem:s30], [sflag:$0x5], $0x3200, s29, s28, $0x38;
	[tilespmem:$0x1DB00] =	vst v63  }
0x575: {  	s22 =	sadd.s32 $0x5DC4, s0  }
0x576: {  	[hbm4b:s22+s28] =	stream.strided.scatter [tilespmem:s12], [sflag:$0x5], $0x3200, s29, s28, $0x38;
	[tilespmem:$0x1DB00] =	vst v63  }
0x577: {  	s24 =	sadd.s32 $0x5DC8, s0  }
0x578: {  	[hbm4b:s24+s25] =	stream.strided.scatter [tilespmem:s3], [sflag:$0x7], $0x1900, s29, s25, $0x38;
	[tilespmem:$0x1DB00] =	vst v63  }
0x579: {  	_ =	swait.ge [sflag:s14], $0x1900  }
0x57a: {  	[sflag:s14] =	ssyncset.done $0x0  }
0x57b: {  	[sflag:s14] =	ssyncadd.s32 $0xFFFFE700  }
0x57c: {  	s1 =	simm.s32 $0x0;
	_ =	swait.ge [sflag:s23], $0x3200  }
0x57d: {  	v17 =	vadd.s32 s1, v15;
	[sflag:s23] =	ssyncset.done $0x0  }
0x57e: {  	[sflag:s23] =	ssyncadd.s32 $0xFFFFCE00  }
0x57f: {  	_ =	swait.ge [sflag:s23], $0x3200  }
0x580: {  	[sflag:s23] =	ssyncset.done $0x0  }
0x581: {  	[sflag:s23] =	ssyncadd.s32 $0xFFFFCE00  }
0x582: {  	s4 =	simm.s32 $0x10;
	v17 =	vld.idx.msk [tilespmem:v17+s15+$0x0], $0xffff  }
0x583: {  	v18 =	vadd.s32 s4, v15;
	_ =	sdelay $0x2  }
0x584: {  	s20 =	simm.s32 $0x1C240  }
0x585: {  	[tilespmem:s20+$0xFFFFFFC0] =	vst v17  }
0x586: {  	s7 =	simm.s32 $0x20;
	v17 =	vld.idx.msk [tilespmem:v18+s15+$0x0], $0xffff  }
0x587: {  	v18 =	vadd.s32 s7, v15;
	_ =	sdelay $0x3  }
0x588: {  	[tilespmem:s20+$0xFFFFFFD0] =	vst v17  }
0x589: {  	s8 =	simm.s32 $0x30;
	v17 =	vld.idx.msk [tilespmem:v18+s15+$0x0], $0xffff  }
0x58a: {  	v18 =	vadd.s32 s8, v15;
	_ =	sdelay $0x3  }
0x58b: {  	[tilespmem:s20+$0xFFFFFFE0] =	vst v17  }
0x58c: {  	s9 =	simm.s32 $0x40;
	v17 =	vld.idx.msk [tilespmem:v18+s15+$0x0], $0xffff  }
0x58d: {  	v18 =	vadd.s32 s9, v15;
	_ =	sdelay $0x3  }
0x58e: {  	[tilespmem:s20+$0xFFFFFFF0] =	vst v17  }
0x58f: {  	s10 =	simm.s32 $0x50;
	v17 =	vld.idx.msk [tilespmem:v18+s15+$0x0], $0xffff  }
0x590: {  	v18 =	vadd.s32 s10, v15;
	_ =	sdelay $0x3  }
0x591: {  	[tilespmem:s20+$0x0] =	vst v17  }
0x592: {  	s13 =	simm.s32 $0x60;
	v17 =	vld.idx.msk [tilespmem:v18+s15+$0x0], $0xffff  }
0x593: {  	v18 =	vadd.s32 s13, v15;
	_ =	sdelay $0x3  }
0x594: {  	[tilespmem:s20+$0x10] =	vst v17  }
0x595: {  	s19 =	simm.s32 $0x70;
	v17 =	vld.idx.msk [tilespmem:v18+s15+$0x0], $0xffff  }
0x596: {  	v18 =	vadd.s32 s19, v15;
	_ =	sdelay $0x3  }
0x597: {  	[tilespmem:s20+$0x20] =	vst v17  }
0x598: {  	s21 =	simm.s32 $0x80;
	s22 =	simm.s32 $0x10;
	v17 =	vld.idx.msk [tilespmem:v18+s15+$0x0], $0xffff  }
.LBB2_33:
0x599: {  	p0 =	slt.u32 s22, $0xC0;
	v18 =	vadd.s32 s21, v15;
	_ =	sdelay $0x3  }
0x59a: {  	[tilespmem:s20+$0x30] =	vst v17  }
0x59b: {  	v17 =	vld.idx.msk [tilespmem:v18+s15+$0x0], $0xffff  }
0x59c: {  	s24 =	sadd.s32 $0x10, s21  }
0x59d: {  	v18 =	vadd.s32 s24, v15;
	_ =	sdelay $0x2  }
0x59e: {  	s20 =	sadd.s32 $0x80, s20  }
0x59f: {  	[tilespmem:s20+$0xFFFFFFC0] =	vst v17  }
0x5a0: {  	v17 =	vld.idx.msk [tilespmem:v18+s15+$0x0], $0xffff  }
0x5a1: {  	s24 =	sadd.s32 $0x20, s21  }
0x5a2: {  	v18 =	vadd.s32 s24, v15;
	_ =	sdelay $0x3  }
0x5a3: {  	[tilespmem:s20+$0xFFFFFFD0] =	vst v17  }
0x5a4: {  	v17 =	vld.idx.msk [tilespmem:v18+s15+$0x0], $0xffff  }
0x5a5: {  	s24 =	sadd.s32 $0x30, s21  }
0x5a6: {  	v18 =	vadd.s32 s24, v15;
	_ =	sdelay $0x3  }
0x5a7: {  	[tilespmem:s20+$0xFFFFFFE0] =	vst v17  }
0x5a8: {  	v17 =	vld.idx.msk [tilespmem:v18+s15+$0x0], $0xffff  }
0x5a9: {  	s24 =	sadd.s32 $0x40, s21  }
0x5aa: {  	v18 =	vadd.s32 s24, v15;
	_ =	sdelay $0x3  }
0x5ab: {  	[tilespmem:s20+$0xFFFFFFF0] =	vst v17  }
0x5ac: {  	v17 =	vld.idx.msk [tilespmem:v18+s15+$0x0], $0xffff  }
0x5ad: {  	s24 =	sadd.s32 $0x50, s21  }
0x5ae: {  	v18 =	vadd.s32 s24, v15;
	_ =	sdelay $0x3  }
0x5af: {  	[tilespmem:s20+$0x0] =	vst v17  }
0x5b0: {  	v17 =	vld.idx.msk [tilespmem:v18+s15+$0x0], $0xffff  }
0x5b1: {  	s24 =	sadd.s32 $0x60, s21  }
0x5b2: {  	v18 =	vadd.s32 s24, v15;
	_ =	sdelay $0x3  }
0x5b3: {  	[tilespmem:s20+$0x10] =	vst v17  }
0x5b4: {  	v17 =	vld.idx.msk [tilespmem:v18+s15+$0x0], $0xffff  }
0x5b5: {  	s21 =	sadd.s32 $0x70, s21  }
0x5b6: {  	v18 =	vadd.s32 s21, v15;
	_ =	sdelay $0x1  }
.Ltmp15:
0x5b7: {  	(pc) =	sbr.rel @p0 .LBB2_33-.Ltmp15, $4  }
0x5b8: {  	_ = 	snop  }
0x5b9: {  	[tilespmem:s20+$0x20] =	vst v17  }
0x5ba: {  	v17 =	vld.idx.msk [tilespmem:v18+s15+$0x0], $0xffff  }
0x5bb: {  	s21 =	sshll.u32 s22, $0x4;
	s22 =	sadd.s32 $0x8, s22  }
0x5bc: {  	v18 =	vadd.s32 s21, v15;
	_ =	sdelay $0x3  }
0x5bd: {  	[tilespmem:s20+$0x30] =	vst v17  }
0x5be: {  	s22 =	sadd.s32 $0x10, s21;
	v17 =	vld.idx.msk [tilespmem:v18+s15+$0x0], $0xffff  }
0x5bf: {  	v18 =	vadd.s32 s22, v15;
	_ =	sdelay $0x2  }
0x5c0: {  	s20 =	sadd.s32 $0x80, s20  }
0x5c1: {  	[tilespmem:s20+$0xFFFFFFC0] =	vst v17  }
0x5c2: {  	s24 =	sadd.s32 $0x20, s21;
	v17 =	vld.idx.msk [tilespmem:v18+s15+$0x0], $0xffff  }
0x5c3: {  	v18 =	vadd.s32 s24, v15;
	_ =	sdelay $0x3  }
0x5c4: {  	[tilespmem:s20+$0xFFFFFFD0] =	vst v17  }
0x5c5: {  	s25 =	sadd.s32 $0x30, s21;
	v17 =	vld.idx.msk [tilespmem:v18+s15+$0x0], $0xffff  }
0x5c6: {  	v18 =	vadd.s32 s25, v15;
	_ =	sdelay $0x3  }
0x5c7: {  	[tilespmem:s20+$0xFFFFFFE0] =	vst v17  }
0x5c8: {  	s24 =	sadd.s32 $0x40, s21;
	v17 =	vld.idx.msk [tilespmem:v18+s15+$0x0], $0xffff  }
0x5c9: {  	v18 =	vadd.s32 s24, v15;
	_ =	sdelay $0x3  }
0x5ca: {  	[tilespmem:s20+$0xFFFFFFF0] =	vst v17  }
0x5cb: {  	s25 =	sadd.s32 $0x50, s21;
	v17 =	vld.idx.msk [tilespmem:v18+s15+$0x0], $0xffff  }
0x5cc: {  	v18 =	vadd.s32 s25, v15;
	_ =	sdelay $0x3  }
0x5cd: {  	[tilespmem:s20+$0x0] =	vst v17  }
0x5ce: {  	s24 =	sadd.s32 $0x60, s21;
	v17 =	vld.idx.msk [tilespmem:v18+s15+$0x0], $0xffff  }
0x5cf: {  	v18 =	vadd.s32 s24, v15;
	_ =	sdelay $0x3  }
0x5d0: {  	[tilespmem:s20+$0x10] =	vst v17  }
0x5d1: {  	s25 =	sadd.s32 $0x70, s21;
	v17 =	vld.idx.msk [tilespmem:v18+s15+$0x0], $0xffff  }
0x5d2: {  	v18 =	vadd.s32 s25, v15;
	_ =	sdelay $0x3  }
0x5d3: {  	[tilespmem:s20+$0x20] =	vst v17  }
0x5d4: {  	v17 =	vld.idx.msk [tilespmem:v18+s15+$0x0], $0xffff  }
0x5d5: {  	v18 =	vadd.s32 s1, v16;
	_ =	sdelay $0x3  }
0x5d6: {  	[tilespmem:s20+$0x30] =	vst v17  }
0x5d7: {  	v17 =	vld.idx.msk [tilespmem:v18+s15+$0x0], $0xffff  }
0x5d8: {  	v18 =	vadd.s32 s4, v16;
	_ =	sdelay $0x2  }
0x5d9: {  	s1 =	simm.s32 $0x1CEF0  }
0x5da: {  	[tilespmem:s1+$0xFFFFFF90] =	vst v17  }
0x5db: {  	v17 =	vld.idx.msk [tilespmem:v18+s15+$0x0], $0xffff  }
0x5dc: {  	v18 =	vadd.s32 s7, v16;
	_ =	sdelay $0x3  }
0x5dd: {  	[tilespmem:s1+$0xFFFFFFA0] =	vst v17  }
0x5de: {  	v17 =	vld.idx.msk [tilespmem:v18+s15+$0x0], $0xffff  }
0x5df: {  	v18 =	vadd.s32 s8, v16;
	_ =	sdelay $0x3  }
0x5e0: {  	[tilespmem:s1+$0xFFFFFFB0] =	vst v17  }
0x5e1: {  	v17 =	vld.idx.msk [tilespmem:v18+s15+$0x0], $0xffff  }
0x5e2: {  	v18 =	vadd.s32 s9, v16;
	_ =	sdelay $0x3  }
0x5e3: {  	[tilespmem:s1+$0xFFFFFFC0] =	vst v17  }
0x5e4: {  	v17 =	vld.idx.msk [tilespmem:v18+s15+$0x0], $0xffff  }
0x5e5: {  	v18 =	vadd.s32 s10, v16;
	_ =	sdelay $0x3  }
0x5e6: {  	[tilespmem:s1+$0xFFFFFFD0] =	vst v17  }
0x5e7: {  	v17 =	vld.idx.msk [tilespmem:v18+s15+$0x0], $0xffff  }
0x5e8: {  	v18 =	vadd.s32 s13, v16;
	_ =	sdelay $0x3  }
0x5e9: {  	[tilespmem:s1+$0xFFFFFFE0] =	vst v17  }
0x5ea: {  	v17 =	vld.idx.msk [tilespmem:v18+s15+$0x0], $0xffff  }
0x5eb: {  	v18 =	vadd.s32 s19, v16;
	_ =	sdelay $0x3  }
0x5ec: {  	[tilespmem:s1+$0xFFFFFFF0] =	vst v17  }
0x5ed: {  	s25 =	simm.s32 $0x12C00;
	s4 =	simm.s32 $0x80;
	s7 =	simm.s32 $0x10;
	v17 =	vld.idx.msk [tilespmem:v18+s15+$0x0], $0xffff  }
.LBB2_35:
0x5ee: {  	p0 =	slt.u32 s7, $0xC0;
	v18 =	vadd.s32 s4, v16;
	_ =	sdelay $0x3  }
0x5ef: {  	[tilespmem:s1+$0x0] =	vst v17  }
0x5f0: {  	v17 =	vld.idx.msk [tilespmem:v18+s15+$0x0], $0xffff  }
0x5f1: {  	s8 =	sadd.s32 $0x10, s4  }
0x5f2: {  	v18 =	vadd.s32 s8, v16;
	_ =	sdelay $0x2  }
0x5f3: {  	s1 =	sadd.s32 $0x80, s1  }
0x5f4: {  	[tilespmem:s1+$0xFFFFFF90] =	vst v17  }
0x5f5: {  	v17 =	vld.idx.msk [tilespmem:v18+s15+$0x0], $0xffff  }
0x5f6: {  	s8 =	sadd.s32 $0x20, s4  }
0x5f7: {  	v18 =	vadd.s32 s8, v16;
	_ =	sdelay $0x3  }
0x5f8: {  	[tilespmem:s1+$0xFFFFFFA0] =	vst v17  }
0x5f9: {  	v17 =	vld.idx.msk [tilespmem:v18+s15+$0x0], $0xffff  }
0x5fa: {  	s8 =	sadd.s32 $0x30, s4  }
0x5fb: {  	v18 =	vadd.s32 s8, v16;
	_ =	sdelay $0x3  }
0x5fc: {  	[tilespmem:s1+$0xFFFFFFB0] =	vst v17  }
0x5fd: {  	v17 =	vld.idx.msk [tilespmem:v18+s15+$0x0], $0xffff  }
0x5fe: {  	s8 =	sadd.s32 $0x40, s4  }
0x5ff: {  	v18 =	vadd.s32 s8, v16;
	_ =	sdelay $0x3  }
0x600: {  	[tilespmem:s1+$0xFFFFFFC0] =	vst v17  }
0x601: {  	v17 =	vld.idx.msk [tilespmem:v18+s15+$0x0], $0xffff  }
0x602: {  	s8 =	sadd.s32 $0x50, s4  }
0x603: {  	v18 =	vadd.s32 s8, v16;
	_ =	sdelay $0x3  }
0x604: {  	[tilespmem:s1+$0xFFFFFFD0] =	vst v17  }
0x605: {  	v17 =	vld.idx.msk [tilespmem:v18+s15+$0x0], $0xffff  }
0x606: {  	s8 =	sadd.s32 $0x60, s4  }
0x607: {  	v18 =	vadd.s32 s8, v16;
	_ =	sdelay $0x3  }
0x608: {  	[tilespmem:s1+$0xFFFFFFE0] =	vst v17  }
0x609: {  	v17 =	vld.idx.msk [tilespmem:v18+s15+$0x0], $0xffff  }
0x60a: {  	s4 =	sadd.s32 $0x70, s4  }
0x60b: {  	v18 =	vadd.s32 s4, v16;
	_ =	sdelay $0x1  }
.Ltmp16:
0x60c: {  	(pc) =	sbr.rel @p0 .LBB2_35-.Ltmp16, $4  }
0x60d: {  	_ = 	snop  }
0x60e: {  	[tilespmem:s1+$0xFFFFFFF0] =	vst v17  }
0x60f: {  	v17 =	vld.idx.msk [tilespmem:v18+s15+$0x0], $0xffff  }
0x610: {  	s4 =	sshll.u32 s7, $0x4;
	s7 =	sadd.s32 $0x8, s7  }
0x611: {  	v18 =	vadd.s32 s4, v16;
	_ =	sdelay $0x3  }
0x612: {  	[tilespmem:s1+$0x0] =	vst v17  }
0x613: {  	s7 =	sadd.s32 $0x10, s4;
	v17 =	vld.idx.msk [tilespmem:v18+s15+$0x0], $0xffff  }
0x614: {  	v18 =	vadd.s32 s7, v16;
	_ =	sdelay $0x2  }
0x615: {  	s22 =	sadd.s32 $0x80, s1  }
0x616: {  	[tilespmem:s22+$0xFFFFFF90] =	vst v17  }
0x617: {  	s24 =	sadd.s32 $0x20, s4;
	v17 =	vld.idx.msk [tilespmem:v18+s15+$0x0], $0xffff  }
0x618: {  	v18 =	vadd.s32 s24, v16;
	_ =	sdelay $0x3  }
0x619: {  	[tilespmem:s22+$0xFFFFFFA0] =	vst v17  }
0x61a: {  	s8 =	sadd.s32 $0x30, s4;
	v17 =	vld.idx.msk [tilespmem:v18+s15+$0x0], $0xffff  }
0x61b: {  	v18 =	vadd.s32 s8, v16;
	_ =	sdelay $0x3  }
0x61c: {  	[tilespmem:s22+$0xFFFFFFB0] =	vst v17  }
0x61d: {  	s9 =	sadd.s32 $0x40, s4;
	v17 =	vld.idx.msk [tilespmem:v18+s15+$0x0], $0xffff  }
0x61e: {  	v18 =	vadd.s32 s9, v16;
	_ =	sdelay $0x3  }
0x61f: {  	[tilespmem:s22+$0xFFFFFFC0] =	vst v17  }
0x620: {  	s10 =	sadd.s32 $0x50, s4;
	v17 =	vld.idx.msk [tilespmem:v18+s15+$0x0], $0xffff  }
0x621: {  	v18 =	vadd.s32 s10, v16;
	_ =	sdelay $0x3  }
0x622: {  	[tilespmem:s22+$0xFFFFFFD0] =	vst v17  }
0x623: {  	s13 =	sadd.s32 $0x60, s4;
	v17 =	vld.idx.msk [tilespmem:v18+s15+$0x0], $0xffff  }
0x624: {  	v18 =	vadd.s32 s13, v16;
	_ =	sdelay $0x3  }
0x625: {  	[tilespmem:s22+$0xFFFFFFE0] =	vst v17  }
0x626: {  	s19 =	sadd.s32 $0x70, s4;
	v17 =	vld.idx.msk [tilespmem:v18+s15+$0x0], $0xffff  }
0x627: {  	v18 =	vadd.s32 s19, v16;
	_ =	sdelay $0x3  }
0x628: {  	[tilespmem:s22+$0xFFFFFFF0] =	vst v17  }
0x629: {  	v17 =	vld.idx.msk [tilespmem:v18+s15+$0x0], $0xffff;
	_ =	sdelay $0x4  }
0x62a: {  	s20 =	simm.s32 $0x2;
	[tilespmem:s22+$0x0] =	vst v17  }
0x62b: {  	_ =	swait.ge [sflag:s20], $0x3200  }
0x62c: {  	[sflag:s20] =	ssyncset.done $0x0  }
0x62d: {  	[sflag:s20] =	ssyncadd.s32 $0xFFFFCE00  }
0x62e: {  	_ =	swait.ge [sflag:s11], $0x3200  }
0x62f: {  	[sflag:s11] =	ssyncset.done $0x0  }
0x630: {  	s21 =	sadd.s32 $0x6D60, s0;
	[sflag:s11] =	ssyncadd.s32 $0xFFFFCE00  }
0x631: {  	[hbm4b:s21+s28] =	stream.strided.scatter [tilespmem:s25], [sflag:$0x6], $0x3200, s29, s28, $0x38;
	[tilespmem:$0x1DB00] =	vst v63  }
0x632: {  	s22 =	sadd.s32 $0x6D64, s0  }
0x633: {  	[hbm4b:s22+s28] =	stream.strided.scatter [tilespmem:s26], [sflag:$0x6], $0x3200, s29, s28, $0x38;
	[tilespmem:$0x1DB00] =	vst v63  }
0x634: {  	s24 =	sadd.s32 $0x6D68, s0;
	s9 =	simm.s32 $0x10  }
0x635: {  	[hbm4b:s24+s9] =	stream.strided.scatter [tilespmem:s3], [sflag:$0x7], $0x1900, s29, s9, $0x38;
	[tilespmem:$0x1DB00] =	vst v63  }
0x636: {  	_ =	swait.ge [sflag:s14], $0x1900  }
0x637: {  	[sflag:s14] =	ssyncset.done $0x0  }
0x638: {  	[sflag:s14] =	ssyncadd.s32 $0xFFFFE700  }
0x639: {  	_ =	swait.ge [sflag:s2], $0x3200  }
0x63a: {  	[sflag:s2] =	ssyncset.done $0x0  }
0x63b: {  	[sflag:s2] =	ssyncadd.s32 $0xFFFFCE00  }
0x63c: {  	_ =	swait.ge [sflag:s2], $0x3200  }
0x63d: {  	[sflag:s2] =	ssyncset.done $0x0  }
0x63e: {  	s31 =	sadd.s32 $0x1, s31;
	[sflag:s2] =	ssyncadd.s32 $0xFFFFCE00  }
0x63f: {  	p0 =	sne.s32 s31, $0x8;
	_ =	swait.ge [sflag:s23], $0x3200  }
.Ltmp17:
0x640: {  	[sflag:s23] =	ssyncset.done $0x0;
	(pc) =	sbr.rel @p0 .LBB2_2-.Ltmp17, $4  }
0x641: {  	[sflag:s23] =	ssyncadd.s32 $0xFFFFCE00  }
0x642: {  	_ =	swait.ge [sflag:s23], $0x3200  }
0x643: {  	[sflag:s23] =	ssyncset.done $0x0  }
0x644: {  	[sflag:s23] =	ssyncadd.s32 $0xFFFFCE00  }
0x645: {  	s7 =	rddreg [dreg:$0x3]  }
0x646: {  	s0 =	rddreg [dreg:$0x9];
	s7 =	sadd.s32 $0x1, s7  }
0x647: {  	p0 =	sne.s32 s7, s0  }
.Ltmp18:
0x648: {  	_ = 	snop;
	(pc) =	sbr.rel @p0 .LBB2_1-.Ltmp18, $1  }
0x649: {  	_ =	sdelay $0x3  }
0x64a: {  	_ =	sfence.sel $0x180000  }
0x64b: {  	[bflag:$0x0] =	sbarrier.arrive $0xFFFF  }
0x64c: {  	_ =	strace $0x9000004A  }
0x64d: {  	s0 =	stileid.u32;
	[bflag:$0x2] =	sbarrier.arrive $0xFFFF  }
0x64e: {  	p0 =	sne.s32 s0, $0x0;
	s0 =	rddreg [dreg:$0x2]  }
0x64f: {  	s0 =	sadd.s32 @!p0 $0x100000, s0  }
0x650: {  	[sflag:s0] =	ssyncadd.tile.s32 @!p0 $0x1;
	_ =	shalt  }
.Lfunc_end2:
_tile_overlayer_lowered:
.L_overlay_start_2:
0x651: {  	(tag) =	ssettag $0x2  }
0x652: {  	s0 =	rddreg [dreg:$0x0];
	s2 =	stileid.u32  }
0x653: {  	s1 =	rddreg [dreg:$0x1];
	p0 =	sne.s32 s2, $0x0  }
0x654: {  	s3 =	rddreg [dreg:$0x2];
	[bflag:$0x3] =	sbarrier.arrive $0xFFFF;
	s2 =	simm.s32 @!p0 $0x1C07  }
0x655: {  	[timem:s3], [sflag:s2] =	dma.local @!p0 [hbm:s0], s1  }
0x656: {  	s0 =	simm.s32 @!p0 $0x7  }
0x657: {  	_ =	swait.ge @!p0 [sflag:s0], s1  }
0x658: {  	s1 =	ssub.s32 @!p0 $0x0, s1;
	[sflag:s0] =	ssyncset.done @!p0 $0x0  }
0x659: {  	[sflag:s0] =	ssyncadd.s32 @!p0 s1  }
0x65a: {  	[bflag:$0x3] =	sbarrier.arrive $0xFFFF  }
0x65b: {  	_ =	shalt  }

// kernel: sparse-core-data-format-call.1.cloned.1.call-start
scs
called_computation.1_lowered:
.L_overlay_start_0:
0x0: {  	s2 =	sld [smem:$0x3FD9]  }
0x1: {  	s3 =	sld [smem:$0x3FFE];
	_ =	sdelay $0x1  }
0x2: {  	s1 =	srdreg.scid  }
0x3: {  	s0 =	sand.u32 $0x1, s1  }
0x4: {  	s18 =	sshll.u32 s0, $0xA;
	s2 =	sadd.s32 s3, s2  }
0x5: {  	s2 =	sadd.s32 s2, s18  }
0x6: {  	[smem:$0x3FC5] =	sst s2  }
0x7: {  	_ = 	snop  }
0x8: {  	s2 =	sld [smem:$0x3FC9];
	(tm) =	ssettm $0x1  }
0x9: {  	s19 =	sld [smem:$0x3FFB];
	_ =	sdelay $0x3  }
0xa: {  	_ =	strace s19  }
0xb: {  	s3 =	sld [smem:$0x3FFC];
	_ =	sdelay $0x3  }
0xc: {  	_ =	strace s3  }
0xd: {  	s3 =	sld [smem:$0x3FFD];
	_ =	sdelay $0x3  }
0xe: {  	_ =	strace s3  }
0xf: {  	_ =	strace $0x8FFFFFFF  }
0x10: {  	s20 =	sld [smem:$0x3FDB];
	_ =	sdelay $0x1  }
0x11: {  	s4 =	simm.s32 $_scs_section_size  }
0x12: {  	s5 =	simm.s32 $_size__tile_overlayer_lowered;
	s6 =	simm.s32 $_tile_overlayer_lowered  }
0x13: {  	s23 =	simm.s32 $0x1BFF;
	s22 =	sshll.u32 s6, $0x1;
	s3 =	sadd.s32 s4, s20  }
0x14: {  	s7 =	simm.s32 $0x0;
	s21 =	sshll.u32 s5, $0x1;
	s5 =	sadd.s32 s22, s3  }
0x15: {  	[timem:s7], [sflag:s23] =	dma.local [hbm:s5], s21  }
0x16: {  	_ =	swait.ge [sflag:s23], s21  }
0x17: {  	s4 =	ssub.s32 $0x0, s21;
	[sflag:s23] =	ssyncset.done $0x0  }
0x18: {  	[sflag:s23] =	ssyncadd.s32 s4;
	_ =	sdelay $0x1  }
0x19: {  	s24 =	simm.s32 $0x1B8B  }
0x1a: {  	_ =	swait.ge [sflag:s24], $0x1  }
0x1b: {  	[sflag:s24] =	ssyncset.done $0x0  }
0x1c: {  	s26 =	simm.s32 $0x1B8E;
	s25 =	sld [smem:$0x3FFE];
	[sflag:s24] =	ssyncadd.s32 $0xFFFFFFFF  }
0x1d: {  	s27 =	simm.s32 $execute0_lowered;
	[smem:$0x3FD2] =	sst s26  }
0x1e: {  	s5 =	sshll.u32 s27, $0x1;
	_ =	strace $0x80000046;
	[dreg:$0x1] =	wrdreg $0xFFFFFFFF  }
0x1f: {  	s28 =	simm.s32 $_size_execute0_lowered;
	s3 =	sadd.s32 s3, s5;
	[dreg:$0x0] =	wrdreg $0x0  }
0x20: {  	s5 =	sshll.u32 s28, $0x1;
	[dreg:$0x2] =	wrdreg s3  }
0x21: {  	[dreg:$0x3] =	wrdreg s5  }
0x22: {  	[dreg:$0x4] =	wrdreg $0xC0  }
0x23: {  	_ =	task [dreg:s7], $0x5FFFF  }
0x24: {  	[dreg:$0x1] =	wrdreg $0xFFFFFFFF  }
0x25: {  	[dreg:$0x0] =	wrdreg $0x60  }
0x26: {  	[dreg:$0x2] =	wrdreg s2  }
0x27: {  	[dreg:$0x3] =	wrdreg s25  }
0x28: {  	[dreg:$0x4] =	wrdreg $0x9  }
0x29: {  	_ =	task.clear_ibuf [dreg:s7], $0x5FFFF;
	_ =	strace $0x90000046  }
0x2a: {  	s29 =	simm.s32 $0x9;
	_ =	strace $0x80000048  }
0x2b: {  	_ =	swait.ge [sflag:s29], $0x1  }
0x2c: {  	[sflag:s29] =	ssyncadd.s32 $0xFFFFFFFF  }
0x2d: {  	_ =	strace $0x90000048  }
0x2e: {  	_ =	sfence  }
0x2f: {  	s30 =	sld [smem:$0x0];
	_ =	sdelay $0x2  }
0x30: {  	s31 =	sshll.u32 s1, $0xD;
	s1 =	sshrl.u32 s1, $0x2  }
0x31: {  	s3 =	sand.u32 $0x4000, s31;
	s1 =	sadd.s32 s1, s30  }
0x32: {  	s0 =	sor.u32 s3, s0;
	s1 =	sshll.u32 s1, $0x11  }
0x33: {  	s0 =	sor.u32 s1, s0  }
0x34: {  	s0 =	sadd.s32 $0x8F2B, s0  }
0x35: {  	[sflag:s0] =	ssyncadd.remote.s32 $0x1  }
0x36: {  	_ =	sfence.sel $0xFFFF  }
0x37: {  	[dreg:$0x0] =	wrdreg $0xFFFFFFFF;
	(pc) =	sbr.abs _section_cstart, $3  }
0x38: {  	[dreg:$0x1] =	wrdreg $0xFFFFFFFF  }
0x39: {  	_ =	task.clear_ibuf [dreg:s7], $0x2FFFF;
	_ =	strace $0x9FFFFFFF  }
0x3a: {  	(tm) =	ssettm $0x7FFFFFFF  }
0x3b: {  	_ =	shalt  }
tec
execute0_lowered:
.L_overlay_start_1:
0x0: {  	(tag) =	ssettag $0x1  }
0x1: {  	s0 =	srdreg.scid;
	s6 =	rddreg [dreg:$0x0]  }
0x2: {  	s5 =	rddreg [dreg:$0x1];
	s1 =	stileid.u32;
	s30 =	simm.s32 $0x2  }
0x3: {  	s13 =	simm.s32 $0x0;
	s9 =	simm.s32 $0x1000;
	s0 =	sshll.u32 s0, $0x4  }
0x4: {  	s10 =	simm.s32 $0x0;
	s14 =	simm.s32 $0x0;
	s2 =	sand.u32 $0x10, s0  }
0x5: {  	s11 =	stileid.u32;
	s12 =	simm.s32 $0x0;
	s3 =	ssub.s32 $0x20, s2  }
0x6: {  	s7 =	ssub.s32 $0x1D1, s1;
	s0 =	rddreg [dreg:$0x2];
	s4 =	sshrl.u32 s3, $0x4  }
.Ltmp0:
0x7: {  	s8 =	sshrl.u32 s3, $0x5;
	s4 =	sand.u32 $0x1, s4;
	(pc) =	sbr.rel .LBB1_1-.Ltmp0, $4  }
0x8: {  	_ =	strace $0x80000047;
	s7 =	sshrl.u32 s7, $0x4;
	s4 =	sadd.s32 s8, s4  }
0x9: {  	s31 =	sshll.u32 s2, $0x7;
	s3 =	simm.s32 $0x1;
	s4 =	smul.u32 s7, s4  }
0xa: {  	s5 =	sadd.s32 $0xE00, s5;
	s6 =	sadd.s32 s6, s31;
	[sflag:s3] =	ssyncpa.u1 $0x0  }
0xb: {  	[sflag:s30] =	ssyncpa.u1 $0x0;
	s8 =	simm.s32 $0x800;
	s7 =	sadd.s32 $0x1, s4  }
.LBB1_7:
0xc: {  	s15 =	sadd.s32 $0x10, s11  }
0xd: {  	p1 =	sgt.s32 s15, $0x1C1  }
0xe: {  	s15 =	smov.u32 @p1 s1;
	p1 =	sne.s32 s12, s7  }
.Ltmp1:
0xf: {  	p0 =	slt.u32 s12, $0x2;
	(pc) =	sbr.rel @!p1 .LBB1_8-.Ltmp1, $4  }
0x10: {  	s13 =	simm.s32 @!p0 $0x2  }
0x11: {  	s16 =	sadd.s32 $0x1, s12;
	s14 =	smov.u32 s11;
	_ =	swait.ge @!p0 [sflag:s13], $0x4000  }
0x12: {  	s10 =	sadd.s32 $0x4000, s10;
	s12 =	smov.u32 s16;
	[sflag:s13] =	ssyncset.done @!p0 $0x0  }
0x13: {  	s11 =	smov.u32 s15;
	[sflag:s13] =	ssyncadd.s32 @!p0 $0xFFFFC000;
	s13 =	smov.u32 s2  }
.LBB1_1:
0x14: {  	p0 =	sge.u32 s12, s4  }
0x15: {  	s15 =	sxor.u32 @!p0 $0xFFFFFFFF, s12  }
0x16: {  	s31 =	sadd.s32 $0xFFFFFFFF, s12;
	s16 =	sshll.u32 @!p0 s11, $0xC;
	s15 =	sshll.u32 @!p0 s15, $0xE  }
0x17: {  	s17 =	simm.s32 @!p0 $0x0;
	s16 =	sadd.s32 @!p0 s16, s6;
	s15 =	sand.u32 @!p0 $0x4000, s15  }
0x18: {  	[tilespmem:s15], [sflag:$0x1] =	stream.linear.gather @!p0 [hbm4b:s16+s17], $0x4000, $0x38;
	[tilespmem:$0x10000] =	vst v63  }
0x19: {  	p0 =	sge.u32 s31, s4  }
.Ltmp2:
0x1a: {  	_ = 	snop;
	(pc) =	sbr.rel @p0 .LBB1_7-.Ltmp2, $1  }
0x1b: {  	_ =	sdelay $0x3  }
0x1c: {  	s16 =	sand.u32 $0x4000, s10  }
0x1d: {  	_ =	swait.ge [sflag:s3], $0x4000;
	s18 =	sshll.u32 s12, $0xE;
	s15 =	sor.u32 $0x8040, s16  }
0x1e: {  	s17 =	sor.u32 $0x40, s16;
	[sflag:s3] =	ssyncset.done $0x0;
	s31 =	sand.u32 $0x4000, s18  }
0x1f: {  	s18 =	simm.s32 $0x0;
	[sflag:s3] =	ssyncadd.s32 $0xFFFFC000;
	s16 =	sor.u32 $0x8000, s31  }
.LBB1_3:
0x20: {  	v0 =	vmov s17;
	_ =	sdelay $0x3  }
0x21: {  	s20 =	simm.s32 $0x0  }
0x22: {  	v6 =	vld.idx.msk [tilespmem:v0+s20+$0x30 ss:$0x1], $0xffff  }
0x23: {  	v7 =	vld.idx.msk [tilespmem:v0+s20+$0xFFFFFFC0 ss:$0x1], $0xffff  }
0x24: {  	v5 =	vld.idx.msk [tilespmem:v0+s20+$0xFFFFFFD0 ss:$0x1], $0xffff  }
0x25: {  	v4 =	vld.idx.msk [tilespmem:v0+s20+$0xFFFFFFE0 ss:$0x1], $0xffff  }
0x26: {  	v3 =	vld.idx.msk [tilespmem:v0+s20+$0xFFFFFFF0 ss:$0x1], $0xffff  }
0x27: {  	v1 =	vld.idx.msk [tilespmem:v0+s20+$0x0 ss:$0x1], $0xffff  }
0x28: {  	v2 =	vld.idx.msk [tilespmem:v0+s20+$0x10 ss:$0x1], $0xffff;
	[tilespmem:s15+$0x30] =	vst v6  }
0x29: {  	s19 =	simm.s32 $0x80;
	s21 =	simm.s32 $0x400;
	[tilespmem:s15+$0xFFFFFFC0] =	vst v7;
	v6 =	vld.idx.msk [tilespmem:v0+s20+$0x20 ss:$0x1], $0xffff;
	s20 =	smov.u32 s15  }
.LBB1_4:
0x2a: {  	p0 =	sne.s32 s21, $0xE00;
	v7 =	vld.idx.msk [tilespmem:v0+s19+$0x30 ss:$0x1], $0xffff;
	[tilespmem:s20+$0xFFFFFFD0] =	vst v5  }
0x2b: {  	v8 =	vld.idx.msk [tilespmem:v0+s19+$0xFFFFFFC0 ss:$0x1], $0xffff;
	[tilespmem:s20+$0xFFFFFFE0] =	vst v4  }
0x2c: {  	v5 =	vld.idx.msk [tilespmem:v0+s19+$0xFFFFFFD0 ss:$0x1], $0xffff;
	[tilespmem:s20+$0xFFFFFFF0] =	vst v3  }
.Ltmp3:
0x2d: {  	v4 =	vld.idx.msk [tilespmem:v0+s19+$0xFFFFFFE0 ss:$0x1], $0xffff;
	[tilespmem:s20+$0x0] =	vst v1;
	(pc) =	sbr.rel @p0 .LBB1_4-.Ltmp3, $4  }
0x2e: {  	v3 =	vld.idx.msk [tilespmem:v0+s19+$0xFFFFFFF0 ss:$0x1], $0xffff;
	[tilespmem:s20+$0x10] =	vst v2  }
0x2f: {  	v1 =	vld.idx.msk [tilespmem:v0+s19+$0x0 ss:$0x1], $0xffff;
	[tilespmem:s20+$0x20] =	vst v6;
	s20 =	sadd.s32 $0x800, s20  }
0x30: {  	v2 =	vld.idx.msk [tilespmem:v0+s19+$0x10 ss:$0x1], $0xffff;
	[tilespmem:s20+$0x30] =	vst v7  }
0x31: {  	[tilespmem:s20+$0xFFFFFFC0] =	vst v8;
	v6 =	vld.idx.msk [tilespmem:v0+s19+$0x20 ss:$0x1], $0xffff;
	s19 =	sshra.s32 s21, $0x2;
	s21 =	sadd.s32 $0x200, s21  }
0x32: {  	_ =	sdelay $0x2  }
0x33: {  	[tilespmem:s20+$0xFFFFFFD0] =	vst v5  }
0x34: {  	v56 =	vld.idx.msk [tilespmem:v0+s19+$0x30 ss:$0x1], $0xffff;
	[tilespmem:s20+$0xFFFFFFE0] =	vst v4  }
0x35: {  	v57 =	vld.idx.msk [tilespmem:v0+s19+$0xFFFFFFC0 ss:$0x1], $0xffff;
	[tilespmem:s20+$0xFFFFFFF0] =	vst v3  }
0x36: {  	v58 =	vld.idx.msk [tilespmem:v0+s19+$0xFFFFFFD0 ss:$0x1], $0xffff;
	[tilespmem:s20+$0x0] =	vst v1  }
0x37: {  	v59 =	vld.idx.msk [tilespmem:v0+s19+$0xFFFFFFE0 ss:$0x1], $0xffff;
	[tilespmem:s20+$0x10] =	vst v2  }
0x38: {  	v60 =	vld.idx.msk [tilespmem:v0+s19+$0xFFFFFFF0 ss:$0x1], $0xffff;
	s31 =	sadd.s32 $0x800, s20;
	[tilespmem:s20+$0x20] =	vst v6  }
0x39: {  	v61 =	vld.idx.msk [tilespmem:v0+s19+$0x0 ss:$0x1], $0xffff;
	[tilespmem:s31+$0x30] =	vst v56  }
0x3a: {  	v62 =	vld.idx.msk [tilespmem:v0+s19+$0x10 ss:$0x1], $0xffff;
	s18 =	sadd.s32 $0x1, s18;
	[tilespmem:s31+$0xFFFFFFC0] =	vst v57  }
0x3b: {  	v63 =	vld.idx.msk [tilespmem:v0+s19+$0x20 ss:$0x1], $0xffff;
	p0 =	sne.s32 s18, $0x10;
	[tilespmem:s31+$0xFFFFFFD0] =	vst v58  }
.Ltmp4:
0x3c: {  	[tilespmem:s31+$0xFFFFFFE0] =	vst v59;
	(pc) =	sbr.rel @p0 .LBB1_3-.Ltmp4, $4  }
0x3d: {  	[tilespmem:s31+$0xFFFFFFF0] =	vst v60  }
0x3e: {  	[tilespmem:s31+$0x0] =	vst v61  }
0x3f: {  	[tilespmem:s31+$0x10] =	vst v62  }
0x40: {  	s15 =	sadd.s32 $0x80, s15;
	s17 =	sadd.s32 $0x400, s17;
	[tilespmem:s31+$0x20] =	vst v63  }
.Ltmp5:
0x41: {  	(pc) =	sbr.rel .LBB1_7-.Ltmp5, $4  }
0x42: {  	s14 =	sshll.u32 s14, $0xC  }
0x43: {  	s13 =	sshll.u32 s13, $0x4;
	s14 =	sadd.s32 s5, s14  }
0x44: {  	s13 =	sadd.s32 s13, s14  }
0x45: {  	[hbm4b:s13+s8] =	stream.strided.scatter [tilespmem:s16], [sflag:$0x2], $0x4000, s9, s8, $0x38;
	[tilespmem:$0x10000] =	vst v63  }
.LBB1_8:
0x46: {  	_ =	sfence.sel $0x180000  }
0x47: {  	s2 =	simm.s32 $0x1;
	[bflag:$0x0] =	sbarrier.arrive $0xFFFF  }
0x48: {  	s31 =	simm.s32 $0x2;
	[sflag:s2] =	ssyncpa.u1 $0x1  }
0x49: {  	[sflag:s31] =	ssyncpa.u1 $0x1  }
0x4a: {  	p0 =	sne.s32 s1, $0x0;
	_ =	strace $0x90000047  }
0x4b: {  	s0 =	sadd.s32 @!p0 $0x100000, s0;
	[bflag:$0x2] =	sbarrier.arrive $0xFFFF  }
0x4c: {  	[sflag:s0] =	ssyncadd.tile.s32 @!p0 $0x1;
	_ =	shalt  }
.Lfunc_end1:
_tile_overlayer_lowered:
.L_overlay_start_2:
0x4d: {  	(tag) =	ssettag $0x2  }
0x4e: {  	s0 =	rddreg [dreg:$0x0];
	s2 =	stileid.u32  }
0x4f: {  	s1 =	rddreg [dreg:$0x1];
	p0 =	sne.s32 s2, $0x0  }
0x50: {  	s3 =	rddreg [dreg:$0x2];
	[bflag:$0x3] =	sbarrier.arrive $0xFFFF;
	s2 =	simm.s32 @!p0 $0x1C01  }
0x51: {  	[timem:s3], [sflag:s2] =	dma.local @!p0 [hbm:s0], s1  }
0x52: {  	s0 =	simm.s32 @!p0 $0x1  }
0x53: {  	_ =	swait.ge @!p0 [sflag:s0], s1  }
0x54: {  	s1 =	ssub.s32 @!p0 $0x0, s1;
	[sflag:s0] =	ssyncset.done @!p0 $0x0  }
0x55: {  	[sflag:s0] =	ssyncadd.s32 @!p0 s1  }
0x56: {  	[bflag:$0x3] =	sbarrier.arrive $0xFFFF  }
0x57: {  	_ =	shalt  }

// kernel: sparse-core-data-format-call.cloned.1.call-start
scs
called_computation_lowered:
.L_overlay_start_0:
0x0: {  	s2 =	sld [smem:$0x3FD9]  }
0x1: {  	s3 =	sld [smem:$0x3FFE];
	_ =	sdelay $0x1  }
0x2: {  	s1 =	srdreg.scid  }
0x3: {  	s0 =	sand.u32 $0x1, s1  }
0x4: {  	s18 =	sshll.u32 s0, $0xA;
	s2 =	sadd.s32 s3, s2  }
0x5: {  	s2 =	sadd.s32 s2, s18  }
0x6: {  	[smem:$0x3FC5] =	sst s2  }
0x7: {  	_ = 	snop  }
0x8: {  	s2 =	sld [smem:$0x3FD0];
	(tm) =	ssettm $0x1  }
0x9: {  	s19 =	sld [smem:$0x3FFB];
	_ =	sdelay $0x3  }
0xa: {  	_ =	strace s19  }
0xb: {  	s3 =	sld [smem:$0x3FFC];
	_ =	sdelay $0x3  }
0xc: {  	_ =	strace s3  }
0xd: {  	s3 =	sld [smem:$0x3FFD];
	_ =	sdelay $0x3  }
0xe: {  	_ =	strace s3  }
0xf: {  	_ =	strace $0x8FFFFFFF  }
0x10: {  	s20 =	sld [smem:$0x3FDB];
	_ =	sdelay $0x1  }
0x11: {  	s4 =	simm.s32 $_scs_section_size  }
0x12: {  	s5 =	simm.s32 $_size__tile_overlayer_lowered;
	s6 =	simm.s32 $_tile_overlayer_lowered  }
0x13: {  	s23 =	simm.s32 $0x1BFF;
	s22 =	sshll.u32 s6, $0x1;
	s3 =	sadd.s32 s4, s20  }
0x14: {  	s7 =	simm.s32 $0x0;
	s21 =	sshll.u32 s5, $0x1;
	s5 =	sadd.s32 s22, s3  }
0x15: {  	[timem:s7], [sflag:s23] =	dma.local [hbm:s5], s21  }
0x16: {  	_ =	swait.ge [sflag:s23], s21  }
0x17: {  	s4 =	ssub.s32 $0x0, s21;
	[sflag:s23] =	ssyncset.done $0x0  }
0x18: {  	[sflag:s23] =	ssyncadd.s32 s4;
	_ =	sdelay $0x1  }
0x19: {  	s24 =	simm.s32 $0x1B8B  }
0x1a: {  	_ =	swait.ge [sflag:s24], $0x1  }
0x1b: {  	[sflag:s24] =	ssyncset.done $0x0  }
0x1c: {  	s26 =	simm.s32 $0x1B8E;
	s25 =	sld [smem:$0x3FFE];
	[sflag:s24] =	ssyncadd.s32 $0xFFFFFFFF  }
0x1d: {  	s27 =	simm.s32 $execute0_lowered;
	[smem:$0x3FD2] =	sst s26  }
0x1e: {  	s5 =	sshll.u32 s27, $0x1;
	_ =	strace $0x8000004C;
	[dreg:$0x1] =	wrdreg $0xFFFFFFFF  }
0x1f: {  	s28 =	simm.s32 $_size_execute0_lowered;
	s3 =	sadd.s32 s3, s5;
	[dreg:$0x0] =	wrdreg $0x0  }
0x20: {  	s5 =	sshll.u32 s28, $0x1;
	[dreg:$0x2] =	wrdreg s3  }
0x21: {  	[dreg:$0x3] =	wrdreg s5  }
0x22: {  	[dreg:$0x4] =	wrdreg $0xC0  }
0x23: {  	_ =	task [dreg:s7], $0x5FFFF  }
0x24: {  	[dreg:$0x1] =	wrdreg $0xFFFFFFFF  }
0x25: {  	[dreg:$0x0] =	wrdreg $0x60  }
0x26: {  	[dreg:$0x2] =	wrdreg s25  }
0x27: {  	[dreg:$0x3] =	wrdreg s2  }
0x28: {  	[dreg:$0x4] =	wrdreg $0x9  }
0x29: {  	_ =	task.clear_ibuf [dreg:s7], $0x5FFFF;
	_ =	strace $0x9000004C  }
0x2a: {  	s29 =	simm.s32 $0x9;
	_ =	strace $0x8000004E  }
0x2b: {  	_ =	swait.ge [sflag:s29], $0x1  }
0x2c: {  	[sflag:s29] =	ssyncadd.s32 $0xFFFFFFFF  }
0x2d: {  	_ =	strace $0x9000004E  }
0x2e: {  	_ =	sfence  }
0x2f: {  	s30 =	sld [smem:$0x0];
	_ =	sdelay $0x2  }
0x30: {  	s31 =	sshll.u32 s1, $0xD;
	s1 =	sshrl.u32 s1, $0x2  }
0x31: {  	s3 =	sand.u32 $0x4000, s31;
	s1 =	sadd.s32 s1, s30  }
0x32: {  	s0 =	sor.u32 s3, s0;
	s1 =	sshll.u32 s1, $0x11  }
0x33: {  	s0 =	sor.u32 s1, s0  }
0x34: {  	s0 =	sadd.s32 $0x8F2B, s0  }
0x35: {  	[sflag:s0] =	ssyncadd.remote.s32 $0x1  }
0x36: {  	_ =	sfence.sel $0xFFFF  }
0x37: {  	[dreg:$0x0] =	wrdreg $0xFFFFFFFF;
	(pc) =	sbr.abs _section_cstart, $3  }
0x38: {  	[dreg:$0x1] =	wrdreg $0xFFFFFFFF  }
0x39: {  	_ =	task.clear_ibuf [dreg:s7], $0x2FFFF;
	_ =	strace $0x9FFFFFFF  }
0x3a: {  	(tm) =	ssettm $0x7FFFFFFF  }
0x3b: {  	_ =	shalt  }
tec
execute0_lowered:
.L_overlay_start_1:
0x0: {  	(tag) =	ssettag $0x1  }
0x1: {  	s0 =	srdreg.scid  }
0x2: {  	s1 =	sshll.u32 s0, $0x4  }
0x3: {  	s6 =	rddreg [dreg:$0x0];
	s0 =	stileid.u32;
	s1 =	sand.u32 $0x10, s1  }
0x4: {  	s3 =	rddreg [dreg:$0x1];
	s1 =	sor.u32 s0, s1  }
0x5: {  	s5 =	simm.s32 $0x1;
	s31 =	simm.s32 $0x2;
	s2 =	sshll.u32 s1, $0x7  }
0x6: {  	s15 =	simm.s32 $0x0;
	s8 =	simm.s32 $0x8000;
	s4 =	ssub.s32 $0x1000, s2  }
0x7: {  	s14 =	simm.s32 $0x0;
	s9 =	simm.s32 $0x0;
	s30 =	sand.u32 $0xF80, s4  }
0x8: {  	s10 =	simm.s32 $0x0;
	s11 =	simm.s32 $0x0;
	p0 =	sne.s32 s30, $0x0  }
.Ltmp0:
0x9: {  	s7 =	sshrl.u32 s4, $0xC;
	s5 =	simm.s32 @!p0 $0x0;
	(pc) =	sbr.rel .LBB1_1-.Ltmp0, $4  }
0xa: {  	s13 =	simm.s32 $0x0;
	s1 =	rddreg [dreg:$0x2];
	s5 =	sadd.s32 s5, s7  }
0xb: {  	_ =	strace $0x8000004D;
	s4 =	simm.s32 $0x1;
	s5 =	smul.u32 $0xC8, s5  }
0xc: {  	s6 =	sadd.s32 $0xE00, s6;
	s12 =	smov.u32 s2;
	[sflag:s4] =	ssyncpa.u1 $0x0  }
0xd: {  	[sflag:s31] =	ssyncpa.u1 $0x0;
	p0 =	por $0x0, $0x0;
	s7 =	sor.u32 $0x1, s5  }
.LBB1_4:
0xe: {  	s20 =	sshra.s32 s20, $0x2;
	s28 =	sshll.u32 s10, $0x3;
	p1 =	sgt.s32 s9, $0xC7  }
0xf: {  	s21 =	smov.u32 s9;
	s23 =	sshra.s32 s9, $0x1F;
	s24 =	smov.u32 s10  }
0x10: {  	v5 =	vld [tilespmem:s17+$0xFFFFFFD0];
	[tilespmem:s18+$0x2040 ss:$0x81] =	vst.msk $0xffff, v4;
	s25 =	sshra.s32 s10, $0x1F;
	s26 =	sand.u32 $0x78, s10;
	s19 =	sadd.s32 s20, s19  }
0x11: {  	v58 =	vld [tilespmem:s17+$0xFFFFFFE0];
	[tilespmem:s18+$0x2850 ss:$0x81] =	vst.msk $0xffff, v3;
	s22 =	sshrl.u32 s28, $0xC;
	s21 =	simm.s32 @!p1 $0xC7;
	s23 =	sand.u32 s23, s9  }
0x12: {  	v59 =	vld [tilespmem:s17+$0xFFFFFFF0];
	[tilespmem:s18+$0x3060 ss:$0x81] =	vst.msk $0xffff, v2;
	p1 =	sgt.s32 s10, $0xF80;
	s29 =	sand.u32 s25, s10;
	s20 =	sand.u32 $0xC00, s28  }
0x13: {  	v60 =	vld [tilespmem:s17+$0x0];
	[tilespmem:s18+$0x0 ss:$0x81] =	vst.msk $0xffff, v0;
	s28 =	smul.u32 $0xA000, s9;
	s21 =	ssub.s32 s21, s23;
	s24 =	simm.s32 @!p1 $0xF80  }
0x14: {  	v61 =	vld [tilespmem:s17+$0x10];
	s30 =	smulhi.u32 $0x3333334, s22;
	[tilespmem:s19+$0x3870 ss:$0x81] =	vst.msk $0xffff, v1;
	s20 =	sor.u32 s26, s20;
	s31 =	ssub.s32 $0xC8, s21  }
0x15: {  	v62 =	vld [tilespmem:s17+$0x20];
	s23 =	ssub.s32 s24, s29;
	s21 =	sadd.s32 $0xFFFFFF39, s21;
	s25 =	smul.u32 $0x50, s31;
	[tilespmem:s19+$0x810 ss:$0x81] =	vst.msk $0xffff, v5  }
0x16: {  	v63 =	vld [tilespmem:s17+$0xFFFFFFC0];
	s18 =	smul.u32 $0x50, s30;
	p1 =	sgt.s32 s21, $0x0;
	s27 =	sadd.s32 $0xFFFFF080, s23;
	[tilespmem:s19+$0x1020 ss:$0x81] =	vst.msk $0xffff, v58  }
0x17: {  	s17 =	ssub.s32 $0x1000, s23;
	[tilespmem:s19+$0x1830 ss:$0x81] =	vst.msk $0xffff, v59;
	s25 =	simm.s32 @p1 $0x0;
	p1 =	sgt.s32 s27, $0x7F  }
0x18: {  	s29 =	sand.u32 $0x7, s10;
	[tilespmem:s19+$0x2040 ss:$0x81] =	vst.msk $0xffff, v60;
	s18 =	ssub.s32 s22, s18;
	s17 =	simm.s32 @p1 $0x0  }
0x19: {  	s21 =	sadd.s32 s3, s28;
	[tilespmem:s19+$0x2850 ss:$0x81] =	vst.msk $0xffff, v61;
	s18 =	sshll.u32 s18, $0x9;
	s17 =	smul.u32 s17, s25  }
0x1a: {  	s20 =	sshrl.u32 s20, $0x3;
	s30 =	sshll.u32 s29, $0x12;
	[tilespmem:s19+$0x3060 ss:$0x81] =	vst.msk $0xffff, v62;
	s18 =	sadd.s32 s18, s21  }
0x1b: {  	[tilespmem:s19+$0x0 ss:$0x81] =	vst.msk $0xffff, v63;
	s31 =	sor.u32 $0x400, s30;
	s18 =	sadd.s32 s20, s18;
	s17 =	sand.u32 $0x3FFFFFF0, s17  }
0x1c: {  	[hbm4b:s18+s31] =	stream.strided.scatter [tilespmem:s16], [sflag:$0x2], s17, s8, s31, $0x20;
	[tilespmem:$0x10100] =	vst v63  }
.LBB1_5:
0x1d: {  	p1 =	slt.u32 s13, $0x2  }
0x1e: {  	s17 =	smov.u32 s15;
	p2 =	sgt.s32 @!p1 s15, $0xC7;
	s16 =	sshra.s32 @!p1 s15, $0x1F  }
0x1f: {  	p3 =	sgt.s32 @!p1 s14, $0xF80;
	s18 =	sshra.s32 @!p1 s14, $0x1F;
	p2 =	por !p2, p1  }
0x20: {  	s15 =	sand.u32 @!p1 s16, s15;
	p3 =	por !p3, p1;
	s16 =	smov.u32 s14  }
0x21: {  	s14 =	sand.u32 @!p1 s18, s14;
	s17 =	simm.s32 @p2 $0xC7;
	s16 =	simm.s32 @p3 $0xF80  }
0x22: {  	s18 =	smov.u32 s12;
	s15 =	ssub.s32 @!p1 s17, s15;
	s14 =	ssub.s32 @!p1 s16, s14  }
0x23: {  	s16 =	sadd.s32 @!p1 $0xFFFFFF39, s15;
	s15 =	ssub.s32 @!p1 $0xC8, s15;
	s17 =	sadd.s32 @!p1 $0xFFFFF080, s14  }
0x24: {  	p2 =	sgt.s32 @!p1 s16, $0x0;
	s15 =	smul.u32 @!p1 $0x50, s15;
	p3 =	sgt.s32 @!p1 s17, $0x7F  }
0x25: {  	s14 =	ssub.s32 @!p1 $0x1000, s14;
	p2 =	por !p2, p1;
	p3 =	por !p3, p1  }
0x26: {  	s16 =	sadd.s32 $0x1, s11;
	s15 =	simm.s32 @!p2 $0x0;
	s14 =	simm.s32 @!p3 $0x0  }
0x27: {  	p2 =	sgt.s32 s16, $0xC7;
	s14 =	smul.u32 @!p1 s14, s15;
	s15 =	sadd.s32 $0x1000, s12  }
0x28: {  	s18 =	smov.u32 @p2 s15  }
0x29: {  	s16 =	simm.s32 @p2 $0x0;
	p2 =	sgt.s32 s18, $0xFFF  }
0x2a: {  	s18 =	smov.u32 @p2 s2;
	p2 =	sne.s32 s13, s7  }
.Ltmp1:
0x2b: {  	p0 =	por !p0, !p0;
	s17 =	simm.s32 @!p1 $0x2;
	(pc) =	sbr.rel @!p2 .LBB1_6-.Ltmp1, $4  }
0x2c: {  	s15 =	smov.u32 s9;
	s9 =	smov.u32 s11;
	s14 =	sand.u32 @!p1 $0x3FFFFFF0, s14  }
0x2d: {  	s11 =	smov.u32 s16;
	_ =	swait.ge @!p1 [sflag:s17], s14;
	s19 =	ssub.s32 @!p1 $0x0, s14  }
0x2e: {  	s14 =	smov.u32 s10;
	s13 =	sadd.s32 $0x1, s13;
	[sflag:s17] =	ssyncset.done @!p1 $0x0  }
0x2f: {  	s10 =	smov.u32 s12;
	s12 =	smov.u32 s18;
	[sflag:s17] =	ssyncadd.s32 @!p1 s19  }
.LBB1_1:
0x30: {  	p1 =	sge.u32 s13, s5  }
0x31: {  	s16 =	sand.u32 @!p1 $0x1FFFFFF, s11  }
0x32: {  	s17 =	smulhi.u32 @!p1 $0x147AE15, s16;
	_ =	sdelay $0x1  }
0x33: {  	s17 =	smul.u32 @!p1 $0xC8, s17  }
0x34: {  	s18 =	sxor.u32 @!p1 $0xFFFFFFFF, s13;
	s19 =	smul.u32 @!p1 $0xC80, s12  }
0x35: {  	s31 =	sadd.s32 $0xFFFFFFFF, s13;
	s18 =	sshll.u32 @!p1 s18, $0xE;
	s16 =	ssub.s32 @!p1 s16, s17  }
0x36: {  	s17 =	sand.u32 @!p1 $0x4000, s18;
	s18 =	sadd.s32 @!p1 s6, s19;
	s16 =	sshll.u32 @!p1 s16, $0x4  }
0x37: {  	s19 =	simm.s32 @!p1 $0x6400;
	s16 =	sadd.s32 @!p1 s16, s18;
	s18 =	simm.s32 @!p1 $0x80  }
0x38: {  	[tilespmem:s17], [sflag:$0x1] =	stream.strided.gather @!p1 [hbm4b:s16+s18], $0x4000, s19, s18, $0x38;
	[tilespmem:$0x10100] =	vst v63  }
0x39: {  	p1 =	sge.u32 s31, s5  }
.Ltmp2:
0x3a: {  	_ = 	snop;
	(pc) =	sbr.rel @p1 .LBB1_5-.Ltmp2, $1  }
0x3b: {  	_ =	sdelay $0x3  }
0x3c: {  	s16 =	simm.s32 $0x1  }
0x3d: {  	_ =	swait.ge [sflag:s4], $0x4000;
	s16 =	simm.s32 @!p0 $0x0  }
0x3e: {  	[sflag:s4] =	ssyncset.done $0x0;
	s17 =	sshll.u32 s16, $0xE  }
0x3f: {  	[sflag:s4] =	ssyncadd.s32 $0xFFFFC000;
	s17 =	sor.u32 $0x40, s17  }
0x40: {  	s16 =	smul.u32 $0x10200, s16;
	v0 =	vld [tilespmem:s17+$0x30]  }
0x41: {  	v1 =	vld [tilespmem:s17+$0xFFFFFFD0]  }
0x42: {  	s16 =	sshrl.u32 s16, $0x2;
	v5 =	vld [tilespmem:s17+$0xFFFFFFE0]  }
0x43: {  	v6 =	vld [tilespmem:s17+$0xFFFFFFF0];
	s19 =	sor.u32 $0x8000, s16  }
0x44: {  	s31 =	sand.u32 $0x1, s13;
	v4 =	vld [tilespmem:s17+$0x0];
	s18 =	sadd.s32 $0x0, s19  }
0x45: {  	v3 =	vld [tilespmem:s17+$0x10];
	s16 =	smul.u32 $0x10200, s31;
	[tilespmem:s18+$0x3870 ss:$0x81] =	vst.msk $0xffff, v0  }
0x46: {  	v2 =	vld [tilespmem:s17+$0x20];
	[tilespmem:s18+$0x810 ss:$0x81] =	vst.msk $0xffff, v1  }
0x47: {  	s16 =	sshrl.u32 s16, $0x2;
	v0 =	vld [tilespmem:s17+$0xFFFFFFC0];
	[tilespmem:s18+$0x1020 ss:$0x81] =	vst.msk $0xffff, v5;
	s17 =	sadd.s32 $0x80, s17  }
0x48: {  	s20 =	simm.s32 $0x4;
	s21 =	simm.s32 $0x8;
	s16 =	sor.u32 $0x8000, s16;
	[tilespmem:s18+$0x1830 ss:$0x81] =	vst.msk $0xffff, v6;
	v1 =	vld [tilespmem:s17+$0x30]  }
.LBB1_3:
0x49: {  	p1 =	sne.s32 s21, $0x1FC;
	v5 =	vld [tilespmem:s17+$0xFFFFFFD0];
	[tilespmem:s18+$0x2040 ss:$0x81] =	vst.msk $0xffff, v4  }
0x4a: {  	v6 =	vld [tilespmem:s17+$0xFFFFFFE0];
	[tilespmem:s18+$0x2850 ss:$0x81] =	vst.msk $0xffff, v3  }
0x4b: {  	s22 =	sshra.s32 s20, $0x2;
	s20 =	smov.u32 s21;
	v7 =	vld [tilespmem:s17+$0xFFFFFFF0];
	[tilespmem:s18+$0x3060 ss:$0x81] =	vst.msk $0xffff, v2  }
.Ltmp3:
0x4c: {  	v4 =	vld [tilespmem:s17+$0x0];
	[tilespmem:s18+$0x0 ss:$0x81] =	vst.msk $0xffff, v0;
	s18 =	sadd.s32 s22, s19;
	(pc) =	sbr.rel @p1 .LBB1_3-.Ltmp3, $4  }
0x4d: {  	v3 =	vld [tilespmem:s17+$0x10];
	[tilespmem:s18+$0x3870 ss:$0x81] =	vst.msk $0xffff, v1  }
0x4e: {  	[tilespmem:s18+$0x810 ss:$0x81] =	vst.msk $0xffff, v5;
	v2 =	vld [tilespmem:s17+$0x20]  }
0x4f: {  	v0 =	vld [tilespmem:s17+$0xFFFFFFC0];
	[tilespmem:s18+$0x1020 ss:$0x81] =	vst.msk $0xffff, v6;
	s17 =	sadd.s32 $0x80, s17  }
0x50: {  	s21 =	sadd.s32 $0x4, s21;
	v1 =	vld [tilespmem:s17+$0x30];
	[tilespmem:s18+$0x1830 ss:$0x81] =	vst.msk $0xffff, v7  }
.Ltmp4:
0x51: {  	_ = 	snop;
	(pc) =	sbr.rel .LBB1_4-.Ltmp4, $1  }
0x52: {  	_ =	sdelay $0x3  }
.LBB1_6:
0x53: {  	_ =	sfence.sel $0x180000  }
0x54: {  	s2 =	simm.s32 $0x1;
	[bflag:$0x0] =	sbarrier.arrive $0xFFFF  }
0x55: {  	s31 =	simm.s32 $0x2;
	[sflag:s2] =	ssyncpa.u1 $0x1  }
0x56: {  	[sflag:s31] =	ssyncpa.u1 $0x1  }
0x57: {  	p0 =	sne.s32 s0, $0x0;
	_ =	strace $0x9000004D  }
0x58: {  	s0 =	sadd.s32 @!p0 $0x100000, s1;
	[bflag:$0x2] =	sbarrier.arrive $0xFFFF  }
0x59: {  	[sflag:s0] =	ssyncadd.tile.s32 @!p0 $0x1;
	_ =	shalt  }
.Lfunc_end1:
_tile_overlayer_lowered:
.L_overlay_start_2:
0x5a: {  	(tag) =	ssettag $0x2  }
0x5b: {  	s0 =	rddreg [dreg:$0x0];
	s2 =	stileid.u32  }
0x5c: {  	s1 =	rddreg [dreg:$0x1];
	p0 =	sne.s32 s2, $0x0  }
0x5d: {  	s3 =	rddreg [dreg:$0x2];
	[bflag:$0x3] =	sbarrier.arrive $0xFFFF;
	s2 =	simm.s32 @!p0 $0x1C01  }
0x5e: {  	[timem:s3], [sflag:s2] =	dma.local @!p0 [hbm:s0], s1  }
0x5f: {  	s0 =	simm.s32 @!p0 $0x1  }
0x60: {  	_ =	swait.ge @!p0 [sflag:s0], s1  }
0x61: {  	s1 =	ssub.s32 @!p0 $0x0, s1;
	[sflag:s0] =	ssyncset.done @!p0 $0x0  }
0x62: {  	[sflag:s0] =	ssyncadd.s32 @!p0 s1  }
0x63: {  	[bflag:$0x3] =	sbarrier.arrive $0xFFFF  }
0x64: {  	_ =	shalt  }

</sc_bundles>
